<compile_context>
chip_gen: v7x
topology: tpu7x:2x2x1
jax: 0.10.2.dev20260603
libtpu: 0.0.44.dev20260713+nightly
codegen_flags: <defaults>
</compile_context>

<pallas_src>
import functools

import jax
import jax.numpy as jnp
from jax import lax
from jax.experimental import pallas as pl
from jax.experimental.pallas import tpu as pltpu
from jax.experimental.pallas import tpu_sc as plsc

MAX_POSITION = 2048
DEPTH = 64


@functools.partial(jax.jit, static_argnums=(1,))
def _rpe_expand(table, length):
    L = length
    D = table.shape[-1]
    info = plsc.get_sparse_core_info()
    nc, ns = info.num_cores, info.num_subcores
    nw = nc * ns
    ppw = L // nw
    win = 2 * L - nw
    nst = D // 8
    nlt = L // 128

    M = MAX_POSITION
    F = jnp.flip(table[M - L:M + L], axis=0).T
    F8 = jnp.stack([jnp.pad(F, ((0, 0), (r, 8 - r))) for r in range(8)])

    mesh = plsc.VectorSubcoreMesh(core_axis_name="c", subcore_axis_name="s")

    @functools.partial(
        pl.kernel,
        mesh=mesh,
        out_type=jax.ShapeDtypeStruct((L, nst, nlt, 8, 128), jnp.float32),
        scratch_types=[
            pltpu.VMEM((D, win), jnp.float32),
            pltpu.SemaphoreType.DMA,
        ],
        compiler_params=pltpu.CompilerParams(use_tc_tiling_on_sc=False),
    )
    def k(f8_hbm, out_hbm, buf, sem):
        wid = lax.axis_index("s") * nc + lax.axis_index("c")
        r = lax.rem(wid, 8)
        a0 = pl.multiple_of(nw - wid + r, 8)
        pltpu.sync_copy(f8_hbm.at[r, :, pl.ds(a0, win)], buf)

        def plane_body(m, carry):
            i = wid + nw * m
            s = pl.multiple_of(L - nw - nw * m, 8)
            copies = [
                pltpu.async_copy(
                    buf.at[pl.ds(8 * st, 8), pl.ds(s + 128 * lt, 128)],
                    out_hbm.at[i, st, lt],
                    sem,
                )
                for st in range(nst)
                for lt in range(nlt)
            ]
            for c in copies:
                c.wait()
            return carry

        lax.fori_loop(0, ppw, plane_body, 0)

    q = k(F8)
    return jnp.transpose(q, (0, 2, 4, 1, 3)).reshape(L, L, D)


def kernel(inputs, rel_embeddings):
    return _rpe_expand(rel_embeddings, inputs.shape[1])

# --- scband reference (transcript-rebuilt; emitter-appended) ---
"""Pipeline reference for scband-relative-position-encoding-13288628814036 (READ-ONLY COPY).

The authoritative reference and input builder live on the scoring server;
editing this copy changes nothing except your own understanding.
"""

import jax, jax.numpy as jnp
import numpy as np

MAX_POSITION = 2048
DEPTH = 64

def setup_inputs(seed: int = 0) -> dict:
    key = jax.random.key(seed)
    k1, k2 = jax.random.split(key)
    inputs = jax.random.normal(k1, (2, 1024, 64), dtype=jnp.float32)
    rel_embeddings = jax.random.normal(k2, (2 * MAX_POSITION - 1, DEPTH), dtype=jnp.float32) * 0.02
    return {"inputs": inputs, "rel_embeddings": rel_embeddings}

def reference(inputs, rel_embeddings):
    length = inputs.shape[1]
    pos_range = jnp.arange(length)
    pos_indices = pos_range[:, None] - pos_range[None, :] + MAX_POSITION - 1
    return jnp.take(rel_embeddings, pos_indices, axis=0)

if __name__ == "__main__":
    import jax
    _d = setup_inputs()
    print(jax.jit(kernel)(*tuple(_d.values())))

</pallas_src>

<mosaic_0001>
#map = affine_map<(d0, d1) -> (0, 0, 0)>
#map1 = affine_map<(d0, d1) -> (0, 0, 0, 0, 0)>
module attributes {stable_mosaic.version = 14 : i64} {
  func.func @k(%arg0: i32, %arg1: i32, %arg2: memref<8x64x2056xf32, #tpu.memory_space<hbm>>, %arg3: memref<1024x8x8x8x128xf32, #tpu.memory_space<hbm>>, %arg4: memref<64x2016xf32, #tpu.memory_space<vmem>>, %arg5: memref<!tpu.dma_semaphore, #tpu.memory_space<semaphore_mem>>) attributes {dimension_semantics = [#tpu.dimension_semantics<core_parallel>, #tpu.dimension_semantics<subcore_parallel>], iteration_bounds = array<i64: 2, 16>, scalar_prefetch = 0 : i64, scratch_operands = 2 : i64, tpu.core_type = #tpu.core_type<sc_vector_subcore>, window_params = [{transform_indices = #map}, {transform_indices = #map1}]} {
    %mul3A = arith.constant 2 : i32
    %mul3A_0 = arith.muli %arg1, %mul3A : i32
    %add3A = arith.addi %mul3A_0, %arg0 : i32
    %rem3A = arith.constant 8 : i32
    %rem3A_1 = arith.remsi %add3A, %rem3A : i32
    %sub3A = arith.constant 32 : i32
    %sub3A_2 = arith.subi %sub3A, %add3A : i32
    %add3A_3 = arith.addi %sub3A_2, %rem3A_1 : i32
    %multiple_of3A = tpu.assume_multiple %add3A_3, 8 : i32
    "tpu.region"() ({
      %run_scoped3A = tpu.sem_alloc : memref<!tpu.dma_semaphore, #tpu.memory_space<semaphore_mem>>
      %dma_start3A = arith.constant 0 : i32
      %dma_start3A_9 = tpu.memref_slice %arg2[%rem3A_1, %dma_start3A, %multiple_of3A] : memref<8x64x2056xf32, #tpu.memory_space<hbm>> -> memref<1x64x2016xf32, #tpu.memory_space<hbm>>
      %dma_start3A_10 = tpu.memref_squeeze %dma_start3A_9 : memref<1x64x2016xf32, #tpu.memory_space<hbm>> -> memref<64x2016xf32, #tpu.memory_space<hbm>>
      %dma_start3A_11 = arith.constant 0 : i32
      %dma_start3A_12 = tpu.memref_slice %arg2[%rem3A_1, %dma_start3A_11, %multiple_of3A] : memref<8x64x2056xf32, #tpu.memory_space<hbm>> -> memref<1x64x2016xf32, #tpu.memory_space<hbm>>
      %dma_start3A_13 = tpu.memref_squeeze %dma_start3A_12 : memref<1x64x2016xf32, #tpu.memory_space<hbm>> -> memref<64x2016xf32, #tpu.memory_space<hbm>>
      tpu.enqueue_dma source(%dma_start3A_13 : memref<64x2016xf32, #tpu.memory_space<hbm>>) target(%arg4 : memref<64x2016xf32, #tpu.memory_space<vmem>>) target_semaphore(%run_scoped3A : memref<!tpu.dma_semaphore, #tpu.memory_space<semaphore_mem>>)
      %dma_wait3A = arith.constant 0 : i32
      %dma_wait3A_14 = tpu.memref_slice %arg2[%rem3A_1, %dma_wait3A, %multiple_of3A] : memref<8x64x2056xf32, #tpu.memory_space<hbm>> -> memref<1x64x2016xf32, #tpu.memory_space<hbm>>
      %dma_wait3A_15 = tpu.memref_squeeze %dma_wait3A_14 : memref<1x64x2016xf32, #tpu.memory_space<hbm>> -> memref<64x2016xf32, #tpu.memory_space<hbm>>
      %dma_wait3A_16 = arith.constant 0 : i32
      %dma_wait3A_17 = tpu.memref_slice %arg2[%rem3A_1, %dma_wait3A_16, %multiple_of3A] : memref<8x64x2056xf32, #tpu.memory_space<hbm>> -> memref<1x64x2016xf32, #tpu.memory_space<hbm>>
      %dma_wait3A_18 = tpu.memref_squeeze %dma_wait3A_17 : memref<1x64x2016xf32, #tpu.memory_space<hbm>> -> memref<64x2016xf32, #tpu.memory_space<hbm>>
      tpu.wait_dma2 semaphore(%run_scoped3A : memref<!tpu.dma_semaphore, #tpu.memory_space<semaphore_mem>>) src(%dma_wait3A_18 : memref<64x2016xf32, #tpu.memory_space<hbm>>) dst(%arg4 : memref<64x2016xf32, #tpu.memory_space<vmem>>)
      tpu.yield
    }) : () -> ()
    %scan3A = arith.constant 0 : i32
    %scan3A_4 = arith.constant 0 : i32
    %scan3A_5 = arith.constant 32 : i32
    %scan3A_6 = arith.addi %scan3A_4, %scan3A_5 : i32
    %scan3A_7 = arith.constant 1 : i32
    scf.for %scan3A_9 = %scan3A_4 to %scan3A_6 step %scan3A_7  : i32 {
      %mul3A_10 = arith.constant 32 : i32
      %mul3A_11 = arith.muli %mul3A_10, %scan3A_9 : i32
      %add3A_12 = arith.addi %add3A, %mul3A_11 : i32
      %mul3A_13 = arith.constant 32 : i32
      %mul3A_14 = arith.muli %mul3A_13, %scan3A_9 : i32
      %sub3A_15 = arith.constant 992 : i32
      %sub3A_16 = arith.subi %sub3A_15, %mul3A_14 : i32
      %multiple_of3A_17 = tpu.assume_multiple %sub3A_16, 8 : i32
      %add3A_18 = arith.constant 0 : i32
      %add3A_19 = arith.addi %multiple_of3A_17, %add3A_18 : i32
      %dma_start3A = arith.constant 0 : i32
      %dma_start3A_20 = arith.constant 0 : i32
      %dma_start3A_21 = arith.constant 0 : i32
      %dma_start3A_22 = tpu.memref_slice %arg4[%dma_start3A_21, %add3A_19] : memref<64x2016xf32, #tpu.memory_space<vmem>> -> memref<8x128xf32, #tpu.memory_space<vmem>>
      %dma_start3A_23 = arith.constant 0 : i32
      %dma_start3A_24 = arith.constant 0 : i32
      %dma_start3A_25 = tpu.memref_slice %arg3[%add3A_12, %dma_start3A, %dma_start3A_20, %dma_start3A_23, %dma_start3A_24] : memref<1024x8x8x8x128xf32, #tpu.memory_space<hbm>> -> memref<1x1x1x8x128xf32, #tpu.memory_space<hbm>>
      %dma_start3A_26 = tpu.memref_squeeze %dma_start3A_25 : memref<1x1x1x8x128xf32, #tpu.memory_space<hbm>> -> memref<8x128xf32, #tpu.memory_space<hbm>>
      %dma_start3A_27 = arith.constant 0 : i32
      %dma_start3A_28 = arith.constant 0 : i32
      %dma_start3A_29 = tpu.memref_slice %arg3[%add3A_12, %dma_start3A, %dma_start3A_20, %dma_start3A_27, %dma_start3A_28] : memref<1024x8x8x8x128xf32, #tpu.memory_space<hbm>> -> memref<1x1x1x8x128xf32, #tpu.memory_space<hbm>>
      %dma_start3A_30 = tpu.memref_squeeze %dma_start3A_29 : memref<1x1x1x8x128xf32, #tpu.memory_space<hbm>> -> memref<8x128xf32, #tpu.memory_space<hbm>>
      %dma_start3A_31 = arith.constant 0 : i32
      %dma_start3A_32 = tpu.memref_slice %arg4[%dma_start3A_31, %add3A_19] : memref<64x2016xf32, #tpu.memory_space<vmem>> -> memref<8x128xf32, #tpu.memory_space<vmem>>
      tpu.enqueue_dma source(%dma_start3A_32 : memref<8x128xf32, #tpu.memory_space<vmem>>) target(%dma_start3A_30 : memref<8x128xf32, #tpu.memory_space<hbm>>) target_semaphore(%arg5 : memref<!tpu.dma_semaphore, #tpu.memory_space<semaphore_mem>>)
      %add3A_33 = arith.constant 128 : i32
      %add3A_34 = arith.addi %multiple_of3A_17, %add3A_33 : i32
      %dma_start3A_35 = arith.constant 0 : i32
      %dma_start3A_36 = arith.constant 1 : i32
      %dma_start3A_37 = arith.constant 0 : i32
      %dma_start3A_38 = tpu.memref_slice %arg4[%dma_start3A_37, %add3A_34] : memref<64x2016xf32, #tpu.memory_space<vmem>> -> memref<8x128xf32, #tpu.memory_space<vmem>>
      %dma_start3A_39 = arith.constant 0 : i32
      %dma_start3A_40 = arith.constant 0 : i32
      %dma_start3A_41 = tpu.memref_slice %arg3[%add3A_12, %dma_start3A_35, %dma_start3A_36, %dma_start3A_39, %dma_start3A_40] : memref<1024x8x8x8x128xf32, #tpu.memory_space<hbm>> -> memref<1x1x1x8x128xf32, #tpu.memory_space<hbm>>
      %dma_start3A_42 = tpu.memref_squeeze %dma_start3A_41 : memref<1x1x1x8x128xf32, #tpu.memory_space<hbm>> -> memref<8x128xf32, #tpu.memory_space<hbm>>
      %dma_start3A_43 = arith.constant 0 : i32
      %dma_start3A_44 = arith.constant 0 : i32
      %dma_start3A_45 = tpu.memref_slice %arg3[%add3A_12, %dma_start3A_35, %dma_start3A_36, %dma_start3A_43, %dma_start3A_44] : memref<1024x8x8x8x128xf32, #tpu.memory_space<hbm>> -> memref<1x1x1x8x128xf32, #tpu.memory_space<hbm>>
      %dma_start3A_46 = tpu.memref_squeeze %dma_start3A_45 : memref<1x1x1x8x128xf32, #tpu.memory_space<hbm>> -> memref<8x128xf32, #tpu.memory_space<hbm>>
      %dma_start3A_47 = arith.constant 0 : i32
      %dma_start3A_48 = tpu.memref_slice %arg4[%dma_start3A_47, %add3A_34] : memref<64x2016xf32, #tpu.memory_space<vmem>> -> memref<8x128xf32, #tpu.memory_space<vmem>>
      tpu.enqueue_dma source(%dma_start3A_48 : memref<8x128xf32, #tpu.memory_space<vmem>>) target(%dma_start3A_46 : memref<8x128xf32, #tpu.memory_space<hbm>>) target_semaphore(%arg5 : memref<!tpu.dma_semaphore, #tpu.memory_space<semaphore_mem>>)
      %add3A_49 = arith.constant 256 : i32
      %add3A_50 = arith.addi %multiple_of3A_17, %add3A_49 : i32
      %dma_start3A_51 = arith.constant 0 : i32
      %dma_start3A_52 = arith.constant 2 : i32
      %dma_start3A_53 = arith.constant 0 : i32
      %dma_start3A_54 = tpu.memref_slice %arg4[%dma_start3A_53, %add3A_50] : memref<64x2016xf32, #tpu.memory_space<vmem>> -> memref<8x128xf32, #tpu.memory_space<vmem>>
      %dma_start3A_55 = arith.constant 0 : i32
      %dma_start3A_56 = arith.constant 0 : i32
      %dma_start3A_57 = tpu.memref_slice %arg3[%add3A_12, %dma_start3A_51, %dma_start3A_52, %dma_start3A_55, %dma_start3A_56] : memref<1024x8x8x8x128xf32, #tpu.memory_space<hbm>> -> memref<1x1x1x8x128xf32, #tpu.memory_space<hbm>>
      %dma_start3A_58 = tpu.memref_squeeze %dma_start3A_57 : memref<1x1x1x8x128xf32, #tpu.memory_space<hbm>> -> memref<8x128xf32, #tpu.memory_space<hbm>>
      %dma_start3A_59 = arith.constant 0 : i32
      %dma_start3A_60 = arith.constant 0 : i32
      %dma_start3A_61 = tpu.memref_slice %arg3[%add3A_12, %dma_start3A_51, %dma_start3A_52, %dma_start3A_59, %dma_start3A_60] : memref<1024x8x8x8x128xf32, #tpu.memory_space<hbm>> -> memref<1x1x1x8x128xf32, #tpu.memory_space<hbm>>
      %dma_start3A_62 = tpu.memref_squeeze %dma_start3A_61 : memref<1x1x1x8x128xf32, #tpu.memory_space<hbm>> -> memref<8x128xf32, #tpu.memory_space<hbm>>
      %dma_start3A_63 = arith.constant 0 : i32
      %dma_start3A_64 = tpu.memref_slice %arg4[%dma_start3A_63, %add3A_50] : memref<64x2016xf32, #tpu.memory_space<vmem>> -> memref<8x128xf32, #tpu.memory_space<vmem>>
      tpu.enqueue_dma source(%dma_start3A_64 : memref<8x128xf32, #tpu.memory_space<vmem>>) target(%dma_start3A_62 : memref<8x128xf32, #tpu.memory_space<hbm>>) target_semaphore(%arg5 : memref<!tpu.dma_semaphore, #tpu.memory_space<semaphore_mem>>)
      %add3A_65 = arith.constant 384 : i32
      %add3A_66 = arith.addi %multiple_of3A_17, %add3A_65 : i32
      %dma_start3A_67 = arith.constant 0 : i32
      %dma_start3A_68 = arith.constant 3 : i32
      %dma_start3A_69 = arith.constant 0 : i32
      %dma_start3A_70 = tpu.memref_slice %arg4[%dma_start3A_69, %add3A_66] : memref<64x2016xf32, #tpu.memory_space<vmem>> -> memref<8x128xf32, #tpu.memory_space<vmem>>
      %dma_start3A_71 = arith.constant 0 : i32
      %dma_start3A_72 = arith.constant 0 : i32
      %dma_start3A_73 = tpu.memref_slice %arg3[%add3A_12, %dma_start3A_67, %dma_start3A_68, %dma_start3A_71, %dma_start3A_72] : memref<1024x8x8x8x128xf32, #tpu.memory_space<hbm>> -> memref<1x1x1x8x128xf32, #tpu.memory_space<hbm>>
      %dma_start3A_74 = tpu.memref_squeeze %dma_start3A_73 : memref<1x1x1x8x128xf32, #tpu.memory_space<hbm>> -> memref<8x128xf32, #tpu.memory_space<hbm>>
      %dma_start3A_75 = arith.constant 0 : i32
      %dma_start3A_76 = arith.constant 0 : i32
      %dma_start3A_77 = tpu.memref_slice %arg3[%add3A_12, %dma_start3A_67, %dma_start3A_68, %dma_start3A_75, %dma_start3A_76] : memref<1024x8x8x8x128xf32, #tpu.memory_space<hbm>> -> memref<1x1x1x8x128xf32, #tpu.memory_space<hbm>>
      %dma_start3A_78 = tpu.memref_squeeze %dma_start3A_77 : memref<1x1x1x8x128xf32, #tpu.memory_space<hbm>> -> memref<8x128xf32, #tpu.memory_space<hbm>>
      %dma_start3A_79 = arith.constant 0 : i32
      %dma_start3A_80 = tpu.memref_slice %arg4[%dma_start3A_79, %add3A_66] : memref<64x2016xf32, #tpu.memory_space<vmem>> -> memref<8x128xf32, #tpu.memory_space<vmem>>
      tpu.enqueue_dma source(%dma_start3A_80 : memref<8x128xf32, #tpu.memory_space<vmem>>) target(%dma_start3A_78 : memref<8x128xf32, #tpu.memory_space<hbm>>) target_semaphore(%arg5 : memref<!tpu.dma_semaphore, #tpu.memory_space<semaphore_mem>>)
      %add3A_81 = arith.constant 512 : i32
      %add3A_82 = arith.addi %multiple_of3A_17, %add3A_81 : i32
      %dma_start3A_83 = arith.constant 0 : i32
      %dma_start3A_84 = arith.constant 4 : i32
      %dma_start3A_85 = arith.constant 0 : i32
      %dma_start3A_86 = tpu.memref_slice %arg4[%dma_start3A_85, %add3A_82] : memref<64x2016xf32, #tpu.memory_space<vmem>> -> memref<8x128xf32, #tpu.memory_space<vmem>>
      %dma_start3A_87 = arith.constant 0 : i32
      %dma_start3A_88 = arith.constant 0 : i32
      %dma_start3A_89 = tpu.memref_slice %arg3[%add3A_12, %dma_start3A_83, %dma_start3A_84, %dma_start3A_87, %dma_start3A_88] : memref<1024x8x8x8x128xf32, #tpu.memory_space<hbm>> -> memref<1x1x1x8x128xf32, #tpu.memory_space<hbm>>
      %dma_start3A_90 = tpu.memref_squeeze %dma_start3A_89 : memref<1x1x1x8x128xf32, #tpu.memory_space<hbm>> -> memref<8x128xf32, #tpu.memory_space<hbm>>
      %dma_start3A_91 = arith.constant 0 : i32
      %dma_start3A_92 = arith.constant 0 : i32
      %dma_start3A_93 = tpu.memref_slice %arg3[%add3A_12, %dma_start3A_83, %dma_start3A_84, %dma_start3A_91, %dma_start3A_92] : memref<1024x8x8x8x128xf32, #tpu.memory_space<hbm>> -> memref<1x1x1x8x128xf32, #tpu.memory_space<hbm>>
      %dma_start3A_94 = tpu.memref_squeeze %dma_start3A_93 : memref<1x1x1x8x128xf32, #tpu.memory_space<hbm>> -> memref<8x128xf32, #tpu.memory_space<hbm>>
      %dma_start3A_95 = arith.constant 0 : i32
      %dma_start3A_96 = tpu.memref_slice %arg4[%dma_start3A_95, %add3A_82] : memref<64x2016xf32, #tpu.memory_space<vmem>> -> memref<8x128xf32, #tpu.memory_space<vmem>>
      tpu.enqueue_dma source(%dma_start3A_96 : memref<8x128xf32, #tpu.memory_space<vmem>>) target(%dma_start3A_94 : memref<8x128xf32, #tpu.memory_space<hbm>>) target_semaphore(%arg5 : memref<!tpu.dma_semaphore, #tpu.memory_space<semaphore_mem>>)
      %add3A_97 = arith.constant 640 : i32
      %add3A_98 = arith.addi %multiple_of3A_17, %add3A_97 : i32
      %dma_start3A_99 = arith.constant 0 : i32
      %dma_start3A_100 = arith.constant 5 : i32
      %dma_start3A_101 = arith.constant 0 : i32
      %dma_start3A_102 = tpu.memref_slice %arg4[%dma_start3A_101, %add3A_98] : memref<64x2016xf32, #tpu.memory_space<vmem>> -> memref<8x128xf32, #tpu.memory_space<vmem>>
      %dma_start3A_103 = arith.constant 0 : i32
      %dma_start3A_104 = arith.constant 0 : i32
      %dma_start3A_105 = tpu.memref_slice %arg3[%add3A_12, %dma_start3A_99, %dma_start3A_100, %dma_start3A_103, %dma_start3A_104] : memref<1024x8x8x8x128xf32, #tpu.memory_space<hbm>> -> memref<1x1x1x8x128xf32, #tpu.memory_space<hbm>>
      %dma_start3A_106 = tpu.memref_squeeze %dma_start3A_105 : memref<1x1x1x8x128xf32, #tpu.memory_space<hbm>> -> memref<8x128xf32, #tpu.memory_space<hbm>>
      %dma_start3A_107 = arith.constant 0 : i32
      %dma_start3A_108 = arith.constant 0 : i32
      %dma_start3A_109 = tpu.memref_slice %arg3[%add3A_12, %dma_start3A_99, %dma_start3A_100, %dma_start3A_107, %dma_start3A_108] : memref<1024x8x8x8x128xf32, #tpu.memory_space<hbm>> -> memref<1x1x1x8x128xf32, #tpu.memory_space<hbm>>
      %dma_start3A_110 = tpu.memref_squeeze %dma_start3A_109 : memref<1x1x1x8x128xf32, #tpu.memory_space<hbm>> -> memref<8x128xf32, #tpu.memory_space<hbm>>
      %dma_start3A_111 = arith.constant 0 : i32
      %dma_start3A_112 = tpu.memref_slice %arg4[%dma_start3A_111, %add3A_98] : memref<64x2016xf32, #tpu.memory_space<vmem>> -> memref<8x128xf32, #tpu.memory_space<vmem>>
      tpu.enqueue_dma source(%dma_start3A_112 : memref<8x128xf32, #tpu.memory_space<vmem>>) target(%dma_start3A_110 : memref<8x128xf32, #tpu.memory_space<hbm>>) target_semaphore(%arg5 : memref<!tpu.dma_semaphore, #tpu.memory_space<semaphore_mem>>)
      %add3A_113 = arith.constant 768 : i32
      %add3A_114 = arith.addi %multiple_of3A_17, %add3A_113 : i32
      %dma_start3A_115 = arith.constant 0 : i32
      %dma_start3A_116 = arith.constant 6 : i32
      %dma_start3A_117 = arith.constant 0 : i32
      %dma_start3A_118 = tpu.memref_slice %arg4[%dma_start3A_117, %add3A_114] : memref<64x2016xf32, #tpu.memory_space<vmem>> -> memref<8x128xf32, #tpu.memory_space<vmem>>
      %dma_start3A_119 = arith.constant 0 : i32
      %dma_start3A_120 = arith.constant 0 : i32
      %dma_start3A_121 = tpu.memref_slice %arg3[%add3A_12, %dma_start3A_115, %dma_start3A_116, %dma_start3A_119, %dma_start3A_120] : memref<1024x8x8x8x128xf32, #tpu.memory_space<hbm>> -> memref<1x1x1x8x128xf32, #tpu.memory_space<hbm>>
      %dma_start3A_122 = tpu.memref_squeeze %dma_start3A_121 : memref<1x1x1x8x128xf32, #tpu.memory_space<hbm>> -> memref<8x128xf32, #tpu.memory_space<hbm>>
      %dma_start3A_123 = arith.constant 0 : i32
      %dma_start3A_124 = arith.constant 0 : i32
      %dma_start3A_125 = tpu.memref_slice %arg3[%add3A_12, %dma_start3A_115, %dma_start3A_116, %dma_start3A_123, %dma_start3A_124] : memref<1024x8x8x8x128xf32, #tpu.memory_space<hbm>> -> memref<1x1x1x8x128xf32, #tpu.memory_space<hbm>>
      %dma_start3A_126 = tpu.memref_squeeze %dma_start3A_125 : memref<1x1x1x8x128xf32, #tpu.memory_space<hbm>> -> memref<8x128xf32, #tpu.memory_space<hbm>>
      %dma_start3A_127 = arith.constant 0 : i32
      %dma_start3A_128 = tpu.memref_slice %arg4[%dma_start3A_127, %add3A_114] : memref<64x2016xf32, #tpu.memory_space<vmem>> -> memref<8x128xf32, #tpu.memory_space<vmem>>
      tpu.enqueue_dma source(%dma_start3A_128 : memref<8x128xf32, #tpu.memory_space<vmem>>) target(%dma_start3A_126 : memref<8x128xf32, #tpu.memory_space<hbm>>) target_semaphore(%arg5 : memref<!tpu.dma_semaphore, #tpu.memory_space<semaphore_mem>>)
      %add3A_129 = arith.constant 896 : i32
      %add3A_130 = arith.addi %multiple_of3A_17, %add3A_129 : i32
      %dma_start3A_131 = arith.constant 0 : i32
      %dma_start3A_132 = arith.constant 7 : i32
      %dma_start3A_133 = arith.constant 0 : i32
      %dma_start3A_134 = tpu.memref_slice %arg4[%dma_start3A_133, %add3A_130] : memref<64x2016xf32, #tpu.memory_space<vmem>> -> memref<8x128xf32, #tpu.memory_space<vmem>>
      %dma_start3A_135 = arith.constant 0 : i32
      %dma_start3A_136 = arith.constant 0 : i32
      %dma_start3A_137 = tpu.memref_slice %arg3[%add3A_12, %dma_start3A_131, %dma_start3A_132, %dma_start3A_135, %dma_start3A_136] : memref<1024x8x8x8x128xf32, #tpu.memory_space<hbm>> -> memref<1x1x1x8x128xf32, #tpu.memory_space<hbm>>
      %dma_start3A_138 = tpu.memref_squeeze %dma_start3A_137 : memref<1x1x1x8x128xf32, #tpu.memory_space<hbm>> -> memref<8x128xf32, #tpu.memory_space<hbm>>
      %dma_start3A_139 = arith.constant 0 : i32
      %dma_start3A_140 = arith.constant 0 : i32
      %dma_start3A_141 = tpu.memref_slice %arg3[%add3A_12, %dma_start3A_131, %dma_start3A_132, %dma_start3A_139, %dma_start3A_140] : memref<1024x8x8x8x128xf32, #tpu.memory_space<hbm>> -> memref<1x1x1x8x128xf32, #tpu.memory_space<hbm>>
      %dma_start3A_142 = tpu.memref_squeeze %dma_start3A_141 : memref<1x1x1x8x128xf32, #tpu.memory_space<hbm>> -> memref<8x128xf32, #tpu.memory_space<hbm>>
      %dma_start3A_143 = arith.constant 0 : i32
      %dma_start3A_144 = tpu.memref_slice %arg4[%dma_start3A_143, %add3A_130] : memref<64x2016xf32, #tpu.memory_space<vmem>> -> memref<8x128xf32, #tpu.memory_space<vmem>>
      tpu.enqueue_dma source(%dma_start3A_144 : memref<8x128xf32, #tpu.memory_space<vmem>>) target(%dma_start3A_142 : memref<8x128xf32, #tpu.memory_space<hbm>>) target_semaphore(%arg5 : memref<!tpu.dma_semaphore, #tpu.memory_space<semaphore_mem>>)
      %add3A_145 = arith.constant 0 : i32
      %add3A_146 = arith.addi %multiple_of3A_17, %add3A_145 : i32
      %dma_start3A_147 = arith.constant 1 : i32
      %dma_start3A_148 = arith.constant 0 : i32
      %dma_start3A_149 = arith.constant 8 : i32
      %dma_start3A_150 = tpu.memref_slice %arg4[%dma_start3A_149, %add3A_146] : memref<64x2016xf32, #tpu.memory_space<vmem>> -> memref<8x128xf32, #tpu.memory_space<vmem>>
      %dma_start3A_151 = arith.constant 0 : i32
      %dma_start3A_152 = arith.constant 0 : i32
      %dma_start3A_153 = tpu.memref_slice %arg3[%add3A_12, %dma_start3A_147, %dma_start3A_148, %dma_start3A_151, %dma_start3A_152] : memref<1024x8x8x8x128xf32, #tpu.memory_space<hbm>> -> memref<1x1x1x8x128xf32, #tpu.memory_space<hbm>>
      %dma_start3A_154 = tpu.memref_squeeze %dma_start3A_153 : memref<1x1x1x8x128xf32, #tpu.memory_space<hbm>> -> memref<8x128xf32, #tpu.memory_space<hbm>>
      %dma_start3A_155 = arith.constant 0 : i32
      %dma_start3A_156 = arith.constant 0 : i32
      %dma_start3A_157 = tpu.memref_slice %arg3[%add3A_12, %dma_start3A_147, %dma_start3A_148, %dma_start3A_155, %dma_start3A_156] : memref<1024x8x8x8x128xf32, #tpu.memory_space<hbm>> -> memref<1x1x1x8x128xf32, #tpu.memory_space<hbm>>
      %dma_start3A_158 = tpu.memref_squeeze %dma_start3A_157 : memref<1x1x1x8x128xf32, #tpu.memory_space<hbm>> -> memref<8x128xf32, #tpu.memory_space<hbm>>
      %dma_start3A_159 = arith.constant 8 : i32
      %dma_start3A_160 = tpu.memref_slice %arg4[%dma_start3A_159, %add3A_146] : memref<64x2016xf32, #tpu.memory_space<vmem>> -> memref<8x128xf32, #tpu.memory_space<vmem>>
      tpu.enqueue_dma source(%dma_start3A_160 : memref<8x128xf32, #tpu.memory_space<vmem>>) target(%dma_start3A_158 : memref<8x128xf32, #tpu.memory_space<hbm>>) target_semaphore(%arg5 : memref<!tpu.dma_semaphore, #tpu.memory_space<semaphore_mem>>)
      %add3A_161 = arith.constant 128 : i32
      %add3A_162 = arith.addi %multiple_of3A_17, %add3A_161 : i32
      %dma_start3A_163 = arith.constant 1 : i32
      %dma_start3A_164 = arith.constant 1 : i32
      %dma_start3A_165 = arith.constant 8 : i32
      %dma_start3A_166 = tpu.memref_slice %arg4[%dma_start3A_165, %add3A_162] : memref<64x2016xf32, #tpu.memory_space<vmem>> -> memref<8x128xf32, #tpu.memory_space<vmem>>
      %dma_start3A_167 = arith.constant 0 : i32
      %dma_start3A_168 = arith.constant 0 : i32
      %dma_start3A_169 = tpu.memref_slice %arg3[%add3A_12, %dma_start3A_163, %dma_start3A_164, %dma_start3A_167, %dma_start3A_168] : memref<1024x8x8x8x128xf32, #tpu.memory_space<hbm>> -> memref<1x1x1x8x128xf32, #tpu.memory_space<hbm>>
      %dma_start3A_170 = tpu.memref_squeeze %dma_start3A_169 : memref<1x1x1x8x128xf32, #tpu.memory_space<hbm>> -> memref<8x128xf32, #tpu.memory_space<hbm>>
      %dma_start3A_171 = arith.constant 0 : i32
      %dma_start3A_172 = arith.constant 0 : i32
      %dma_start3A_173 = tpu.memref_slice %arg3[%add3A_12, %dma_start3A_163, %dma_start3A_164, %dma_start3A_171, %dma_start3A_172] : memref<1024x8x8x8x128xf32, #tpu.memory_space<hbm>> -> memref<1x1x1x8x128xf32, #tpu.memory_space<hbm>>
      %dma_start3A_174 = tpu.memref_squeeze %dma_start3A_173 : memref<1x1x1x8x128xf32, #tpu.memory_space<hbm>> -> memref<8x128xf32, #tpu.memory_space<hbm>>
      %dma_start3A_175 = arith.constant 8 : i32
      %dma_start3A_176 = tpu.memref_slice %arg4[%dma_start3A_175, %add3A_162] : memref<64x2016xf32, #tpu.memory_space<vmem>> -> memref<8x128xf32, #tpu.memory_space<vmem>>
      tpu.enqueue_dma source(%dma_start3A_176 : memref<8x128xf32, #tpu.memory_space<vmem>>) target(%dma_start3A_174 : memref<8x128xf32, #tpu.memory_space<hbm>>) target_semaphore(%arg5 : memref<!tpu.dma_semaphore, #tpu.memory_space<semaphore_mem>>)
      %add3A_177 = arith.constant 256 : i32
      %add3A_178 = arith.addi %multiple_of3A_17, %add3A_177 : i32
      %dma_start3A_179 = arith.constant 1 : i32
      %dma_start3A_180 = arith.constant 2 : i32
      %dma_start3A_181 = arith.constant 8 : i32
      %dma_start3A_182 = tpu.memref_slice %arg4[%dma_start3A_181, %add3A_178] : memref<64x2016xf32, #tpu.memory_space<vmem>> -> memref<8x128xf32, #tpu.memory_space<vmem>>
      %dma_start3A_183 = arith.constant 0 : i32
      %dma_start3A_184 = arith.constant 0 : i32
      %dma_start3A_185 = tpu.memref_slice %arg3[%add3A_12, %dma_start3A_179, %dma_start3A_180, %dma_start3A_183, %dma_start3A_184] : memref<1024x8x8x8x128xf32, #tpu.memory_space<hbm>> -> memref<1x1x1x8x128xf32, #tpu.memory_space<hbm>>
      %dma_start3A_186 = tpu.memref_squeeze %dma_start3A_185 : memref<1x1x1x8x128xf32, #tpu.memory_space<hbm>> -> memref<8x128xf32, #tpu.memory_space<hbm>>
      %dma_start3A_187 = arith.constant 0 : i32
      %dma_start3A_188 = arith.constant 0 : i32
      %dma_start3A_189 = tpu.memref_slice %arg3[%add3A_12, %dma_start3A_179, %dma_start3A_180, %dma_start3A_187, %dma_start3A_188] : memref<1024x8x8x8x128xf32, #tpu.memory_space<hbm>> -> memref<1x1x1x8x128xf32, #tpu.memory_space<hbm>>
      %dma_start3A_190 = tpu.memref_squeeze %dma_start3A_189 : memref<1x1x1x8x128xf32, #tpu.memory_space<hbm>> -> memref<8x128xf32, #tpu.memory_space<hbm>>
      %dma_start3A_191 = arith.constant 8 : i32
      %dma_start3A_192 = tpu.memref_slice %arg4[%dma_start3A_191, %add3A_178] : memref<64x2016xf32, #tpu.memory_space<vmem>> -> memref<8x128xf32, #tpu.memory_space<vmem>>
      tpu.enqueue_dma source(%dma_start3A_192 : memref<8x128xf32, #tpu.memory_space<vmem>>) target(%dma_start3A_190 : memref<8x128xf32, #tpu.memory_space<hbm>>) target_semaphore(%arg5 : memref<!tpu.dma_semaphore, #tpu.memory_space<semaphore_mem>>)
      %add3A_193 = arith.constant 384 : i32
      %add3A_194 = arith.addi %multiple_of3A_17, %add3A_193 : i32
      %dma_start3A_195 = arith.constant 1 : i32
      %dma_start3A_196 = arith.constant 3 : i32
      %dma_start3A_197 = arith.constant 8 : i32
      %dma_start3A_198 = tpu.memref_slice %arg4[%dma_start3A_197, %add3A_194] : memref<64x2016xf32, #tpu.memory_space<vmem>> -> memref<8x128xf32, #tpu.memory_space<vmem>>
      %dma_start3A_199 = arith.constant 0 : i32
      %dma_start3A_200 = arith.constant 0 : i32
      %dma_start3A_201 = tpu.memref_slice %arg3[%add3A_12, %dma_start3A_195, %dma_start3A_196, %dma_start3A_199, %dma_start3A_200] : memref<1024x8x8x8x128xf32, #tpu.memory_space<hbm>> -> memref<1x1x1x8x128xf32, #tpu.memory_space<hbm>>
      %dma_start3A_202 = tpu.memref_squeeze %dma_start3A_201 : memref<1x1x1x8x128xf32, #tpu.memory_space<hbm>> -> memref<8x128xf32, #tpu.memory_space<hbm>>
      %dma_start3A_203 = arith.constant 0 : i32
      %dma_start3A_204 = arith.constant 0 : i32
      %dma_start3A_205 = tpu.memref_slice %arg3[%add3A_12, %dma_start3A_195, %dma_start3A_196, %dma_start3A_203, %dma_start3A_204] : memref<1024x8x8x8x128xf32, #tpu.memory_space<hbm>> -> memref<1x1x1x8x128xf32, #tpu.memory_space<hbm>>
      %dma_start3A_206 = tpu.memref_squeeze %dma_start3A_205 : memref<1x1x1x8x128xf32, #tpu.memory_space<hbm>> -> memref<8x128xf32, #tpu.memory_space<hbm>>
      %dma_start3A_207 = arith.constant 8 : i32
      %dma_start3A_208 = tpu.memref_slice %arg4[%dma_start3A_207, %add3A_194] : memref<64x2016xf32, #tpu.memory_space<vmem>> -> memref<8x128xf32, #tpu.memory_space<vmem>>
      tpu.enqueue_dma source(%dma_start3A_208 : memref<8x128xf32, #tpu.memory_space<vmem>>) target(%dma_start3A_206 : memref<8x128xf32, #tpu.memory_space<hbm>>) target_semaphore(%arg5 : memref<!tpu.dma_semaphore, #tpu.memory_space<semaphore_mem>>)
      %add3A_209 = arith.constant 512 : i32
      %add3A_210 = arith.addi %multiple_of3A_17, %add3A_209 : i32
      %dma_start3A_211 = arith.constant 1 : i32
      %dma_start3A_212 = arith.constant 4 : i32
      %dma_start3A_213 = arith.constant 8 : i32
      %dma_start3A_214 = tpu.memref_slice %arg4[%dma_start3A_213, %add3A_210] : memref<64x2016xf32, #tpu.memory_space<vmem>> -> memref<8x128xf32, #tpu.memory_space<vmem>>
      %dma_start3A_215 = arith.constant 0 : i32
      %dma_start3A_216 = arith.constant 0 : i32
      %dma_start3A_217 = tpu.memref_slice %arg3[%add3A_12, %dma_start3A_211, %dma_start3A_212, %dma_start3A_215, %dma_start3A_216] : memref<1024x8x8x8x128xf32, #tpu.memory_space<hbm>> -> memref<1x1x1x8x128xf32, #tpu.memory_space<hbm>>
      %dma_start3A_218 = tpu.memref_squeeze %dma_start3A_217 : memref<1x1x1x8x128xf32, #tpu.memory_space<hbm>> -> memref<8x128xf32, #tpu.memory_space<hbm>>
      %dma_start3A_219 = arith.constant 0 : i32
      %dma_start3A_220 = arith.constant 0 : i32
      %dma_start3A_221 = tpu.memref_slice %arg3[%add3A_12, %dma_start3A_211, %dma_start3A_212, %dma_start3A_219, %dma_start3A_220] : memref<1024x8x8x8x128xf32, #tpu.memory_space<hbm>> -> memref<1x1x1x8x128xf32, #tpu.memory_space<hbm>>
      %dma_start3A_222 = tpu.memref_squeeze %dma_start3A_221 : memref<1x1x1x8x128xf32, #tpu.memory_space<hbm>> -> memref<8x128xf32, #tpu.memory_space<hbm>>
      %dma_start3A_223 = arith.constant 8 : i32
      %dma_start3A_224 = tpu.memref_slice %arg4[%dma_start3A_223, %add3A_210] : memref<64x2016xf32, #tpu.memory_space<vmem>> -> memref<8x128xf32, #tpu.memory_space<vmem>>
      tpu.enqueue_dma source(%dma_start3A_224 : memref<8x128xf32, #tpu.memory_space<vmem>>) target(%dma_start3A_222 : memref<8x128xf32, #tpu.memory_space<hbm>>) target_semaphore(%arg5 : memref<!tpu.dma_semaphore, #tpu.memory_space<semaphore_mem>>)
      %add3A_225 = arith.constant 640 : i32
      %add3A_226 = arith.addi %multiple_of3A_17, %add3A_225 : i32
      %dma_start3A_227 = arith.constant 1 : i32
      %dma_start3A_228 = arith.constant 5 : i32
      %dma_start3A_229 = arith.constant 8 : i32
      %dma_start3A_230 = tpu.memref_slice %arg4[%dma_start3A_229, %add3A_226] : memref<64x2016xf32, #tpu.memory_space<vmem>> -> memref<8x128xf32, #tpu.memory_space<vmem>>
      %dma_start3A_231 = arith.constant 0 : i32
      %dma_start3A_232 = arith.constant 0 : i32
      %dma_start3A_233 = tpu.memref_slice %arg3[%add3A_12, %dma_start3A_227, %dma_start3A_228, %dma_start3A_231, %dma_start3A_232] : memref<1024x8x8x8x128xf32, #tpu.memory_space<hbm>> -> memref<1x1x1x8x128xf32, #tpu.memory_space<hbm>>
      %dma_start3A_234 = tpu.memref_squeeze %dma_start3A_233 : memref<1x1x1x8x128xf32, #tpu.memory_space<hbm>> -> memref<8x128xf32, #tpu.memory_space<hbm>>
      %dma_start3A_235 = arith.constant 0 : i32
      %dma_start3A_236 = arith.constant 0 : i32
      %dma_start3A_237 = tpu.memref_slice %arg3[%add3A_12, %dma_start3A_227, %dma_start3A_228, %dma_start3A_235, %dma_start3A_236] : memref<1024x8x8x8x128xf32, #tpu.memory_space<hbm>> -> memref<1x1x1x8x128xf32, #tpu.memory_space<hbm>>
      %dma_start3A_238 = tpu.memref_squeeze %dma_start3A_237 : memref<1x1x1x8x128xf32, #tpu.memory_space<hbm>> -> memref<8x128xf32, #tpu.memory_space<hbm>>
      %dma_start3A_239 = arith.constant 8 : i32
      %dma_start3A_240 = tpu.memref_slice %arg4[%dma_start3A_239, %add3A_226] : memref<64x2016xf32, #tpu.memory_space<vmem>> -> memref<8x128xf32, #tpu.memory_space<vmem>>
      tpu.enqueue_dma source(%dma_start3A_240 : memref<8x128xf32, #tpu.memory_space<vmem>>) target(%dma_start3A_238 : memref<8x128xf32, #tpu.memory_space<hbm>>) target_semaphore(%arg5 : memref<!tpu.dma_semaphore, #tpu.memory_space<semaphore_mem>>)
      %add3A_241 = arith.constant 768 : i32
      %add3A_242 = arith.addi %multiple_of3A_17, %add3A_241 : i32
      %dma_start3A_243 = arith.constant 1 : i32
      %dma_start3A_244 = arith.constant 6 : i32
      %dma_start3A_245 = arith.constant 8 : i32
      %dma_start3A_246 = tpu.memref_slice %arg4[%dma_start3A_245, %add3A_242] : memref<64x2016xf32, #tpu.memory_space<vmem>> -> memref<8x128xf32, #tpu.memory_space<vmem>>
      %dma_start3A_247 = arith.constant 0 : i32
      %dma_start3A_248 = arith.constant 0 : i32
      %dma_start3A_249 = tpu.memref_slice %arg3[%add3A_12, %dma_start3A_243, %dma_start3A_244, %dma_start3A_247, %dma_start3A_248] : memref<1024x8x8x8x128xf32, #tpu.memory_space<hbm>> -> memref<1x1x1x8x128xf32, #tpu.memory_space<hbm>>
      %dma_start3A_250 = tpu.memref_squeeze %dma_start3A_249 : memref<1x1x1x8x128xf32, #tpu.memory_space<hbm>> -> memref<8x128xf32, #tpu.memory_space<hbm>>
      %dma_start3A_251 = arith.constant 0 : i32
      %dma_start3A_252 = arith.constant 0 : i32
      %dma_start3A_253 = tpu.memref_slice %arg3[%add3A_12, %dma_start3A_243, %dma_start3A_244, %dma_start3A_251, %dma_start3A_252] : memref<1024x8x8x8x128xf32, #tpu.memory_space<hbm>> -> memref<1x1x1x8x128xf32, #tpu.memory_space<hbm>>
      %dma_start3A_254 = tpu.memref_squeeze %dma_start3A_253 : memref<1x1x1x8x128xf32, #tpu.memory_space<hbm>> -> memref<8x128xf32, #tpu.memory_space<hbm>>
      %dma_start3A_255 = arith.constant 8 : i32
      %dma_start3A_256 = tpu.memref_slice %arg4[%dma_start3A_255, %add3A_242] : memref<64x2016xf32, #tpu.memory_space<vmem>> -> memref<8x128xf32, #tpu.memory_space<vmem>>
      tpu.enqueue_dma source(%dma_start3A_256 : memref<8x128xf32, #tpu.memory_space<vmem>>) target(%dma_start3A_254 : memref<8x128xf32, #tpu.memory_space<hbm>>) target_semaphore(%arg5 : memref<!tpu.dma_semaphore, #tpu.memory_space<semaphore_mem>>)
      %add3A_257 = arith.constant 896 : i32
      %add3A_258 = arith.addi %multiple_of3A_17, %add3A_257 : i32
      %dma_start3A_259 = arith.constant 1 : i32
      %dma_start3A_260 = arith.constant 7 : i32
      %dma_start3A_261 = arith.constant 8 : i32
      %dma_start3A_262 = tpu.memref_slice %arg4[%dma_start3A_261, %add3A_258] : memref<64x2016xf32, #tpu.memory_space<vmem>> -> memref<8x128xf32, #tpu.memory_space<vmem>>
      %dma_start3A_263 = arith.constant 0 : i32
      %dma_start3A_264 = arith.constant 0 : i32
      %dma_start3A_265 = tpu.memref_slice %arg3[%add3A_12, %dma_start3A_259, %dma_start3A_260, %dma_start3A_263, %dma_start3A_264] : memref<1024x8x8x8x128xf32, #tpu.memory_space<hbm>> -> memref<1x1x1x8x128xf32, #tpu.memory_space<hbm>>
      %dma_start3A_266 = tpu.memref_squeeze %dma_start3A_265 : memref<1x1x1x8x128xf32, #tpu.memory_space<hbm>> -> memref<8x128xf32, #tpu.memory_space<hbm>>
      %dma_start3A_267 = arith.constant 0 : i32
      %dma_start3A_268 = arith.constant 0 : i32
      %dma_start3A_269 = tpu.memref_slice %arg3[%add3A_12, %dma_start3A_259, %dma_start3A_260, %dma_start3A_267, %dma_start3A_268] : memref<1024x8x8x8x128xf32, #tpu.memory_space<hbm>> -> memref<1x1x1x8x128xf32, #tpu.memory_space<hbm>>
      %dma_start3A_270 = tpu.memref_squeeze %dma_start3A_269 : memref<1x1x1x8x128xf32, #tpu.memory_space<hbm>> -> memref<8x128xf32, #tpu.memory_space<hbm>>
      %dma_start3A_271 = arith.constant 8 : i32
      %dma_start3A_272 = tpu.memref_slice %arg4[%dma_start3A_271, %add3A_258] : memref<64x2016xf32, #tpu.memory_space<vmem>> -> memref<8x128xf32, #tpu.memory_space<vmem>>
      tpu.enqueue_dma source(%dma_start3A_272 : memref<8x128xf32, #tpu.memory_space<vmem>>) target(%dma_start3A_270 : memref<8x128xf32, #tpu.memory_space<hbm>>) target_semaphore(%arg5 : memref<!tpu.dma_semaphore, #tpu.memory_space<semaphore_mem>>)
      %add3A_273 = arith.constant 0 : i32
      %add3A_274 = arith.addi %multiple_of3A_17, %add3A_273 : i32
      %dma_start3A_275 = arith.constant 2 : i32
      %dma_start3A_276 = arith.constant 0 : i32
      %dma_start3A_277 = arith.constant 16 : i32
      %dma_start3A_278 = tpu.memref_slice %arg4[%dma_start3A_277, %add3A_274] : memref<64x2016xf32, #tpu.memory_space<vmem>> -> memref<8x128xf32, #tpu.memory_space<vmem>>
      %dma_start3A_279 = arith.constant 0 : i32
      %dma_start3A_280 = arith.constant 0 : i32
      %dma_start3A_281 = tpu.memref_slice %arg3[%add3A_12, %dma_start3A_275, %dma_start3A_276, %dma_start3A_279, %dma_start3A_280] : memref<1024x8x8x8x128xf32, #tpu.memory_space<hbm>> -> memref<1x1x1x8x128xf32, #tpu.memory_space<hbm>>
      %dma_start3A_282 = tpu.memref_squeeze %dma_start3A_281 : memref<1x1x1x8x128xf32, #tpu.memory_space<hbm>> -> memref<8x128xf32, #tpu.memory_space<hbm>>
      %dma_start3A_283 = arith.constant 0 : i32
      %dma_start3A_284 = arith.constant 0 : i32
      %dma_start3A_285 = tpu.memref_slice %arg3[%add3A_12, %dma_start3A_275, %dma_start3A_276, %dma_start3A_283, %dma_start3A_284] : memref<1024x8x8x8x128xf32, #tpu.memory_space<hbm>> -> memref<1x1x1x8x128xf32, #tpu.memory_space<hbm>>
      %dma_start3A_286 = tpu.memref_squeeze %dma_start3A_285 : memref<1x1x1x8x128xf32, #tpu.memory_space<hbm>> -> memref<8x128xf32, #tpu.memory_space<hbm>>
      %dma_start3A_287 = arith.constant 16 : i32
      %dma_start3A_288 = tpu.memref_slice %arg4[%dma_start3A_287, %add3A_274] : memref<64x2016xf32, #tpu.memory_space<vmem>> -> memref<8x128xf32, #tpu.memory_space<vmem>>
      tpu.enqueue_dma source(%dma_start3A_288 : memref<8x128xf32, #tpu.memory_space<vmem>>) target(%dma_start3A_286 : memref<8x128xf32, #tpu.memory_space<hbm>>) target_semaphore(%arg5 : memref<!tpu.dma_semaphore, #tpu.memory_space<semaphore_mem>>)
      %add3A_289 = arith.constant 128 : i32
      %add3A_290 = arith.addi %multiple_of3A_17, %add3A_289 : i32
      %dma_start3A_291 = arith.constant 2 : i32
      %dma_start3A_292 = arith.constant 1 : i32
      %dma_start3A_293 = arith.constant 16 : i32
      %dma_start3A_294 = tpu.memref_slice %arg4[%dma_start3A_293, %add3A_290] : memref<64x2016xf32, #tpu.memory_space<vmem>> -> memref<8x128xf32, #tpu.memory_space<vmem>>
      %dma_start3A_295 = arith.constant 0 : i32
      %dma_start3A_296 = arith.constant 0 : i32
      %dma_start3A_297 = tpu.memref_slice %arg3[%add3A_12, %dma_start3A_291, %dma_start3A_292, %dma_start3A_295, %dma_start3A_296] : memref<1024x8x8x8x128xf32, #tpu.memory_space<hbm>> -> memref<1x1x1x8x128xf32, #tpu.memory_space<hbm>>
      %dma_start3A_298 = tpu.memref_squeeze %dma_start3A_297 : memref<1x1x1x8x128xf32, #tpu.memory_space<hbm>> -> memref<8x128xf32, #tpu.memory_space<hbm>>
      %dma_start3A_299 = arith.constant 0 : i32
      %dma_start3A_300 = arith.constant 0 : i32
      %dma_start3A_301 = tpu.memref_slice %arg3[%add3A_12, %dma_start3A_291, %dma_start3A_292, %dma_start3A_299, %dma_start3A_300] : memref<1024x8x8x8x128xf32, #tpu.memory_space<hbm>> -> memref<1x1x1x8x128xf32, #tpu.memory_space<hbm>>
      %dma_start3A_302 = tpu.memref_squeeze %dma_start3A_301 : memref<1x1x1x8x128xf32, #tpu.memory_space<hbm>> -> memref<8x128xf32, #tpu.memory_space<hbm>>
      %dma_start3A_303 = arith.constant 16 : i32
      %dma_start3A_304 = tpu.memref_slice %arg4[%dma_start3A_303, %add3A_290] : memref<64x2016xf32, #tpu.memory_space<vmem>> -> memref<8x128xf32, #tpu.memory_space<vmem>>
      tpu.enqueue_dma source(%dma_start3A_304 : memref<8x128xf32, #tpu.memory_space<vmem>>) target(%dma_start3A_302 : memref<8x128xf32, #tpu.memory_space<hbm>>) target_semaphore(%arg5 : memref<!tpu.dma_semaphore, #tpu.memory_space<semaphore_mem>>)
      %add3A_305 = arith.constant 256 : i32
      %add3A_306 = arith.addi %multiple_of3A_17, %add3A_305 : i32
      %dma_start3A_307 = arith.constant 2 : i32
      %dma_start3A_308 = arith.constant 2 : i32
      %dma_start3A_309 = arith.constant 16 : i32
      %dma_start3A_310 = tpu.memref_slice %arg4[%dma_start3A_309, %add3A_306] : memref<64x2016xf32, #tpu.memory_space<vmem>> -> memref<8x128xf32, #tpu.memory_space<vmem>>
      %dma_start3A_311 = arith.constant 0 : i32
      %dma_start3A_312 = arith.constant 0 : i32
      %dma_start3A_313 = tpu.memref_slice %arg3[%add3A_12, %dma_start3A_307, %dma_start3A_308, %dma_start3A_311, %dma_start3A_312] : memref<1024x8x8x8x128xf32, #tpu.memory_space<hbm>> -> memref<1x1x1x8x128xf32, #tpu.memory_space<hbm>>
      %dma_start3A_314 = tpu.memref_squeeze %dma_start3A_313 : memref<1x1x1x8x128xf32, #tpu.memory_space<hbm>> -> memref<8x128xf32, #tpu.memory_space<hbm>>
      %dma_start3A_315 = arith.constant 0 : i32
      %dma_start3A_316 = arith.constant 0 : i32
      %dma_start3A_317 = tpu.memref_slice %arg3[%add3A_12, %dma_start3A_307, %dma_start3A_308, %dma_start3A_315, %dma_start3A_316] : memref<1024x8x8x8x128xf32, #tpu.memory_space<hbm>> -> memref<1x1x1x8x128xf32, #tpu.memory_space<hbm>>
      %dma_start3A_318 = tpu.memref_squeeze %dma_start3A_317 : memref<1x1x1x8x128xf32, #tpu.memory_space<hbm>> -> memref<8x128xf32, #tpu.memory_space<hbm>>
      %dma_start3A_319 = arith.constant 16 : i32
      %dma_start3A_320 = tpu.memref_slice %arg4[%dma_start3A_319, %add3A_306] : memref<64x2016xf32, #tpu.memory_space<vmem>> -> memref<8x128xf32, #tpu.memory_space<vmem>>
      tpu.enqueue_dma source(%dma_start3A_320 : memref<8x128xf32, #tpu.memory_space<vmem>>) target(%dma_start3A_318 : memref<8x128xf32, #tpu.memory_space<hbm>>) target_semaphore(%arg5 : memref<!tpu.dma_semaphore, #tpu.memory_space<semaphore_mem>>)
      %add3A_321 = arith.constant 384 : i32
      %add3A_322 = arith.addi %multiple_of3A_17, %add3A_321 : i32
      %dma_start3A_323 = arith.constant 2 : i32
      %dma_start3A_324 = arith.constant 3 : i32
      %dma_start3A_325 = arith.constant 16 : i32
      %dma_start3A_326 = tpu.memref_slice %arg4[%dma_start3A_325, %add3A_322] : memref<64x2016xf32, #tpu.memory_space<vmem>> -> memref<8x128xf32, #tpu.memory_space<vmem>>
      %dma_start3A_327 = arith.constant 0 : i32
      %dma_start3A_328 = arith.constant 0 : i32
      %dma_start3A_329 = tpu.memref_slice %arg3[%add3A_12, %dma_start3A_323, %dma_start3A_324, %dma_start3A_327, %dma_start3A_328] : memref<1024x8x8x8x128xf32, #tpu.memory_space<hbm>> -> memref<1x1x1x8x128xf32, #tpu.memory_space<hbm>>
      %dma_start3A_330 = tpu.memref_squeeze %dma_start3A_329 : memref<1x1x1x8x128xf32, #tpu.memory_space<hbm>> -> memref<8x128xf32, #tpu.memory_space<hbm>>
      %dma_start3A_331 = arith.constant 0 : i32
      %dma_start3A_332 = arith.constant 0 : i32
      %dma_start3A_333 = tpu.memref_slice %arg3[%add3A_12, %dma_start3A_323, %dma_start3A_324, %dma_start3A_331, %dma_start3A_332] : memref<1024x8x8x8x128xf32, #tpu.memory_space<hbm>> -> memref<1x1x1x8x128xf32, #tpu.memory_space<hbm>>
      %dma_start3A_334 = tpu.memref_squeeze %dma_start3A_333 : memref<1x1x1x8x128xf32, #tpu.memory_space<hbm>> -> memref<8x128xf32, #tpu.memory_space<hbm>>
      %dma_start3A_335 = arith.constant 16 : i32
      %dma_start3A_336 = tpu.memref_slice %arg4[%dma_start3A_335, %add3A_322] : memref<64x2016xf32, #tpu.memory_space<vmem>> -> memref<8x128xf32, #tpu.memory_space<vmem>>
      tpu.enqueue_dma source(%dma_start3A_336 : memref<8x128xf32, #tpu.memory_space<vmem>>) target(%dma_start3A_334 : memref<8x128xf32, #tpu.memory_space<hbm>>) target_semaphore(%arg5 : memref<!tpu.dma_semaphore, #tpu.memory_space<semaphore_mem>>)
      %add3A_337 = arith.constant 512 : i32
      %add3A_338 = arith.addi %multiple_of3A_17, %add3A_337 : i32
      %dma_start3A_339 = arith.constant 2 : i32
      %dma_start3A_340 = arith.constant 4 : i32
      %dma_start3A_341 = arith.constant 16 : i32
      %dma_start3A_342 = tpu.memref_slice %arg4[%dma_start3A_341, %add3A_338] : memref<64x2016xf32, #tpu.memory_space<vmem>> -> memref<8x128xf32, #tpu.memory_space<vmem>>
      %dma_start3A_343 = arith.constant 0 : i32
      %dma_start3A_344 = arith.constant 0 : i32
      %dma_start3A_345 = tpu.memref_slice %arg3[%add3A_12, %dma_start3A_339, %dma_start3A_340, %dma_start3A_343, %dma_start3A_344] : memref<1024x8x8x8x128xf32, #tpu.memory_space<hbm>> -> memref<1x1x1x8x128xf32, #tpu.memory_space<hbm>>
      %dma_start3A_346 = tpu.memref_squeeze %dma_start3A_345 : memref<1x1x1x8x128xf32, #tpu.memory_space<hbm>> -> memref<8x128xf32, #tpu.memory_space<hbm>>
      %dma_start3A_347 = arith.constant 0 : i32
      %dma_start3A_348 = arith.constant 0 : i32
      %dma_start3A_349 = tpu.memref_slice %arg3[%add3A_12, %dma_start3A_339, %dma_start3A_340, %dma_start3A_347, %dma_start3A_348] : memref<1024x8x8x8x128xf32, #tpu.memory_space<hbm>> -> memref<1x1x1x8x128xf32, #tpu.memory_space<hbm>>
      %dma_start3A_350 = tpu.memref_squeeze %dma_start3A_349 : memref<1x1x1x8x128xf32, #tpu.memory_space<hbm>> -> memref<8x128xf32, #tpu.memory_space<hbm>>
      %dma_start3A_351 = arith.constant 16 : i32
      %dma_start3A_352 = tpu.memref_slice %arg4[%dma_start3A_351, %add3A_338] : memref<64x2016xf32, #tpu.memory_space<vmem>> -> memref<8x128xf32, #tpu.memory_space<vmem>>
      tpu.enqueue_dma source(%dma_start3A_352 : memref<8x128xf32, #tpu.memory_space<vmem>>) target(%dma_start3A_350 : memref<8x128xf32, #tpu.memory_space<hbm>>) target_semaphore(%arg5 : memref<!tpu.dma_semaphore, #tpu.memory_space<semaphore_mem>>)
      %add3A_353 = arith.constant 640 : i32
      %add3A_354 = arith.addi %multiple_of3A_17, %add3A_353 : i32
      %dma_start3A_355 = arith.constant 2 : i32
      %dma_start3A_356 = arith.constant 5 : i32
      %dma_start3A_357 = arith.constant 16 : i32
      %dma_start3A_358 = tpu.memref_slice %arg4[%dma_start3A_357, %add3A_354] : memref<64x2016xf32, #tpu.memory_space<vmem>> -> memref<8x128xf32, #tpu.memory_space<vmem>>
      %dma_start3A_359 = arith.constant 0 : i32
      %dma_start3A_360 = arith.constant 0 : i32
      %dma_start3A_361 = tpu.memref_slice %arg3[%add3A_12, %dma_start3A_355, %dma_start3A_356, %dma_start3A_359, %dma_start3A_360] : memref<1024x8x8x8x128xf32, #tpu.memory_space<hbm>> -> memref<1x1x1x8x128xf32, #tpu.memory_space<hbm>>
      %dma_start3A_362 = tpu.memref_squeeze %dma_start3A_361 : memref<1x1x1x8x128xf32, #tpu.memory_space<hbm>> -> memref<8x128xf32, #tpu.memory_space<hbm>>
      %dma_start3A_363 = arith.constant 0 : i32
      %dma_start3A_364 = arith.constant 0 : i32
      %dma_start3A_365 = tpu.memref_slice %arg3[%add3A_12, %dma_start3A_355, %dma_start3A_356, %dma_start3A_363, %dma_start3A_364] : memref<1024x8x8x8x128xf32, #tpu.memory_space<hbm>> -> memref<1x1x1x8x128xf32, #tpu.memory_space<hbm>>
      %dma_start3A_366 = tpu.memref_squeeze %dma_start3A_365 : memref<1x1x1x8x128xf32, #tpu.memory_space<hbm>> -> memref<8x128xf32, #tpu.memory_space<hbm>>
      %dma_start3A_367 = arith.constant 16 : i32
      %dma_start3A_368 = tpu.memref_slice %arg4[%dma_start3A_367, %add3A_354] : memref<64x2016xf32, #tpu.memory_space<vmem>> -> memref<8x128xf32, #tpu.memory_space<vmem>>
      tpu.enqueue_dma source(%dma_start3A_368 : memref<8x128xf32, #tpu.memory_space<vmem>>) target(%dma_start3A_366 : memref<8x128xf32, #tpu.memory_space<hbm>>) target_semaphore(%arg5 : memref<!tpu.dma_semaphore, #tpu.memory_space<semaphore_mem>>)
      %add3A_369 = arith.constant 768 : i32
      %add3A_370 = arith.addi %multiple_of3A_17, %add3A_369 : i32
      %dma_start3A_371 = arith.constant 2 : i32
      %dma_start3A_372 = arith.constant 6 : i32
      %dma_start3A_373 = arith.constant 16 : i32
      %dma_start3A_374 = tpu.memref_slice %arg4[%dma_start3A_373, %add3A_370] : memref<64x2016xf32, #tpu.memory_space<vmem>> -> memref<8x128xf32, #tpu.memory_space<vmem>>
      %dma_start3A_375 = arith.constant 0 : i32
      %dma_start3A_376 = arith.constant 0 : i32
      %dma_start3A_377 = tpu.memref_slice %arg3[%add3A_12, %dma_start3A_371, %dma_start3A_372, %dma_start3A_375, %dma_start3A_376] : memref<1024x8x8x8x128xf32, #tpu.memory_space<hbm>> -> memref<1x1x1x8x128xf32, #tpu.memory_space<hbm>>
      %dma_start3A_378 = tpu.memref_squeeze %dma_start3A_377 : memref<1x1x1x8x128xf32, #tpu.memory_space<hbm>> -> memref<8x128xf32, #tpu.memory_space<hbm>>
      %dma_start3A_379 = arith.constant 0 : i32
      %dma_start3A_380 = arith.constant 0 : i32
      %dma_start3A_381 = tpu.memref_slice %arg3[%add3A_12, %dma_start3A_371, %dma_start3A_372, %dma_start3A_379, %dma_start3A_380] : memref<1024x8x8x8x128xf32, #tpu.memory_space<hbm>> -> memref<1x1x1x8x128xf32, #tpu.memory_space<hbm>>
      %dma_start3A_382 = tpu.memref_squeeze %dma_start3A_381 : memref<1x1x1x8x128xf32, #tpu.memory_space<hbm>> -> memref<8x128xf32, #tpu.memory_space<hbm>>
      %dma_start3A_383 = arith.constant 16 : i32
      %dma_start3A_384 = tpu.memref_slice %arg4[%dma_start3A_383, %add3A_370] : memref<64x2016xf32, #tpu.memory_space<vmem>> -> memref<8x128xf32, #tpu.memory_space<vmem>>
      tpu.enqueue_dma source(%dma_start3A_384 : memref<8x128xf32, #tpu.memory_space<vmem>>) target(%dma_start3A_382 : memref<8x128xf32, #tpu.memory_space<hbm>>) target_semaphore(%arg5 : memref<!tpu.dma_semaphore, #tpu.memory_space<semaphore_mem>>)
      %add3A_385 = arith.constant 896 : i32
      %add3A_386 = arith.addi %multiple_of3A_17, %add3A_385 : i32
      %dma_start3A_387 = arith.constant 2 : i32
      %dma_start3A_388 = arith.constant 7 : i32
      %dma_start3A_389 = arith.constant 16 : i32
      %dma_start3A_390 = tpu.memref_slice %arg4[%dma_start3A_389, %add3A_386] : memref<64x2016xf32, #tpu.memory_space<vmem>> -> memref<8x128xf32, #tpu.memory_space<vmem>>
      %dma_start3A_391 = arith.constant 0 : i32
      %dma_start3A_392 = arith.constant 0 : i32
      %dma_start3A_393 = tpu.memref_slice %arg3[%add3A_12, %dma_start3A_387, %dma_start3A_388, %dma_start3A_391, %dma_start3A_392] : memref<1024x8x8x8x128xf32, #tpu.memory_space<hbm>> -> memref<1x1x1x8x128xf32, #tpu.memory_space<hbm>>
      %dma_start3A_394 = tpu.memref_squeeze %dma_start3A_393 : memref<1x1x1x8x128xf32, #tpu.memory_space<hbm>> -> memref<8x128xf32, #tpu.memory_space<hbm>>
      %dma_start3A_395 = arith.constant 0 : i32
      %dma_start3A_396 = arith.constant 0 : i32
      %dma_start3A_397 = tpu.memref_slice %arg3[%add3A_12, %dma_start3A_387, %dma_start3A_388, %dma_start3A_395, %dma_start3A_396] : memref<1024x8x8x8x128xf32, #tpu.memory_space<hbm>> -> memref<1x1x1x8x128xf32, #tpu.memory_space<hbm>>
      %dma_start3A_398 = tpu.memref_squeeze %dma_start3A_397 : memref<1x1x1x8x128xf32, #tpu.memory_space<hbm>> -> memref<8x128xf32, #tpu.memory_space<hbm>>
      %dma_start3A_399 = arith.constant 16 : i32
      %dma_start3A_400 = tpu.memref_slice %arg4[%dma_start3A_399, %add3A_386] : memref<64x2016xf32, #tpu.memory_space<vmem>> -> memref<8x128xf32, #tpu.memory_space<vmem>>
      tpu.enqueue_dma source(%dma_start3A_400 : memref<8x128xf32, #tpu.memory_space<vmem>>) target(%dma_start3A_398 : memref<8x128xf32, #tpu.memory_space<hbm>>) target_semaphore(%arg5 : memref<!tpu.dma_semaphore, #tpu.memory_space<semaphore_mem>>)
      %add3A_401 = arith.constant 0 : i32
      %add3A_402 = arith.addi %multiple_of3A_17, %add3A_401 : i32
      %dma_start3A_403 = arith.constant 3 : i32
      %dma_start3A_404 = arith.constant 0 : i32
      %dma_start3A_405 = arith.constant 24 : i32
      %dma_start3A_406 = tpu.memref_slice %arg4[%dma_start3A_405, %add3A_402] : memref<64x2016xf32, #tpu.memory_space<vmem>> -> memref<8x128xf32, #tpu.memory_space<vmem>>
      %dma_start3A_407 = arith.constant 0 : i32
      %dma_start3A_408 = arith.constant 0 : i32
      %dma_start3A_409 = tpu.memref_slice %arg3[%add3A_12, %dma_start3A_403, %dma_start3A_404, %dma_start3A_407, %dma_start3A_408] : memref<1024x8x8x8x128xf32, #tpu.memory_space<hbm>> -> memref<1x1x1x8x128xf32, #tpu.memory_space<hbm>>
      %dma_start3A_410 = tpu.memref_squeeze %dma_start3A_409 : memref<1x1x1x8x128xf32, #tpu.memory_space<hbm>> -> memref<8x128xf32, #tpu.memory_space<hbm>>
      %dma_start3A_411 = arith.constant 0 : i32
      %dma_start3A_412 = arith.constant 0 : i32
      %dma_start3A_413 = tpu.memref_slice %arg3[%add3A_12, %dma_start3A_403, %dma_start3A_404, %dma_start3A_411, %dma_start3A_412] : memref<1024x8x8x8x128xf32, #tpu.memory_space<hbm>> -> memref<1x1x1x8x128xf32, #tpu.memory_space<hbm>>
      %dma_start3A_414 = tpu.memref_squeeze %dma_start3A_413 : memref<1x1x1x8x128xf32, #tpu.memory_space<hbm>> -> memref<8x128xf32, #tpu.memory_space<hbm>>
      %dma_start3A_415 = arith.constant 24 : i32
      %dma_start3A_416 = tpu.memref_slice %arg4[%dma_start3A_415, %add3A_402] : memref<64x2016xf32, #tpu.memory_space<vmem>> -> memref<8x128xf32, #tpu.memory_space<vmem>>
      tpu.enqueue_dma source(%dma_start3A_416 : memref<8x128xf32, #tpu.memory_space<vmem>>) target(%dma_start3A_414 : memref<8x128xf32, #tpu.memory_space<hbm>>) target_semaphore(%arg5 : memref<!tpu.dma_semaphore, #tpu.memory_space<semaphore_mem>>)
      %add3A_417 = arith.constant 128 : i32
      %add3A_418 = arith.addi %multiple_of3A_17, %add3A_417 : i32
      %dma_start3A_419 = arith.constant 3 : i32
      %dma_start3A_420 = arith.constant 1 : i32
      %dma_start3A_421 = arith.constant 24 : i32
      %dma_start3A_422 = tpu.memref_slice %arg4[%dma_start3A_421, %add3A_418] : memref<64x2016xf32, #tpu.memory_space<vmem>> -> memref<8x128xf32, #tpu.memory_space<vmem>>
      %dma_start3A_423 = arith.constant 0 : i32
      %dma_start3A_424 = arith.constant 0 : i32
      %dma_start3A_425 = tpu.memref_slice %arg3[%add3A_12, %dma_start3A_419, %dma_start3A_420, %dma_start3A_423, %dma_start3A_424] : memref<1024x8x8x8x128xf32, #tpu.memory_space<hbm>> -> memref<1x1x1x8x128xf32, #tpu.memory_space<hbm>>
      %dma_start3A_426 = tpu.memref_squeeze %dma_start3A_425 : memref<1x1x1x8x128xf32, #tpu.memory_space<hbm>> -> memref<8x128xf32, #tpu.memory_space<hbm>>
      %dma_start3A_427 = arith.constant 0 : i32
      %dma_start3A_428 = arith.constant 0 : i32
      %dma_start3A_429 = tpu.memref_slice %arg3[%add3A_12, %dma_start3A_419, %dma_start3A_420, %dma_start3A_427, %dma_start3A_428] : memref<1024x8x8x8x128xf32, #tpu.memory_space<hbm>> -> memref<1x1x1x8x128xf32, #tpu.memory_space<hbm>>
      %dma_start3A_430 = tpu.memref_squeeze %dma_start3A_429 : memref<1x1x1x8x128xf32, #tpu.memory_space<hbm>> -> memref<8x128xf32, #tpu.memory_space<hbm>>
      %dma_start3A_431 = arith.constant 24 : i32
      %dma_start3A_432 = tpu.memref_slice %arg4[%dma_start3A_431, %add3A_418] : memref<64x2016xf32, #tpu.memory_space<vmem>> -> memref<8x128xf32, #tpu.memory_space<vmem>>
      tpu.enqueue_dma source(%dma_start3A_432 : memref<8x128xf32, #tpu.memory_space<vmem>>) target(%dma_start3A_430 : memref<8x128xf32, #tpu.memory_space<hbm>>) target_semaphore(%arg5 : memref<!tpu.dma_semaphore, #tpu.memory_space<semaphore_mem>>)
      %add3A_433 = arith.constant 256 : i32
      %add3A_434 = arith.addi %multiple_of3A_17, %add3A_433 : i32
      %dma_start3A_435 = arith.constant 3 : i32
      %dma_start3A_436 = arith.constant 2 : i32
      %dma_start3A_437 = arith.constant 24 : i32
      %dma_start3A_438 = tpu.memref_slice %arg4[%dma_start3A_437, %add3A_434] : memref<64x2016xf32, #tpu.memory_space<vmem>> -> memref<8x128xf32, #tpu.memory_space<vmem>>
      %dma_start3A_439 = arith.constant 0 : i32
      %dma_start3A_440 = arith.constant 0 : i32
      %dma_start3A_441 = tpu.memref_slice %arg3[%add3A_12, %dma_start3A_435, %dma_start3A_436, %dma_start3A_439, %dma_start3A_440] : memref<1024x8x8x8x128xf32, #tpu.memory_space<hbm>> -> memref<1x1x1x8x128xf32, #tpu.memory_space<hbm>>
      %dma_start3A_442 = tpu.memref_squeeze %dma_start3A_441 : memref<1x1x1x8x128xf32, #tpu.memory_space<hbm>> -> memref<8x128xf32, #tpu.memory_space<hbm>>
      %dma_start3A_443 = arith.constant 0 : i32
      %dma_start3A_444 = arith.constant 0 : i32
      %dma_start3A_445 = tpu.memref_slice %arg3[%add3A_12, %dma_start3A_435, %dma_start3A_436, %dma_start3A_443, %dma_start3A_444] : memref<1024x8x8x8x128xf32, #tpu.memory_space<hbm>> -> memref<1x1x1x8x128xf32, #tpu.memory_space<hbm>>
      %dma_start3A_446 = tpu.memref_squeeze %dma_start3A_445 : memref<1x1x1x8x128xf32, #tpu.memory_space<hbm>> -> memref<8x128xf32, #tpu.memory_space<hbm>>
      %dma_start3A_447 = arith.constant 24 : i32
      %dma_start3A_448 = tpu.memref_slice %arg4[%dma_start3A_447, %add3A_434] : memref<64x2016xf32, #tpu.memory_space<vmem>> -> memref<8x128xf32, #tpu.memory_space<vmem>>
      tpu.enqueue_dma source(%dma_start3A_448 : memref<8x128xf32, #tpu.memory_space<vmem>>) target(%dma_start3A_446 : memref<8x128xf32, #tpu.memory_space<hbm>>) target_semaphore(%arg5 : memref<!tpu.dma_semaphore, #tpu.memory_space<semaphore_mem>>)
      %add3A_449 = arith.constant 384 : i32
      %add3A_450 = arith.addi %multiple_of3A_17, %add3A_449 : i32
      %dma_start3A_451 = arith.constant 3 : i32
      %dma_start3A_452 = arith.constant 3 : i32
      %dma_start3A_453 = arith.constant 24 : i32
      %dma_start3A_454 = tpu.memref_slice %arg4[%dma_start3A_453, %add3A_450] : memref<64x2016xf32, #tpu.memory_space<vmem>> -> memref<8x128xf32, #tpu.memory_space<vmem>>
      %dma_start3A_455 = arith.constant 0 : i32
      %dma_start3A_456 = arith.constant 0 : i32
      %dma_start3A_457 = tpu.memref_slice %arg3[%add3A_12, %dma_start3A_451, %dma_start3A_452, %dma_start3A_455, %dma_start3A_456] : memref<1024x8x8x8x128xf32, #tpu.memory_space<hbm>> -> memref<1x1x1x8x128xf32, #tpu.memory_space<hbm>>
      %dma_start3A_458 = tpu.memref_squeeze %dma_start3A_457 : memref<1x1x1x8x128xf32, #tpu.memory_space<hbm>> -> memref<8x128xf32, #tpu.memory_space<hbm>>
      %dma_start3A_459 = arith.constant 0 : i32
      %dma_start3A_460 = arith.constant 0 : i32
      %dma_start3A_461 = tpu.memref_slice %arg3[%add3A_12, %dma_start3A_451, %dma_start3A_452, %dma_start3A_459, %dma_start3A_460] : memref<1024x8x8x8x128xf32, #tpu.memory_space<hbm>> -> memref<1x1x1x8x128xf32, #tpu.memory_space<hbm>>
      %dma_start3A_462 = tpu.memref_squeeze %dma_start3A_461 : memref<1x1x1x8x128xf32, #tpu.memory_space<hbm>> -> memref<8x128xf32, #tpu.memory_space<hbm>>
      %dma_start3A_463 = arith.constant 24 : i32
      %dma_start3A_464 = tpu.memref_slice %arg4[%dma_start3A_463, %add3A_450] : memref<64x2016xf32, #tpu.memory_space<vmem>> -> memref<8x128xf32, #tpu.memory_space<vmem>>
      tpu.enqueue_dma source(%dma_start3A_464 : memref<8x128xf32, #tpu.memory_space<vmem>>) target(%dma_start3A_462 : memref<8x128xf32, #tpu.memory_space<hbm>>) target_semaphore(%arg5 : memref<!tpu.dma_semaphore, #tpu.memory_space<semaphore_mem>>)
      %add3A_465 = arith.constant 512 : i32
      %add3A_466 = arith.addi %multiple_of3A_17, %add3A_465 : i32
      %dma_start3A_467 = arith.constant 3 : i32
      %dma_start3A_468 = arith.constant 4 : i32
      %dma_start3A_469 = arith.constant 24 : i32
      %dma_start3A_470 = tpu.memref_slice %arg4[%dma_start3A_469, %add3A_466] : memref<64x2016xf32, #tpu.memory_space<vmem>> -> memref<8x128xf32, #tpu.memory_space<vmem>>
      %dma_start3A_471 = arith.constant 0 : i32
      %dma_start3A_472 = arith.constant 0 : i32
      %dma_start3A_473 = tpu.memref_slice %arg3[%add3A_12, %dma_start3A_467, %dma_start3A_468, %dma_start3A_471, %dma_start3A_472] : memref<1024x8x8x8x128xf32, #tpu.memory_space<hbm>> -> memref<1x1x1x8x128xf32, #tpu.memory_space<hbm>>
      %dma_start3A_474 = tpu.memref_squeeze %dma_start3A_473 : memref<1x1x1x8x128xf32, #tpu.memory_space<hbm>> -> memref<8x128xf32, #tpu.memory_space<hbm>>
      %dma_start3A_475 = arith.constant 0 : i32
      %dma_start3A_476 = arith.constant 0 : i32
      %dma_start3A_477 = tpu.memref_slice %arg3[%add3A_12, %dma_start3A_467, %dma_start3A_468, %dma_start3A_475, %dma_start3A_476] : memref<1024x8x8x8x128xf32, #tpu.memory_space<hbm>> -> memref<1x1x1x8x128xf32, #tpu.memory_space<hbm>>
      %dma_start3A_478 = tpu.memref_squeeze %dma_start3A_477 : memref<1x1x1x8x128xf32, #tpu.memory_space<hbm>> -> memref<8x128xf32, #tpu.memory_space<hbm>>
      %dma_start3A_479 = arith.constant 24 : i32
      %dma_start3A_480 = tpu.memref_slice %arg4[%dma_start3A_479, %add3A_466] : memref<64x2016xf32, #tpu.memory_space<vmem>> -> memref<8x128xf32, #tpu.memory_space<vmem>>
      tpu.enqueue_dma source(%dma_start3A_480 : memref<8x128xf32, #tpu.memory_space<vmem>>) target(%dma_start3A_478 : memref<8x128xf32, #tpu.memory_space<hbm>>) target_semaphore(%arg5 : memref<!tpu.dma_semaphore, #tpu.memory_space<semaphore_mem>>)
      %add3A_481 = arith.constant 640 : i32
      %add3A_482 = arith.addi %multiple_of3A_17, %add3A_481 : i32
      %dma_start3A_483 = arith.constant 3 : i32
      %dma_start3A_484 = arith.constant 5 : i32
      %dma_start3A_485 = arith.constant 24 : i32
      %dma_start3A_486 = tpu.memref_slice %arg4[%dma_start3A_485, %add3A_482] : memref<64x2016xf32, #tpu.memory_space<vmem>> -> memref<8x128xf32, #tpu.memory_space<vmem>>
      %dma_start3A_487 = arith.constant 0 : i32
      %dma_start3A_488 = arith.constant 0 : i32
      %dma_start3A_489 = tpu.memref_slice %arg3[%add3A_12, %dma_start3A_483, %dma_start3A_484, %dma_start3A_487, %dma_start3A_488] : memref<1024x8x8x8x128xf32, #tpu.memory_space<hbm>> -> memref<1x1x1x8x128xf32, #tpu.memory_space<hbm>>
      %dma_start3A_490 = tpu.memref_squeeze %dma_start3A_489 : memref<1x1x1x8x128xf32, #tpu.memory_space<hbm>> -> memref<8x128xf32, #tpu.memory_space<hbm>>
      %dma_start3A_491 = arith.constant 0 : i32
      %dma_start3A_492 = arith.constant 0 : i32
      %dma_start3A_493 = tpu.memref_slice %arg3[%add3A_12, %dma_start3A_483, %dma_start3A_484, %dma_start3A_491, %dma_start3A_492] : memref<1024x8x8x8x128xf32, #tpu.memory_space<hbm>> -> memref<1x1x1x8x128xf32, #tpu.memory_space<hbm>>
      %dma_start3A_494 = tpu.memref_squeeze %dma_start3A_493 : memref<1x1x1x8x128xf32, #tpu.memory_space<hbm>> -> memref<8x128xf32, #tpu.memory_space<hbm>>
      %dma_start3A_495 = arith.constant 24 : i32
      %dma_start3A_496 = tpu.memref_slice %arg4[%dma_start3A_495, %add3A_482] : memref<64x2016xf32, #tpu.memory_space<vmem>> -> memref<8x128xf32, #tpu.memory_space<vmem>>
      tpu.enqueue_dma source(%dma_start3A_496 : memref<8x128xf32, #tpu.memory_space<vmem>>) target(%dma_start3A_494 : memref<8x128xf32, #tpu.memory_space<hbm>>) target_semaphore(%arg5 : memref<!tpu.dma_semaphore, #tpu.memory_space<semaphore_mem>>)
      %add3A_497 = arith.constant 768 : i32
      %add3A_498 = arith.addi %multiple_of3A_17, %add3A_497 : i32
      %dma_start3A_499 = arith.constant 3 : i32
      %dma_start3A_500 = arith.constant 6 : i32
      %dma_start3A_501 = arith.constant 24 : i32
      %dma_start3A_502 = tpu.memref_slice %arg4[%dma_start3A_501, %add3A_498] : memref<64x2016xf32, #tpu.memory_space<vmem>> -> memref<8x128xf32, #tpu.memory_space<vmem>>
      %dma_start3A_503 = arith.constant 0 : i32
      %dma_start3A_504 = arith.constant 0 : i32
      %dma_start3A_505 = tpu.memref_slice %arg3[%add3A_12, %dma_start3A_499, %dma_start3A_500, %dma_start3A_503, %dma_start3A_504] : memref<1024x8x8x8x128xf32, #tpu.memory_space<hbm>> -> memref<1x1x1x8x128xf32, #tpu.memory_space<hbm>>
      %dma_start3A_506 = tpu.memref_squeeze %dma_start3A_505 : memref<1x1x1x8x128xf32, #tpu.memory_space<hbm>> -> memref<8x128xf32, #tpu.memory_space<hbm>>
      %dma_start3A_507 = arith.constant 0 : i32
      %dma_start3A_508 = arith.constant 0 : i32
      %dma_start3A_509 = tpu.memref_slice %arg3[%add3A_12, %dma_start3A_499, %dma_start3A_500, %dma_start3A_507, %dma_start3A_508] : memref<1024x8x8x8x128xf32, #tpu.memory_space<hbm>> -> memref<1x1x1x8x128xf32, #tpu.memory_space<hbm>>
      %dma_start3A_510 = tpu.memref_squeeze %dma_start3A_509 : memref<1x1x1x8x128xf32, #tpu.memory_space<hbm>> -> memref<8x128xf32, #tpu.memory_space<hbm>>
      %dma_start3A_511 = arith.constant 24 : i32
      %dma_start3A_512 = tpu.memref_slice %arg4[%dma_start3A_511, %add3A_498] : memref<64x2016xf32, #tpu.memory_space<vmem>> -> memref<8x128xf32, #tpu.memory_space<vmem>>
      tpu.enqueue_dma source(%dma_start3A_512 : memref<8x128xf32, #tpu.memory_space<vmem>>) target(%dma_start3A_510 : memref<8x128xf32, #tpu.memory_space<hbm>>) target_semaphore(%arg5 : memref<!tpu.dma_semaphore, #tpu.memory_space<semaphore_mem>>)
      %add3A_513 = arith.constant 896 : i32
      %add3A_514 = arith.addi %multiple_of3A_17, %add3A_513 : i32
      %dma_start3A_515 = arith.constant 3 : i32
      %dma_start3A_516 = arith.constant 7 : i32
      %dma_start3A_517 = arith.constant 24 : i32
      %dma_start3A_518 = tpu.memref_slice %arg4[%dma_start3A_517, %add3A_514] : memref<64x2016xf32, #tpu.memory_space<vmem>> -> memref<8x128xf32, #tpu.memory_space<vmem>>
      %dma_start3A_519 = arith.constant 0 : i32
      %dma_start3A_520 = arith.constant 0 : i32
      %dma_start3A_521 = tpu.memref_slice %arg3[%add3A_12, %dma_start3A_515, %dma_start3A_516, %dma_start3A_519, %dma_start3A_520] : memref<1024x8x8x8x128xf32, #tpu.memory_space<hbm>> -> memref<1x1x1x8x128xf32, #tpu.memory_space<hbm>>
      %dma_start3A_522 = tpu.memref_squeeze %dma_start3A_521 : memref<1x1x1x8x128xf32, #tpu.memory_space<hbm>> -> memref<8x128xf32, #tpu.memory_space<hbm>>
      %dma_start3A_523 = arith.constant 0 : i32
      %dma_start3A_524 = arith.constant 0 : i32
      %dma_start3A_525 = tpu.memref_slice %arg3[%add3A_12, %dma_start3A_515, %dma_start3A_516, %dma_start3A_523, %dma_start3A_524] : memref<1024x8x8x8x128xf32, #tpu.memory_space<hbm>> -> memref<1x1x1x8x128xf32, #tpu.memory_space<hbm>>
      %dma_start3A_526 = tpu.memref_squeeze %dma_start3A_525 : memref<1x1x1x8x128xf32, #tpu.memory_space<hbm>> -> memref<8x128xf32, #tpu.memory_space<hbm>>
      %dma_start3A_527 = arith.constant 24 : i32
      %dma_start3A_528 = tpu.memref_slice %arg4[%dma_start3A_527, %add3A_514] : memref<64x2016xf32, #tpu.memory_space<vmem>> -> memref<8x128xf32, #tpu.memory_space<vmem>>
      tpu.enqueue_dma source(%dma_start3A_528 : memref<8x128xf32, #tpu.memory_space<vmem>>) target(%dma_start3A_526 : memref<8x128xf32, #tpu.memory_space<hbm>>) target_semaphore(%arg5 : memref<!tpu.dma_semaphore, #tpu.memory_space<semaphore_mem>>)
      %add3A_529 = arith.constant 0 : i32
      %add3A_530 = arith.addi %multiple_of3A_17, %add3A_529 : i32
      %dma_start3A_531 = arith.constant 4 : i32
      %dma_start3A_532 = arith.constant 0 : i32
      %dma_start3A_533 = arith.constant 32 : i32
      %dma_start3A_534 = tpu.memref_slice %arg4[%dma_start3A_533, %add3A_530] : memref<64x2016xf32, #tpu.memory_space<vmem>> -> memref<8x128xf32, #tpu.memory_space<vmem>>
      %dma_start3A_535 = arith.constant 0 : i32
      %dma_start3A_536 = arith.constant 0 : i32
      %dma_start3A_537 = tpu.memref_slice %arg3[%add3A_12, %dma_start3A_531, %dma_start3A_532, %dma_start3A_535, %dma_start3A_536] : memref<1024x8x8x8x128xf32, #tpu.memory_space<hbm>> -> memref<1x1x1x8x128xf32, #tpu.memory_space<hbm>>
      %dma_start3A_538 = tpu.memref_squeeze %dma_start3A_537 : memref<1x1x1x8x128xf32, #tpu.memory_space<hbm>> -> memref<8x128xf32, #tpu.memory_space<hbm>>
      %dma_start3A_539 = arith.constant 0 : i32
      %dma_start3A_540 = arith.constant 0 : i32
      %dma_start3A_541 = tpu.memref_slice %arg3[%add3A_12, %dma_start3A_531, %dma_start3A_532, %dma_start3A_539, %dma_start3A_540] : memref<1024x8x8x8x128xf32, #tpu.memory_space<hbm>> -> memref<1x1x1x8x128xf32, #tpu.memory_space<hbm>>
      %dma_start3A_542 = tpu.memref_squeeze %dma_start3A_541 : memref<1x1x1x8x128xf32, #tpu.memory_space<hbm>> -> memref<8x128xf32, #tpu.memory_space<hbm>>
      %dma_start3A_543 = arith.constant 32 : i32
      %dma_start3A_544 = tpu.memref_slice %arg4[%dma_start3A_543, %add3A_530] : memref<64x2016xf32, #tpu.memory_space<vmem>> -> memref<8x128xf32, #tpu.memory_space<vmem>>
      tpu.enqueue_dma source(%dma_start3A_544 : memref<8x128xf32, #tpu.memory_space<vmem>>) target(%dma_start3A_542 : memref<8x128xf32, #tpu.memory_space<hbm>>) target_semaphore(%arg5 : memref<!tpu.dma_semaphore, #tpu.memory_space<semaphore_mem>>)
      %add3A_545 = arith.constant 128 : i32
      %add3A_546 = arith.addi %multiple_of3A_17, %add3A_545 : i32
      %dma_start3A_547 = arith.constant 4 : i32
      %dma_start3A_548 = arith.constant 1 : i32
      %dma_start3A_549 = arith.constant 32 : i32
      %dma_start3A_550 = tpu.memref_slice %arg4[%dma_start3A_549, %add3A_546] : memref<64x2016xf32, #tpu.memory_space<vmem>> -> memref<8x128xf32, #tpu.memory_space<vmem>>
      %dma_start3A_551 = arith.constant 0 : i32
      %dma_start3A_552 = arith.constant 0 : i32
      %dma_start3A_553 = tpu.memref_slice %arg3[%add3A_12, %dma_start3A_547, %dma_start3A_548, %dma_start3A_551, %dma_start3A_552] : memref<1024x8x8x8x128xf32, #tpu.memory_space<hbm>> -> memref<1x1x1x8x128xf32, #tpu.memory_space<hbm>>
      %dma_start3A_554 = tpu.memref_squeeze %dma_start3A_553 : memref<1x1x1x8x128xf32, #tpu.memory_space<hbm>> -> memref<8x128xf32, #tpu.memory_space<hbm>>
      %dma_start3A_555 = arith.constant 0 : i32
      %dma_start3A_556 = arith.constant 0 : i32
      %dma_start3A_557 = tpu.memref_slice %arg3[%add3A_12, %dma_start3A_547, %dma_start3A_548, %dma_start3A_555, %dma_start3A_556] : memref<1024x8x8x8x128xf32, #tpu.memory_space<hbm>> -> memref<1x1x1x8x128xf32, #tpu.memory_space<hbm>>
      %dma_start3A_558 = tpu.memref_squeeze %dma_start3A_557 : memref<1x1x1x8x128xf32, #tpu.memory_space<hbm>> -> memref<8x128xf32, #tpu.memory_space<hbm>>
      %dma_start3A_559 = arith.constant 32 : i32
      %dma_start3A_560 = tpu.memref_slice %arg4[%dma_start3A_559, %add3A_546] : memref<64x2016xf32, #tpu.memory_space<vmem>> -> memref<8x128xf32, #tpu.memory_space<vmem>>
      tpu.enqueue_dma source(%dma_start3A_560 : memref<8x128xf32, #tpu.memory_space<vmem>>) target(%dma_start3A_558 : memref<8x128xf32, #tpu.memory_space<hbm>>) target_semaphore(%arg5 : memref<!tpu.dma_semaphore, #tpu.memory_space<semaphore_mem>>)
      %add3A_561 = arith.constant 256 : i32
      %add3A_562 = arith.addi %multiple_of3A_17, %add3A_561 : i32
      %dma_start3A_563 = arith.constant 4 : i32
      %dma_start3A_564 = arith.constant 2 : i32
      %dma_start3A_565 = arith.constant 32 : i32
      %dma_start3A_566 = tpu.memref_slice %arg4[%dma_start3A_565, %add3A_562] : memref<64x2016xf32, #tpu.memory_space<vmem>> -> memref<8x128xf32, #tpu.memory_space<vmem>>
      %dma_start3A_567 = arith.constant 0 : i32
      %dma_start3A_568 = arith.constant 0 : i32
      %dma_start3A_569 = tpu.memref_slice %arg3[%add3A_12, %dma_start3A_563, %dma_start3A_564, %dma_start3A_567, %dma_start3A_568] : memref<1024x8x8x8x128xf32, #tpu.memory_space<hbm>> -> memref<1x1x1x8x128xf32, #tpu.memory_space<hbm>>
      %dma_start3A_570 = tpu.memref_squeeze %dma_start3A_569 : memref<1x1x1x8x128xf32, #tpu.memory_space<hbm>> -> memref<8x128xf32, #tpu.memory_space<hbm>>
      %dma_start3A_571 = arith.constant 0 : i32
      %dma_start3A_572 = arith.constant 0 : i32
      %dma_start3A_573 = tpu.memref_slice %arg3[%add3A_12, %dma_start3A_563, %dma_start3A_564, %dma_start3A_571, %dma_start3A_572] : memref<1024x8x8x8x128xf32, #tpu.memory_space<hbm>> -> memref<1x1x1x8x128xf32, #tpu.memory_space<hbm>>
      %dma_start3A_574 = tpu.memref_squeeze %dma_start3A_573 : memref<1x1x1x8x128xf32, #tpu.memory_space<hbm>> -> memref<8x128xf32, #tpu.memory_space<hbm>>
      %dma_start3A_575 = arith.constant 32 : i32
      %dma_start3A_576 = tpu.memref_slice %arg4[%dma_start3A_575, %add3A_562] : memref<64x2016xf32, #tpu.memory_space<vmem>> -> memref<8x128xf32, #tpu.memory_space<vmem>>
      tpu.enqueue_dma source(%dma_start3A_576 : memref<8x128xf32, #tpu.memory_space<vmem>>) target(%dma_start3A_574 : memref<8x128xf32, #tpu.memory_space<hbm>>) target_semaphore(%arg5 : memref<!tpu.dma_semaphore, #tpu.memory_space<semaphore_mem>>)
      %add3A_577 = arith.constant 384 : i32
      %add3A_578 = arith.addi %multiple_of3A_17, %add3A_577 : i32
      %dma_start3A_579 = arith.constant 4 : i32
      %dma_start3A_580 = arith.constant 3 : i32
      %dma_start3A_581 = arith.constant 32 : i32
      %dma_start3A_582 = tpu.memref_slice %arg4[%dma_start3A_581, %add3A_578] : memref<64x2016xf32, #tpu.memory_space<vmem>> -> memref<8x128xf32, #tpu.memory_space<vmem>>
      %dma_start3A_583 = arith.constant 0 : i32
      %dma_start3A_584 = arith.constant 0 : i32
      %dma_start3A_585 = tpu.memref_slice %arg3[%add3A_12, %dma_start3A_579, %dma_start3A_580, %dma_start3A_583, %dma_start3A_584] : memref<1024x8x8x8x128xf32, #tpu.memory_space<hbm>> -> memref<1x1x1x8x128xf32, #tpu.memory_space<hbm>>
      %dma_start3A_586 = tpu.memref_squeeze %dma_start3A_585 : memref<1x1x1x8x128xf32, #tpu.memory_space<hbm>> -> memref<8x128xf32, #tpu.memory_space<hbm>>
      %dma_start3A_587 = arith.constant 0 : i32
      %dma_start3A_588 = arith.constant 0 : i32
      %dma_start3A_589 = tpu.memref_slice %arg3[%add3A_12, %dma_start3A_579, %dma_start3A_580, %dma_start3A_587, %dma_start3A_588] : memref<1024x8x8x8x128xf32, #tpu.memory_space<hbm>> -> memref<1x1x1x8x128xf32, #tpu.memory_space<hbm>>
      %dma_start3A_590 = tpu.memref_squeeze %dma_start3A_589 : memref<1x1x1x8x128xf32, #tpu.memory_space<hbm>> -> memref<8x128xf32, #tpu.memory_space<hbm>>
      %dma_start3A_591 = arith.constant 32 : i32
      %dma_start3A_592 = tpu.memref_slice %arg4[%dma_start3A_591, %add3A_578] : memref<64x2016xf32, #tpu.memory_space<vmem>> -> memref<8x128xf32, #tpu.memory_space<vmem>>
      tpu.enqueue_dma source(%dma_start3A_592 : memref<8x128xf32, #tpu.memory_space<vmem>>) target(%dma_start3A_590 : memref<8x128xf32, #tpu.memory_space<hbm>>) target_semaphore(%arg5 : memref<!tpu.dma_semaphore, #tpu.memory_space<semaphore_mem>>)
      %add3A_593 = arith.constant 512 : i32
      %add3A_594 = arith.addi %multiple_of3A_17, %add3A_593 : i32
      %dma_start3A_595 = arith.constant 4 : i32
      %dma_start3A_596 = arith.constant 4 : i32
      %dma_start3A_597 = arith.constant 32 : i32
      %dma_start3A_598 = tpu.memref_slice %arg4[%dma_start3A_597, %add3A_594] : memref<64x2016xf32, #tpu.memory_space<vmem>> -> memref<8x128xf32, #tpu.memory_space<vmem>>
      %dma_start3A_599 = arith.constant 0 : i32
      %dma_start3A_600 = arith.constant 0 : i32
      %dma_start3A_601 = tpu.memref_slice %arg3[%add3A_12, %dma_start3A_595, %dma_start3A_596, %dma_start3A_599, %dma_start3A_600] : memref<1024x8x8x8x128xf32, #tpu.memory_space<hbm>> -> memref<1x1x1x8x128xf32, #tpu.memory_space<hbm>>
      %dma_start3A_602 = tpu.memref_squeeze %dma_start3A_601 : memref<1x1x1x8x128xf32, #tpu.memory_space<hbm>> -> memref<8x128xf32, #tpu.memory_space<hbm>>
      %dma_start3A_603 = arith.constant 0 : i32
      %dma_start3A_604 = arith.constant 0 : i32
      %dma_start3A_605 = tpu.memref_slice %arg3[%add3A_12, %dma_start3A_595, %dma_start3A_596, %dma_start3A_603, %dma_start3A_604] : memref<1024x8x8x8x128xf32, #tpu.memory_space<hbm>> -> memref<1x1x1x8x128xf32, #tpu.memory_space<hbm>>
      %dma_start3A_606 = tpu.memref_squeeze %dma_start3A_605 : memref<1x1x1x8x128xf32, #tpu.memory_space<hbm>> -> memref<8x128xf32, #tpu.memory_space<hbm>>
      %dma_start3A_607 = arith.constant 32 : i32
      %dma_start3A_608 = tpu.memref_slice %arg4[%dma_start3A_607, %add3A_594] : memref<64x2016xf32, #tpu.memory_space<vmem>> -> memref<8x128xf32, #tpu.memory_space<vmem>>
      tpu.enqueue_dma source(%dma_start3A_608 : memref<8x128xf32, #tpu.memory_space<vmem>>) target(%dma_start3A_606 : memref<8x128xf32, #tpu.memory_space<hbm>>) target_semaphore(%arg5 : memref<!tpu.dma_semaphore, #tpu.memory_space<semaphore_mem>>)
      %add3A_609 = arith.constant 640 : i32
      %add3A_610 = arith.addi %multiple_of3A_17, %add3A_609 : i32
      %dma_start3A_611 = arith.constant 4 : i32
      %dma_start3A_612 = arith.constant 5 : i32
      %dma_start3A_613 = arith.constant 32 : i32
      %dma_start3A_614 = tpu.memref_slice %arg4[%dma_start3A_613, %add3A_610] : memref<64x2016xf32, #tpu.memory_space<vmem>> -> memref<8x128xf32, #tpu.memory_space<vmem>>
      %dma_start3A_615 = arith.constant 0 : i32
      %dma_start3A_616 = arith.constant 0 : i32
      %dma_start3A_617 = tpu.memref_slice %arg3[%add3A_12, %dma_start3A_611, %dma_start3A_612, %dma_start3A_615, %dma_start3A_616] : memref<1024x8x8x8x128xf32, #tpu.memory_space<hbm>> -> memref<1x1x1x8x128xf32, #tpu.memory_space<hbm>>
      %dma_start3A_618 = tpu.memref_squeeze %dma_start3A_617 : memref<1x1x1x8x128xf32, #tpu.memory_space<hbm>> -> memref<8x128xf32, #tpu.memory_space<hbm>>
      %dma_start3A_619 = arith.constant 0 : i32
      %dma_start3A_620 = arith.constant 0 : i32
      %dma_start3A_621 = tpu.memref_slice %arg3[%add3A_12, %dma_start3A_611, %dma_start3A_612, %dma_start3A_619, %dma_start3A_620] : memref<1024x8x8x8x128xf32, #tpu.memory_space<hbm>> -> memref<1x1x1x8x128xf32, #tpu.memory_space<hbm>>
      %dma_start3A_622 = tpu.memref_squeeze %dma_start3A_621 : memref<1x1x1x8x128xf32, #tpu.memory_space<hbm>> -> memref<8x128xf32, #tpu.memory_space<hbm>>
      %dma_start3A_623 = arith.constant 32 : i32
      %dma_start3A_624 = tpu.memref_slice %arg4[%dma_start3A_623, %add3A_610] : memref<64x2016xf32, #tpu.memory_space<vmem>> -> memref<8x128xf32, #tpu.memory_space<vmem>>
      tpu.enqueue_dma source(%dma_start3A_624 : memref<8x128xf32, #tpu.memory_space<vmem>>) target(%dma_start3A_622 : memref<8x128xf32, #tpu.memory_space<hbm>>) target_semaphore(%arg5 : memref<!tpu.dma_semaphore, #tpu.memory_space<semaphore_mem>>)
      %add3A_625 = arith.constant 768 : i32
      %add3A_626 = arith.addi %multiple_of3A_17, %add3A_625 : i32
      %dma_start3A_627 = arith.constant 4 : i32
      %dma_start3A_628 = arith.constant 6 : i32
      %dma_start3A_629 = arith.constant 32 : i32
      %dma_start3A_630 = tpu.memref_slice %arg4[%dma_start3A_629, %add3A_626] : memref<64x2016xf32, #tpu.memory_space<vmem>> -> memref<8x128xf32, #tpu.memory_space<vmem>>
      %dma_start3A_631 = arith.constant 0 : i32
      %dma_start3A_632 = arith.constant 0 : i32
      %dma_start3A_633 = tpu.memref_slice %arg3[%add3A_12, %dma_start3A_627, %dma_start3A_628, %dma_start3A_631, %dma_start3A_632] : memref<1024x8x8x8x128xf32, #tpu.memory_space<hbm>> -> memref<1x1x1x8x128xf32, #tpu.memory_space<hbm>>
      %dma_start3A_634 = tpu.memref_squeeze %dma_start3A_633 : memref<1x1x1x8x128xf32, #tpu.memory_space<hbm>> -> memref<8x128xf32, #tpu.memory_space<hbm>>
      %dma_start3A_635 = arith.constant 0 : i32
      %dma_start3A_636 = arith.constant 0 : i32
      %dma_start3A_637 = tpu.memref_slice %arg3[%add3A_12, %dma_start3A_627, %dma_start3A_628, %dma_start3A_635, %dma_start3A_636] : memref<1024x8x8x8x128xf32, #tpu.memory_space<hbm>> -> memref<1x1x1x8x128xf32, #tpu.memory_space<hbm>>
      %dma_start3A_638 = tpu.memref_squeeze %dma_start3A_637 : memref<1x1x1x8x128xf32, #tpu.memory_space<hbm>> -> memref<8x128xf32, #tpu.memory_space<hbm>>
      %dma_start3A_639 = arith.constant 32 : i32
      %dma_start3A_640 = tpu.memref_slice %arg4[%dma_start3A_639, %add3A_626] : memref<64x2016xf32, #tpu.memory_space<vmem>> -> memref<8x128xf32, #tpu.memory_space<vmem>>
      tpu.enqueue_dma source(%dma_start3A_640 : memref<8x128xf32, #tpu.memory_space<vmem>>) target(%dma_start3A_638 : memref<8x128xf32, #tpu.memory_space<hbm>>) target_semaphore(%arg5 : memref<!tpu.dma_semaphore, #tpu.memory_space<semaphore_mem>>)
      %add3A_641 = arith.constant 896 : i32
      %add3A_642 = arith.addi %multiple_of3A_17, %add3A_641 : i32
      %dma_start3A_643 = arith.constant 4 : i32
      %dma_start3A_644 = arith.constant 7 : i32
      %dma_start3A_645 = arith.constant 32 : i32
      %dma_start3A_646 = tpu.memref_slice %arg4[%dma_start3A_645, %add3A_642] : memref<64x2016xf32, #tpu.memory_space<vmem>> -> memref<8x128xf32, #tpu.memory_space<vmem>>
      %dma_start3A_647 = arith.constant 0 : i32
      %dma_start3A_648 = arith.constant 0 : i32
      %dma_start3A_649 = tpu.memref_slice %arg3[%add3A_12, %dma_start3A_643, %dma_start3A_644, %dma_start3A_647, %dma_start3A_648] : memref<1024x8x8x8x128xf32, #tpu.memory_space<hbm>> -> memref<1x1x1x8x128xf32, #tpu.memory_space<hbm>>
      %dma_start3A_650 = tpu.memref_squeeze %dma_start3A_649 : memref<1x1x1x8x128xf32, #tpu.memory_space<hbm>> -> memref<8x128xf32, #tpu.memory_space<hbm>>
      %dma_start3A_651 = arith.constant 0 : i32
      %dma_start3A_652 = arith.constant 0 : i32
      %dma_start3A_653 = tpu.memref_slice %arg3[%add3A_12, %dma_start3A_643, %dma_start3A_644, %dma_start3A_651, %dma_start3A_652] : memref<1024x8x8x8x128xf32, #tpu.memory_space<hbm>> -> memref<1x1x1x8x128xf32, #tpu.memory_space<hbm>>
      %dma_start3A_654 = tpu.memref_squeeze %dma_start3A_653 : memref<1x1x1x8x128xf32, #tpu.memory_space<hbm>> -> memref<8x128xf32, #tpu.memory_space<hbm>>
      %dma_start3A_655 = arith.constant 32 : i32
      %dma_start3A_656 = tpu.memref_slice %arg4[%dma_start3A_655, %add3A_642] : memref<64x2016xf32, #tpu.memory_space<vmem>> -> memref<8x128xf32, #tpu.memory_space<vmem>>
      tpu.enqueue_dma source(%dma_start3A_656 : memref<8x128xf32, #tpu.memory_space<vmem>>) target(%dma_start3A_654 : memref<8x128xf32, #tpu.memory_space<hbm>>) target_semaphore(%arg5 : memref<!tpu.dma_semaphore, #tpu.memory_space<semaphore_mem>>)
      %add3A_657 = arith.constant 0 : i32
      %add3A_658 = arith.addi %multiple_of3A_17, %add3A_657 : i32
      %dma_start3A_659 = arith.constant 5 : i32
      %dma_start3A_660 = arith.constant 0 : i32
      %dma_start3A_661 = arith.constant 40 : i32
      %dma_start3A_662 = tpu.memref_slice %arg4[%dma_start3A_661, %add3A_658] : memref<64x2016xf32, #tpu.memory_space<vmem>> -> memref<8x128xf32, #tpu.memory_space<vmem>>
      %dma_start3A_663 = arith.constant 0 : i32
      %dma_start3A_664 = arith.constant 0 : i32
      %dma_start3A_665 = tpu.memref_slice %arg3[%add3A_12, %dma_start3A_659, %dma_start3A_660, %dma_start3A_663, %dma_start3A_664] : memref<1024x8x8x8x128xf32, #tpu.memory_space<hbm>> -> memref<1x1x1x8x128xf32, #tpu.memory_space<hbm>>
      %dma_start3A_666 = tpu.memref_squeeze %dma_start3A_665 : memref<1x1x1x8x128xf32, #tpu.memory_space<hbm>> -> memref<8x128xf32, #tpu.memory_space<hbm>>
      %dma_start3A_667 = arith.constant 0 : i32
      %dma_start3A_668 = arith.constant 0 : i32
      %dma_start3A_669 = tpu.memref_slice %arg3[%add3A_12, %dma_start3A_659, %dma_start3A_660, %dma_start3A_667, %dma_start3A_668] : memref<1024x8x8x8x128xf32, #tpu.memory_space<hbm>> -> memref<1x1x1x8x128xf32, #tpu.memory_space<hbm>>
      %dma_start3A_670 = tpu.memref_squeeze %dma_start3A_669 : memref<1x1x1x8x128xf32, #tpu.memory_space<hbm>> -> memref<8x128xf32, #tpu.memory_space<hbm>>
      %dma_start3A_671 = arith.constant 40 : i32
      %dma_start3A_672 = tpu.memref_slice %arg4[%dma_start3A_671, %add3A_658] : memref<64x2016xf32, #tpu.memory_space<vmem>> -> memref<8x128xf32, #tpu.memory_space<vmem>>
      tpu.enqueue_dma source(%dma_start3A_672 : memref<8x128xf32, #tpu.memory_space<vmem>>) target(%dma_start3A_670 : memref<8x128xf32, #tpu.memory_space<hbm>>) target_semaphore(%arg5 : memref<!tpu.dma_semaphore, #tpu.memory_space<semaphore_mem>>)
      %add3A_673 = arith.constant 128 : i32
      %add3A_674 = arith.addi %multiple_of3A_17, %add3A_673 : i32
      %dma_start3A_675 = arith.constant 5 : i32
      %dma_start3A_676 = arith.constant 1 : i32
      %dma_start3A_677 = arith.constant 40 : i32
      %dma_start3A_678 = tpu.memref_slice %arg4[%dma_start3A_677, %add3A_674] : memref<64x2016xf32, #tpu.memory_space<vmem>> -> memref<8x128xf32, #tpu.memory_space<vmem>>
      %dma_start3A_679 = arith.constant 0 : i32
      %dma_start3A_680 = arith.constant 0 : i32
      %dma_start3A_681 = tpu.memref_slice %arg3[%add3A_12, %dma_start3A_675, %dma_start3A_676, %dma_start3A_679, %dma_start3A_680] : memref<1024x8x8x8x128xf32, #tpu.memory_space<hbm>> -> memref<1x1x1x8x128xf32, #tpu.memory_space<hbm>>
      %dma_start3A_682 = tpu.memref_squeeze %dma_start3A_681 : memref<1x1x1x8x128xf32, #tpu.memory_space<hbm>> -> memref<8x128xf32, #tpu.memory_space<hbm>>
      %dma_start3A_683 = arith.constant 0 : i32
      %dma_start3A_684 = arith.constant 0 : i32
      %dma_start3A_685 = tpu.memref_slice %arg3[%add3A_12, %dma_start3A_675, %dma_start3A_676, %dma_start3A_683, %dma_start3A_684] : memref<1024x8x8x8x128xf32, #tpu.memory_space<hbm>> -> memref<1x1x1x8x128xf32, #tpu.memory_space<hbm>>
      %dma_start3A_686 = tpu.memref_squeeze %dma_start3A_685 : memref<1x1x1x8x128xf32, #tpu.memory_space<hbm>> -> memref<8x128xf32, #tpu.memory_space<hbm>>
      %dma_start3A_687 = arith.constant 40 : i32
      %dma_start3A_688 = tpu.memref_slice %arg4[%dma_start3A_687, %add3A_674] : memref<64x2016xf32, #tpu.memory_space<vmem>> -> memref<8x128xf32, #tpu.memory_space<vmem>>
      tpu.enqueue_dma source(%dma_start3A_688 : memref<8x128xf32, #tpu.memory_space<vmem>>) target(%dma_start3A_686 : memref<8x128xf32, #tpu.memory_space<hbm>>) target_semaphore(%arg5 : memref<!tpu.dma_semaphore, #tpu.memory_space<semaphore_mem>>)
      %add3A_689 = arith.constant 256 : i32
      %add3A_690 = arith.addi %multiple_of3A_17, %add3A_689 : i32
      %dma_start3A_691 = arith.constant 5 : i32
      %dma_start3A_692 = arith.constant 2 : i32
      %dma_start3A_693 = arith.constant 40 : i32
      %dma_start3A_694 = tpu.memref_slice %arg4[%dma_start3A_693, %add3A_690] : memref<64x2016xf32, #tpu.memory_space<vmem>> -> memref<8x128xf32, #tpu.memory_space<vmem>>
      %dma_start3A_695 = arith.constant 0 : i32
      %dma_start3A_696 = arith.constant 0 : i32
      %dma_start3A_697 = tpu.memref_slice %arg3[%add3A_12, %dma_start3A_691, %dma_start3A_692, %dma_start3A_695, %dma_start3A_696] : memref<1024x8x8x8x128xf32, #tpu.memory_space<hbm>> -> memref<1x1x1x8x128xf32, #tpu.memory_space<hbm>>
      %dma_start3A_698 = tpu.memref_squeeze %dma_start3A_697 : memref<1x1x1x8x128xf32, #tpu.memory_space<hbm>> -> memref<8x128xf32, #tpu.memory_space<hbm>>
      %dma_start3A_699 = arith.constant 0 : i32
      %dma_start3A_700 = arith.constant 0 : i32
      %dma_start3A_701 = tpu.memref_slice %arg3[%add3A_12, %dma_start3A_691, %dma_start3A_692, %dma_start3A_699, %dma_start3A_700] : memref<1024x8x8x8x128xf32, #tpu.memory_space<hbm>> -> memref<1x1x1x8x128xf32, #tpu.memory_space<hbm>>
      %dma_start3A_702 = tpu.memref_squeeze %dma_start3A_701 : memref<1x1x1x8x128xf32, #tpu.memory_space<hbm>> -> memref<8x128xf32, #tpu.memory_space<hbm>>
      %dma_start3A_703 = arith.constant 40 : i32
      %dma_start3A_704 = tpu.memref_slice %arg4[%dma_start3A_703, %add3A_690] : memref<64x2016xf32, #tpu.memory_space<vmem>> -> memref<8x128xf32, #tpu.memory_space<vmem>>
      tpu.enqueue_dma source(%dma_start3A_704 : memref<8x128xf32, #tpu.memory_space<vmem>>) target(%dma_start3A_702 : memref<8x128xf32, #tpu.memory_space<hbm>>) target_semaphore(%arg5 : memref<!tpu.dma_semaphore, #tpu.memory_space<semaphore_mem>>)
      %add3A_705 = arith.constant 384 : i32
      %add3A_706 = arith.addi %multiple_of3A_17, %add3A_705 : i32
      %dma_start3A_707 = arith.constant 5 : i32
      %dma_start3A_708 = arith.constant 3 : i32
      %dma_start3A_709 = arith.constant 40 : i32
      %dma_start3A_710 = tpu.memref_slice %arg4[%dma_start3A_709, %add3A_706] : memref<64x2016xf32, #tpu.memory_space<vmem>> -> memref<8x128xf32, #tpu.memory_space<vmem>>
      %dma_start3A_711 = arith.constant 0 : i32
      %dma_start3A_712 = arith.constant 0 : i32
      %dma_start3A_713 = tpu.memref_slice %arg3[%add3A_12, %dma_start3A_707, %dma_start3A_708, %dma_start3A_711, %dma_start3A_712] : memref<1024x8x8x8x128xf32, #tpu.memory_space<hbm>> -> memref<1x1x1x8x128xf32, #tpu.memory_space<hbm>>
      %dma_start3A_714 = tpu.memref_squeeze %dma_start3A_713 : memref<1x1x1x8x128xf32, #tpu.memory_space<hbm>> -> memref<8x128xf32, #tpu.memory_space<hbm>>
      %dma_start3A_715 = arith.constant 0 : i32
      %dma_start3A_716 = arith.constant 0 : i32
      %dma_start3A_717 = tpu.memref_slice %arg3[%add3A_12, %dma_start3A_707, %dma_start3A_708, %dma_start3A_715, %dma_start3A_716] : memref<1024x8x8x8x128xf32, #tpu.memory_space<hbm>> -> memref<1x1x1x8x128xf32, #tpu.memory_space<hbm>>
      %dma_start3A_718 = tpu.memref_squeeze %dma_start3A_717 : memref<1x1x1x8x128xf32, #tpu.memory_space<hbm>> -> memref<8x128xf32, #tpu.memory_space<hbm>>
      %dma_start3A_719 = arith.constant 40 : i32
      %dma_start3A_720 = tpu.memref_slice %arg4[%dma_start3A_719, %add3A_706] : memref<64x2016xf32, #tpu.memory_space<vmem>> -> memref<8x128xf32, #tpu.memory_space<vmem>>
      tpu.enqueue_dma source(%dma_start3A_720 : memref<8x128xf32, #tpu.memory_space<vmem>>) target(%dma_start3A_718 : memref<8x128xf32, #tpu.memory_space<hbm>>) target_semaphore(%arg5 : memref<!tpu.dma_semaphore, #tpu.memory_space<semaphore_mem>>)
      %add3A_721 = arith.constant 512 : i32
      %add3A_722 = arith.addi %multiple_of3A_17, %add3A_721 : i32
      %dma_start3A_723 = arith.constant 5 : i32
      %dma_start3A_724 = arith.constant 4 : i32
      %dma_start3A_725 = arith.constant 40 : i32
      %dma_start3A_726 = tpu.memref_slice %arg4[%dma_start3A_725, %add3A_722] : memref<64x2016xf32, #tpu.memory_space<vmem>> -> memref<8x128xf32, #tpu.memory_space<vmem>>
      %dma_start3A_727 = arith.constant 0 : i32
      %dma_start3A_728 = arith.constant 0 : i32
      %dma_start3A_729 = tpu.memref_slice %arg3[%add3A_12, %dma_start3A_723, %dma_start3A_724, %dma_start3A_727, %dma_start3A_728] : memref<1024x8x8x8x128xf32, #tpu.memory_space<hbm>> -> memref<1x1x1x8x128xf32, #tpu.memory_space<hbm>>
      %dma_start3A_730 = tpu.memref_squeeze %dma_start3A_729 : memref<1x1x1x8x128xf32, #tpu.memory_space<hbm>> -> memref<8x128xf32, #tpu.memory_space<hbm>>
      %dma_start3A_731 = arith.constant 0 : i32
      %dma_start3A_732 = arith.constant 0 : i32
      %dma_start3A_733 = tpu.memref_slice %arg3[%add3A_12, %dma_start3A_723, %dma_start3A_724, %dma_start3A_731, %dma_start3A_732] : memref<1024x8x8x8x128xf32, #tpu.memory_space<hbm>> -> memref<1x1x1x8x128xf32, #tpu.memory_space<hbm>>
      %dma_start3A_734 = tpu.memref_squeeze %dma_start3A_733 : memref<1x1x1x8x128xf32, #tpu.memory_space<hbm>> -> memref<8x128xf32, #tpu.memory_space<hbm>>
      %dma_start3A_735 = arith.constant 40 : i32
      %dma_start3A_736 = tpu.memref_slice %arg4[%dma_start3A_735, %add3A_722] : memref<64x2016xf32, #tpu.memory_space<vmem>> -> memref<8x128xf32, #tpu.memory_space<vmem>>
      tpu.enqueue_dma source(%dma_start3A_736 : memref<8x128xf32, #tpu.memory_space<vmem>>) target(%dma_start3A_734 : memref<8x128xf32, #tpu.memory_space<hbm>>) target_semaphore(%arg5 : memref<!tpu.dma_semaphore, #tpu.memory_space<semaphore_mem>>)
      %add3A_737 = arith.constant 640 : i32
      %add3A_738 = arith.addi %multiple_of3A_17, %add3A_737 : i32
      %dma_start3A_739 = arith.constant 5 : i32
      %dma_start3A_740 = arith.constant 5 : i32
      %dma_start3A_741 = arith.constant 40 : i32
      %dma_start3A_742 = tpu.memref_slice %arg4[%dma_start3A_741, %add3A_738] : memref<64x2016xf32, #tpu.memory_space<vmem>> -> memref<8x128xf32, #tpu.memory_space<vmem>>
      %dma_start3A_743 = arith.constant 0 : i32
      %dma_start3A_744 = arith.constant 0 : i32
      %dma_start3A_745 = tpu.memref_slice %arg3[%add3A_12, %dma_start3A_739, %dma_start3A_740, %dma_start3A_743, %dma_start3A_744] : memref<1024x8x8x8x128xf32, #tpu.memory_space<hbm>> -> memref<1x1x1x8x128xf32, #tpu.memory_space<hbm>>
      %dma_start3A_746 = tpu.memref_squeeze %dma_start3A_745 : memref<1x1x1x8x128xf32, #tpu.memory_space<hbm>> -> memref<8x128xf32, #tpu.memory_space<hbm>>
      %dma_start3A_747 = arith.constant 0 : i32
      %dma_start3A_748 = arith.constant 0 : i32
      %dma_start3A_749 = tpu.memref_slice %arg3[%add3A_12, %dma_start3A_739, %dma_start3A_740, %dma_start3A_747, %dma_start3A_748] : memref<1024x8x8x8x128xf32, #tpu.memory_space<hbm>> -> memref<1x1x1x8x128xf32, #tpu.memory_space<hbm>>
      %dma_start3A_750 = tpu.memref_squeeze %dma_start3A_749 : memref<1x1x1x8x128xf32, #tpu.memory_space<hbm>> -> memref<8x128xf32, #tpu.memory_space<hbm>>
      %dma_start3A_751 = arith.constant 40 : i32
      %dma_start3A_752 = tpu.memref_slice %arg4[%dma_start3A_751, %add3A_738] : memref<64x2016xf32, #tpu.memory_space<vmem>> -> memref<8x128xf32, #tpu.memory_space<vmem>>
      tpu.enqueue_dma source(%dma_start3A_752 : memref<8x128xf32, #tpu.memory_space<vmem>>) target(%dma_start3A_750 : memref<8x128xf32, #tpu.memory_space<hbm>>) target_semaphore(%arg5 : memref<!tpu.dma_semaphore, #tpu.memory_space<semaphore_mem>>)
      %add3A_753 = arith.constant 768 : i32
      %add3A_754 = arith.addi %multiple_of3A_17, %add3A_753 : i32
      %dma_start3A_755 = arith.constant 5 : i32
      %dma_start3A_756 = arith.constant 6 : i32
      %dma_start3A_757 = arith.constant 40 : i32
      %dma_start3A_758 = tpu.memref_slice %arg4[%dma_start3A_757, %add3A_754] : memref<64x2016xf32, #tpu.memory_space<vmem>> -> memref<8x128xf32, #tpu.memory_space<vmem>>
      %dma_start3A_759 = arith.constant 0 : i32
      %dma_start3A_760 = arith.constant 0 : i32
      %dma_start3A_761 = tpu.memref_slice %arg3[%add3A_12, %dma_start3A_755, %dma_start3A_756, %dma_start3A_759, %dma_start3A_760] : memref<1024x8x8x8x128xf32, #tpu.memory_space<hbm>> -> memref<1x1x1x8x128xf32, #tpu.memory_space<hbm>>
      %dma_start3A_762 = tpu.memref_squeeze %dma_start3A_761 : memref<1x1x1x8x128xf32, #tpu.memory_space<hbm>> -> memref<8x128xf32, #tpu.memory_space<hbm>>
      %dma_start3A_763 = arith.constant 0 : i32
      %dma_start3A_764 = arith.constant 0 : i32
      %dma_start3A_765 = tpu.memref_slice %arg3[%add3A_12, %dma_start3A_755, %dma_start3A_756, %dma_start3A_763, %dma_start3A_764] : memref<1024x8x8x8x128xf32, #tpu.memory_space<hbm>> -> memref<1x1x1x8x128xf32, #tpu.memory_space<hbm>>
      %dma_start3A_766 = tpu.memref_squeeze %dma_start3A_765 : memref<1x1x1x8x128xf32, #tpu.memory_space<hbm>> -> memref<8x128xf32, #tpu.memory_space<hbm>>
      %dma_start3A_767 = arith.constant 40 : i32
      %dma_start3A_768 = tpu.memref_slice %arg4[%dma_start3A_767, %add3A_754] : memref<64x2016xf32, #tpu.memory_space<vmem>> -> memref<8x128xf32, #tpu.memory_space<vmem>>
      tpu.enqueue_dma source(%dma_start3A_768 : memref<8x128xf32, #tpu.memory_space<vmem>>) target(%dma_start3A_766 : memref<8x128xf32, #tpu.memory_space<hbm>>) target_semaphore(%arg5 : memref<!tpu.dma_semaphore, #tpu.memory_space<semaphore_mem>>)
      %add3A_769 = arith.constant 896 : i32
      %add3A_770 = arith.addi %multiple_of3A_17, %add3A_769 : i32
      %dma_start3A_771 = arith.constant 5 : i32
      %dma_start3A_772 = arith.constant 7 : i32
      %dma_start3A_773 = arith.constant 40 : i32
      %dma_start3A_774 = tpu.memref_slice %arg4[%dma_start3A_773, %add3A_770] : memref<64x2016xf32, #tpu.memory_space<vmem>> -> memref<8x128xf32, #tpu.memory_space<vmem>>
      %dma_start3A_775 = arith.constant 0 : i32
      %dma_start3A_776 = arith.constant 0 : i32
      %dma_start3A_777 = tpu.memref_slice %arg3[%add3A_12, %dma_start3A_771, %dma_start3A_772, %dma_start3A_775, %dma_start3A_776] : memref<1024x8x8x8x128xf32, #tpu.memory_space<hbm>> -> memref<1x1x1x8x128xf32, #tpu.memory_space<hbm>>
      %dma_start3A_778 = tpu.memref_squeeze %dma_start3A_777 : memref<1x1x1x8x128xf32, #tpu.memory_space<hbm>> -> memref<8x128xf32, #tpu.memory_space<hbm>>
      %dma_start3A_779 = arith.constant 0 : i32
      %dma_start3A_780 = arith.constant 0 : i32
      %dma_start3A_781 = tpu.memref_slice %arg3[%add3A_12, %dma_start3A_771, %dma_start3A_772, %dma_start3A_779, %dma_start3A_780] : memref<1024x8x8x8x128xf32, #tpu.memory_space<hbm>> -> memref<1x1x1x8x128xf32, #tpu.memory_space<hbm>>
      %dma_start3A_782 = tpu.memref_squeeze %dma_start3A_781 : memref<1x1x1x8x128xf32, #tpu.memory_space<hbm>> -> memref<8x128xf32, #tpu.memory_space<hbm>>
      %dma_start3A_783 = arith.constant 40 : i32
      %dma_start3A_784 = tpu.memref_slice %arg4[%dma_start3A_783, %add3A_770] : memref<64x2016xf32, #tpu.memory_space<vmem>> -> memref<8x128xf32, #tpu.memory_space<vmem>>
      tpu.enqueue_dma source(%dma_start3A_784 : memref<8x128xf32, #tpu.memory_space<vmem>>) target(%dma_start3A_782 : memref<8x128xf32, #tpu.memory_space<hbm>>) target_semaphore(%arg5 : memref<!tpu.dma_semaphore, #tpu.memory_space<semaphore_mem>>)
      %add3A_785 = arith.constant 0 : i32
      %add3A_786 = arith.addi %multiple_of3A_17, %add3A_785 : i32
      %dma_start3A_787 = arith.constant 6 : i32
      %dma_start3A_788 = arith.constant 0 : i32
      %dma_start3A_789 = arith.constant 48 : i32
      %dma_start3A_790 = tpu.memref_slice %arg4[%dma_start3A_789, %add3A_786] : memref<64x2016xf32, #tpu.memory_space<vmem>> -> memref<8x128xf32, #tpu.memory_space<vmem>>
      %dma_start3A_791 = arith.constant 0 : i32
      %dma_start3A_792 = arith.constant 0 : i32
      %dma_start3A_793 = tpu.memref_slice %arg3[%add3A_12, %dma_start3A_787, %dma_start3A_788, %dma_start3A_791, %dma_start3A_792] : memref<1024x8x8x8x128xf32, #tpu.memory_space<hbm>> -> memref<1x1x1x8x128xf32, #tpu.memory_space<hbm>>
      %dma_start3A_794 = tpu.memref_squeeze %dma_start3A_793 : memref<1x1x1x8x128xf32, #tpu.memory_space<hbm>> -> memref<8x128xf32, #tpu.memory_space<hbm>>
      %dma_start3A_795 = arith.constant 0 : i32
      %dma_start3A_796 = arith.constant 0 : i32
      %dma_start3A_797 = tpu.memref_slice %arg3[%add3A_12, %dma_start3A_787, %dma_start3A_788, %dma_start3A_795, %dma_start3A_796] : memref<1024x8x8x8x128xf32, #tpu.memory_space<hbm>> -> memref<1x1x1x8x128xf32, #tpu.memory_space<hbm>>
      %dma_start3A_798 = tpu.memref_squeeze %dma_start3A_797 : memref<1x1x1x8x128xf32, #tpu.memory_space<hbm>> -> memref<8x128xf32, #tpu.memory_space<hbm>>
      %dma_start3A_799 = arith.constant 48 : i32
      %dma_start3A_800 = tpu.memref_slice %arg4[%dma_start3A_799, %add3A_786] : memref<64x2016xf32, #tpu.memory_space<vmem>> -> memref<8x128xf32, #tpu.memory_space<vmem>>
      tpu.enqueue_dma source(%dma_start3A_800 : memref<8x128xf32, #tpu.memory_space<vmem>>) target(%dma_start3A_798 : memref<8x128xf32, #tpu.memory_space<hbm>>) target_semaphore(%arg5 : memref<!tpu.dma_semaphore, #tpu.memory_space<semaphore_mem>>)
      %add3A_801 = arith.constant 128 : i32
      %add3A_802 = arith.addi %multiple_of3A_17, %add3A_801 : i32
      %dma_start3A_803 = arith.constant 6 : i32
      %dma_start3A_804 = arith.constant 1 : i32
      %dma_start3A_805 = arith.constant 48 : i32
      %dma_start3A_806 = tpu.memref_slice %arg4[%dma_start3A_805, %add3A_802] : memref<64x2016xf32, #tpu.memory_space<vmem>> -> memref<8x128xf32, #tpu.memory_space<vmem>>
      %dma_start3A_807 = arith.constant 0 : i32
      %dma_start3A_808 = arith.constant 0 : i32
      %dma_start3A_809 = tpu.memref_slice %arg3[%add3A_12, %dma_start3A_803, %dma_start3A_804, %dma_start3A_807, %dma_start3A_808] : memref<1024x8x8x8x128xf32, #tpu.memory_space<hbm>> -> memref<1x1x1x8x128xf32, #tpu.memory_space<hbm>>
      %dma_start3A_810 = tpu.memref_squeeze %dma_start3A_809 : memref<1x1x1x8x128xf32, #tpu.memory_space<hbm>> -> memref<8x128xf32, #tpu.memory_space<hbm>>
      %dma_start3A_811 = arith.constant 0 : i32
      %dma_start3A_812 = arith.constant 0 : i32
      %dma_start3A_813 = tpu.memref_slice %arg3[%add3A_12, %dma_start3A_803, %dma_start3A_804, %dma_start3A_811, %dma_start3A_812] : memref<1024x8x8x8x128xf32, #tpu.memory_space<hbm>> -> memref<1x1x1x8x128xf32, #tpu.memory_space<hbm>>
      %dma_start3A_814 = tpu.memref_squeeze %dma_start3A_813 : memref<1x1x1x8x128xf32, #tpu.memory_space<hbm>> -> memref<8x128xf32, #tpu.memory_space<hbm>>
      %dma_start3A_815 = arith.constant 48 : i32
      %dma_start3A_816 = tpu.memref_slice %arg4[%dma_start3A_815, %add3A_802] : memref<64x2016xf32, #tpu.memory_space<vmem>> -> memref<8x128xf32, #tpu.memory_space<vmem>>
      tpu.enqueue_dma source(%dma_start3A_816 : memref<8x128xf32, #tpu.memory_space<vmem>>) target(%dma_start3A_814 : memref<8x128xf32, #tpu.memory_space<hbm>>) target_semaphore(%arg5 : memref<!tpu.dma_semaphore, #tpu.memory_space<semaphore_mem>>)
      %add3A_817 = arith.constant 256 : i32
      %add3A_818 = arith.addi %multiple_of3A_17, %add3A_817 : i32
      %dma_start3A_819 = arith.constant 6 : i32
      %dma_start3A_820 = arith.constant 2 : i32
      %dma_start3A_821 = arith.constant 48 : i32
      %dma_start3A_822 = tpu.memref_slice %arg4[%dma_start3A_821, %add3A_818] : memref<64x2016xf32, #tpu.memory_space<vmem>> -> memref<8x128xf32, #tpu.memory_space<vmem>>
      %dma_start3A_823 = arith.constant 0 : i32
      %dma_start3A_824 = arith.constant 0 : i32
      %dma_start3A_825 = tpu.memref_slice %arg3[%add3A_12, %dma_start3A_819, %dma_start3A_820, %dma_start3A_823, %dma_start3A_824] : memref<1024x8x8x8x128xf32, #tpu.memory_space<hbm>> -> memref<1x1x1x8x128xf32, #tpu.memory_space<hbm>>
      %dma_start3A_826 = tpu.memref_squeeze %dma_start3A_825 : memref<1x1x1x8x128xf32, #tpu.memory_space<hbm>> -> memref<8x128xf32, #tpu.memory_space<hbm>>
      %dma_start3A_827 = arith.constant 0 : i32
      %dma_start3A_828 = arith.constant 0 : i32
      %dma_start3A_829 = tpu.memref_slice %arg3[%add3A_12, %dma_start3A_819, %dma_start3A_820, %dma_start3A_827, %dma_start3A_828] : memref<1024x8x8x8x128xf32, #tpu.memory_space<hbm>> -> memref<1x1x1x8x128xf32, #tpu.memory_space<hbm>>
      %dma_start3A_830 = tpu.memref_squeeze %dma_start3A_829 : memref<1x1x1x8x128xf32, #tpu.memory_space<hbm>> -> memref<8x128xf32, #tpu.memory_space<hbm>>
      %dma_start3A_831 = arith.constant 48 : i32
      %dma_start3A_832 = tpu.memref_slice %arg4[%dma_start3A_831, %add3A_818] : memref<64x2016xf32, #tpu.memory_space<vmem>> -> memref<8x128xf32, #tpu.memory_space<vmem>>
      tpu.enqueue_dma source(%dma_start3A_832 : memref<8x128xf32, #tpu.memory_space<vmem>>) target(%dma_start3A_830 : memref<8x128xf32, #tpu.memory_space<hbm>>) target_semaphore(%arg5 : memref<!tpu.dma_semaphore, #tpu.memory_space<semaphore_mem>>)
      %add3A_833 = arith.constant 384 : i32
      %add3A_834 = arith.addi %multiple_of3A_17, %add3A_833 : i32
      %dma_start3A_835 = arith.constant 6 : i32
      %dma_start3A_836 = arith.constant 3 : i32
      %dma_start3A_837 = arith.constant 48 : i32
      %dma_start3A_838 = tpu.memref_slice %arg4[%dma_start3A_837, %add3A_834] : memref<64x2016xf32, #tpu.memory_space<vmem>> -> memref<8x128xf32, #tpu.memory_space<vmem>>
      %dma_start3A_839 = arith.constant 0 : i32
      %dma_start3A_840 = arith.constant 0 : i32
      %dma_start3A_841 = tpu.memref_slice %arg3[%add3A_12, %dma_start3A_835, %dma_start3A_836, %dma_start3A_839, %dma_start3A_840] : memref<1024x8x8x8x128xf32, #tpu.memory_space<hbm>> -> memref<1x1x1x8x128xf32, #tpu.memory_space<hbm>>
      %dma_start3A_842 = tpu.memref_squeeze %dma_start3A_841 : memref<1x1x1x8x128xf32, #tpu.memory_space<hbm>> -> memref<8x128xf32, #tpu.memory_space<hbm>>
      %dma_start3A_843 = arith.constant 0 : i32
      %dma_start3A_844 = arith.constant 0 : i32
      %dma_start3A_845 = tpu.memref_slice %arg3[%add3A_12, %dma_start3A_835, %dma_start3A_836, %dma_start3A_843, %dma_start3A_844] : memref<1024x8x8x8x128xf32, #tpu.memory_space<hbm>> -> memref<1x1x1x8x128xf32, #tpu.memory_space<hbm>>
      %dma_start3A_846 = tpu.memref_squeeze %dma_start3A_845 : memref<1x1x1x8x128xf32, #tpu.memory_space<hbm>> -> memref<8x128xf32, #tpu.memory_space<hbm>>
      %dma_start3A_847 = arith.constant 48 : i32
      %dma_start3A_848 = tpu.memref_slice %arg4[%dma_start3A_847, %add3A_834] : memref<64x2016xf32, #tpu.memory_space<vmem>> -> memref<8x128xf32, #tpu.memory_space<vmem>>
      tpu.enqueue_dma source(%dma_start3A_848 : memref<8x128xf32, #tpu.memory_space<vmem>>) target(%dma_start3A_846 : memref<8x128xf32, #tpu.memory_space<hbm>>) target_semaphore(%arg5 : memref<!tpu.dma_semaphore, #tpu.memory_space<semaphore_mem>>)
      %add3A_849 = arith.constant 512 : i32
      %add3A_850 = arith.addi %multiple_of3A_17, %add3A_849 : i32
      %dma_start3A_851 = arith.constant 6 : i32
      %dma_start3A_852 = arith.constant 4 : i32
      %dma_start3A_853 = arith.constant 48 : i32
      %dma_start3A_854 = tpu.memref_slice %arg4[%dma_start3A_853, %add3A_850] : memref<64x2016xf32, #tpu.memory_space<vmem>> -> memref<8x128xf32, #tpu.memory_space<vmem>>
      %dma_start3A_855 = arith.constant 0 : i32
      %dma_start3A_856 = arith.constant 0 : i32
      %dma_start3A_857 = tpu.memref_slice %arg3[%add3A_12, %dma_start3A_851, %dma_start3A_852, %dma_start3A_855, %dma_start3A_856] : memref<1024x8x8x8x128xf32, #tpu.memory_space<hbm>> -> memref<1x1x1x8x128xf32, #tpu.memory_space<hbm>>
      %dma_start3A_858 = tpu.memref_squeeze %dma_start3A_857 : memref<1x1x1x8x128xf32, #tpu.memory_space<hbm>> -> memref<8x128xf32, #tpu.memory_space<hbm>>
      %dma_start3A_859 = arith.constant 0 : i32
      %dma_start3A_860 = arith.constant 0 : i32
      %dma_start3A_861 = tpu.memref_slice %arg3[%add3A_12, %dma_start3A_851, %dma_start3A_852, %dma_start3A_859, %dma_start3A_860] : memref<1024x8x8x8x128xf32, #tpu.memory_space<hbm>> -> memref<1x1x1x8x128xf32, #tpu.memory_space<hbm>>
      %dma_start3A_862 = tpu.memref_squeeze %dma_start3A_861 : memref<1x1x1x8x128xf32, #tpu.memory_space<hbm>> -> memref<8x128xf32, #tpu.memory_space<hbm>>
      %dma_start3A_863 = arith.constant 48 : i32
      %dma_start3A_864 = tpu.memref_slice %arg4[%dma_start3A_863, %add3A_850] : memref<64x2016xf32, #tpu.memory_space<vmem>> -> memref<8x128xf32, #tpu.memory_space<vmem>>
      tpu.enqueue_dma source(%dma_start3A_864 : memref<8x128xf32, #tpu.memory_space<vmem>>) target(%dma_start3A_862 : memref<8x128xf32, #tpu.memory_space<hbm>>) target_semaphore(%arg5 : memref<!tpu.dma_semaphore, #tpu.memory_space<semaphore_mem>>)
      %add3A_865 = arith.constant 640 : i32
      %add3A_866 = arith.addi %multiple_of3A_17, %add3A_865 : i32
      %dma_start3A_867 = arith.constant 6 : i32
      %dma_start3A_868 = arith.constant 5 : i32
      %dma_start3A_869 = arith.constant 48 : i32
      %dma_start3A_870 = tpu.memref_slice %arg4[%dma_start3A_869, %add3A_866] : memref<64x2016xf32, #tpu.memory_space<vmem>> -> memref<8x128xf32, #tpu.memory_space<vmem>>
      %dma_start3A_871 = arith.constant 0 : i32
      %dma_start3A_872 = arith.constant 0 : i32
      %dma_start3A_873 = tpu.memref_slice %arg3[%add3A_12, %dma_start3A_867, %dma_start3A_868, %dma_start3A_871, %dma_start3A_872] : memref<1024x8x8x8x128xf32, #tpu.memory_space<hbm>> -> memref<1x1x1x8x128xf32, #tpu.memory_space<hbm>>
      %dma_start3A_874 = tpu.memref_squeeze %dma_start3A_873 : memref<1x1x1x8x128xf32, #tpu.memory_space<hbm>> -> memref<8x128xf32, #tpu.memory_space<hbm>>
      %dma_start3A_875 = arith.constant 0 : i32
      %dma_start3A_876 = arith.constant 0 : i32
      %dma_start3A_877 = tpu.memref_slice %arg3[%add3A_12, %dma_start3A_867, %dma_start3A_868, %dma_start3A_875, %dma_start3A_876] : memref<1024x8x8x8x128xf32, #tpu.memory_space<hbm>> -> memref<1x1x1x8x128xf32, #tpu.memory_space<hbm>>
      %dma_start3A_878 = tpu.memref_squeeze %dma_start3A_877 : memref<1x1x1x8x128xf32, #tpu.memory_space<hbm>> -> memref<8x128xf32, #tpu.memory_space<hbm>>
      %dma_start3A_879 = arith.constant 48 : i32
      %dma_start3A_880 = tpu.memref_slice %arg4[%dma_start3A_879, %add3A_866] : memref<64x2016xf32, #tpu.memory_space<vmem>> -> memref<8x128xf32, #tpu.memory_space<vmem>>
      tpu.enqueue_dma source(%dma_start3A_880 : memref<8x128xf32, #tpu.memory_space<vmem>>) target(%dma_start3A_878 : memref<8x128xf32, #tpu.memory_space<hbm>>) target_semaphore(%arg5 : memref<!tpu.dma_semaphore, #tpu.memory_space<semaphore_mem>>)
      %add3A_881 = arith.constant 768 : i32
      %add3A_882 = arith.addi %multiple_of3A_17, %add3A_881 : i32
      %dma_start3A_883 = arith.constant 6 : i32
      %dma_start3A_884 = arith.constant 6 : i32
      %dma_start3A_885 = arith.constant 48 : i32
      %dma_start3A_886 = tpu.memref_slice %arg4[%dma_start3A_885, %add3A_882] : memref<64x2016xf32, #tpu.memory_space<vmem>> -> memref<8x128xf32, #tpu.memory_space<vmem>>
      %dma_start3A_887 = arith.constant 0 : i32
      %dma_start3A_888 = arith.constant 0 : i32
      %dma_start3A_889 = tpu.memref_slice %arg3[%add3A_12, %dma_start3A_883, %dma_start3A_884, %dma_start3A_887, %dma_start3A_888] : memref<1024x8x8x8x128xf32, #tpu.memory_space<hbm>> -> memref<1x1x1x8x128xf32, #tpu.memory_space<hbm>>
      %dma_start3A_890 = tpu.memref_squeeze %dma_start3A_889 : memref<1x1x1x8x128xf32, #tpu.memory_space<hbm>> -> memref<8x128xf32, #tpu.memory_space<hbm>>
      %dma_start3A_891 = arith.constant 0 : i32
      %dma_start3A_892 = arith.constant 0 : i32
      %dma_start3A_893 = tpu.memref_slice %arg3[%add3A_12, %dma_start3A_883, %dma_start3A_884, %dma_start3A_891, %dma_start3A_892] : memref<1024x8x8x8x128xf32, #tpu.memory_space<hbm>> -> memref<1x1x1x8x128xf32, #tpu.memory_space<hbm>>
      %dma_start3A_894 = tpu.memref_squeeze %dma_start3A_893 : memref<1x1x1x8x128xf32, #tpu.memory_space<hbm>> -> memref<8x128xf32, #tpu.memory_space<hbm>>
      %dma_start3A_895 = arith.constant 48 : i32
      %dma_start3A_896 = tpu.memref_slice %arg4[%dma_start3A_895, %add3A_882] : memref<64x2016xf32, #tpu.memory_space<vmem>> -> memref<8x128xf32, #tpu.memory_space<vmem>>
      tpu.enqueue_dma source(%dma_start3A_896 : memref<8x128xf32, #tpu.memory_space<vmem>>) target(%dma_start3A_894 : memref<8x128xf32, #tpu.memory_space<hbm>>) target_semaphore(%arg5 : memref<!tpu.dma_semaphore, #tpu.memory_space<semaphore_mem>>)
      %add3A_897 = arith.constant 896 : i32
      %add3A_898 = arith.addi %multiple_of3A_17, %add3A_897 : i32
      %dma_start3A_899 = arith.constant 6 : i32
      %dma_start3A_900 = arith.constant 7 : i32
      %dma_start3A_901 = arith.constant 48 : i32
      %dma_start3A_902 = tpu.memref_slice %arg4[%dma_start3A_901, %add3A_898] : memref<64x2016xf32, #tpu.memory_space<vmem>> -> memref<8x128xf32, #tpu.memory_space<vmem>>
      %dma_start3A_903 = arith.constant 0 : i32
      %dma_start3A_904 = arith.constant 0 : i32
      %dma_start3A_905 = tpu.memref_slice %arg3[%add3A_12, %dma_start3A_899, %dma_start3A_900, %dma_start3A_903, %dma_start3A_904] : memref<1024x8x8x8x128xf32, #tpu.memory_space<hbm>> -> memref<1x1x1x8x128xf32, #tpu.memory_space<hbm>>
      %dma_start3A_906 = tpu.memref_squeeze %dma_start3A_905 : memref<1x1x1x8x128xf32, #tpu.memory_space<hbm>> -> memref<8x128xf32, #tpu.memory_space<hbm>>
      %dma_start3A_907 = arith.constant 0 : i32
      %dma_start3A_908 = arith.constant 0 : i32
      %dma_start3A_909 = tpu.memref_slice %arg3[%add3A_12, %dma_start3A_899, %dma_start3A_900, %dma_start3A_907, %dma_start3A_908] : memref<1024x8x8x8x128xf32, #tpu.memory_space<hbm>> -> memref<1x1x1x8x128xf32, #tpu.memory_space<hbm>>
      %dma_start3A_910 = tpu.memref_squeeze %dma_start3A_909 : memref<1x1x1x8x128xf32, #tpu.memory_space<hbm>> -> memref<8x128xf32, #tpu.memory_space<hbm>>
      %dma_start3A_911 = arith.constant 48 : i32
      %dma_start3A_912 = tpu.memref_slice %arg4[%dma_start3A_911, %add3A_898] : memref<64x2016xf32, #tpu.memory_space<vmem>> -> memref<8x128xf32, #tpu.memory_space<vmem>>
      tpu.enqueue_dma source(%dma_start3A_912 : memref<8x128xf32, #tpu.memory_space<vmem>>) target(%dma_start3A_910 : memref<8x128xf32, #tpu.memory_space<hbm>>) target_semaphore(%arg5 : memref<!tpu.dma_semaphore, #tpu.memory_space<semaphore_mem>>)
      %add3A_913 = arith.constant 0 : i32
      %add3A_914 = arith.addi %multiple_of3A_17, %add3A_913 : i32
      %dma_start3A_915 = arith.constant 7 : i32
      %dma_start3A_916 = arith.constant 0 : i32
      %dma_start3A_917 = arith.constant 56 : i32
      %dma_start3A_918 = tpu.memref_slice %arg4[%dma_start3A_917, %add3A_914] : memref<64x2016xf32, #tpu.memory_space<vmem>> -> memref<8x128xf32, #tpu.memory_space<vmem>>
      %dma_start3A_919 = arith.constant 0 : i32
      %dma_start3A_920 = arith.constant 0 : i32
      %dma_start3A_921 = tpu.memref_slice %arg3[%add3A_12, %dma_start3A_915, %dma_start3A_916, %dma_start3A_919, %dma_start3A_920] : memref<1024x8x8x8x128xf32, #tpu.memory_space<hbm>> -> memref<1x1x1x8x128xf32, #tpu.memory_space<hbm>>
      %dma_start3A_922 = tpu.memref_squeeze %dma_start3A_921 : memref<1x1x1x8x128xf32, #tpu.memory_space<hbm>> -> memref<8x128xf32, #tpu.memory_space<hbm>>
      %dma_start3A_923 = arith.constant 0 : i32
      %dma_start3A_924 = arith.constant 0 : i32
      %dma_start3A_925 = tpu.memref_slice %arg3[%add3A_12, %dma_start3A_915, %dma_start3A_916, %dma_start3A_923, %dma_start3A_924] : memref<1024x8x8x8x128xf32, #tpu.memory_space<hbm>> -> memref<1x1x1x8x128xf32, #tpu.memory_space<hbm>>
      %dma_start3A_926 = tpu.memref_squeeze %dma_start3A_925 : memref<1x1x1x8x128xf32, #tpu.memory_space<hbm>> -> memref<8x128xf32, #tpu.memory_space<hbm>>
      %dma_start3A_927 = arith.constant 56 : i32
      %dma_start3A_928 = tpu.memref_slice %arg4[%dma_start3A_927, %add3A_914] : memref<64x2016xf32, #tpu.memory_space<vmem>> -> memref<8x128xf32, #tpu.memory_space<vmem>>
      tpu.enqueue_dma source(%dma_start3A_928 : memref<8x128xf32, #tpu.memory_space<vmem>>) target(%dma_start3A_926 : memref<8x128xf32, #tpu.memory_space<hbm>>) target_semaphore(%arg5 : memref<!tpu.dma_semaphore, #tpu.memory_space<semaphore_mem>>)
      %add3A_929 = arith.constant 128 : i32
      %add3A_930 = arith.addi %multiple_of3A_17, %add3A_929 : i32
      %dma_start3A_931 = arith.constant 7 : i32
      %dma_start3A_932 = arith.constant 1 : i32
      %dma_start3A_933 = arith.constant 56 : i32
      %dma_start3A_934 = tpu.memref_slice %arg4[%dma_start3A_933, %add3A_930] : memref<64x2016xf32, #tpu.memory_space<vmem>> -> memref<8x128xf32, #tpu.memory_space<vmem>>
      %dma_start3A_935 = arith.constant 0 : i32
      %dma_start3A_936 = arith.constant 0 : i32
      %dma_start3A_937 = tpu.memref_slice %arg3[%add3A_12, %dma_start3A_931, %dma_start3A_932, %dma_start3A_935, %dma_start3A_936] : memref<1024x8x8x8x128xf32, #tpu.memory_space<hbm>> -> memref<1x1x1x8x128xf32, #tpu.memory_space<hbm>>
      %dma_start3A_938 = tpu.memref_squeeze %dma_start3A_937 : memref<1x1x1x8x128xf32, #tpu.memory_space<hbm>> -> memref<8x128xf32, #tpu.memory_space<hbm>>
      %dma_start3A_939 = arith.constant 0 : i32
      %dma_start3A_940 = arith.constant 0 : i32
      %dma_start3A_941 = tpu.memref_slice %arg3[%add3A_12, %dma_start3A_931, %dma_start3A_932, %dma_start3A_939, %dma_start3A_940] : memref<1024x8x8x8x128xf32, #tpu.memory_space<hbm>> -> memref<1x1x1x8x128xf32, #tpu.memory_space<hbm>>
      %dma_start3A_942 = tpu.memref_squeeze %dma_start3A_941 : memref<1x1x1x8x128xf32, #tpu.memory_space<hbm>> -> memref<8x128xf32, #tpu.memory_space<hbm>>
      %dma_start3A_943 = arith.constant 56 : i32
      %dma_start3A_944 = tpu.memref_slice %arg4[%dma_start3A_943, %add3A_930] : memref<64x2016xf32, #tpu.memory_space<vmem>> -> memref<8x128xf32, #tpu.memory_space<vmem>>
      tpu.enqueue_dma source(%dma_start3A_944 : memref<8x128xf32, #tpu.memory_space<vmem>>) target(%dma_start3A_942 : memref<8x128xf32, #tpu.memory_space<hbm>>) target_semaphore(%arg5 : memref<!tpu.dma_semaphore, #tpu.memory_space<semaphore_mem>>)
      %add3A_945 = arith.constant 256 : i32
      %add3A_946 = arith.addi %multiple_of3A_17, %add3A_945 : i32
      %dma_start3A_947 = arith.constant 7 : i32
      %dma_start3A_948 = arith.constant 2 : i32
      %dma_start3A_949 = arith.constant 56 : i32
      %dma_start3A_950 = tpu.memref_slice %arg4[%dma_start3A_949, %add3A_946] : memref<64x2016xf32, #tpu.memory_space<vmem>> -> memref<8x128xf32, #tpu.memory_space<vmem>>
      %dma_start3A_951 = arith.constant 0 : i32
      %dma_start3A_952 = arith.constant 0 : i32
      %dma_start3A_953 = tpu.memref_slice %arg3[%add3A_12, %dma_start3A_947, %dma_start3A_948, %dma_start3A_951, %dma_start3A_952] : memref<1024x8x8x8x128xf32, #tpu.memory_space<hbm>> -> memref<1x1x1x8x128xf32, #tpu.memory_space<hbm>>
      %dma_start3A_954 = tpu.memref_squeeze %dma_start3A_953 : memref<1x1x1x8x128xf32, #tpu.memory_space<hbm>> -> memref<8x128xf32, #tpu.memory_space<hbm>>
      %dma_start3A_955 = arith.constant 0 : i32
      %dma_start3A_956 = arith.constant 0 : i32
      %dma_start3A_957 = tpu.memref_slice %arg3[%add3A_12, %dma_start3A_947, %dma_start3A_948, %dma_start3A_955, %dma_start3A_956] : memref<1024x8x8x8x128xf32, #tpu.memory_space<hbm>> -> memref<1x1x1x8x128xf32, #tpu.memory_space<hbm>>
      %dma_start3A_958 = tpu.memref_squeeze %dma_start3A_957 : memref<1x1x1x8x128xf32, #tpu.memory_space<hbm>> -> memref<8x128xf32, #tpu.memory_space<hbm>>
      %dma_start3A_959 = arith.constant 56 : i32
      %dma_start3A_960 = tpu.memref_slice %arg4[%dma_start3A_959, %add3A_946] : memref<64x2016xf32, #tpu.memory_space<vmem>> -> memref<8x128xf32, #tpu.memory_space<vmem>>
      tpu.enqueue_dma source(%dma_start3A_960 : memref<8x128xf32, #tpu.memory_space<vmem>>) target(%dma_start3A_958 : memref<8x128xf32, #tpu.memory_space<hbm>>) target_semaphore(%arg5 : memref<!tpu.dma_semaphore, #tpu.memory_space<semaphore_mem>>)
      %add3A_961 = arith.constant 384 : i32
      %add3A_962 = arith.addi %multiple_of3A_17, %add3A_961 : i32
      %dma_start3A_963 = arith.constant 7 : i32
      %dma_start3A_964 = arith.constant 3 : i32
      %dma_start3A_965 = arith.constant 56 : i32
      %dma_start3A_966 = tpu.memref_slice %arg4[%dma_start3A_965, %add3A_962] : memref<64x2016xf32, #tpu.memory_space<vmem>> -> memref<8x128xf32, #tpu.memory_space<vmem>>
      %dma_start3A_967 = arith.constant 0 : i32
      %dma_start3A_968 = arith.constant 0 : i32
      %dma_start3A_969 = tpu.memref_slice %arg3[%add3A_12, %dma_start3A_963, %dma_start3A_964, %dma_start3A_967, %dma_start3A_968] : memref<1024x8x8x8x128xf32, #tpu.memory_space<hbm>> -> memref<1x1x1x8x128xf32, #tpu.memory_space<hbm>>
      %dma_start3A_970 = tpu.memref_squeeze %dma_start3A_969 : memref<1x1x1x8x128xf32, #tpu.memory_space<hbm>> -> memref<8x128xf32, #tpu.memory_space<hbm>>
      %dma_start3A_971 = arith.constant 0 : i32
      %dma_start3A_972 = arith.constant 0 : i32
      %dma_start3A_973 = tpu.memref_slice %arg3[%add3A_12, %dma_start3A_963, %dma_start3A_964, %dma_start3A_971, %dma_start3A_972] : memref<1024x8x8x8x128xf32, #tpu.memory_space<hbm>> -> memref<1x1x1x8x128xf32, #tpu.memory_space<hbm>>
      %dma_start3A_974 = tpu.memref_squeeze %dma_start3A_973 : memref<1x1x1x8x128xf32, #tpu.memory_space<hbm>> -> memref<8x128xf32, #tpu.memory_space<hbm>>
      %dma_start3A_975 = arith.constant 56 : i32
      %dma_start3A_976 = tpu.memref_slice %arg4[%dma_start3A_975, %add3A_962] : memref<64x2016xf32, #tpu.memory_space<vmem>> -> memref<8x128xf32, #tpu.memory_space<vmem>>
      tpu.enqueue_dma source(%dma_start3A_976 : memref<8x128xf32, #tpu.memory_space<vmem>>) target(%dma_start3A_974 : memref<8x128xf32, #tpu.memory_space<hbm>>) target_semaphore(%arg5 : memref<!tpu.dma_semaphore, #tpu.memory_space<semaphore_mem>>)
      %add3A_977 = arith.constant 512 : i32
      %add3A_978 = arith.addi %multiple_of3A_17, %add3A_977 : i32
      %dma_start3A_979 = arith.constant 7 : i32
      %dma_start3A_980 = arith.constant 4 : i32
      %dma_start3A_981 = arith.constant 56 : i32
      %dma_start3A_982 = tpu.memref_slice %arg4[%dma_start3A_981, %add3A_978] : memref<64x2016xf32, #tpu.memory_space<vmem>> -> memref<8x128xf32, #tpu.memory_space<vmem>>
      %dma_start3A_983 = arith.constant 0 : i32
      %dma_start3A_984 = arith.constant 0 : i32
      %dma_start3A_985 = tpu.memref_slice %arg3[%add3A_12, %dma_start3A_979, %dma_start3A_980, %dma_start3A_983, %dma_start3A_984] : memref<1024x8x8x8x128xf32, #tpu.memory_space<hbm>> -> memref<1x1x1x8x128xf32, #tpu.memory_space<hbm>>
      %dma_start3A_986 = tpu.memref_squeeze %dma_start3A_985 : memref<1x1x1x8x128xf32, #tpu.memory_space<hbm>> -> memref<8x128xf32, #tpu.memory_space<hbm>>
      %dma_start3A_987 = arith.constant 0 : i32
      %dma_start3A_988 = arith.constant 0 : i32
      %dma_start3A_989 = tpu.memref_slice %arg3[%add3A_12, %dma_start3A_979, %dma_start3A_980, %dma_start3A_987, %dma_start3A_988] : memref<1024x8x8x8x128xf32, #tpu.memory_space<hbm>> -> memref<1x1x1x8x128xf32, #tpu.memory_space<hbm>>
      %dma_start3A_990 = tpu.memref_squeeze %dma_start3A_989 : memref<1x1x1x8x128xf32, #tpu.memory_space<hbm>> -> memref<8x128xf32, #tpu.memory_space<hbm>>
      %dma_start3A_991 = arith.constant 56 : i32
      %dma_start3A_992 = tpu.memref_slice %arg4[%dma_start3A_991, %add3A_978] : memref<64x2016xf32, #tpu.memory_space<vmem>> -> memref<8x128xf32, #tpu.memory_space<vmem>>
      tpu.enqueue_dma source(%dma_start3A_992 : memref<8x128xf32, #tpu.memory_space<vmem>>) target(%dma_start3A_990 : memref<8x128xf32, #tpu.memory_space<hbm>>) target_semaphore(%arg5 : memref<!tpu.dma_semaphore, #tpu.memory_space<semaphore_mem>>)
      %add3A_993 = arith.constant 640 : i32
      %add3A_994 = arith.addi %multiple_of3A_17, %add3A_993 : i32
      %dma_start3A_995 = arith.constant 7 : i32
      %dma_start3A_996 = arith.constant 5 : i32
      %dma_start3A_997 = arith.constant 56 : i32
      %dma_start3A_998 = tpu.memref_slice %arg4[%dma_start3A_997, %add3A_994] : memref<64x2016xf32, #tpu.memory_space<vmem>> -> memref<8x128xf32, #tpu.memory_space<vmem>>
      %dma_start3A_999 = arith.constant 0 : i32
      %dma_start3A_1000 = arith.constant 0 : i32
      %dma_start3A_1001 = tpu.memref_slice %arg3[%add3A_12, %dma_start3A_995, %dma_start3A_996, %dma_start3A_999, %dma_start3A_1000] : memref<1024x8x8x8x128xf32, #tpu.memory_space<hbm>> -> memref<1x1x1x8x128xf32, #tpu.memory_space<hbm>>
      %dma_start3A_1002 = tpu.memref_squeeze %dma_start3A_1001 : memref<1x1x1x8x128xf32, #tpu.memory_space<hbm>> -> memref<8x128xf32, #tpu.memory_space<hbm>>
      %dma_start3A_1003 = arith.constant 0 : i32
      %dma_start3A_1004 = arith.constant 0 : i32
      %dma_start3A_1005 = tpu.memref_slice %arg3[%add3A_12, %dma_start3A_995, %dma_start3A_996, %dma_start3A_1003, %dma_start3A_1004] : memref<1024x8x8x8x128xf32, #tpu.memory_space<hbm>> -> memref<1x1x1x8x128xf32, #tpu.memory_space<hbm>>
      %dma_start3A_1006 = tpu.memref_squeeze %dma_start3A_1005 : memref<1x1x1x8x128xf32, #tpu.memory_space<hbm>> -> memref<8x128xf32, #tpu.memory_space<hbm>>
      %dma_start3A_1007 = arith.constant 56 : i32
      %dma_start3A_1008 = tpu.memref_slice %arg4[%dma_start3A_1007, %add3A_994] : memref<64x2016xf32, #tpu.memory_space<vmem>> -> memref<8x128xf32, #tpu.memory_space<vmem>>
      tpu.enqueue_dma source(%dma_start3A_1008 : memref<8x128xf32, #tpu.memory_space<vmem>>) target(%dma_start3A_1006 : memref<8x128xf32, #tpu.memory_space<hbm>>) target_semaphore(%arg5 : memref<!tpu.dma_semaphore, #tpu.memory_space<semaphore_mem>>)
      %add3A_1009 = arith.constant 768 : i32
      %add3A_1010 = arith.addi %multiple_of3A_17, %add3A_1009 : i32
      %dma_start3A_1011 = arith.constant 7 : i32
      %dma_start3A_1012 = arith.constant 6 : i32
      %dma_start3A_1013 = arith.constant 56 : i32
      %dma_start3A_1014 = tpu.memref_slice %arg4[%dma_start3A_1013, %add3A_1010] : memref<64x2016xf32, #tpu.memory_space<vmem>> -> memref<8x128xf32, #tpu.memory_space<vmem>>
      %dma_start3A_1015 = arith.constant 0 : i32
      %dma_start3A_1016 = arith.constant 0 : i32
      %dma_start3A_1017 = tpu.memref_slice %arg3[%add3A_12, %dma_start3A_1011, %dma_start3A_1012, %dma_start3A_1015, %dma_start3A_1016] : memref<1024x8x8x8x128xf32, #tpu.memory_space<hbm>> -> memref<1x1x1x8x128xf32, #tpu.memory_space<hbm>>
      %dma_start3A_1018 = tpu.memref_squeeze %dma_start3A_1017 : memref<1x1x1x8x128xf32, #tpu.memory_space<hbm>> -> memref<8x128xf32, #tpu.memory_space<hbm>>
      %dma_start3A_1019 = arith.constant 0 : i32
      %dma_start3A_1020 = arith.constant 0 : i32
      %dma_start3A_1021 = tpu.memref_slice %arg3[%add3A_12, %dma_start3A_1011, %dma_start3A_1012, %dma_start3A_1019, %dma_start3A_1020] : memref<1024x8x8x8x128xf32, #tpu.memory_space<hbm>> -> memref<1x1x1x8x128xf32, #tpu.memory_space<hbm>>
      %dma_start3A_1022 = tpu.memref_squeeze %dma_start3A_1021 : memref<1x1x1x8x128xf32, #tpu.memory_space<hbm>> -> memref<8x128xf32, #tpu.memory_space<hbm>>
      %dma_start3A_1023 = arith.constant 56 : i32
      %dma_start3A_1024 = tpu.memref_slice %arg4[%dma_start3A_1023, %add3A_1010] : memref<64x2016xf32, #tpu.memory_space<vmem>> -> memref<8x128xf32, #tpu.memory_space<vmem>>
      tpu.enqueue_dma source(%dma_start3A_1024 : memref<8x128xf32, #tpu.memory_space<vmem>>) target(%dma_start3A_1022 : memref<8x128xf32, #tpu.memory_space<hbm>>) target_semaphore(%arg5 : memref<!tpu.dma_semaphore, #tpu.memory_space<semaphore_mem>>)
      %add3A_1025 = arith.constant 896 : i32
      %add3A_1026 = arith.addi %multiple_of3A_17, %add3A_1025 : i32
      %dma_start3A_1027 = arith.constant 7 : i32
      %dma_start3A_1028 = arith.constant 7 : i32
      %dma_start3A_1029 = arith.constant 56 : i32
      %dma_start3A_1030 = tpu.memref_slice %arg4[%dma_start3A_1029, %add3A_1026] : memref<64x2016xf32, #tpu.memory_space<vmem>> -> memref<8x128xf32, #tpu.memory_space<vmem>>
      %dma_start3A_1031 = arith.constant 0 : i32
      %dma_start3A_1032 = arith.constant 0 : i32
      %dma_start3A_1033 = tpu.memref_slice %arg3[%add3A_12, %dma_start3A_1027, %dma_start3A_1028, %dma_start3A_1031, %dma_start3A_1032] : memref<1024x8x8x8x128xf32, #tpu.memory_space<hbm>> -> memref<1x1x1x8x128xf32, #tpu.memory_space<hbm>>
      %dma_start3A_1034 = tpu.memref_squeeze %dma_start3A_1033 : memref<1x1x1x8x128xf32, #tpu.memory_space<hbm>> -> memref<8x128xf32, #tpu.memory_space<hbm>>
      %dma_start3A_1035 = arith.constant 0 : i32
      %dma_start3A_1036 = arith.constant 0 : i32
      %dma_start3A_1037 = tpu.memref_slice %arg3[%add3A_12, %dma_start3A_1027, %dma_start3A_1028, %dma_start3A_1035, %dma_start3A_1036] : memref<1024x8x8x8x128xf32, #tpu.memory_space<hbm>> -> memref<1x1x1x8x128xf32, #tpu.memory_space<hbm>>
      %dma_start3A_1038 = tpu.memref_squeeze %dma_start3A_1037 : memref<1x1x1x8x128xf32, #tpu.memory_space<hbm>> -> memref<8x128xf32, #tpu.memory_space<hbm>>
      %dma_start3A_1039 = arith.constant 56 : i32
      %dma_start3A_1040 = tpu.memref_slice %arg4[%dma_start3A_1039, %add3A_1026] : memref<64x2016xf32, #tpu.memory_space<vmem>> -> memref<8x128xf32, #tpu.memory_space<vmem>>
      tpu.enqueue_dma source(%dma_start3A_1040 : memref<8x128xf32, #tpu.memory_space<vmem>>) target(%dma_start3A_1038 : memref<8x128xf32, #tpu.memory_space<hbm>>) target_semaphore(%arg5 : memref<!tpu.dma_semaphore, #tpu.memory_space<semaphore_mem>>)
      %dma_wait3A = arith.constant 0 : i32
      %dma_wait3A_1041 = arith.constant 0 : i32
      %dma_wait3A_1042 = arith.constant 0 : i32
      %dma_wait3A_1043 = tpu.memref_slice %arg4[%dma_wait3A_1042, %add3A_19] : memref<64x2016xf32, #tpu.memory_space<vmem>> -> memref<8x128xf32, #tpu.memory_space<vmem>>
      %dma_wait3A_1044 = arith.constant 0 : i32
      %dma_wait3A_1045 = arith.constant 0 : i32
      %dma_wait3A_1046 = tpu.memref_slice %arg3[%add3A_12, %dma_wait3A, %dma_wait3A_1041, %dma_wait3A_1044, %dma_wait3A_1045] : memref<1024x8x8x8x128xf32, #tpu.memory_space<hbm>> -> memref<1x1x1x8x128xf32, #tpu.memory_space<hbm>>
      %dma_wait3A_1047 = tpu.memref_squeeze %dma_wait3A_1046 : memref<1x1x1x8x128xf32, #tpu.memory_space<hbm>> -> memref<8x128xf32, #tpu.memory_space<hbm>>
      %dma_wait3A_1048 = arith.constant 0 : i32
      %dma_wait3A_1049 = arith.constant 0 : i32
      %dma_wait3A_1050 = tpu.memref_slice %arg3[%add3A_12, %dma_wait3A, %dma_wait3A_1041, %dma_wait3A_1048, %dma_wait3A_1049] : memref<1024x8x8x8x128xf32, #tpu.memory_space<hbm>> -> memref<1x1x1x8x128xf32, #tpu.memory_space<hbm>>
      %dma_wait3A_1051 = tpu.memref_squeeze %dma_wait3A_1050 : memref<1x1x1x8x128xf32, #tpu.memory_space<hbm>> -> memref<8x128xf32, #tpu.memory_space<hbm>>
      %dma_wait3A_1052 = arith.constant 0 : i32
      %dma_wait3A_1053 = tpu.memref_slice %arg4[%dma_wait3A_1052, %add3A_19] : memref<64x2016xf32, #tpu.memory_space<vmem>> -> memref<8x128xf32, #tpu.memory_space<vmem>>
      tpu.wait_dma2 semaphore(%arg5 : memref<!tpu.dma_semaphore, #tpu.memory_space<semaphore_mem>>) src(%dma_wait3A_1053 : memref<8x128xf32, #tpu.memory_space<vmem>>) dst(%dma_wait3A_1051 : memref<8x128xf32, #tpu.memory_space<hbm>>)
      %dma_wait3A_1054 = arith.constant 0 : i32
      %dma_wait3A_1055 = arith.constant 1 : i32
      %dma_wait3A_1056 = arith.constant 0 : i32
      %dma_wait3A_1057 = tpu.memref_slice %arg4[%dma_wait3A_1056, %add3A_34] : memref<64x2016xf32, #tpu.memory_space<vmem>> -> memref<8x128xf32, #tpu.memory_space<vmem>>
      %dma_wait3A_1058 = arith.constant 0 : i32
      %dma_wait3A_1059 = arith.constant 0 : i32
      %dma_wait3A_1060 = tpu.memref_slice %arg3[%add3A_12, %dma_wait3A_1054, %dma_wait3A_1055, %dma_wait3A_1058, %dma_wait3A_1059] : memref<1024x8x8x8x128xf32, #tpu.memory_space<hbm>> -> memref<1x1x1x8x128xf32, #tpu.memory_space<hbm>>
      %dma_wait3A_1061 = tpu.memref_squeeze %dma_wait3A_1060 : memref<1x1x1x8x128xf32, #tpu.memory_space<hbm>> -> memref<8x128xf32, #tpu.memory_space<hbm>>
      %dma_wait3A_1062 = arith.constant 0 : i32
      %dma_wait3A_1063 = arith.constant 0 : i32
      %dma_wait3A_1064 = tpu.memref_slice %arg3[%add3A_12, %dma_wait3A_1054, %dma_wait3A_1055, %dma_wait3A_1062, %dma_wait3A_1063] : memref<1024x8x8x8x128xf32, #tpu.memory_space<hbm>> -> memref<1x1x1x8x128xf32, #tpu.memory_space<hbm>>
      %dma_wait3A_1065 = tpu.memref_squeeze %dma_wait3A_1064 : memref<1x1x1x8x128xf32, #tpu.memory_space<hbm>> -> memref<8x128xf32, #tpu.memory_space<hbm>>
      %dma_wait3A_1066 = arith.constant 0 : i32
      %dma_wait3A_1067 = tpu.memref_slice %arg4[%dma_wait3A_1066, %add3A_34] : memref<64x2016xf32, #tpu.memory_space<vmem>> -> memref<8x128xf32, #tpu.memory_space<vmem>>
      tpu.wait_dma2 semaphore(%arg5 : memref<!tpu.dma_semaphore, #tpu.memory_space<semaphore_mem>>) src(%dma_wait3A_1067 : memref<8x128xf32, #tpu.memory_space<vmem>>) dst(%dma_wait3A_1065 : memref<8x128xf32, #tpu.memory_space<hbm>>)
      %dma_wait3A_1068 = arith.constant 0 : i32
      %dma_wait3A_1069 = arith.constant 2 : i32
      %dma_wait3A_1070 = arith.constant 0 : i32
      %dma_wait3A_1071 = tpu.memref_slice %arg4[%dma_wait3A_1070, %add3A_50] : memref<64x2016xf32, #tpu.memory_space<vmem>> -> memref<8x128xf32, #tpu.memory_space<vmem>>
      %dma_wait3A_1072 = arith.constant 0 : i32
      %dma_wait3A_1073 = arith.constant 0 : i32
      %dma_wait3A_1074 = tpu.memref_slice %arg3[%add3A_12, %dma_wait3A_1068, %dma_wait3A_1069, %dma_wait3A_1072, %dma_wait3A_1073] : memref<1024x8x8x8x128xf32, #tpu.memory_space<hbm>> -> memref<1x1x1x8x128xf32, #tpu.memory_space<hbm>>
      %dma_wait3A_1075 = tpu.memref_squeeze %dma_wait3A_1074 : memref<1x1x1x8x128xf32, #tpu.memory_space<hbm>> -> memref<8x128xf32, #tpu.memory_space<hbm>>
      %dma_wait3A_1076 = arith.constant 0 : i32
      %dma_wait3A_1077 = arith.constant 0 : i32
      %dma_wait3A_1078 = tpu.memref_slice %arg3[%add3A_12, %dma_wait3A_1068, %dma_wait3A_1069, %dma_wait3A_1076, %dma_wait3A_1077] : memref<1024x8x8x8x128xf32, #tpu.memory_space<hbm>> -> memref<1x1x1x8x128xf32, #tpu.memory_space<hbm>>
      %dma_wait3A_1079 = tpu.memref_squeeze %dma_wait3A_1078 : memref<1x1x1x8x128xf32, #tpu.memory_space<hbm>> -> memref<8x128xf32, #tpu.memory_space<hbm>>
      %dma_wait3A_1080 = arith.constant 0 : i32
      %dma_wait3A_1081 = tpu.memref_slice %arg4[%dma_wait3A_1080, %add3A_50] : memref<64x2016xf32, #tpu.memory_space<vmem>> -> memref<8x128xf32, #tpu.memory_space<vmem>>
      tpu.wait_dma2 semaphore(%arg5 : memref<!tpu.dma_semaphore, #tpu.memory_space<semaphore_mem>>) src(%dma_wait3A_1081 : memref<8x128xf32, #tpu.memory_space<vmem>>) dst(%dma_wait3A_1079 : memref<8x128xf32, #tpu.memory_space<hbm>>)
      %dma_wait3A_1082 = arith.constant 0 : i32
      %dma_wait3A_1083 = arith.constant 3 : i32
      %dma_wait3A_1084 = arith.constant 0 : i32
      %dma_wait3A_1085 = tpu.memref_slice %arg4[%dma_wait3A_1084, %add3A_66] : memref<64x2016xf32, #tpu.memory_space<vmem>> -> memref<8x128xf32, #tpu.memory_space<vmem>>
      %dma_wait3A_1086 = arith.constant 0 : i32
      %dma_wait3A_1087 = arith.constant 0 : i32
      %dma_wait3A_1088 = tpu.memref_slice %arg3[%add3A_12, %dma_wait3A_1082, %dma_wait3A_1083, %dma_wait3A_1086, %dma_wait3A_1087] : memref<1024x8x8x8x128xf32, #tpu.memory_space<hbm>> -> memref<1x1x1x8x128xf32, #tpu.memory_space<hbm>>
      %dma_wait3A_1089 = tpu.memref_squeeze %dma_wait3A_1088 : memref<1x1x1x8x128xf32, #tpu.memory_space<hbm>> -> memref<8x128xf32, #tpu.memory_space<hbm>>
      %dma_wait3A_1090 = arith.constant 0 : i32
      %dma_wait3A_1091 = arith.constant 0 : i32
      %dma_wait3A_1092 = tpu.memref_slice %arg3[%add3A_12, %dma_wait3A_1082, %dma_wait3A_1083, %dma_wait3A_1090, %dma_wait3A_1091] : memref<1024x8x8x8x128xf32, #tpu.memory_space<hbm>> -> memref<1x1x1x8x128xf32, #tpu.memory_space<hbm>>
      %dma_wait3A_1093 = tpu.memref_squeeze %dma_wait3A_1092 : memref<1x1x1x8x128xf32, #tpu.memory_space<hbm>> -> memref<8x128xf32, #tpu.memory_space<hbm>>
      %dma_wait3A_1094 = arith.constant 0 : i32
      %dma_wait3A_1095 = tpu.memref_slice %arg4[%dma_wait3A_1094, %add3A_66] : memref<64x2016xf32, #tpu.memory_space<vmem>> -> memref<8x128xf32, #tpu.memory_space<vmem>>
      tpu.wait_dma2 semaphore(%arg5 : memref<!tpu.dma_semaphore, #tpu.memory_space<semaphore_mem>>) src(%dma_wait3A_1095 : memref<8x128xf32, #tpu.memory_space<vmem>>) dst(%dma_wait3A_1093 : memref<8x128xf32, #tpu.memory_space<hbm>>)
      %dma_wait3A_1096 = arith.constant 0 : i32
      %dma_wait3A_1097 = arith.constant 4 : i32
      %dma_wait3A_1098 = arith.constant 0 : i32
      %dma_wait3A_1099 = tpu.memref_slice %arg4[%dma_wait3A_1098, %add3A_82] : memref<64x2016xf32, #tpu.memory_space<vmem>> -> memref<8x128xf32, #tpu.memory_space<vmem>>
      %dma_wait3A_1100 = arith.constant 0 : i32
      %dma_wait3A_1101 = arith.constant 0 : i32
      %dma_wait3A_1102 = tpu.memref_slice %arg3[%add3A_12, %dma_wait3A_1096, %dma_wait3A_1097, %dma_wait3A_1100, %dma_wait3A_1101] : memref<1024x8x8x8x128xf32, #tpu.memory_space<hbm>> -> memref<1x1x1x8x128xf32, #tpu.memory_space<hbm>>
      %dma_wait3A_1103 = tpu.memref_squeeze %dma_wait3A_1102 : memref<1x1x1x8x128xf32, #tpu.memory_space<hbm>> -> memref<8x128xf32, #tpu.memory_space<hbm>>
      %dma_wait3A_1104 = arith.constant 0 : i32
      %dma_wait3A_1105 = arith.constant 0 : i32
      %dma_wait3A_1106 = tpu.memref_slice %arg3[%add3A_12, %dma_wait3A_1096, %dma_wait3A_1097, %dma_wait3A_1104, %dma_wait3A_1105] : memref<1024x8x8x8x128xf32, #tpu.memory_space<hbm>> -> memref<1x1x1x8x128xf32, #tpu.memory_space<hbm>>
      %dma_wait3A_1107 = tpu.memref_squeeze %dma_wait3A_1106 : memref<1x1x1x8x128xf32, #tpu.memory_space<hbm>> -> memref<8x128xf32, #tpu.memory_space<hbm>>
      %dma_wait3A_1108 = arith.constant 0 : i32
      %dma_wait3A_1109 = tpu.memref_slice %arg4[%dma_wait3A_1108, %add3A_82] : memref<64x2016xf32, #tpu.memory_space<vmem>> -> memref<8x128xf32, #tpu.memory_space<vmem>>
      tpu.wait_dma2 semaphore(%arg5 : memref<!tpu.dma_semaphore, #tpu.memory_space<semaphore_mem>>) src(%dma_wait3A_1109 : memref<8x128xf32, #tpu.memory_space<vmem>>) dst(%dma_wait3A_1107 : memref<8x128xf32, #tpu.memory_space<hbm>>)
      %dma_wait3A_1110 = arith.constant 0 : i32
      %dma_wait3A_1111 = arith.constant 5 : i32
      %dma_wait3A_1112 = arith.constant 0 : i32
      %dma_wait3A_1113 = tpu.memref_slice %arg4[%dma_wait3A_1112, %add3A_98] : memref<64x2016xf32, #tpu.memory_space<vmem>> -> memref<8x128xf32, #tpu.memory_space<vmem>>
      %dma_wait3A_1114 = arith.constant 0 : i32
      %dma_wait3A_1115 = arith.constant 0 : i32
      %dma_wait3A_1116 = tpu.memref_slice %arg3[%add3A_12, %dma_wait3A_1110, %dma_wait3A_1111, %dma_wait3A_1114, %dma_wait3A_1115] : memref<1024x8x8x8x128xf32, #tpu.memory_space<hbm>> -> memref<1x1x1x8x128xf32, #tpu.memory_space<hbm>>
      %dma_wait3A_1117 = tpu.memref_squeeze %dma_wait3A_1116 : memref<1x1x1x8x128xf32, #tpu.memory_space<hbm>> -> memref<8x128xf32, #tpu.memory_space<hbm>>
      %dma_wait3A_1118 = arith.constant 0 : i32
      %dma_wait3A_1119 = arith.constant 0 : i32
      %dma_wait3A_1120 = tpu.memref_slice %arg3[%add3A_12, %dma_wait3A_1110, %dma_wait3A_1111, %dma_wait3A_1118, %dma_wait3A_1119] : memref<1024x8x8x8x128xf32, #tpu.memory_space<hbm>> -> memref<1x1x1x8x128xf32, #tpu.memory_space<hbm>>
      %dma_wait3A_1121 = tpu.memref_squeeze %dma_wait3A_1120 : memref<1x1x1x8x128xf32, #tpu.memory_space<hbm>> -> memref<8x128xf32, #tpu.memory_space<hbm>>
      %dma_wait3A_1122 = arith.constant 0 : i32
      %dma_wait3A_1123 = tpu.memref_slice %arg4[%dma_wait3A_1122, %add3A_98] : memref<64x2016xf32, #tpu.memory_space<vmem>> -> memref<8x128xf32, #tpu.memory_space<vmem>>
      tpu.wait_dma2 semaphore(%arg5 : memref<!tpu.dma_semaphore, #tpu.memory_space<semaphore_mem>>) src(%dma_wait3A_1123 : memref<8x128xf32, #tpu.memory_space<vmem>>) dst(%dma_wait3A_1121 : memref<8x128xf32, #tpu.memory_space<hbm>>)
      %dma_wait3A_1124 = arith.constant 0 : i32
      %dma_wait3A_1125 = arith.constant 6 : i32
      %dma_wait3A_1126 = arith.constant 0 : i32
      %dma_wait3A_1127 = tpu.memref_slice %arg4[%dma_wait3A_1126, %add3A_114] : memref<64x2016xf32, #tpu.memory_space<vmem>> -> memref<8x128xf32, #tpu.memory_space<vmem>>
      %dma_wait3A_1128 = arith.constant 0 : i32
      %dma_wait3A_1129 = arith.constant 0 : i32
      %dma_wait3A_1130 = tpu.memref_slice %arg3[%add3A_12, %dma_wait3A_1124, %dma_wait3A_1125, %dma_wait3A_1128, %dma_wait3A_1129] : memref<1024x8x8x8x128xf32, #tpu.memory_space<hbm>> -> memref<1x1x1x8x128xf32, #tpu.memory_space<hbm>>
      %dma_wait3A_1131 = tpu.memref_squeeze %dma_wait3A_1130 : memref<1x1x1x8x128xf32, #tpu.memory_space<hbm>> -> memref<8x128xf32, #tpu.memory_space<hbm>>
      %dma_wait3A_1132 = arith.constant 0 : i32
      %dma_wait3A_1133 = arith.constant 0 : i32
      %dma_wait3A_1134 = tpu.memref_slice %arg3[%add3A_12, %dma_wait3A_1124, %dma_wait3A_1125, %dma_wait3A_1132, %dma_wait3A_1133] : memref<1024x8x8x8x128xf32, #tpu.memory_space<hbm>> -> memref<1x1x1x8x128xf32, #tpu.memory_space<hbm>>
      %dma_wait3A_1135 = tpu.memref_squeeze %dma_wait3A_1134 : memref<1x1x1x8x128xf32, #tpu.memory_space<hbm>> -> memref<8x128xf32, #tpu.memory_space<hbm>>
      %dma_wait3A_1136 = arith.constant 0 : i32
      %dma_wait3A_1137 = tpu.memref_slice %arg4[%dma_wait3A_1136, %add3A_114] : memref<64x2016xf32, #tpu.memory_space<vmem>> -> memref<8x128xf32, #tpu.memory_space<vmem>>
      tpu.wait_dma2 semaphore(%arg5 : memref<!tpu.dma_semaphore, #tpu.memory_space<semaphore_mem>>) src(%dma_wait3A_1137 : memref<8x128xf32, #tpu.memory_space<vmem>>) dst(%dma_wait3A_1135 : memref<8x128xf32, #tpu.memory_space<hbm>>)
      %dma_wait3A_1138 = arith.constant 0 : i32
      %dma_wait3A_1139 = arith.constant 7 : i32
      %dma_wait3A_1140 = arith.constant 0 : i32
      %dma_wait3A_1141 = tpu.memref_slice %arg4[%dma_wait3A_1140, %add3A_130] : memref<64x2016xf32, #tpu.memory_space<vmem>> -> memref<8x128xf32, #tpu.memory_space<vmem>>
      %dma_wait3A_1142 = arith.constant 0 : i32
      %dma_wait3A_1143 = arith.constant 0 : i32
      %dma_wait3A_1144 = tpu.memref_slice %arg3[%add3A_12, %dma_wait3A_1138, %dma_wait3A_1139, %dma_wait3A_1142, %dma_wait3A_1143] : memref<1024x8x8x8x128xf32, #tpu.memory_space<hbm>> -> memref<1x1x1x8x128xf32, #tpu.memory_space<hbm>>
      %dma_wait3A_1145 = tpu.memref_squeeze %dma_wait3A_1144 : memref<1x1x1x8x128xf32, #tpu.memory_space<hbm>> -> memref<8x128xf32, #tpu.memory_space<hbm>>
      %dma_wait3A_1146 = arith.constant 0 : i32
      %dma_wait3A_1147 = arith.constant 0 : i32
      %dma_wait3A_1148 = tpu.memref_slice %arg3[%add3A_12, %dma_wait3A_1138, %dma_wait3A_1139, %dma_wait3A_1146, %dma_wait3A_1147] : memref<1024x8x8x8x128xf32, #tpu.memory_space<hbm>> -> memref<1x1x1x8x128xf32, #tpu.memory_space<hbm>>
      %dma_wait3A_1149 = tpu.memref_squeeze %dma_wait3A_1148 : memref<1x1x1x8x128xf32, #tpu.memory_space<hbm>> -> memref<8x128xf32, #tpu.memory_space<hbm>>
      %dma_wait3A_1150 = arith.constant 0 : i32
      %dma_wait3A_1151 = tpu.memref_slice %arg4[%dma_wait3A_1150, %add3A_130] : memref<64x2016xf32, #tpu.memory_space<vmem>> -> memref<8x128xf32, #tpu.memory_space<vmem>>
      tpu.wait_dma2 semaphore(%arg5 : memref<!tpu.dma_semaphore, #tpu.memory_space<semaphore_mem>>) src(%dma_wait3A_1151 : memref<8x128xf32, #tpu.memory_space<vmem>>) dst(%dma_wait3A_1149 : memref<8x128xf32, #tpu.memory_space<hbm>>)
      %dma_wait3A_1152 = arith.constant 1 : i32
      %dma_wait3A_1153 = arith.constant 0 : i32
      %dma_wait3A_1154 = arith.constant 8 : i32
      %dma_wait3A_1155 = tpu.memref_slice %arg4[%dma_wait3A_1154, %add3A_146] : memref<64x2016xf32, #tpu.memory_space<vmem>> -> memref<8x128xf32, #tpu.memory_space<vmem>>
      %dma_wait3A_1156 = arith.constant 0 : i32
      %dma_wait3A_1157 = arith.constant 0 : i32
      %dma_wait3A_1158 = tpu.memref_slice %arg3[%add3A_12, %dma_wait3A_1152, %dma_wait3A_1153, %dma_wait3A_1156, %dma_wait3A_1157] : memref<1024x8x8x8x128xf32, #tpu.memory_space<hbm>> -> memref<1x1x1x8x128xf32, #tpu.memory_space<hbm>>
      %dma_wait3A_1159 = tpu.memref_squeeze %dma_wait3A_1158 : memref<1x1x1x8x128xf32, #tpu.memory_space<hbm>> -> memref<8x128xf32, #tpu.memory_space<hbm>>
      %dma_wait3A_1160 = arith.constant 0 : i32
      %dma_wait3A_1161 = arith.constant 0 : i32
      %dma_wait3A_1162 = tpu.memref_slice %arg3[%add3A_12, %dma_wait3A_1152, %dma_wait3A_1153, %dma_wait3A_1160, %dma_wait3A_1161] : memref<1024x8x8x8x128xf32, #tpu.memory_space<hbm>> -> memref<1x1x1x8x128xf32, #tpu.memory_space<hbm>>
      %dma_wait3A_1163 = tpu.memref_squeeze %dma_wait3A_1162 : memref<1x1x1x8x128xf32, #tpu.memory_space<hbm>> -> memref<8x128xf32, #tpu.memory_space<hbm>>
      %dma_wait3A_1164 = arith.constant 8 : i32
      %dma_wait3A_1165 = tpu.memref_slice %arg4[%dma_wait3A_1164, %add3A_146] : memref<64x2016xf32, #tpu.memory_space<vmem>> -> memref<8x128xf32, #tpu.memory_space<vmem>>
      tpu.wait_dma2 semaphore(%arg5 : memref<!tpu.dma_semaphore, #tpu.memory_space<semaphore_mem>>) src(%dma_wait3A_1165 : memref<8x128xf32, #tpu.memory_space<vmem>>) dst(%dma_wait3A_1163 : memref<8x128xf32, #tpu.memory_space<hbm>>)
      %dma_wait3A_1166 = arith.constant 1 : i32
      %dma_wait3A_1167 = arith.constant 1 : i32
      %dma_wait3A_1168 = arith.constant 8 : i32
      %dma_wait3A_1169 = tpu.memref_slice %arg4[%dma_wait3A_1168, %add3A_162] : memref<64x2016xf32, #tpu.memory_space<vmem>> -> memref<8x128xf32, #tpu.memory_space<vmem>>
      %dma_wait3A_1170 = arith.constant 0 : i32
      %dma_wait3A_1171 = arith.constant 0 : i32
      %dma_wait3A_1172 = tpu.memref_slice %arg3[%add3A_12, %dma_wait3A_1166, %dma_wait3A_1167, %dma_wait3A_1170, %dma_wait3A_1171] : memref<1024x8x8x8x128xf32, #tpu.memory_space<hbm>> -> memref<1x1x1x8x128xf32, #tpu.memory_space<hbm>>
      %dma_wait3A_1173 = tpu.memref_squeeze %dma_wait3A_1172 : memref<1x1x1x8x128xf32, #tpu.memory_space<hbm>> -> memref<8x128xf32, #tpu.memory_space<hbm>>
      %dma_wait3A_1174 = arith.constant 0 : i32
      %dma_wait3A_1175 = arith.constant 0 : i32
      %dma_wait3A_1176 = tpu.memref_slice %arg3[%add3A_12, %dma_wait3A_1166, %dma_wait3A_1167, %dma_wait3A_1174, %dma_wait3A_1175] : memref<1024x8x8x8x128xf32, #tpu.memory_space<hbm>> -> memref<1x1x1x8x128xf32, #tpu.memory_space<hbm>>
      %dma_wait3A_1177 = tpu.memref_squeeze %dma_wait3A_1176 : memref<1x1x1x8x128xf32, #tpu.memory_space<hbm>> -> memref<8x128xf32, #tpu.memory_space<hbm>>
      %dma_wait3A_1178 = arith.constant 8 : i32
      %dma_wait3A_1179 = tpu.memref_slice %arg4[%dma_wait3A_1178, %add3A_162] : memref<64x2016xf32, #tpu.memory_space<vmem>> -> memref<8x128xf32, #tpu.memory_space<vmem>>
      tpu.wait_dma2 semaphore(%arg5 : memref<!tpu.dma_semaphore, #tpu.memory_space<semaphore_mem>>) src(%dma_wait3A_1179 : memref<8x128xf32, #tpu.memory_space<vmem>>) dst(%dma_wait3A_1177 : memref<8x128xf32, #tpu.memory_space<hbm>>)
      %dma_wait3A_1180 = arith.constant 1 : i32
      %dma_wait3A_1181 = arith.constant 2 : i32
      %dma_wait3A_1182 = arith.constant 8 : i32
      %dma_wait3A_1183 = tpu.memref_slice %arg4[%dma_wait3A_1182, %add3A_178] : memref<64x2016xf32, #tpu.memory_space<vmem>> -> memref<8x128xf32, #tpu.memory_space<vmem>>
      %dma_wait3A_1184 = arith.constant 0 : i32
      %dma_wait3A_1185 = arith.constant 0 : i32
      %dma_wait3A_1186 = tpu.memref_slice %arg3[%add3A_12, %dma_wait3A_1180, %dma_wait3A_1181, %dma_wait3A_1184, %dma_wait3A_1185] : memref<1024x8x8x8x128xf32, #tpu.memory_space<hbm>> -> memref<1x1x1x8x128xf32, #tpu.memory_space<hbm>>
      %dma_wait3A_1187 = tpu.memref_squeeze %dma_wait3A_1186 : memref<1x1x1x8x128xf32, #tpu.memory_space<hbm>> -> memref<8x128xf32, #tpu.memory_space<hbm>>
      %dma_wait3A_1188 = arith.constant 0 : i32
      %dma_wait3A_1189 = arith.constant 0 : i32
      %dma_wait3A_1190 = tpu.memref_slice %arg3[%add3A_12, %dma_wait3A_1180, %dma_wait3A_1181, %dma_wait3A_1188, %dma_wait3A_1189] : memref<1024x8x8x8x128xf32, #tpu.memory_space<hbm>> -> memref<1x1x1x8x128xf32, #tpu.memory_space<hbm>>
      %dma_wait3A_1191 = tpu.memref_squeeze %dma_wait3A_1190 : memref<1x1x1x8x128xf32, #tpu.memory_space<hbm>> -> memref<8x128xf32, #tpu.memory_space<hbm>>
      %dma_wait3A_1192 = arith.constant 8 : i32
      %dma_wait3A_1193 = tpu.memref_slice %arg4[%dma_wait3A_1192, %add3A_178] : memref<64x2016xf32, #tpu.memory_space<vmem>> -> memref<8x128xf32, #tpu.memory_space<vmem>>
      tpu.wait_dma2 semaphore(%arg5 : memref<!tpu.dma_semaphore, #tpu.memory_space<semaphore_mem>>) src(%dma_wait3A_1193 : memref<8x128xf32, #tpu.memory_space<vmem>>) dst(%dma_wait3A_1191 : memref<8x128xf32, #tpu.memory_space<hbm>>)
      %dma_wait3A_1194 = arith.constant 1 : i32
      %dma_wait3A_1195 = arith.constant 3 : i32
      %dma_wait3A_1196 = arith.constant 8 : i32
      %dma_wait3A_1197 = tpu.memref_slice %arg4[%dma_wait3A_1196, %add3A_194] : memref<64x2016xf32, #tpu.memory_space<vmem>> -> memref<8x128xf32, #tpu.memory_space<vmem>>
      %dma_wait3A_1198 = arith.constant 0 : i32
      %dma_wait3A_1199 = arith.constant 0 : i32
      %dma_wait3A_1200 = tpu.memref_slice %arg3[%add3A_12, %dma_wait3A_1194, %dma_wait3A_1195, %dma_wait3A_1198, %dma_wait3A_1199] : memref<1024x8x8x8x128xf32, #tpu.memory_space<hbm>> -> memref<1x1x1x8x128xf32, #tpu.memory_space<hbm>>
      %dma_wait3A_1201 = tpu.memref_squeeze %dma_wait3A_1200 : memref<1x1x1x8x128xf32, #tpu.memory_space<hbm>> -> memref<8x128xf32, #tpu.memory_space<hbm>>
      %dma_wait3A_1202 = arith.constant 0 : i32
      %dma_wait3A_1203 = arith.constant 0 : i32
      %dma_wait3A_1204 = tpu.memref_slice %arg3[%add3A_12, %dma_wait3A_1194, %dma_wait3A_1195, %dma_wait3A_1202, %dma_wait3A_1203] : memref<1024x8x8x8x128xf32, #tpu.memory_space<hbm>> -> memref<1x1x1x8x128xf32, #tpu.memory_space<hbm>>
      %dma_wait3A_1205 = tpu.memref_squeeze %dma_wait3A_1204 : memref<1x1x1x8x128xf32, #tpu.memory_space<hbm>> -> memref<8x128xf32, #tpu.memory_space<hbm>>
      %dma_wait3A_1206 = arith.constant 8 : i32
      %dma_wait3A_1207 = tpu.memref_slice %arg4[%dma_wait3A_1206, %add3A_194] : memref<64x2016xf32, #tpu.memory_space<vmem>> -> memref<8x128xf32, #tpu.memory_space<vmem>>
      tpu.wait_dma2 semaphore(%arg5 : memref<!tpu.dma_semaphore, #tpu.memory_space<semaphore_mem>>) src(%dma_wait3A_1207 : memref<8x128xf32, #tpu.memory_space<vmem>>) dst(%dma_wait3A_1205 : memref<8x128xf32, #tpu.memory_space<hbm>>)
      %dma_wait3A_1208 = arith.constant 1 : i32
      %dma_wait3A_1209 = arith.constant 4 : i32
      %dma_wait3A_1210 = arith.constant 8 : i32
      %dma_wait3A_1211 = tpu.memref_slice %arg4[%dma_wait3A_1210, %add3A_210] : memref<64x2016xf32, #tpu.memory_space<vmem>> -> memref<8x128xf32, #tpu.memory_space<vmem>>
      %dma_wait3A_1212 = arith.constant 0 : i32
      %dma_wait3A_1213 = arith.constant 0 : i32
      %dma_wait3A_1214 = tpu.memref_slice %arg3[%add3A_12, %dma_wait3A_1208, %dma_wait3A_1209, %dma_wait3A_1212, %dma_wait3A_1213] : memref<1024x8x8x8x128xf32, #tpu.memory_space<hbm>> -> memref<1x1x1x8x128xf32, #tpu.memory_space<hbm>>
      %dma_wait3A_1215 = tpu.memref_squeeze %dma_wait3A_1214 : memref<1x1x1x8x128xf32, #tpu.memory_space<hbm>> -> memref<8x128xf32, #tpu.memory_space<hbm>>
      %dma_wait3A_1216 = arith.constant 0 : i32
      %dma_wait3A_1217 = arith.constant 0 : i32
      %dma_wait3A_1218 = tpu.memref_slice %arg3[%add3A_12, %dma_wait3A_1208, %dma_wait3A_1209, %dma_wait3A_1216, %dma_wait3A_1217] : memref<1024x8x8x8x128xf32, #tpu.memory_space<hbm>> -> memref<1x1x1x8x128xf32, #tpu.memory_space<hbm>>
      %dma_wait3A_1219 = tpu.memref_squeeze %dma_wait3A_1218 : memref<1x1x1x8x128xf32, #tpu.memory_space<hbm>> -> memref<8x128xf32, #tpu.memory_space<hbm>>
      %dma_wait3A_1220 = arith.constant 8 : i32
      %dma_wait3A_1221 = tpu.memref_slice %arg4[%dma_wait3A_1220, %add3A_210] : memref<64x2016xf32, #tpu.memory_space<vmem>> -> memref<8x128xf32, #tpu.memory_space<vmem>>
      tpu.wait_dma2 semaphore(%arg5 : memref<!tpu.dma_semaphore, #tpu.memory_space<semaphore_mem>>) src(%dma_wait3A_1221 : memref<8x128xf32, #tpu.memory_space<vmem>>) dst(%dma_wait3A_1219 : memref<8x128xf32, #tpu.memory_space<hbm>>)
      %dma_wait3A_1222 = arith.constant 1 : i32
      %dma_wait3A_1223 = arith.constant 5 : i32
      %dma_wait3A_1224 = arith.constant 8 : i32
      %dma_wait3A_1225 = tpu.memref_slice %arg4[%dma_wait3A_1224, %add3A_226] : memref<64x2016xf32, #tpu.memory_space<vmem>> -> memref<8x128xf32, #tpu.memory_space<vmem>>
      %dma_wait3A_1226 = arith.constant 0 : i32
      %dma_wait3A_1227 = arith.constant 0 : i32
      %dma_wait3A_1228 = tpu.memref_slice %arg3[%add3A_12, %dma_wait3A_1222, %dma_wait3A_1223, %dma_wait3A_1226, %dma_wait3A_1227] : memref<1024x8x8x8x128xf32, #tpu.memory_space<hbm>> -> memref<1x1x1x8x128xf32, #tpu.memory_space<hbm>>
      %dma_wait3A_1229 = tpu.memref_squeeze %dma_wait3A_1228 : memref<1x1x1x8x128xf32, #tpu.memory_space<hbm>> -> memref<8x128xf32, #tpu.memory_space<hbm>>
      %dma_wait3A_1230 = arith.constant 0 : i32
      %dma_wait3A_1231 = arith.constant 0 : i32
      %dma_wait3A_1232 = tpu.memref_slice %arg3[%add3A_12, %dma_wait3A_1222, %dma_wait3A_1223, %dma_wait3A_1230, %dma_wait3A_1231] : memref<1024x8x8x8x128xf32, #tpu.memory_space<hbm>> -> memref<1x1x1x8x128xf32, #tpu.memory_space<hbm>>
      %dma_wait3A_1233 = tpu.memref_squeeze %dma_wait3A_1232 : memref<1x1x1x8x128xf32, #tpu.memory_space<hbm>> -> memref<8x128xf32, #tpu.memory_space<hbm>>
      %dma_wait3A_1234 = arith.constant 8 : i32
      %dma_wait3A_1235 = tpu.memref_slice %arg4[%dma_wait3A_1234, %add3A_226] : memref<64x2016xf32, #tpu.memory_space<vmem>> -> memref<8x128xf32, #tpu.memory_space<vmem>>
      tpu.wait_dma2 semaphore(%arg5 : memref<!tpu.dma_semaphore, #tpu.memory_space<semaphore_mem>>) src(%dma_wait3A_1235 : memref<8x128xf32, #tpu.memory_space<vmem>>) dst(%dma_wait3A_1233 : memref<8x128xf32, #tpu.memory_space<hbm>>)
      %dma_wait3A_1236 = arith.constant 1 : i32
      %dma_wait3A_1237 = arith.constant 6 : i32
      %dma_wait3A_1238 = arith.constant 8 : i32
      %dma_wait3A_1239 = tpu.memref_slice %arg4[%dma_wait3A_1238, %add3A_242] : memref<64x2016xf32, #tpu.memory_space<vmem>> -> memref<8x128xf32, #tpu.memory_space<vmem>>
      %dma_wait3A_1240 = arith.constant 0 : i32
      %dma_wait3A_1241 = arith.constant 0 : i32
      %dma_wait3A_1242 = tpu.memref_slice %arg3[%add3A_12, %dma_wait3A_1236, %dma_wait3A_1237, %dma_wait3A_1240, %dma_wait3A_1241] : memref<1024x8x8x8x128xf32, #tpu.memory_space<hbm>> -> memref<1x1x1x8x128xf32, #tpu.memory_space<hbm>>
      %dma_wait3A_1243 = tpu.memref_squeeze %dma_wait3A_1242 : memref<1x1x1x8x128xf32, #tpu.memory_space<hbm>> -> memref<8x128xf32, #tpu.memory_space<hbm>>
      %dma_wait3A_1244 = arith.constant 0 : i32
      %dma_wait3A_1245 = arith.constant 0 : i32
      %dma_wait3A_1246 = tpu.memref_slice %arg3[%add3A_12, %dma_wait3A_1236, %dma_wait3A_1237, %dma_wait3A_1244, %dma_wait3A_1245] : memref<1024x8x8x8x128xf32, #tpu.memory_space<hbm>> -> memref<1x1x1x8x128xf32, #tpu.memory_space<hbm>>
      %dma_wait3A_1247 = tpu.memref_squeeze %dma_wait3A_1246 : memref<1x1x1x8x128xf32, #tpu.memory_space<hbm>> -> memref<8x128xf32, #tpu.memory_space<hbm>>
      %dma_wait3A_1248 = arith.constant 8 : i32
      %dma_wait3A_1249 = tpu.memref_slice %arg4[%dma_wait3A_1248, %add3A_242] : memref<64x2016xf32, #tpu.memory_space<vmem>> -> memref<8x128xf32, #tpu.memory_space<vmem>>
      tpu.wait_dma2 semaphore(%arg5 : memref<!tpu.dma_semaphore, #tpu.memory_space<semaphore_mem>>) src(%dma_wait3A_1249 : memref<8x128xf32, #tpu.memory_space<vmem>>) dst(%dma_wait3A_1247 : memref<8x128xf32, #tpu.memory_space<hbm>>)
      %dma_wait3A_1250 = arith.constant 1 : i32
      %dma_wait3A_1251 = arith.constant 7 : i32
      %dma_wait3A_1252 = arith.constant 8 : i32
      %dma_wait3A_1253 = tpu.memref_slice %arg4[%dma_wait3A_1252, %add3A_258] : memref<64x2016xf32, #tpu.memory_space<vmem>> -> memref<8x128xf32, #tpu.memory_space<vmem>>
      %dma_wait3A_1254 = arith.constant 0 : i32
      %dma_wait3A_1255 = arith.constant 0 : i32
      %dma_wait3A_1256 = tpu.memref_slice %arg3[%add3A_12, %dma_wait3A_1250, %dma_wait3A_1251, %dma_wait3A_1254, %dma_wait3A_1255] : memref<1024x8x8x8x128xf32, #tpu.memory_space<hbm>> -> memref<1x1x1x8x128xf32, #tpu.memory_space<hbm>>
      %dma_wait3A_1257 = tpu.memref_squeeze %dma_wait3A_1256 : memref<1x1x1x8x128xf32, #tpu.memory_space<hbm>> -> memref<8x128xf32, #tpu.memory_space<hbm>>
      %dma_wait3A_1258 = arith.constant 0 : i32
      %dma_wait3A_1259 = arith.constant 0 : i32
      %dma_wait3A_1260 = tpu.memref_slice %arg3[%add3A_12, %dma_wait3A_1250, %dma_wait3A_1251, %dma_wait3A_1258, %dma_wait3A_1259] : memref<1024x8x8x8x128xf32, #tpu.memory_space<hbm>> -> memref<1x1x1x8x128xf32, #tpu.memory_space<hbm>>
      %dma_wait3A_1261 = tpu.memref_squeeze %dma_wait3A_1260 : memref<1x1x1x8x128xf32, #tpu.memory_space<hbm>> -> memref<8x128xf32, #tpu.memory_space<hbm>>
      %dma_wait3A_1262 = arith.constant 8 : i32
      %dma_wait3A_1263 = tpu.memref_slice %arg4[%dma_wait3A_1262, %add3A_258] : memref<64x2016xf32, #tpu.memory_space<vmem>> -> memref<8x128xf32, #tpu.memory_space<vmem>>
      tpu.wait_dma2 semaphore(%arg5 : memref<!tpu.dma_semaphore, #tpu.memory_space<semaphore_mem>>) src(%dma_wait3A_1263 : memref<8x128xf32, #tpu.memory_space<vmem>>) dst(%dma_wait3A_1261 : memref<8x128xf32, #tpu.memory_space<hbm>>)
      %dma_wait3A_1264 = arith.constant 2 : i32
      %dma_wait3A_1265 = arith.constant 0 : i32
      %dma_wait3A_1266 = arith.constant 16 : i32
      %dma_wait3A_1267 = tpu.memref_slice %arg4[%dma_wait3A_1266, %add3A_274] : memref<64x2016xf32, #tpu.memory_space<vmem>> -> memref<8x128xf32, #tpu.memory_space<vmem>>
      %dma_wait3A_1268 = arith.constant 0 : i32
      %dma_wait3A_1269 = arith.constant 0 : i32
      %dma_wait3A_1270 = tpu.memref_slice %arg3[%add3A_12, %dma_wait3A_1264, %dma_wait3A_1265, %dma_wait3A_1268, %dma_wait3A_1269] : memref<1024x8x8x8x128xf32, #tpu.memory_space<hbm>> -> memref<1x1x1x8x128xf32, #tpu.memory_space<hbm>>
      %dma_wait3A_1271 = tpu.memref_squeeze %dma_wait3A_1270 : memref<1x1x1x8x128xf32, #tpu.memory_space<hbm>> -> memref<8x128xf32, #tpu.memory_space<hbm>>
      %dma_wait3A_1272 = arith.constant 0 : i32
      %dma_wait3A_1273 = arith.constant 0 : i32
      %dma_wait3A_1274 = tpu.memref_slice %arg3[%add3A_12, %dma_wait3A_1264, %dma_wait3A_1265, %dma_wait3A_1272, %dma_wait3A_1273] : memref<1024x8x8x8x128xf32, #tpu.memory_space<hbm>> -> memref<1x1x1x8x128xf32, #tpu.memory_space<hbm>>
      %dma_wait3A_1275 = tpu.memref_squeeze %dma_wait3A_1274 : memref<1x1x1x8x128xf32, #tpu.memory_space<hbm>> -> memref<8x128xf32, #tpu.memory_space<hbm>>
      %dma_wait3A_1276 = arith.constant 16 : i32
      %dma_wait3A_1277 = tpu.memref_slice %arg4[%dma_wait3A_1276, %add3A_274] : memref<64x2016xf32, #tpu.memory_space<vmem>> -> memref<8x128xf32, #tpu.memory_space<vmem>>
      tpu.wait_dma2 semaphore(%arg5 : memref<!tpu.dma_semaphore, #tpu.memory_space<semaphore_mem>>) src(%dma_wait3A_1277 : memref<8x128xf32, #tpu.memory_space<vmem>>) dst(%dma_wait3A_1275 : memref<8x128xf32, #tpu.memory_space<hbm>>)
      %dma_wait3A_1278 = arith.constant 2 : i32
      %dma_wait3A_1279 = arith.constant 1 : i32
      %dma_wait3A_1280 = arith.constant 16 : i32
      %dma_wait3A_1281 = tpu.memref_slice %arg4[%dma_wait3A_1280, %add3A_290] : memref<64x2016xf32, #tpu.memory_space<vmem>> -> memref<8x128xf32, #tpu.memory_space<vmem>>
      %dma_wait3A_1282 = arith.constant 0 : i32
      %dma_wait3A_1283 = arith.constant 0 : i32
      %dma_wait3A_1284 = tpu.memref_slice %arg3[%add3A_12, %dma_wait3A_1278, %dma_wait3A_1279, %dma_wait3A_1282, %dma_wait3A_1283] : memref<1024x8x8x8x128xf32, #tpu.memory_space<hbm>> -> memref<1x1x1x8x128xf32, #tpu.memory_space<hbm>>
      %dma_wait3A_1285 = tpu.memref_squeeze %dma_wait3A_1284 : memref<1x1x1x8x128xf32, #tpu.memory_space<hbm>> -> memref<8x128xf32, #tpu.memory_space<hbm>>
      %dma_wait3A_1286 = arith.constant 0 : i32
      %dma_wait3A_1287 = arith.constant 0 : i32
      %dma_wait3A_1288 = tpu.memref_slice %arg3[%add3A_12, %dma_wait3A_1278, %dma_wait3A_1279, %dma_wait3A_1286, %dma_wait3A_1287] : memref<1024x8x8x8x128xf32, #tpu.memory_space<hbm>> -> memref<1x1x1x8x128xf32, #tpu.memory_space<hbm>>
      %dma_wait3A_1289 = tpu.memref_squeeze %dma_wait3A_1288 : memref<1x1x1x8x128xf32, #tpu.memory_space<hbm>> -> memref<8x128xf32, #tpu.memory_space<hbm>>
      %dma_wait3A_1290 = arith.constant 16 : i32
      %dma_wait3A_1291 = tpu.memref_slice %arg4[%dma_wait3A_1290, %add3A_290] : memref<64x2016xf32, #tpu.memory_space<vmem>> -> memref<8x128xf32, #tpu.memory_space<vmem>>
      tpu.wait_dma2 semaphore(%arg5 : memref<!tpu.dma_semaphore, #tpu.memory_space<semaphore_mem>>) src(%dma_wait3A_1291 : memref<8x128xf32, #tpu.memory_space<vmem>>) dst(%dma_wait3A_1289 : memref<8x128xf32, #tpu.memory_space<hbm>>)
      %dma_wait3A_1292 = arith.constant 2 : i32
      %dma_wait3A_1293 = arith.constant 2 : i32
      %dma_wait3A_1294 = arith.constant 16 : i32
      %dma_wait3A_1295 = tpu.memref_slice %arg4[%dma_wait3A_1294, %add3A_306] : memref<64x2016xf32, #tpu.memory_space<vmem>> -> memref<8x128xf32, #tpu.memory_space<vmem>>
      %dma_wait3A_1296 = arith.constant 0 : i32
      %dma_wait3A_1297 = arith.constant 0 : i32
      %dma_wait3A_1298 = tpu.memref_slice %arg3[%add3A_12, %dma_wait3A_1292, %dma_wait3A_1293, %dma_wait3A_1296, %dma_wait3A_1297] : memref<1024x8x8x8x128xf32, #tpu.memory_space<hbm>> -> memref<1x1x1x8x128xf32, #tpu.memory_space<hbm>>
      %dma_wait3A_1299 = tpu.memref_squeeze %dma_wait3A_1298 : memref<1x1x1x8x128xf32, #tpu.memory_space<hbm>> -> memref<8x128xf32, #tpu.memory_space<hbm>>
      %dma_wait3A_1300 = arith.constant 0 : i32
      %dma_wait3A_1301 = arith.constant 0 : i32
      %dma_wait3A_1302 = tpu.memref_slice %arg3[%add3A_12, %dma_wait3A_1292, %dma_wait3A_1293, %dma_wait3A_1300, %dma_wait3A_1301] : memref<1024x8x8x8x128xf32, #tpu.memory_space<hbm>> -> memref<1x1x1x8x128xf32, #tpu.memory_space<hbm>>
      %dma_wait3A_1303 = tpu.memref_squeeze %dma_wait3A_1302 : memref<1x1x1x8x128xf32, #tpu.memory_space<hbm>> -> memref<8x128xf32, #tpu.memory_space<hbm>>
      %dma_wait3A_1304 = arith.constant 16 : i32
      %dma_wait3A_1305 = tpu.memref_slice %arg4[%dma_wait3A_1304, %add3A_306] : memref<64x2016xf32, #tpu.memory_space<vmem>> -> memref<8x128xf32, #tpu.memory_space<vmem>>
      tpu.wait_dma2 semaphore(%arg5 : memref<!tpu.dma_semaphore, #tpu.memory_space<semaphore_mem>>) src(%dma_wait3A_1305 : memref<8x128xf32, #tpu.memory_space<vmem>>) dst(%dma_wait3A_1303 : memref<8x128xf32, #tpu.memory_space<hbm>>)
      %dma_wait3A_1306 = arith.constant 2 : i32
      %dma_wait3A_1307 = arith.constant 3 : i32
      %dma_wait3A_1308 = arith.constant 16 : i32
      %dma_wait3A_1309 = tpu.memref_slice %arg4[%dma_wait3A_1308, %add3A_322] : memref<64x2016xf32, #tpu.memory_space<vmem>> -> memref<8x128xf32, #tpu.memory_space<vmem>>
      %dma_wait3A_1310 = arith.constant 0 : i32
      %dma_wait3A_1311 = arith.constant 0 : i32
      %dma_wait3A_1312 = tpu.memref_slice %arg3[%add3A_12, %dma_wait3A_1306, %dma_wait3A_1307, %dma_wait3A_1310, %dma_wait3A_1311] : memref<1024x8x8x8x128xf32, #tpu.memory_space<hbm>> -> memref<1x1x1x8x128xf32, #tpu.memory_space<hbm>>
      %dma_wait3A_1313 = tpu.memref_squeeze %dma_wait3A_1312 : memref<1x1x1x8x128xf32, #tpu.memory_space<hbm>> -> memref<8x128xf32, #tpu.memory_space<hbm>>
      %dma_wait3A_1314 = arith.constant 0 : i32
      %dma_wait3A_1315 = arith.constant 0 : i32
      %dma_wait3A_1316 = tpu.memref_slice %arg3[%add3A_12, %dma_wait3A_1306, %dma_wait3A_1307, %dma_wait3A_1314, %dma_wait3A_1315] : memref<1024x8x8x8x128xf32, #tpu.memory_space<hbm>> -> memref<1x1x1x8x128xf32, #tpu.memory_space<hbm>>
      %dma_wait3A_1317 = tpu.memref_squeeze %dma_wait3A_1316 : memref<1x1x1x8x128xf32, #tpu.memory_space<hbm>> -> memref<8x128xf32, #tpu.memory_space<hbm>>
      %dma_wait3A_1318 = arith.constant 16 : i32
      %dma_wait3A_1319 = tpu.memref_slice %arg4[%dma_wait3A_1318, %add3A_322] : memref<64x2016xf32, #tpu.memory_space<vmem>> -> memref<8x128xf32, #tpu.memory_space<vmem>>
      tpu.wait_dma2 semaphore(%arg5 : memref<!tpu.dma_semaphore, #tpu.memory_space<semaphore_mem>>) src(%dma_wait3A_1319 : memref<8x128xf32, #tpu.memory_space<vmem>>) dst(%dma_wait3A_1317 : memref<8x128xf32, #tpu.memory_space<hbm>>)
      %dma_wait3A_1320 = arith.constant 2 : i32
      %dma_wait3A_1321 = arith.constant 4 : i32
      %dma_wait3A_1322 = arith.constant 16 : i32
      %dma_wait3A_1323 = tpu.memref_slice %arg4[%dma_wait3A_1322, %add3A_338] : memref<64x2016xf32, #tpu.memory_space<vmem>> -> memref<8x128xf32, #tpu.memory_space<vmem>>
      %dma_wait3A_1324 = arith.constant 0 : i32
      %dma_wait3A_1325 = arith.constant 0 : i32
      %dma_wait3A_1326 = tpu.memref_slice %arg3[%add3A_12, %dma_wait3A_1320, %dma_wait3A_1321, %dma_wait3A_1324, %dma_wait3A_1325] : memref<1024x8x8x8x128xf32, #tpu.memory_space<hbm>> -> memref<1x1x1x8x128xf32, #tpu.memory_space<hbm>>
      %dma_wait3A_1327 = tpu.memref_squeeze %dma_wait3A_1326 : memref<1x1x1x8x128xf32, #tpu.memory_space<hbm>> -> memref<8x128xf32, #tpu.memory_space<hbm>>
      %dma_wait3A_1328 = arith.constant 0 : i32
      %dma_wait3A_1329 = arith.constant 0 : i32
      %dma_wait3A_1330 = tpu.memref_slice %arg3[%add3A_12, %dma_wait3A_1320, %dma_wait3A_1321, %dma_wait3A_1328, %dma_wait3A_1329] : memref<1024x8x8x8x128xf32, #tpu.memory_space<hbm>> -> memref<1x1x1x8x128xf32, #tpu.memory_space<hbm>>
      %dma_wait3A_1331 = tpu.memref_squeeze %dma_wait3A_1330 : memref<1x1x1x8x128xf32, #tpu.memory_space<hbm>> -> memref<8x128xf32, #tpu.memory_space<hbm>>
      %dma_wait3A_1332 = arith.constant 16 : i32
      %dma_wait3A_1333 = tpu.memref_slice %arg4[%dma_wait3A_1332, %add3A_338] : memref<64x2016xf32, #tpu.memory_space<vmem>> -> memref<8x128xf32, #tpu.memory_space<vmem>>
      tpu.wait_dma2 semaphore(%arg5 : memref<!tpu.dma_semaphore, #tpu.memory_space<semaphore_mem>>) src(%dma_wait3A_1333 : memref<8x128xf32, #tpu.memory_space<vmem>>) dst(%dma_wait3A_1331 : memref<8x128xf32, #tpu.memory_space<hbm>>)
      %dma_wait3A_1334 = arith.constant 2 : i32
      %dma_wait3A_1335 = arith.constant 5 : i32
      %dma_wait3A_1336 = arith.constant 16 : i32
      %dma_wait3A_1337 = tpu.memref_slice %arg4[%dma_wait3A_1336, %add3A_354] : memref<64x2016xf32, #tpu.memory_space<vmem>> -> memref<8x128xf32, #tpu.memory_space<vmem>>
      %dma_wait3A_1338 = arith.constant 0 : i32
      %dma_wait3A_1339 = arith.constant 0 : i32
      %dma_wait3A_1340 = tpu.memref_slice %arg3[%add3A_12, %dma_wait3A_1334, %dma_wait3A_1335, %dma_wait3A_1338, %dma_wait3A_1339] : memref<1024x8x8x8x128xf32, #tpu.memory_space<hbm>> -> memref<1x1x1x8x128xf32, #tpu.memory_space<hbm>>
      %dma_wait3A_1341 = tpu.memref_squeeze %dma_wait3A_1340 : memref<1x1x1x8x128xf32, #tpu.memory_space<hbm>> -> memref<8x128xf32, #tpu.memory_space<hbm>>
      %dma_wait3A_1342 = arith.constant 0 : i32
      %dma_wait3A_1343 = arith.constant 0 : i32
      %dma_wait3A_1344 = tpu.memref_slice %arg3[%add3A_12, %dma_wait3A_1334, %dma_wait3A_1335, %dma_wait3A_1342, %dma_wait3A_1343] : memref<1024x8x8x8x128xf32, #tpu.memory_space<hbm>> -> memref<1x1x1x8x128xf32, #tpu.memory_space<hbm>>
      %dma_wait3A_1345 = tpu.memref_squeeze %dma_wait3A_1344 : memref<1x1x1x8x128xf32, #tpu.memory_space<hbm>> -> memref<8x128xf32, #tpu.memory_space<hbm>>
      %dma_wait3A_1346 = arith.constant 16 : i32
      %dma_wait3A_1347 = tpu.memref_slice %arg4[%dma_wait3A_1346, %add3A_354] : memref<64x2016xf32, #tpu.memory_space<vmem>> -> memref<8x128xf32, #tpu.memory_space<vmem>>
      tpu.wait_dma2 semaphore(%arg5 : memref<!tpu.dma_semaphore, #tpu.memory_space<semaphore_mem>>) src(%dma_wait3A_1347 : memref<8x128xf32, #tpu.memory_space<vmem>>) dst(%dma_wait3A_1345 : memref<8x128xf32, #tpu.memory_space<hbm>>)
      %dma_wait3A_1348 = arith.constant 2 : i32
      %dma_wait3A_1349 = arith.constant 6 : i32
      %dma_wait3A_1350 = arith.constant 16 : i32
      %dma_wait3A_1351 = tpu.memref_slice %arg4[%dma_wait3A_1350, %add3A_370] : memref<64x2016xf32, #tpu.memory_space<vmem>> -> memref<8x128xf32, #tpu.memory_space<vmem>>
      %dma_wait3A_1352 = arith.constant 0 : i32
      %dma_wait3A_1353 = arith.constant 0 : i32
      %dma_wait3A_1354 = tpu.memref_slice %arg3[%add3A_12, %dma_wait3A_1348, %dma_wait3A_1349, %dma_wait3A_1352, %dma_wait3A_1353] : memref<1024x8x8x8x128xf32, #tpu.memory_space<hbm>> -> memref<1x1x1x8x128xf32, #tpu.memory_space<hbm>>
      %dma_wait3A_1355 = tpu.memref_squeeze %dma_wait3A_1354 : memref<1x1x1x8x128xf32, #tpu.memory_space<hbm>> -> memref<8x128xf32, #tpu.memory_space<hbm>>
      %dma_wait3A_1356 = arith.constant 0 : i32
      %dma_wait3A_1357 = arith.constant 0 : i32
      %dma_wait3A_1358 = tpu.memref_slice %arg3[%add3A_12, %dma_wait3A_1348, %dma_wait3A_1349, %dma_wait3A_1356, %dma_wait3A_1357] : memref<1024x8x8x8x128xf32, #tpu.memory_space<hbm>> -> memref<1x1x1x8x128xf32, #tpu.memory_space<hbm>>
      %dma_wait3A_1359 = tpu.memref_squeeze %dma_wait3A_1358 : memref<1x1x1x8x128xf32, #tpu.memory_space<hbm>> -> memref<8x128xf32, #tpu.memory_space<hbm>>
      %dma_wait3A_1360 = arith.constant 16 : i32
      %dma_wait3A_1361 = tpu.memref_slice %arg4[%dma_wait3A_1360, %add3A_370] : memref<64x2016xf32, #tpu.memory_space<vmem>> -> memref<8x128xf32, #tpu.memory_space<vmem>>
      tpu.wait_dma2 semaphore(%arg5 : memref<!tpu.dma_semaphore, #tpu.memory_space<semaphore_mem>>) src(%dma_wait3A_1361 : memref<8x128xf32, #tpu.memory_space<vmem>>) dst(%dma_wait3A_1359 : memref<8x128xf32, #tpu.memory_space<hbm>>)
      %dma_wait3A_1362 = arith.constant 2 : i32
      %dma_wait3A_1363 = arith.constant 7 : i32
      %dma_wait3A_1364 = arith.constant 16 : i32
      %dma_wait3A_1365 = tpu.memref_slice %arg4[%dma_wait3A_1364, %add3A_386] : memref<64x2016xf32, #tpu.memory_space<vmem>> -> memref<8x128xf32, #tpu.memory_space<vmem>>
      %dma_wait3A_1366 = arith.constant 0 : i32
      %dma_wait3A_1367 = arith.constant 0 : i32
      %dma_wait3A_1368 = tpu.memref_slice %arg3[%add3A_12, %dma_wait3A_1362, %dma_wait3A_1363, %dma_wait3A_1366, %dma_wait3A_1367] : memref<1024x8x8x8x128xf32, #tpu.memory_space<hbm>> -> memref<1x1x1x8x128xf32, #tpu.memory_space<hbm>>
      %dma_wait3A_1369 = tpu.memref_squeeze %dma_wait3A_1368 : memref<1x1x1x8x128xf32, #tpu.memory_space<hbm>> -> memref<8x128xf32, #tpu.memory_space<hbm>>
      %dma_wait3A_1370 = arith.constant 0 : i32
      %dma_wait3A_1371 = arith.constant 0 : i32
      %dma_wait3A_1372 = tpu.memref_slice %arg3[%add3A_12, %dma_wait3A_1362, %dma_wait3A_1363, %dma_wait3A_1370, %dma_wait3A_1371] : memref<1024x8x8x8x128xf32, #tpu.memory_space<hbm>> -> memref<1x1x1x8x128xf32, #tpu.memory_space<hbm>>
      %dma_wait3A_1373 = tpu.memref_squeeze %dma_wait3A_1372 : memref<1x1x1x8x128xf32, #tpu.memory_space<hbm>> -> memref<8x128xf32, #tpu.memory_space<hbm>>
      %dma_wait3A_1374 = arith.constant 16 : i32
      %dma_wait3A_1375 = tpu.memref_slice %arg4[%dma_wait3A_1374, %add3A_386] : memref<64x2016xf32, #tpu.memory_space<vmem>> -> memref<8x128xf32, #tpu.memory_space<vmem>>
      tpu.wait_dma2 semaphore(%arg5 : memref<!tpu.dma_semaphore, #tpu.memory_space<semaphore_mem>>) src(%dma_wait3A_1375 : memref<8x128xf32, #tpu.memory_space<vmem>>) dst(%dma_wait3A_1373 : memref<8x128xf32, #tpu.memory_space<hbm>>)
      %dma_wait3A_1376 = arith.constant 3 : i32
      %dma_wait3A_1377 = arith.constant 0 : i32
      %dma_wait3A_1378 = arith.constant 24 : i32
      %dma_wait3A_1379 = tpu.memref_slice %arg4[%dma_wait3A_1378, %add3A_402] : memref<64x2016xf32, #tpu.memory_space<vmem>> -> memref<8x128xf32, #tpu.memory_space<vmem>>
      %dma_wait3A_1380 = arith.constant 0 : i32
      %dma_wait3A_1381 = arith.constant 0 : i32
      %dma_wait3A_1382 = tpu.memref_slice %arg3[%add3A_12, %dma_wait3A_1376, %dma_wait3A_1377, %dma_wait3A_1380, %dma_wait3A_1381] : memref<1024x8x8x8x128xf32, #tpu.memory_space<hbm>> -> memref<1x1x1x8x128xf32, #tpu.memory_space<hbm>>
      %dma_wait3A_1383 = tpu.memref_squeeze %dma_wait3A_1382 : memref<1x1x1x8x128xf32, #tpu.memory_space<hbm>> -> memref<8x128xf32, #tpu.memory_space<hbm>>
      %dma_wait3A_1384 = arith.constant 0 : i32
      %dma_wait3A_1385 = arith.constant 0 : i32
      %dma_wait3A_1386 = tpu.memref_slice %arg3[%add3A_12, %dma_wait3A_1376, %dma_wait3A_1377, %dma_wait3A_1384, %dma_wait3A_1385] : memref<1024x8x8x8x128xf32, #tpu.memory_space<hbm>> -> memref<1x1x1x8x128xf32, #tpu.memory_space<hbm>>
      %dma_wait3A_1387 = tpu.memref_squeeze %dma_wait3A_1386 : memref<1x1x1x8x128xf32, #tpu.memory_space<hbm>> -> memref<8x128xf32, #tpu.memory_space<hbm>>
      %dma_wait3A_1388 = arith.constant 24 : i32
      %dma_wait3A_1389 = tpu.memref_slice %arg4[%dma_wait3A_1388, %add3A_402] : memref<64x2016xf32, #tpu.memory_space<vmem>> -> memref<8x128xf32, #tpu.memory_space<vmem>>
      tpu.wait_dma2 semaphore(%arg5 : memref<!tpu.dma_semaphore, #tpu.memory_space<semaphore_mem>>) src(%dma_wait3A_1389 : memref<8x128xf32, #tpu.memory_space<vmem>>) dst(%dma_wait3A_1387 : memref<8x128xf32, #tpu.memory_space<hbm>>)
      %dma_wait3A_1390 = arith.constant 3 : i32
      %dma_wait3A_1391 = arith.constant 1 : i32
      %dma_wait3A_1392 = arith.constant 24 : i32
      %dma_wait3A_1393 = tpu.memref_slice %arg4[%dma_wait3A_1392, %add3A_418] : memref<64x2016xf32, #tpu.memory_space<vmem>> -> memref<8x128xf32, #tpu.memory_space<vmem>>
      %dma_wait3A_1394 = arith.constant 0 : i32
      %dma_wait3A_1395 = arith.constant 0 : i32
      %dma_wait3A_1396 = tpu.memref_slice %arg3[%add3A_12, %dma_wait3A_1390, %dma_wait3A_1391, %dma_wait3A_1394, %dma_wait3A_1395] : memref<1024x8x8x8x128xf32, #tpu.memory_space<hbm>> -> memref<1x1x1x8x128xf32, #tpu.memory_space<hbm>>
      %dma_wait3A_1397 = tpu.memref_squeeze %dma_wait3A_1396 : memref<1x1x1x8x128xf32, #tpu.memory_space<hbm>> -> memref<8x128xf32, #tpu.memory_space<hbm>>
      %dma_wait3A_1398 = arith.constant 0 : i32
      %dma_wait3A_1399 = arith.constant 0 : i32
      %dma_wait3A_1400 = tpu.memref_slice %arg3[%add3A_12, %dma_wait3A_1390, %dma_wait3A_1391, %dma_wait3A_1398, %dma_wait3A_1399] : memref<1024x8x8x8x128xf32, #tpu.memory_space<hbm>> -> memref<1x1x1x8x128xf32, #tpu.memory_space<hbm>>
      %dma_wait3A_1401 = tpu.memref_squeeze %dma_wait3A_1400 : memref<1x1x1x8x128xf32, #tpu.memory_space<hbm>> -> memref<8x128xf32, #tpu.memory_space<hbm>>
      %dma_wait3A_1402 = arith.constant 24 : i32
      %dma_wait3A_1403 = tpu.memref_slice %arg4[%dma_wait3A_1402, %add3A_418] : memref<64x2016xf32, #tpu.memory_space<vmem>> -> memref<8x128xf32, #tpu.memory_space<vmem>>
      tpu.wait_dma2 semaphore(%arg5 : memref<!tpu.dma_semaphore, #tpu.memory_space<semaphore_mem>>) src(%dma_wait3A_1403 : memref<8x128xf32, #tpu.memory_space<vmem>>) dst(%dma_wait3A_1401 : memref<8x128xf32, #tpu.memory_space<hbm>>)
      %dma_wait3A_1404 = arith.constant 3 : i32
      %dma_wait3A_1405 = arith.constant 2 : i32
      %dma_wait3A_1406 = arith.constant 24 : i32
      %dma_wait3A_1407 = tpu.memref_slice %arg4[%dma_wait3A_1406, %add3A_434] : memref<64x2016xf32, #tpu.memory_space<vmem>> -> memref<8x128xf32, #tpu.memory_space<vmem>>
      %dma_wait3A_1408 = arith.constant 0 : i32
      %dma_wait3A_1409 = arith.constant 0 : i32
      %dma_wait3A_1410 = tpu.memref_slice %arg3[%add3A_12, %dma_wait3A_1404, %dma_wait3A_1405, %dma_wait3A_1408, %dma_wait3A_1409] : memref<1024x8x8x8x128xf32, #tpu.memory_space<hbm>> -> memref<1x1x1x8x128xf32, #tpu.memory_space<hbm>>
      %dma_wait3A_1411 = tpu.memref_squeeze %dma_wait3A_1410 : memref<1x1x1x8x128xf32, #tpu.memory_space<hbm>> -> memref<8x128xf32, #tpu.memory_space<hbm>>
      %dma_wait3A_1412 = arith.constant 0 : i32
      %dma_wait3A_1413 = arith.constant 0 : i32
      %dma_wait3A_1414 = tpu.memref_slice %arg3[%add3A_12, %dma_wait3A_1404, %dma_wait3A_1405, %dma_wait3A_1412, %dma_wait3A_1413] : memref<1024x8x8x8x128xf32, #tpu.memory_space<hbm>> -> memref<1x1x1x8x128xf32, #tpu.memory_space<hbm>>
      %dma_wait3A_1415 = tpu.memref_squeeze %dma_wait3A_1414 : memref<1x1x1x8x128xf32, #tpu.memory_space<hbm>> -> memref<8x128xf32, #tpu.memory_space<hbm>>
      %dma_wait3A_1416 = arith.constant 24 : i32
      %dma_wait3A_1417 = tpu.memref_slice %arg4[%dma_wait3A_1416, %add3A_434] : memref<64x2016xf32, #tpu.memory_space<vmem>> -> memref<8x128xf32, #tpu.memory_space<vmem>>
      tpu.wait_dma2 semaphore(%arg5 : memref<!tpu.dma_semaphore, #tpu.memory_space<semaphore_mem>>) src(%dma_wait3A_1417 : memref<8x128xf32, #tpu.memory_space<vmem>>) dst(%dma_wait3A_1415 : memref<8x128xf32, #tpu.memory_space<hbm>>)
      %dma_wait3A_1418 = arith.constant 3 : i32
      %dma_wait3A_1419 = arith.constant 3 : i32
      %dma_wait3A_1420 = arith.constant 24 : i32
      %dma_wait3A_1421 = tpu.memref_slice %arg4[%dma_wait3A_1420, %add3A_450] : memref<64x2016xf32, #tpu.memory_space<vmem>> -> memref<8x128xf32, #tpu.memory_space<vmem>>
      %dma_wait3A_1422 = arith.constant 0 : i32
      %dma_wait3A_1423 = arith.constant 0 : i32
      %dma_wait3A_1424 = tpu.memref_slice %arg3[%add3A_12, %dma_wait3A_1418, %dma_wait3A_1419, %dma_wait3A_1422, %dma_wait3A_1423] : memref<1024x8x8x8x128xf32, #tpu.memory_space<hbm>> -> memref<1x1x1x8x128xf32, #tpu.memory_space<hbm>>
      %dma_wait3A_1425 = tpu.memref_squeeze %dma_wait3A_1424 : memref<1x1x1x8x128xf32, #tpu.memory_space<hbm>> -> memref<8x128xf32, #tpu.memory_space<hbm>>
      %dma_wait3A_1426 = arith.constant 0 : i32
      %dma_wait3A_1427 = arith.constant 0 : i32
      %dma_wait3A_1428 = tpu.memref_slice %arg3[%add3A_12, %dma_wait3A_1418, %dma_wait3A_1419, %dma_wait3A_1426, %dma_wait3A_1427] : memref<1024x8x8x8x128xf32, #tpu.memory_space<hbm>> -> memref<1x1x1x8x128xf32, #tpu.memory_space<hbm>>
      %dma_wait3A_1429 = tpu.memref_squeeze %dma_wait3A_1428 : memref<1x1x1x8x128xf32, #tpu.memory_space<hbm>> -> memref<8x128xf32, #tpu.memory_space<hbm>>
      %dma_wait3A_1430 = arith.constant 24 : i32
      %dma_wait3A_1431 = tpu.memref_slice %arg4[%dma_wait3A_1430, %add3A_450] : memref<64x2016xf32, #tpu.memory_space<vmem>> -> memref<8x128xf32, #tpu.memory_space<vmem>>
      tpu.wait_dma2 semaphore(%arg5 : memref<!tpu.dma_semaphore, #tpu.memory_space<semaphore_mem>>) src(%dma_wait3A_1431 : memref<8x128xf32, #tpu.memory_space<vmem>>) dst(%dma_wait3A_1429 : memref<8x128xf32, #tpu.memory_space<hbm>>)
      %dma_wait3A_1432 = arith.constant 3 : i32
      %dma_wait3A_1433 = arith.constant 4 : i32
      %dma_wait3A_1434 = arith.constant 24 : i32
      %dma_wait3A_1435 = tpu.memref_slice %arg4[%dma_wait3A_1434, %add3A_466] : memref<64x2016xf32, #tpu.memory_space<vmem>> -> memref<8x128xf32, #tpu.memory_space<vmem>>
      %dma_wait3A_1436 = arith.constant 0 : i32
      %dma_wait3A_1437 = arith.constant 0 : i32
      %dma_wait3A_1438 = tpu.memref_slice %arg3[%add3A_12, %dma_wait3A_1432, %dma_wait3A_1433, %dma_wait3A_1436, %dma_wait3A_1437] : memref<1024x8x8x8x128xf32, #tpu.memory_space<hbm>> -> memref<1x1x1x8x128xf32, #tpu.memory_space<hbm>>
      %dma_wait3A_1439 = tpu.memref_squeeze %dma_wait3A_1438 : memref<1x1x1x8x128xf32, #tpu.memory_space<hbm>> -> memref<8x128xf32, #tpu.memory_space<hbm>>
      %dma_wait3A_1440 = arith.constant 0 : i32
      %dma_wait3A_1441 = arith.constant 0 : i32
      %dma_wait3A_1442 = tpu.memref_slice %arg3[%add3A_12, %dma_wait3A_1432, %dma_wait3A_1433, %dma_wait3A_1440, %dma_wait3A_1441] : memref<1024x8x8x8x128xf32, #tpu.memory_space<hbm>> -> memref<1x1x1x8x128xf32, #tpu.memory_space<hbm>>
      %dma_wait3A_1443 = tpu.memref_squeeze %dma_wait3A_1442 : memref<1x1x1x8x128xf32, #tpu.memory_space<hbm>> -> memref<8x128xf32, #tpu.memory_space<hbm>>
      %dma_wait3A_1444 = arith.constant 24 : i32
      %dma_wait3A_1445 = tpu.memref_slice %arg4[%dma_wait3A_1444, %add3A_466] : memref<64x2016xf32, #tpu.memory_space<vmem>> -> memref<8x128xf32, #tpu.memory_space<vmem>>
      tpu.wait_dma2 semaphore(%arg5 : memref<!tpu.dma_semaphore, #tpu.memory_space<semaphore_mem>>) src(%dma_wait3A_1445 : memref<8x128xf32, #tpu.memory_space<vmem>>) dst(%dma_wait3A_1443 : memref<8x128xf32, #tpu.memory_space<hbm>>)
      %dma_wait3A_1446 = arith.constant 3 : i32
      %dma_wait3A_1447 = arith.constant 5 : i32
      %dma_wait3A_1448 = arith.constant 24 : i32
      %dma_wait3A_1449 = tpu.memref_slice %arg4[%dma_wait3A_1448, %add3A_482] : memref<64x2016xf32, #tpu.memory_space<vmem>> -> memref<8x128xf32, #tpu.memory_space<vmem>>
      %dma_wait3A_1450 = arith.constant 0 : i32
      %dma_wait3A_1451 = arith.constant 0 : i32
      %dma_wait3A_1452 = tpu.memref_slice %arg3[%add3A_12, %dma_wait3A_1446, %dma_wait3A_1447, %dma_wait3A_1450, %dma_wait3A_1451] : memref<1024x8x8x8x128xf32, #tpu.memory_space<hbm>> -> memref<1x1x1x8x128xf32, #tpu.memory_space<hbm>>
      %dma_wait3A_1453 = tpu.memref_squeeze %dma_wait3A_1452 : memref<1x1x1x8x128xf32, #tpu.memory_space<hbm>> -> memref<8x128xf32, #tpu.memory_space<hbm>>
      %dma_wait3A_1454 = arith.constant 0 : i32
      %dma_wait3A_1455 = arith.constant 0 : i32
      %dma_wait3A_1456 = tpu.memref_slice %arg3[%add3A_12, %dma_wait3A_1446, %dma_wait3A_1447, %dma_wait3A_1454, %dma_wait3A_1455] : memref<1024x8x8x8x128xf32, #tpu.memory_space<hbm>> -> memref<1x1x1x8x128xf32, #tpu.memory_space<hbm>>
      %dma_wait3A_1457 = tpu.memref_squeeze %dma_wait3A_1456 : memref<1x1x1x8x128xf32, #tpu.memory_space<hbm>> -> memref<8x128xf32, #tpu.memory_space<hbm>>
      %dma_wait3A_1458 = arith.constant 24 : i32
      %dma_wait3A_1459 = tpu.memref_slice %arg4[%dma_wait3A_1458, %add3A_482] : memref<64x2016xf32, #tpu.memory_space<vmem>> -> memref<8x128xf32, #tpu.memory_space<vmem>>
      tpu.wait_dma2 semaphore(%arg5 : memref<!tpu.dma_semaphore, #tpu.memory_space<semaphore_mem>>) src(%dma_wait3A_1459 : memref<8x128xf32, #tpu.memory_space<vmem>>) dst(%dma_wait3A_1457 : memref<8x128xf32, #tpu.memory_space<hbm>>)
      %dma_wait3A_1460 = arith.constant 3 : i32
      %dma_wait3A_1461 = arith.constant 6 : i32
      %dma_wait3A_1462 = arith.constant 24 : i32
      %dma_wait3A_1463 = tpu.memref_slice %arg4[%dma_wait3A_1462, %add3A_498] : memref<64x2016xf32, #tpu.memory_space<vmem>> -> memref<8x128xf32, #tpu.memory_space<vmem>>
      %dma_wait3A_1464 = arith.constant 0 : i32
      %dma_wait3A_1465 = arith.constant 0 : i32
      %dma_wait3A_1466 = tpu.memref_slice %arg3[%add3A_12, %dma_wait3A_1460, %dma_wait3A_1461, %dma_wait3A_1464, %dma_wait3A_1465] : memref<1024x8x8x8x128xf32, #tpu.memory_space<hbm>> -> memref<1x1x1x8x128xf32, #tpu.memory_space<hbm>>
      %dma_wait3A_1467 = tpu.memref_squeeze %dma_wait3A_1466 : memref<1x1x1x8x128xf32, #tpu.memory_space<hbm>> -> memref<8x128xf32, #tpu.memory_space<hbm>>
      %dma_wait3A_1468 = arith.constant 0 : i32
      %dma_wait3A_1469 = arith.constant 0 : i32
      %dma_wait3A_1470 = tpu.memref_slice %arg3[%add3A_12, %dma_wait3A_1460, %dma_wait3A_1461, %dma_wait3A_1468, %dma_wait3A_1469] : memref<1024x8x8x8x128xf32, #tpu.memory_space<hbm>> -> memref<1x1x1x8x128xf32, #tpu.memory_space<hbm>>
      %dma_wait3A_1471 = tpu.memref_squeeze %dma_wait3A_1470 : memref<1x1x1x8x128xf32, #tpu.memory_space<hbm>> -> memref<8x128xf32, #tpu.memory_space<hbm>>
      %dma_wait3A_1472 = arith.constant 24 : i32
      %dma_wait3A_1473 = tpu.memref_slice %arg4[%dma_wait3A_1472, %add3A_498] : memref<64x2016xf32, #tpu.memory_space<vmem>> -> memref<8x128xf32, #tpu.memory_space<vmem>>
      tpu.wait_dma2 semaphore(%arg5 : memref<!tpu.dma_semaphore, #tpu.memory_space<semaphore_mem>>) src(%dma_wait3A_1473 : memref<8x128xf32, #tpu.memory_space<vmem>>) dst(%dma_wait3A_1471 : memref<8x128xf32, #tpu.memory_space<hbm>>)
      %dma_wait3A_1474 = arith.constant 3 : i32
      %dma_wait3A_1475 = arith.constant 7 : i32
      %dma_wait3A_1476 = arith.constant 24 : i32
      %dma_wait3A_1477 = tpu.memref_slice %arg4[%dma_wait3A_1476, %add3A_514] : memref<64x2016xf32, #tpu.memory_space<vmem>> -> memref<8x128xf32, #tpu.memory_space<vmem>>
      %dma_wait3A_1478 = arith.constant 0 : i32
      %dma_wait3A_1479 = arith.constant 0 : i32
      %dma_wait3A_1480 = tpu.memref_slice %arg3[%add3A_12, %dma_wait3A_1474, %dma_wait3A_1475, %dma_wait3A_1478, %dma_wait3A_1479] : memref<1024x8x8x8x128xf32, #tpu.memory_space<hbm>> -> memref<1x1x1x8x128xf32, #tpu.memory_space<hbm>>
      %dma_wait3A_1481 = tpu.memref_squeeze %dma_wait3A_1480 : memref<1x1x1x8x128xf32, #tpu.memory_space<hbm>> -> memref<8x128xf32, #tpu.memory_space<hbm>>
      %dma_wait3A_1482 = arith.constant 0 : i32
      %dma_wait3A_1483 = arith.constant 0 : i32
      %dma_wait3A_1484 = tpu.memref_slice %arg3[%add3A_12, %dma_wait3A_1474, %dma_wait3A_1475, %dma_wait3A_1482, %dma_wait3A_1483] : memref<1024x8x8x8x128xf32, #tpu.memory_space<hbm>> -> memref<1x1x1x8x128xf32, #tpu.memory_space<hbm>>
      %dma_wait3A_1485 = tpu.memref_squeeze %dma_wait3A_1484 : memref<1x1x1x8x128xf32, #tpu.memory_space<hbm>> -> memref<8x128xf32, #tpu.memory_space<hbm>>
      %dma_wait3A_1486 = arith.constant 24 : i32
      %dma_wait3A_1487 = tpu.memref_slice %arg4[%dma_wait3A_1486, %add3A_514] : memref<64x2016xf32, #tpu.memory_space<vmem>> -> memref<8x128xf32, #tpu.memory_space<vmem>>
      tpu.wait_dma2 semaphore(%arg5 : memref<!tpu.dma_semaphore, #tpu.memory_space<semaphore_mem>>) src(%dma_wait3A_1487 : memref<8x128xf32, #tpu.memory_space<vmem>>) dst(%dma_wait3A_1485 : memref<8x128xf32, #tpu.memory_space<hbm>>)
      %dma_wait3A_1488 = arith.constant 4 : i32
      %dma_wait3A_1489 = arith.constant 0 : i32
      %dma_wait3A_1490 = arith.constant 32 : i32
      %dma_wait3A_1491 = tpu.memref_slice %arg4[%dma_wait3A_1490, %add3A_530] : memref<64x2016xf32, #tpu.memory_space<vmem>> -> memref<8x128xf32, #tpu.memory_space<vmem>>
      %dma_wait3A_1492 = arith.constant 0 : i32
      %dma_wait3A_1493 = arith.constant 0 : i32
      %dma_wait3A_1494 = tpu.memref_slice %arg3[%add3A_12, %dma_wait3A_1488, %dma_wait3A_1489, %dma_wait3A_1492, %dma_wait3A_1493] : memref<1024x8x8x8x128xf32, #tpu.memory_space<hbm>> -> memref<1x1x1x8x128xf32, #tpu.memory_space<hbm>>
      %dma_wait3A_1495 = tpu.memref_squeeze %dma_wait3A_1494 : memref<1x1x1x8x128xf32, #tpu.memory_space<hbm>> -> memref<8x128xf32, #tpu.memory_space<hbm>>
      %dma_wait3A_1496 = arith.constant 0 : i32
      %dma_wait3A_1497 = arith.constant 0 : i32
      %dma_wait3A_1498 = tpu.memref_slice %arg3[%add3A_12, %dma_wait3A_1488, %dma_wait3A_1489, %dma_wait3A_1496, %dma_wait3A_1497] : memref<1024x8x8x8x128xf32, #tpu.memory_space<hbm>> -> memref<1x1x1x8x128xf32, #tpu.memory_space<hbm>>
      %dma_wait3A_1499 = tpu.memref_squeeze %dma_wait3A_1498 : memref<1x1x1x8x128xf32, #tpu.memory_space<hbm>> -> memref<8x128xf32, #tpu.memory_space<hbm>>
      %dma_wait3A_1500 = arith.constant 32 : i32
      %dma_wait3A_1501 = tpu.memref_slice %arg4[%dma_wait3A_1500, %add3A_530] : memref<64x2016xf32, #tpu.memory_space<vmem>> -> memref<8x128xf32, #tpu.memory_space<vmem>>
      tpu.wait_dma2 semaphore(%arg5 : memref<!tpu.dma_semaphore, #tpu.memory_space<semaphore_mem>>) src(%dma_wait3A_1501 : memref<8x128xf32, #tpu.memory_space<vmem>>) dst(%dma_wait3A_1499 : memref<8x128xf32, #tpu.memory_space<hbm>>)
      %dma_wait3A_1502 = arith.constant 4 : i32
      %dma_wait3A_1503 = arith.constant 1 : i32
      %dma_wait3A_1504 = arith.constant 32 : i32
      %dma_wait3A_1505 = tpu.memref_slice %arg4[%dma_wait3A_1504, %add3A_546] : memref<64x2016xf32, #tpu.memory_space<vmem>> -> memref<8x128xf32, #tpu.memory_space<vmem>>
      %dma_wait3A_1506 = arith.constant 0 : i32
      %dma_wait3A_1507 = arith.constant 0 : i32
      %dma_wait3A_1508 = tpu.memref_slice %arg3[%add3A_12, %dma_wait3A_1502, %dma_wait3A_1503, %dma_wait3A_1506, %dma_wait3A_1507] : memref<1024x8x8x8x128xf32, #tpu.memory_space<hbm>> -> memref<1x1x1x8x128xf32, #tpu.memory_space<hbm>>
      %dma_wait3A_1509 = tpu.memref_squeeze %dma_wait3A_1508 : memref<1x1x1x8x128xf32, #tpu.memory_space<hbm>> -> memref<8x128xf32, #tpu.memory_space<hbm>>
      %dma_wait3A_1510 = arith.constant 0 : i32
      %dma_wait3A_1511 = arith.constant 0 : i32
      %dma_wait3A_1512 = tpu.memref_slice %arg3[%add3A_12, %dma_wait3A_1502, %dma_wait3A_1503, %dma_wait3A_1510, %dma_wait3A_1511] : memref<1024x8x8x8x128xf32, #tpu.memory_space<hbm>> -> memref<1x1x1x8x128xf32, #tpu.memory_space<hbm>>
      %dma_wait3A_1513 = tpu.memref_squeeze %dma_wait3A_1512 : memref<1x1x1x8x128xf32, #tpu.memory_space<hbm>> -> memref<8x128xf32, #tpu.memory_space<hbm>>
      %dma_wait3A_1514 = arith.constant 32 : i32
      %dma_wait3A_1515 = tpu.memref_slice %arg4[%dma_wait3A_1514, %add3A_546] : memref<64x2016xf32, #tpu.memory_space<vmem>> -> memref<8x128xf32, #tpu.memory_space<vmem>>
      tpu.wait_dma2 semaphore(%arg5 : memref<!tpu.dma_semaphore, #tpu.memory_space<semaphore_mem>>) src(%dma_wait3A_1515 : memref<8x128xf32, #tpu.memory_space<vmem>>) dst(%dma_wait3A_1513 : memref<8x128xf32, #tpu.memory_space<hbm>>)
      %dma_wait3A_1516 = arith.constant 4 : i32
      %dma_wait3A_1517 = arith.constant 2 : i32
      %dma_wait3A_1518 = arith.constant 32 : i32
      %dma_wait3A_1519 = tpu.memref_slice %arg4[%dma_wait3A_1518, %add3A_562] : memref<64x2016xf32, #tpu.memory_space<vmem>> -> memref<8x128xf32, #tpu.memory_space<vmem>>
      %dma_wait3A_1520 = arith.constant 0 : i32
      %dma_wait3A_1521 = arith.constant 0 : i32
      %dma_wait3A_1522 = tpu.memref_slice %arg3[%add3A_12, %dma_wait3A_1516, %dma_wait3A_1517, %dma_wait3A_1520, %dma_wait3A_1521] : memref<1024x8x8x8x128xf32, #tpu.memory_space<hbm>> -> memref<1x1x1x8x128xf32, #tpu.memory_space<hbm>>
      %dma_wait3A_1523 = tpu.memref_squeeze %dma_wait3A_1522 : memref<1x1x1x8x128xf32, #tpu.memory_space<hbm>> -> memref<8x128xf32, #tpu.memory_space<hbm>>
      %dma_wait3A_1524 = arith.constant 0 : i32
      %dma_wait3A_1525 = arith.constant 0 : i32
      %dma_wait3A_1526 = tpu.memref_slice %arg3[%add3A_12, %dma_wait3A_1516, %dma_wait3A_1517, %dma_wait3A_1524, %dma_wait3A_1525] : memref<1024x8x8x8x128xf32, #tpu.memory_space<hbm>> -> memref<1x1x1x8x128xf32, #tpu.memory_space<hbm>>
      %dma_wait3A_1527 = tpu.memref_squeeze %dma_wait3A_1526 : memref<1x1x1x8x128xf32, #tpu.memory_space<hbm>> -> memref<8x128xf32, #tpu.memory_space<hbm>>
      %dma_wait3A_1528 = arith.constant 32 : i32
      %dma_wait3A_1529 = tpu.memref_slice %arg4[%dma_wait3A_1528, %add3A_562] : memref<64x2016xf32, #tpu.memory_space<vmem>> -> memref<8x128xf32, #tpu.memory_space<vmem>>
      tpu.wait_dma2 semaphore(%arg5 : memref<!tpu.dma_semaphore, #tpu.memory_space<semaphore_mem>>) src(%dma_wait3A_1529 : memref<8x128xf32, #tpu.memory_space<vmem>>) dst(%dma_wait3A_1527 : memref<8x128xf32, #tpu.memory_space<hbm>>)
      %dma_wait3A_1530 = arith.constant 4 : i32
      %dma_wait3A_1531 = arith.constant 3 : i32
      %dma_wait3A_1532 = arith.constant 32 : i32
      %dma_wait3A_1533 = tpu.memref_slice %arg4[%dma_wait3A_1532, %add3A_578] : memref<64x2016xf32, #tpu.memory_space<vmem>> -> memref<8x128xf32, #tpu.memory_space<vmem>>
      %dma_wait3A_1534 = arith.constant 0 : i32
      %dma_wait3A_1535 = arith.constant 0 : i32
      %dma_wait3A_1536 = tpu.memref_slice %arg3[%add3A_12, %dma_wait3A_1530, %dma_wait3A_1531, %dma_wait3A_1534, %dma_wait3A_1535] : memref<1024x8x8x8x128xf32, #tpu.memory_space<hbm>> -> memref<1x1x1x8x128xf32, #tpu.memory_space<hbm>>
      %dma_wait3A_1537 = tpu.memref_squeeze %dma_wait3A_1536 : memref<1x1x1x8x128xf32, #tpu.memory_space<hbm>> -> memref<8x128xf32, #tpu.memory_space<hbm>>
      %dma_wait3A_1538 = arith.constant 0 : i32
      %dma_wait3A_1539 = arith.constant 0 : i32
      %dma_wait3A_1540 = tpu.memref_slice %arg3[%add3A_12, %dma_wait3A_1530, %dma_wait3A_1531, %dma_wait3A_1538, %dma_wait3A_1539] : memref<1024x8x8x8x128xf32, #tpu.memory_space<hbm>> -> memref<1x1x1x8x128xf32, #tpu.memory_space<hbm>>
      %dma_wait3A_1541 = tpu.memref_squeeze %dma_wait3A_1540 : memref<1x1x1x8x128xf32, #tpu.memory_space<hbm>> -> memref<8x128xf32, #tpu.memory_space<hbm>>
      %dma_wait3A_1542 = arith.constant 32 : i32
      %dma_wait3A_1543 = tpu.memref_slice %arg4[%dma_wait3A_1542, %add3A_578] : memref<64x2016xf32, #tpu.memory_space<vmem>> -> memref<8x128xf32, #tpu.memory_space<vmem>>
      tpu.wait_dma2 semaphore(%arg5 : memref<!tpu.dma_semaphore, #tpu.memory_space<semaphore_mem>>) src(%dma_wait3A_1543 : memref<8x128xf32, #tpu.memory_space<vmem>>) dst(%dma_wait3A_1541 : memref<8x128xf32, #tpu.memory_space<hbm>>)
      %dma_wait3A_1544 = arith.constant 4 : i32
      %dma_wait3A_1545 = arith.constant 4 : i32
      %dma_wait3A_1546 = arith.constant 32 : i32
      %dma_wait3A_1547 = tpu.memref_slice %arg4[%dma_wait3A_1546, %add3A_594] : memref<64x2016xf32, #tpu.memory_space<vmem>> -> memref<8x128xf32, #tpu.memory_space<vmem>>
      %dma_wait3A_1548 = arith.constant 0 : i32
      %dma_wait3A_1549 = arith.constant 0 : i32
      %dma_wait3A_1550 = tpu.memref_slice %arg3[%add3A_12, %dma_wait3A_1544, %dma_wait3A_1545, %dma_wait3A_1548, %dma_wait3A_1549] : memref<1024x8x8x8x128xf32, #tpu.memory_space<hbm>> -> memref<1x1x1x8x128xf32, #tpu.memory_space<hbm>>
      %dma_wait3A_1551 = tpu.memref_squeeze %dma_wait3A_1550 : memref<1x1x1x8x128xf32, #tpu.memory_space<hbm>> -> memref<8x128xf32, #tpu.memory_space<hbm>>
      %dma_wait3A_1552 = arith.constant 0 : i32
      %dma_wait3A_1553 = arith.constant 0 : i32
      %dma_wait3A_1554 = tpu.memref_slice %arg3[%add3A_12, %dma_wait3A_1544, %dma_wait3A_1545, %dma_wait3A_1552, %dma_wait3A_1553] : memref<1024x8x8x8x128xf32, #tpu.memory_space<hbm>> -> memref<1x1x1x8x128xf32, #tpu.memory_space<hbm>>
      %dma_wait3A_1555 = tpu.memref_squeeze %dma_wait3A_1554 : memref<1x1x1x8x128xf32, #tpu.memory_space<hbm>> -> memref<8x128xf32, #tpu.memory_space<hbm>>
      %dma_wait3A_1556 = arith.constant 32 : i32
      %dma_wait3A_1557 = tpu.memref_slice %arg4[%dma_wait3A_1556, %add3A_594] : memref<64x2016xf32, #tpu.memory_space<vmem>> -> memref<8x128xf32, #tpu.memory_space<vmem>>
      tpu.wait_dma2 semaphore(%arg5 : memref<!tpu.dma_semaphore, #tpu.memory_space<semaphore_mem>>) src(%dma_wait3A_1557 : memref<8x128xf32, #tpu.memory_space<vmem>>) dst(%dma_wait3A_1555 : memref<8x128xf32, #tpu.memory_space<hbm>>)
      %dma_wait3A_1558 = arith.constant 4 : i32
      %dma_wait3A_1559 = arith.constant 5 : i32
      %dma_wait3A_1560 = arith.constant 32 : i32
      %dma_wait3A_1561 = tpu.memref_slice %arg4[%dma_wait3A_1560, %add3A_610] : memref<64x2016xf32, #tpu.memory_space<vmem>> -> memref<8x128xf32, #tpu.memory_space<vmem>>
      %dma_wait3A_1562 = arith.constant 0 : i32
      %dma_wait3A_1563 = arith.constant 0 : i32
      %dma_wait3A_1564 = tpu.memref_slice %arg3[%add3A_12, %dma_wait3A_1558, %dma_wait3A_1559, %dma_wait3A_1562, %dma_wait3A_1563] : memref<1024x8x8x8x128xf32, #tpu.memory_space<hbm>> -> memref<1x1x1x8x128xf32, #tpu.memory_space<hbm>>
      %dma_wait3A_1565 = tpu.memref_squeeze %dma_wait3A_1564 : memref<1x1x1x8x128xf32, #tpu.memory_space<hbm>> -> memref<8x128xf32, #tpu.memory_space<hbm>>
      %dma_wait3A_1566 = arith.constant 0 : i32
      %dma_wait3A_1567 = arith.constant 0 : i32
      %dma_wait3A_1568 = tpu.memref_slice %arg3[%add3A_12, %dma_wait3A_1558, %dma_wait3A_1559, %dma_wait3A_1566, %dma_wait3A_1567] : memref<1024x8x8x8x128xf32, #tpu.memory_space<hbm>> -> memref<1x1x1x8x128xf32, #tpu.memory_space<hbm>>
      %dma_wait3A_1569 = tpu.memref_squeeze %dma_wait3A_1568 : memref<1x1x1x8x128xf32, #tpu.memory_space<hbm>> -> memref<8x128xf32, #tpu.memory_space<hbm>>
      %dma_wait3A_1570 = arith.constant 32 : i32
      %dma_wait3A_1571 = tpu.memref_slice %arg4[%dma_wait3A_1570, %add3A_610] : memref<64x2016xf32, #tpu.memory_space<vmem>> -> memref<8x128xf32, #tpu.memory_space<vmem>>
      tpu.wait_dma2 semaphore(%arg5 : memref<!tpu.dma_semaphore, #tpu.memory_space<semaphore_mem>>) src(%dma_wait3A_1571 : memref<8x128xf32, #tpu.memory_space<vmem>>) dst(%dma_wait3A_1569 : memref<8x128xf32, #tpu.memory_space<hbm>>)
      %dma_wait3A_1572 = arith.constant 4 : i32
      %dma_wait3A_1573 = arith.constant 6 : i32
      %dma_wait3A_1574 = arith.constant 32 : i32
      %dma_wait3A_1575 = tpu.memref_slice %arg4[%dma_wait3A_1574, %add3A_626] : memref<64x2016xf32, #tpu.memory_space<vmem>> -> memref<8x128xf32, #tpu.memory_space<vmem>>
      %dma_wait3A_1576 = arith.constant 0 : i32
      %dma_wait3A_1577 = arith.constant 0 : i32
      %dma_wait3A_1578 = tpu.memref_slice %arg3[%add3A_12, %dma_wait3A_1572, %dma_wait3A_1573, %dma_wait3A_1576, %dma_wait3A_1577] : memref<1024x8x8x8x128xf32, #tpu.memory_space<hbm>> -> memref<1x1x1x8x128xf32, #tpu.memory_space<hbm>>
      %dma_wait3A_1579 = tpu.memref_squeeze %dma_wait3A_1578 : memref<1x1x1x8x128xf32, #tpu.memory_space<hbm>> -> memref<8x128xf32, #tpu.memory_space<hbm>>
      %dma_wait3A_1580 = arith.constant 0 : i32
      %dma_wait3A_1581 = arith.constant 0 : i32
      %dma_wait3A_1582 = tpu.memref_slice %arg3[%add3A_12, %dma_wait3A_1572, %dma_wait3A_1573, %dma_wait3A_1580, %dma_wait3A_1581] : memref<1024x8x8x8x128xf32, #tpu.memory_space<hbm>> -> memref<1x1x1x8x128xf32, #tpu.memory_space<hbm>>
      %dma_wait3A_1583 = tpu.memref_squeeze %dma_wait3A_1582 : memref<1x1x1x8x128xf32, #tpu.memory_space<hbm>> -> memref<8x128xf32, #tpu.memory_space<hbm>>
      %dma_wait3A_1584 = arith.constant 32 : i32
      %dma_wait3A_1585 = tpu.memref_slice %arg4[%dma_wait3A_1584, %add3A_626] : memref<64x2016xf32, #tpu.memory_space<vmem>> -> memref<8x128xf32, #tpu.memory_space<vmem>>
      tpu.wait_dma2 semaphore(%arg5 : memref<!tpu.dma_semaphore, #tpu.memory_space<semaphore_mem>>) src(%dma_wait3A_1585 : memref<8x128xf32, #tpu.memory_space<vmem>>) dst(%dma_wait3A_1583 : memref<8x128xf32, #tpu.memory_space<hbm>>)
      %dma_wait3A_1586 = arith.constant 4 : i32
      %dma_wait3A_1587 = arith.constant 7 : i32
      %dma_wait3A_1588 = arith.constant 32 : i32
      %dma_wait3A_1589 = tpu.memref_slice %arg4[%dma_wait3A_1588, %add3A_642] : memref<64x2016xf32, #tpu.memory_space<vmem>> -> memref<8x128xf32, #tpu.memory_space<vmem>>
      %dma_wait3A_1590 = arith.constant 0 : i32
      %dma_wait3A_1591 = arith.constant 0 : i32
      %dma_wait3A_1592 = tpu.memref_slice %arg3[%add3A_12, %dma_wait3A_1586, %dma_wait3A_1587, %dma_wait3A_1590, %dma_wait3A_1591] : memref<1024x8x8x8x128xf32, #tpu.memory_space<hbm>> -> memref<1x1x1x8x128xf32, #tpu.memory_space<hbm>>
      %dma_wait3A_1593 = tpu.memref_squeeze %dma_wait3A_1592 : memref<1x1x1x8x128xf32, #tpu.memory_space<hbm>> -> memref<8x128xf32, #tpu.memory_space<hbm>>
      %dma_wait3A_1594 = arith.constant 0 : i32
      %dma_wait3A_1595 = arith.constant 0 : i32
      %dma_wait3A_1596 = tpu.memref_slice %arg3[%add3A_12, %dma_wait3A_1586, %dma_wait3A_1587, %dma_wait3A_1594, %dma_wait3A_1595] : memref<1024x8x8x8x128xf32, #tpu.memory_space<hbm>> -> memref<1x1x1x8x128xf32, #tpu.memory_space<hbm>>
      %dma_wait3A_1597 = tpu.memref_squeeze %dma_wait3A_1596 : memref<1x1x1x8x128xf32, #tpu.memory_space<hbm>> -> memref<8x128xf32, #tpu.memory_space<hbm>>
      %dma_wait3A_1598 = arith.constant 32 : i32
      %dma_wait3A_1599 = tpu.memref_slice %arg4[%dma_wait3A_1598, %add3A_642] : memref<64x2016xf32, #tpu.memory_space<vmem>> -> memref<8x128xf32, #tpu.memory_space<vmem>>
      tpu.wait_dma2 semaphore(%arg5 : memref<!tpu.dma_semaphore, #tpu.memory_space<semaphore_mem>>) src(%dma_wait3A_1599 : memref<8x128xf32, #tpu.memory_space<vmem>>) dst(%dma_wait3A_1597 : memref<8x128xf32, #tpu.memory_space<hbm>>)
      %dma_wait3A_1600 = arith.constant 5 : i32
      %dma_wait3A_1601 = arith.constant 0 : i32
      %dma_wait3A_1602 = arith.constant 40 : i32
      %dma_wait3A_1603 = tpu.memref_slice %arg4[%dma_wait3A_1602, %add3A_658] : memref<64x2016xf32, #tpu.memory_space<vmem>> -> memref<8x128xf32, #tpu.memory_space<vmem>>
      %dma_wait3A_1604 = arith.constant 0 : i32
      %dma_wait3A_1605 = arith.constant 0 : i32
      %dma_wait3A_1606 = tpu.memref_slice %arg3[%add3A_12, %dma_wait3A_1600, %dma_wait3A_1601, %dma_wait3A_1604, %dma_wait3A_1605] : memref<1024x8x8x8x128xf32, #tpu.memory_space<hbm>> -> memref<1x1x1x8x128xf32, #tpu.memory_space<hbm>>
      %dma_wait3A_1607 = tpu.memref_squeeze %dma_wait3A_1606 : memref<1x1x1x8x128xf32, #tpu.memory_space<hbm>> -> memref<8x128xf32, #tpu.memory_space<hbm>>
      %dma_wait3A_1608 = arith.constant 0 : i32
      %dma_wait3A_1609 = arith.constant 0 : i32
      %dma_wait3A_1610 = tpu.memref_slice %arg3[%add3A_12, %dma_wait3A_1600, %dma_wait3A_1601, %dma_wait3A_1608, %dma_wait3A_1609] : memref<1024x8x8x8x128xf32, #tpu.memory_space<hbm>> -> memref<1x1x1x8x128xf32, #tpu.memory_space<hbm>>
      %dma_wait3A_1611 = tpu.memref_squeeze %dma_wait3A_1610 : memref<1x1x1x8x128xf32, #tpu.memory_space<hbm>> -> memref<8x128xf32, #tpu.memory_space<hbm>>
      %dma_wait3A_1612 = arith.constant 40 : i32
      %dma_wait3A_1613 = tpu.memref_slice %arg4[%dma_wait3A_1612, %add3A_658] : memref<64x2016xf32, #tpu.memory_space<vmem>> -> memref<8x128xf32, #tpu.memory_space<vmem>>
      tpu.wait_dma2 semaphore(%arg5 : memref<!tpu.dma_semaphore, #tpu.memory_space<semaphore_mem>>) src(%dma_wait3A_1613 : memref<8x128xf32, #tpu.memory_space<vmem>>) dst(%dma_wait3A_1611 : memref<8x128xf32, #tpu.memory_space<hbm>>)
      %dma_wait3A_1614 = arith.constant 5 : i32
      %dma_wait3A_1615 = arith.constant 1 : i32
      %dma_wait3A_1616 = arith.constant 40 : i32
      %dma_wait3A_1617 = tpu.memref_slice %arg4[%dma_wait3A_1616, %add3A_674] : memref<64x2016xf32, #tpu.memory_space<vmem>> -> memref<8x128xf32, #tpu.memory_space<vmem>>
      %dma_wait3A_1618 = arith.constant 0 : i32
      %dma_wait3A_1619 = arith.constant 0 : i32
      %dma_wait3A_1620 = tpu.memref_slice %arg3[%add3A_12, %dma_wait3A_1614, %dma_wait3A_1615, %dma_wait3A_1618, %dma_wait3A_1619] : memref<1024x8x8x8x128xf32, #tpu.memory_space<hbm>> -> memref<1x1x1x8x128xf32, #tpu.memory_space<hbm>>
      %dma_wait3A_1621 = tpu.memref_squeeze %dma_wait3A_1620 : memref<1x1x1x8x128xf32, #tpu.memory_space<hbm>> -> memref<8x128xf32, #tpu.memory_space<hbm>>
      %dma_wait3A_1622 = arith.constant 0 : i32
      %dma_wait3A_1623 = arith.constant 0 : i32
      %dma_wait3A_1624 = tpu.memref_slice %arg3[%add3A_12, %dma_wait3A_1614, %dma_wait3A_1615, %dma_wait3A_1622, %dma_wait3A_1623] : memref<1024x8x8x8x128xf32, #tpu.memory_space<hbm>> -> memref<1x1x1x8x128xf32, #tpu.memory_space<hbm>>
      %dma_wait3A_1625 = tpu.memref_squeeze %dma_wait3A_1624 : memref<1x1x1x8x128xf32, #tpu.memory_space<hbm>> -> memref<8x128xf32, #tpu.memory_space<hbm>>
      %dma_wait3A_1626 = arith.constant 40 : i32
      %dma_wait3A_1627 = tpu.memref_slice %arg4[%dma_wait3A_1626, %add3A_674] : memref<64x2016xf32, #tpu.memory_space<vmem>> -> memref<8x128xf32, #tpu.memory_space<vmem>>
      tpu.wait_dma2 semaphore(%arg5 : memref<!tpu.dma_semaphore, #tpu.memory_space<semaphore_mem>>) src(%dma_wait3A_1627 : memref<8x128xf32, #tpu.memory_space<vmem>>) dst(%dma_wait3A_1625 : memref<8x128xf32, #tpu.memory_space<hbm>>)
      %dma_wait3A_1628 = arith.constant 5 : i32
      %dma_wait3A_1629 = arith.constant 2 : i32
      %dma_wait3A_1630 = arith.constant 40 : i32
      %dma_wait3A_1631 = tpu.memref_slice %arg4[%dma_wait3A_1630, %add3A_690] : memref<64x2016xf32, #tpu.memory_space<vmem>> -> memref<8x128xf32, #tpu.memory_space<vmem>>
      %dma_wait3A_1632 = arith.constant 0 : i32
      %dma_wait3A_1633 = arith.constant 0 : i32
      %dma_wait3A_1634 = tpu.memref_slice %arg3[%add3A_12, %dma_wait3A_1628, %dma_wait3A_1629, %dma_wait3A_1632, %dma_wait3A_1633] : memref<1024x8x8x8x128xf32, #tpu.memory_space<hbm>> -> memref<1x1x1x8x128xf32, #tpu.memory_space<hbm>>
      %dma_wait3A_1635 = tpu.memref_squeeze %dma_wait3A_1634 : memref<1x1x1x8x128xf32, #tpu.memory_space<hbm>> -> memref<8x128xf32, #tpu.memory_space<hbm>>
      %dma_wait3A_1636 = arith.constant 0 : i32
      %dma_wait3A_1637 = arith.constant 0 : i32
      %dma_wait3A_1638 = tpu.memref_slice %arg3[%add3A_12, %dma_wait3A_1628, %dma_wait3A_1629, %dma_wait3A_1636, %dma_wait3A_1637] : memref<1024x8x8x8x128xf32, #tpu.memory_space<hbm>> -> memref<1x1x1x8x128xf32, #tpu.memory_space<hbm>>
      %dma_wait3A_1639 = tpu.memref_squeeze %dma_wait3A_1638 : memref<1x1x1x8x128xf32, #tpu.memory_space<hbm>> -> memref<8x128xf32, #tpu.memory_space<hbm>>
      %dma_wait3A_1640 = arith.constant 40 : i32
      %dma_wait3A_1641 = tpu.memref_slice %arg4[%dma_wait3A_1640, %add3A_690] : memref<64x2016xf32, #tpu.memory_space<vmem>> -> memref<8x128xf32, #tpu.memory_space<vmem>>
      tpu.wait_dma2 semaphore(%arg5 : memref<!tpu.dma_semaphore, #tpu.memory_space<semaphore_mem>>) src(%dma_wait3A_1641 : memref<8x128xf32, #tpu.memory_space<vmem>>) dst(%dma_wait3A_1639 : memref<8x128xf32, #tpu.memory_space<hbm>>)
      %dma_wait3A_1642 = arith.constant 5 : i32
      %dma_wait3A_1643 = arith.constant 3 : i32
      %dma_wait3A_1644 = arith.constant 40 : i32
      %dma_wait3A_1645 = tpu.memref_slice %arg4[%dma_wait3A_1644, %add3A_706] : memref<64x2016xf32, #tpu.memory_space<vmem>> -> memref<8x128xf32, #tpu.memory_space<vmem>>
      %dma_wait3A_1646 = arith.constant 0 : i32
      %dma_wait3A_1647 = arith.constant 0 : i32
      %dma_wait3A_1648 = tpu.memref_slice %arg3[%add3A_12, %dma_wait3A_1642, %dma_wait3A_1643, %dma_wait3A_1646, %dma_wait3A_1647] : memref<1024x8x8x8x128xf32, #tpu.memory_space<hbm>> -> memref<1x1x1x8x128xf32, #tpu.memory_space<hbm>>
      %dma_wait3A_1649 = tpu.memref_squeeze %dma_wait3A_1648 : memref<1x1x1x8x128xf32, #tpu.memory_space<hbm>> -> memref<8x128xf32, #tpu.memory_space<hbm>>
      %dma_wait3A_1650 = arith.constant 0 : i32
      %dma_wait3A_1651 = arith.constant 0 : i32
      %dma_wait3A_1652 = tpu.memref_slice %arg3[%add3A_12, %dma_wait3A_1642, %dma_wait3A_1643, %dma_wait3A_1650, %dma_wait3A_1651] : memref<1024x8x8x8x128xf32, #tpu.memory_space<hbm>> -> memref<1x1x1x8x128xf32, #tpu.memory_space<hbm>>
      %dma_wait3A_1653 = tpu.memref_squeeze %dma_wait3A_1652 : memref<1x1x1x8x128xf32, #tpu.memory_space<hbm>> -> memref<8x128xf32, #tpu.memory_space<hbm>>
      %dma_wait3A_1654 = arith.constant 40 : i32
      %dma_wait3A_1655 = tpu.memref_slice %arg4[%dma_wait3A_1654, %add3A_706] : memref<64x2016xf32, #tpu.memory_space<vmem>> -> memref<8x128xf32, #tpu.memory_space<vmem>>
      tpu.wait_dma2 semaphore(%arg5 : memref<!tpu.dma_semaphore, #tpu.memory_space<semaphore_mem>>) src(%dma_wait3A_1655 : memref<8x128xf32, #tpu.memory_space<vmem>>) dst(%dma_wait3A_1653 : memref<8x128xf32, #tpu.memory_space<hbm>>)
      %dma_wait3A_1656 = arith.constant 5 : i32
      %dma_wait3A_1657 = arith.constant 4 : i32
      %dma_wait3A_1658 = arith.constant 40 : i32
      %dma_wait3A_1659 = tpu.memref_slice %arg4[%dma_wait3A_1658, %add3A_722] : memref<64x2016xf32, #tpu.memory_space<vmem>> -> memref<8x128xf32, #tpu.memory_space<vmem>>
      %dma_wait3A_1660 = arith.constant 0 : i32
      %dma_wait3A_1661 = arith.constant 0 : i32
      %dma_wait3A_1662 = tpu.memref_slice %arg3[%add3A_12, %dma_wait3A_1656, %dma_wait3A_1657, %dma_wait3A_1660, %dma_wait3A_1661] : memref<1024x8x8x8x128xf32, #tpu.memory_space<hbm>> -> memref<1x1x1x8x128xf32, #tpu.memory_space<hbm>>
      %dma_wait3A_1663 = tpu.memref_squeeze %dma_wait3A_1662 : memref<1x1x1x8x128xf32, #tpu.memory_space<hbm>> -> memref<8x128xf32, #tpu.memory_space<hbm>>
      %dma_wait3A_1664 = arith.constant 0 : i32
      %dma_wait3A_1665 = arith.constant 0 : i32
      %dma_wait3A_1666 = tpu.memref_slice %arg3[%add3A_12, %dma_wait3A_1656, %dma_wait3A_1657, %dma_wait3A_1664, %dma_wait3A_1665] : memref<1024x8x8x8x128xf32, #tpu.memory_space<hbm>> -> memref<1x1x1x8x128xf32, #tpu.memory_space<hbm>>
      %dma_wait3A_1667 = tpu.memref_squeeze %dma_wait3A_1666 : memref<1x1x1x8x128xf32, #tpu.memory_space<hbm>> -> memref<8x128xf32, #tpu.memory_space<hbm>>
      %dma_wait3A_1668 = arith.constant 40 : i32
      %dma_wait3A_1669 = tpu.memref_slice %arg4[%dma_wait3A_1668, %add3A_722] : memref<64x2016xf32, #tpu.memory_space<vmem>> -> memref<8x128xf32, #tpu.memory_space<vmem>>
      tpu.wait_dma2 semaphore(%arg5 : memref<!tpu.dma_semaphore, #tpu.memory_space<semaphore_mem>>) src(%dma_wait3A_1669 : memref<8x128xf32, #tpu.memory_space<vmem>>) dst(%dma_wait3A_1667 : memref<8x128xf32, #tpu.memory_space<hbm>>)
      %dma_wait3A_1670 = arith.constant 5 : i32
      %dma_wait3A_1671 = arith.constant 5 : i32
      %dma_wait3A_1672 = arith.constant 40 : i32
      %dma_wait3A_1673 = tpu.memref_slice %arg4[%dma_wait3A_1672, %add3A_738] : memref<64x2016xf32, #tpu.memory_space<vmem>> -> memref<8x128xf32, #tpu.memory_space<vmem>>
      %dma_wait3A_1674 = arith.constant 0 : i32
      %dma_wait3A_1675 = arith.constant 0 : i32
      %dma_wait3A_1676 = tpu.memref_slice %arg3[%add3A_12, %dma_wait3A_1670, %dma_wait3A_1671, %dma_wait3A_1674, %dma_wait3A_1675] : memref<1024x8x8x8x128xf32, #tpu.memory_space<hbm>> -> memref<1x1x1x8x128xf32, #tpu.memory_space<hbm>>
      %dma_wait3A_1677 = tpu.memref_squeeze %dma_wait3A_1676 : memref<1x1x1x8x128xf32, #tpu.memory_space<hbm>> -> memref<8x128xf32, #tpu.memory_space<hbm>>
      %dma_wait3A_1678 = arith.constant 0 : i32
      %dma_wait3A_1679 = arith.constant 0 : i32
      %dma_wait3A_1680 = tpu.memref_slice %arg3[%add3A_12, %dma_wait3A_1670, %dma_wait3A_1671, %dma_wait3A_1678, %dma_wait3A_1679] : memref<1024x8x8x8x128xf32, #tpu.memory_space<hbm>> -> memref<1x1x1x8x128xf32, #tpu.memory_space<hbm>>
      %dma_wait3A_1681 = tpu.memref_squeeze %dma_wait3A_1680 : memref<1x1x1x8x128xf32, #tpu.memory_space<hbm>> -> memref<8x128xf32, #tpu.memory_space<hbm>>
      %dma_wait3A_1682 = arith.constant 40 : i32
      %dma_wait3A_1683 = tpu.memref_slice %arg4[%dma_wait3A_1682, %add3A_738] : memref<64x2016xf32, #tpu.memory_space<vmem>> -> memref<8x128xf32, #tpu.memory_space<vmem>>
      tpu.wait_dma2 semaphore(%arg5 : memref<!tpu.dma_semaphore, #tpu.memory_space<semaphore_mem>>) src(%dma_wait3A_1683 : memref<8x128xf32, #tpu.memory_space<vmem>>) dst(%dma_wait3A_1681 : memref<8x128xf32, #tpu.memory_space<hbm>>)
      %dma_wait3A_1684 = arith.constant 5 : i32
      %dma_wait3A_1685 = arith.constant 6 : i32
      %dma_wait3A_1686 = arith.constant 40 : i32
      %dma_wait3A_1687 = tpu.memref_slice %arg4[%dma_wait3A_1686, %add3A_754] : memref<64x2016xf32, #tpu.memory_space<vmem>> -> memref<8x128xf32, #tpu.memory_space<vmem>>
      %dma_wait3A_1688 = arith.constant 0 : i32
      %dma_wait3A_1689 = arith.constant 0 : i32
      %dma_wait3A_1690 = tpu.memref_slice %arg3[%add3A_12, %dma_wait3A_1684, %dma_wait3A_1685, %dma_wait3A_1688, %dma_wait3A_1689] : memref<1024x8x8x8x128xf32, #tpu.memory_space<hbm>> -> memref<1x1x1x8x128xf32, #tpu.memory_space<hbm>>
      %dma_wait3A_1691 = tpu.memref_squeeze %dma_wait3A_1690 : memref<1x1x1x8x128xf32, #tpu.memory_space<hbm>> -> memref<8x128xf32, #tpu.memory_space<hbm>>
      %dma_wait3A_1692 = arith.constant 0 : i32
      %dma_wait3A_1693 = arith.constant 0 : i32
      %dma_wait3A_1694 = tpu.memref_slice %arg3[%add3A_12, %dma_wait3A_1684, %dma_wait3A_1685, %dma_wait3A_1692, %dma_wait3A_1693] : memref<1024x8x8x8x128xf32, #tpu.memory_space<hbm>> -> memref<1x1x1x8x128xf32, #tpu.memory_space<hbm>>
      %dma_wait3A_1695 = tpu.memref_squeeze %dma_wait3A_1694 : memref<1x1x1x8x128xf32, #tpu.memory_space<hbm>> -> memref<8x128xf32, #tpu.memory_space<hbm>>
      %dma_wait3A_1696 = arith.constant 40 : i32
      %dma_wait3A_1697 = tpu.memref_slice %arg4[%dma_wait3A_1696, %add3A_754] : memref<64x2016xf32, #tpu.memory_space<vmem>> -> memref<8x128xf32, #tpu.memory_space<vmem>>
      tpu.wait_dma2 semaphore(%arg5 : memref<!tpu.dma_semaphore, #tpu.memory_space<semaphore_mem>>) src(%dma_wait3A_1697 : memref<8x128xf32, #tpu.memory_space<vmem>>) dst(%dma_wait3A_1695 : memref<8x128xf32, #tpu.memory_space<hbm>>)
      %dma_wait3A_1698 = arith.constant 5 : i32
      %dma_wait3A_1699 = arith.constant 7 : i32
      %dma_wait3A_1700 = arith.constant 40 : i32
      %dma_wait3A_1701 = tpu.memref_slice %arg4[%dma_wait3A_1700, %add3A_770] : memref<64x2016xf32, #tpu.memory_space<vmem>> -> memref<8x128xf32, #tpu.memory_space<vmem>>
      %dma_wait3A_1702 = arith.constant 0 : i32
      %dma_wait3A_1703 = arith.constant 0 : i32
      %dma_wait3A_1704 = tpu.memref_slice %arg3[%add3A_12, %dma_wait3A_1698, %dma_wait3A_1699, %dma_wait3A_1702, %dma_wait3A_1703] : memref<1024x8x8x8x128xf32, #tpu.memory_space<hbm>> -> memref<1x1x1x8x128xf32, #tpu.memory_space<hbm>>
      %dma_wait3A_1705 = tpu.memref_squeeze %dma_wait3A_1704 : memref<1x1x1x8x128xf32, #tpu.memory_space<hbm>> -> memref<8x128xf32, #tpu.memory_space<hbm>>
      %dma_wait3A_1706 = arith.constant 0 : i32
      %dma_wait3A_1707 = arith.constant 0 : i32
      %dma_wait3A_1708 = tpu.memref_slice %arg3[%add3A_12, %dma_wait3A_1698, %dma_wait3A_1699, %dma_wait3A_1706, %dma_wait3A_1707] : memref<1024x8x8x8x128xf32, #tpu.memory_space<hbm>> -> memref<1x1x1x8x128xf32, #tpu.memory_space<hbm>>
      %dma_wait3A_1709 = tpu.memref_squeeze %dma_wait3A_1708 : memref<1x1x1x8x128xf32, #tpu.memory_space<hbm>> -> memref<8x128xf32, #tpu.memory_space<hbm>>
      %dma_wait3A_1710 = arith.constant 40 : i32
      %dma_wait3A_1711 = tpu.memref_slice %arg4[%dma_wait3A_1710, %add3A_770] : memref<64x2016xf32, #tpu.memory_space<vmem>> -> memref<8x128xf32, #tpu.memory_space<vmem>>
      tpu.wait_dma2 semaphore(%arg5 : memref<!tpu.dma_semaphore, #tpu.memory_space<semaphore_mem>>) src(%dma_wait3A_1711 : memref<8x128xf32, #tpu.memory_space<vmem>>) dst(%dma_wait3A_1709 : memref<8x128xf32, #tpu.memory_space<hbm>>)
      %dma_wait3A_1712 = arith.constant 6 : i32
      %dma_wait3A_1713 = arith.constant 0 : i32
      %dma_wait3A_1714 = arith.constant 48 : i32
      %dma_wait3A_1715 = tpu.memref_slice %arg4[%dma_wait3A_1714, %add3A_786] : memref<64x2016xf32, #tpu.memory_space<vmem>> -> memref<8x128xf32, #tpu.memory_space<vmem>>
      %dma_wait3A_1716 = arith.constant 0 : i32
      %dma_wait3A_1717 = arith.constant 0 : i32
      %dma_wait3A_1718 = tpu.memref_slice %arg3[%add3A_12, %dma_wait3A_1712, %dma_wait3A_1713, %dma_wait3A_1716, %dma_wait3A_1717] : memref<1024x8x8x8x128xf32, #tpu.memory_space<hbm>> -> memref<1x1x1x8x128xf32, #tpu.memory_space<hbm>>
      %dma_wait3A_1719 = tpu.memref_squeeze %dma_wait3A_1718 : memref<1x1x1x8x128xf32, #tpu.memory_space<hbm>> -> memref<8x128xf32, #tpu.memory_space<hbm>>
      %dma_wait3A_1720 = arith.constant 0 : i32
      %dma_wait3A_1721 = arith.constant 0 : i32
      %dma_wait3A_1722 = tpu.memref_slice %arg3[%add3A_12, %dma_wait3A_1712, %dma_wait3A_1713, %dma_wait3A_1720, %dma_wait3A_1721] : memref<1024x8x8x8x128xf32, #tpu.memory_space<hbm>> -> memref<1x1x1x8x128xf32, #tpu.memory_space<hbm>>
      %dma_wait3A_1723 = tpu.memref_squeeze %dma_wait3A_1722 : memref<1x1x1x8x128xf32, #tpu.memory_space<hbm>> -> memref<8x128xf32, #tpu.memory_space<hbm>>
      %dma_wait3A_1724 = arith.constant 48 : i32
      %dma_wait3A_1725 = tpu.memref_slice %arg4[%dma_wait3A_1724, %add3A_786] : memref<64x2016xf32, #tpu.memory_space<vmem>> -> memref<8x128xf32, #tpu.memory_space<vmem>>
      tpu.wait_dma2 semaphore(%arg5 : memref<!tpu.dma_semaphore, #tpu.memory_space<semaphore_mem>>) src(%dma_wait3A_1725 : memref<8x128xf32, #tpu.memory_space<vmem>>) dst(%dma_wait3A_1723 : memref<8x128xf32, #tpu.memory_space<hbm>>)
      %dma_wait3A_1726 = arith.constant 6 : i32
      %dma_wait3A_1727 = arith.constant 1 : i32
      %dma_wait3A_1728 = arith.constant 48 : i32
      %dma_wait3A_1729 = tpu.memref_slice %arg4[%dma_wait3A_1728, %add3A_802] : memref<64x2016xf32, #tpu.memory_space<vmem>> -> memref<8x128xf32, #tpu.memory_space<vmem>>
      %dma_wait3A_1730 = arith.constant 0 : i32
      %dma_wait3A_1731 = arith.constant 0 : i32
      %dma_wait3A_1732 = tpu.memref_slice %arg3[%add3A_12, %dma_wait3A_1726, %dma_wait3A_1727, %dma_wait3A_1730, %dma_wait3A_1731] : memref<1024x8x8x8x128xf32, #tpu.memory_space<hbm>> -> memref<1x1x1x8x128xf32, #tpu.memory_space<hbm>>
      %dma_wait3A_1733 = tpu.memref_squeeze %dma_wait3A_1732 : memref<1x1x1x8x128xf32, #tpu.memory_space<hbm>> -> memref<8x128xf32, #tpu.memory_space<hbm>>
      %dma_wait3A_1734 = arith.constant 0 : i32
      %dma_wait3A_1735 = arith.constant 0 : i32
      %dma_wait3A_1736 = tpu.memref_slice %arg3[%add3A_12, %dma_wait3A_1726, %dma_wait3A_1727, %dma_wait3A_1734, %dma_wait3A_1735] : memref<1024x8x8x8x128xf32, #tpu.memory_space<hbm>> -> memref<1x1x1x8x128xf32, #tpu.memory_space<hbm>>
      %dma_wait3A_1737 = tpu.memref_squeeze %dma_wait3A_1736 : memref<1x1x1x8x128xf32, #tpu.memory_space<hbm>> -> memref<8x128xf32, #tpu.memory_space<hbm>>
      %dma_wait3A_1738 = arith.constant 48 : i32
      %dma_wait3A_1739 = tpu.memref_slice %arg4[%dma_wait3A_1738, %add3A_802] : memref<64x2016xf32, #tpu.memory_space<vmem>> -> memref<8x128xf32, #tpu.memory_space<vmem>>
      tpu.wait_dma2 semaphore(%arg5 : memref<!tpu.dma_semaphore, #tpu.memory_space<semaphore_mem>>) src(%dma_wait3A_1739 : memref<8x128xf32, #tpu.memory_space<vmem>>) dst(%dma_wait3A_1737 : memref<8x128xf32, #tpu.memory_space<hbm>>)
      %dma_wait3A_1740 = arith.constant 6 : i32
      %dma_wait3A_1741 = arith.constant 2 : i32
      %dma_wait3A_1742 = arith.constant 48 : i32
      %dma_wait3A_1743 = tpu.memref_slice %arg4[%dma_wait3A_1742, %add3A_818] : memref<64x2016xf32, #tpu.memory_space<vmem>> -> memref<8x128xf32, #tpu.memory_space<vmem>>
      %dma_wait3A_1744 = arith.constant 0 : i32
      %dma_wait3A_1745 = arith.constant 0 : i32
      %dma_wait3A_1746 = tpu.memref_slice %arg3[%add3A_12, %dma_wait3A_1740, %dma_wait3A_1741, %dma_wait3A_1744, %dma_wait3A_1745] : memref<1024x8x8x8x128xf32, #tpu.memory_space<hbm>> -> memref<1x1x1x8x128xf32, #tpu.memory_space<hbm>>
      %dma_wait3A_1747 = tpu.memref_squeeze %dma_wait3A_1746 : memref<1x1x1x8x128xf32, #tpu.memory_space<hbm>> -> memref<8x128xf32, #tpu.memory_space<hbm>>
      %dma_wait3A_1748 = arith.constant 0 : i32
      %dma_wait3A_1749 = arith.constant 0 : i32
      %dma_wait3A_1750 = tpu.memref_slice %arg3[%add3A_12, %dma_wait3A_1740, %dma_wait3A_1741, %dma_wait3A_1748, %dma_wait3A_1749] : memref<1024x8x8x8x128xf32, #tpu.memory_space<hbm>> -> memref<1x1x1x8x128xf32, #tpu.memory_space<hbm>>
      %dma_wait3A_1751 = tpu.memref_squeeze %dma_wait3A_1750 : memref<1x1x1x8x128xf32, #tpu.memory_space<hbm>> -> memref<8x128xf32, #tpu.memory_space<hbm>>
      %dma_wait3A_1752 = arith.constant 48 : i32
      %dma_wait3A_1753 = tpu.memref_slice %arg4[%dma_wait3A_1752, %add3A_818] : memref<64x2016xf32, #tpu.memory_space<vmem>> -> memref<8x128xf32, #tpu.memory_space<vmem>>
      tpu.wait_dma2 semaphore(%arg5 : memref<!tpu.dma_semaphore, #tpu.memory_space<semaphore_mem>>) src(%dma_wait3A_1753 : memref<8x128xf32, #tpu.memory_space<vmem>>) dst(%dma_wait3A_1751 : memref<8x128xf32, #tpu.memory_space<hbm>>)
      %dma_wait3A_1754 = arith.constant 6 : i32
      %dma_wait3A_1755 = arith.constant 3 : i32
      %dma_wait3A_1756 = arith.constant 48 : i32
      %dma_wait3A_1757 = tpu.memref_slice %arg4[%dma_wait3A_1756, %add3A_834] : memref<64x2016xf32, #tpu.memory_space<vmem>> -> memref<8x128xf32, #tpu.memory_space<vmem>>
      %dma_wait3A_1758 = arith.constant 0 : i32
      %dma_wait3A_1759 = arith.constant 0 : i32
      %dma_wait3A_1760 = tpu.memref_slice %arg3[%add3A_12, %dma_wait3A_1754, %dma_wait3A_1755, %dma_wait3A_1758, %dma_wait3A_1759] : memref<1024x8x8x8x128xf32, #tpu.memory_space<hbm>> -> memref<1x1x1x8x128xf32, #tpu.memory_space<hbm>>
      %dma_wait3A_1761 = tpu.memref_squeeze %dma_wait3A_1760 : memref<1x1x1x8x128xf32, #tpu.memory_space<hbm>> -> memref<8x128xf32, #tpu.memory_space<hbm>>
      %dma_wait3A_1762 = arith.constant 0 : i32
      %dma_wait3A_1763 = arith.constant 0 : i32
      %dma_wait3A_1764 = tpu.memref_slice %arg3[%add3A_12, %dma_wait3A_1754, %dma_wait3A_1755, %dma_wait3A_1762, %dma_wait3A_1763] : memref<1024x8x8x8x128xf32, #tpu.memory_space<hbm>> -> memref<1x1x1x8x128xf32, #tpu.memory_space<hbm>>
      %dma_wait3A_1765 = tpu.memref_squeeze %dma_wait3A_1764 : memref<1x1x1x8x128xf32, #tpu.memory_space<hbm>> -> memref<8x128xf32, #tpu.memory_space<hbm>>
      %dma_wait3A_1766 = arith.constant 48 : i32
      %dma_wait3A_1767 = tpu.memref_slice %arg4[%dma_wait3A_1766, %add3A_834] : memref<64x2016xf32, #tpu.memory_space<vmem>> -> memref<8x128xf32, #tpu.memory_space<vmem>>
      tpu.wait_dma2 semaphore(%arg5 : memref<!tpu.dma_semaphore, #tpu.memory_space<semaphore_mem>>) src(%dma_wait3A_1767 : memref<8x128xf32, #tpu.memory_space<vmem>>) dst(%dma_wait3A_1765 : memref<8x128xf32, #tpu.memory_space<hbm>>)
      %dma_wait3A_1768 = arith.constant 6 : i32
      %dma_wait3A_1769 = arith.constant 4 : i32
      %dma_wait3A_1770 = arith.constant 48 : i32
      %dma_wait3A_1771 = tpu.memref_slice %arg4[%dma_wait3A_1770, %add3A_850] : memref<64x2016xf32, #tpu.memory_space<vmem>> -> memref<8x128xf32, #tpu.memory_space<vmem>>
      %dma_wait3A_1772 = arith.constant 0 : i32
      %dma_wait3A_1773 = arith.constant 0 : i32
      %dma_wait3A_1774 = tpu.memref_slice %arg3[%add3A_12, %dma_wait3A_1768, %dma_wait3A_1769, %dma_wait3A_1772, %dma_wait3A_1773] : memref<1024x8x8x8x128xf32, #tpu.memory_space<hbm>> -> memref<1x1x1x8x128xf32, #tpu.memory_space<hbm>>
      %dma_wait3A_1775 = tpu.memref_squeeze %dma_wait3A_1774 : memref<1x1x1x8x128xf32, #tpu.memory_space<hbm>> -> memref<8x128xf32, #tpu.memory_space<hbm>>
      %dma_wait3A_1776 = arith.constant 0 : i32
      %dma_wait3A_1777 = arith.constant 0 : i32
      %dma_wait3A_1778 = tpu.memref_slice %arg3[%add3A_12, %dma_wait3A_1768, %dma_wait3A_1769, %dma_wait3A_1776, %dma_wait3A_1777] : memref<1024x8x8x8x128xf32, #tpu.memory_space<hbm>> -> memref<1x1x1x8x128xf32, #tpu.memory_space<hbm>>
      %dma_wait3A_1779 = tpu.memref_squeeze %dma_wait3A_1778 : memref<1x1x1x8x128xf32, #tpu.memory_space<hbm>> -> memref<8x128xf32, #tpu.memory_space<hbm>>
      %dma_wait3A_1780 = arith.constant 48 : i32
      %dma_wait3A_1781 = tpu.memref_slice %arg4[%dma_wait3A_1780, %add3A_850] : memref<64x2016xf32, #tpu.memory_space<vmem>> -> memref<8x128xf32, #tpu.memory_space<vmem>>
      tpu.wait_dma2 semaphore(%arg5 : memref<!tpu.dma_semaphore, #tpu.memory_space<semaphore_mem>>) src(%dma_wait3A_1781 : memref<8x128xf32, #tpu.memory_space<vmem>>) dst(%dma_wait3A_1779 : memref<8x128xf32, #tpu.memory_space<hbm>>)
      %dma_wait3A_1782 = arith.constant 6 : i32
      %dma_wait3A_1783 = arith.constant 5 : i32
      %dma_wait3A_1784 = arith.constant 48 : i32
      %dma_wait3A_1785 = tpu.memref_slice %arg4[%dma_wait3A_1784, %add3A_866] : memref<64x2016xf32, #tpu.memory_space<vmem>> -> memref<8x128xf32, #tpu.memory_space<vmem>>
      %dma_wait3A_1786 = arith.constant 0 : i32
      %dma_wait3A_1787 = arith.constant 0 : i32
      %dma_wait3A_1788 = tpu.memref_slice %arg3[%add3A_12, %dma_wait3A_1782, %dma_wait3A_1783, %dma_wait3A_1786, %dma_wait3A_1787] : memref<1024x8x8x8x128xf32, #tpu.memory_space<hbm>> -> memref<1x1x1x8x128xf32, #tpu.memory_space<hbm>>
      %dma_wait3A_1789 = tpu.memref_squeeze %dma_wait3A_1788 : memref<1x1x1x8x128xf32, #tpu.memory_space<hbm>> -> memref<8x128xf32, #tpu.memory_space<hbm>>
      %dma_wait3A_1790 = arith.constant 0 : i32
      %dma_wait3A_1791 = arith.constant 0 : i32
      %dma_wait3A_1792 = tpu.memref_slice %arg3[%add3A_12, %dma_wait3A_1782, %dma_wait3A_1783, %dma_wait3A_1790, %dma_wait3A_1791] : memref<1024x8x8x8x128xf32, #tpu.memory_space<hbm>> -> memref<1x1x1x8x128xf32, #tpu.memory_space<hbm>>
      %dma_wait3A_1793 = tpu.memref_squeeze %dma_wait3A_1792 : memref<1x1x1x8x128xf32, #tpu.memory_space<hbm>> -> memref<8x128xf32, #tpu.memory_space<hbm>>
      %dma_wait3A_1794 = arith.constant 48 : i32
      %dma_wait3A_1795 = tpu.memref_slice %arg4[%dma_wait3A_1794, %add3A_866] : memref<64x2016xf32, #tpu.memory_space<vmem>> -> memref<8x128xf32, #tpu.memory_space<vmem>>
      tpu.wait_dma2 semaphore(%arg5 : memref<!tpu.dma_semaphore, #tpu.memory_space<semaphore_mem>>) src(%dma_wait3A_1795 : memref<8x128xf32, #tpu.memory_space<vmem>>) dst(%dma_wait3A_1793 : memref<8x128xf32, #tpu.memory_space<hbm>>)
      %dma_wait3A_1796 = arith.constant 6 : i32
      %dma_wait3A_1797 = arith.constant 6 : i32
      %dma_wait3A_1798 = arith.constant 48 : i32
      %dma_wait3A_1799 = tpu.memref_slice %arg4[%dma_wait3A_1798, %add3A_882] : memref<64x2016xf32, #tpu.memory_space<vmem>> -> memref<8x128xf32, #tpu.memory_space<vmem>>
      %dma_wait3A_1800 = arith.constant 0 : i32
      %dma_wait3A_1801 = arith.constant 0 : i32
      %dma_wait3A_1802 = tpu.memref_slice %arg3[%add3A_12, %dma_wait3A_1796, %dma_wait3A_1797, %dma_wait3A_1800, %dma_wait3A_1801] : memref<1024x8x8x8x128xf32, #tpu.memory_space<hbm>> -> memref<1x1x1x8x128xf32, #tpu.memory_space<hbm>>
      %dma_wait3A_1803 = tpu.memref_squeeze %dma_wait3A_1802 : memref<1x1x1x8x128xf32, #tpu.memory_space<hbm>> -> memref<8x128xf32, #tpu.memory_space<hbm>>
      %dma_wait3A_1804 = arith.constant 0 : i32
      %dma_wait3A_1805 = arith.constant 0 : i32
      %dma_wait3A_1806 = tpu.memref_slice %arg3[%add3A_12, %dma_wait3A_1796, %dma_wait3A_1797, %dma_wait3A_1804, %dma_wait3A_1805] : memref<1024x8x8x8x128xf32, #tpu.memory_space<hbm>> -> memref<1x1x1x8x128xf32, #tpu.memory_space<hbm>>
      %dma_wait3A_1807 = tpu.memref_squeeze %dma_wait3A_1806 : memref<1x1x1x8x128xf32, #tpu.memory_space<hbm>> -> memref<8x128xf32, #tpu.memory_space<hbm>>
      %dma_wait3A_1808 = arith.constant 48 : i32
      %dma_wait3A_1809 = tpu.memref_slice %arg4[%dma_wait3A_1808, %add3A_882] : memref<64x2016xf32, #tpu.memory_space<vmem>> -> memref<8x128xf32, #tpu.memory_space<vmem>>
      tpu.wait_dma2 semaphore(%arg5 : memref<!tpu.dma_semaphore, #tpu.memory_space<semaphore_mem>>) src(%dma_wait3A_1809 : memref<8x128xf32, #tpu.memory_space<vmem>>) dst(%dma_wait3A_1807 : memref<8x128xf32, #tpu.memory_space<hbm>>)
      %dma_wait3A_1810 = arith.constant 6 : i32
      %dma_wait3A_1811 = arith.constant 7 : i32
      %dma_wait3A_1812 = arith.constant 48 : i32
      %dma_wait3A_1813 = tpu.memref_slice %arg4[%dma_wait3A_1812, %add3A_898] : memref<64x2016xf32, #tpu.memory_space<vmem>> -> memref<8x128xf32, #tpu.memory_space<vmem>>
      %dma_wait3A_1814 = arith.constant 0 : i32
      %dma_wait3A_1815 = arith.constant 0 : i32
      %dma_wait3A_1816 = tpu.memref_slice %arg3[%add3A_12, %dma_wait3A_1810, %dma_wait3A_1811, %dma_wait3A_1814, %dma_wait3A_1815] : memref<1024x8x8x8x128xf32, #tpu.memory_space<hbm>> -> memref<1x1x1x8x128xf32, #tpu.memory_space<hbm>>
      %dma_wait3A_1817 = tpu.memref_squeeze %dma_wait3A_1816 : memref<1x1x1x8x128xf32, #tpu.memory_space<hbm>> -> memref<8x128xf32, #tpu.memory_space<hbm>>
      %dma_wait3A_1818 = arith.constant 0 : i32
      %dma_wait3A_1819 = arith.constant 0 : i32
      %dma_wait3A_1820 = tpu.memref_slice %arg3[%add3A_12, %dma_wait3A_1810, %dma_wait3A_1811, %dma_wait3A_1818, %dma_wait3A_1819] : memref<1024x8x8x8x128xf32, #tpu.memory_space<hbm>> -> memref<1x1x1x8x128xf32, #tpu.memory_space<hbm>>
      %dma_wait3A_1821 = tpu.memref_squeeze %dma_wait3A_1820 : memref<1x1x1x8x128xf32, #tpu.memory_space<hbm>> -> memref<8x128xf32, #tpu.memory_space<hbm>>
      %dma_wait3A_1822 = arith.constant 48 : i32
      %dma_wait3A_1823 = tpu.memref_slice %arg4[%dma_wait3A_1822, %add3A_898] : memref<64x2016xf32, #tpu.memory_space<vmem>> -> memref<8x128xf32, #tpu.memory_space<vmem>>
      tpu.wait_dma2 semaphore(%arg5 : memref<!tpu.dma_semaphore, #tpu.memory_space<semaphore_mem>>) src(%dma_wait3A_1823 : memref<8x128xf32, #tpu.memory_space<vmem>>) dst(%dma_wait3A_1821 : memref<8x128xf32, #tpu.memory_space<hbm>>)
      %dma_wait3A_1824 = arith.constant 7 : i32
      %dma_wait3A_1825 = arith.constant 0 : i32
      %dma_wait3A_1826 = arith.constant 56 : i32
      %dma_wait3A_1827 = tpu.memref_slice %arg4[%dma_wait3A_1826, %add3A_914] : memref<64x2016xf32, #tpu.memory_space<vmem>> -> memref<8x128xf32, #tpu.memory_space<vmem>>
      %dma_wait3A_1828 = arith.constant 0 : i32
      %dma_wait3A_1829 = arith.constant 0 : i32
      %dma_wait3A_1830 = tpu.memref_slice %arg3[%add3A_12, %dma_wait3A_1824, %dma_wait3A_1825, %dma_wait3A_1828, %dma_wait3A_1829] : memref<1024x8x8x8x128xf32, #tpu.memory_space<hbm>> -> memref<1x1x1x8x128xf32, #tpu.memory_space<hbm>>
      %dma_wait3A_1831 = tpu.memref_squeeze %dma_wait3A_1830 : memref<1x1x1x8x128xf32, #tpu.memory_space<hbm>> -> memref<8x128xf32, #tpu.memory_space<hbm>>
      %dma_wait3A_1832 = arith.constant 0 : i32
      %dma_wait3A_1833 = arith.constant 0 : i32
      %dma_wait3A_1834 = tpu.memref_slice %arg3[%add3A_12, %dma_wait3A_1824, %dma_wait3A_1825, %dma_wait3A_1832, %dma_wait3A_1833] : memref<1024x8x8x8x128xf32, #tpu.memory_space<hbm>> -> memref<1x1x1x8x128xf32, #tpu.memory_space<hbm>>
      %dma_wait3A_1835 = tpu.memref_squeeze %dma_wait3A_1834 : memref<1x1x1x8x128xf32, #tpu.memory_space<hbm>> -> memref<8x128xf32, #tpu.memory_space<hbm>>
      %dma_wait3A_1836 = arith.constant 56 : i32
      %dma_wait3A_1837 = tpu.memref_slice %arg4[%dma_wait3A_1836, %add3A_914] : memref<64x2016xf32, #tpu.memory_space<vmem>> -> memref<8x128xf32, #tpu.memory_space<vmem>>
      tpu.wait_dma2 semaphore(%arg5 : memref<!tpu.dma_semaphore, #tpu.memory_space<semaphore_mem>>) src(%dma_wait3A_1837 : memref<8x128xf32, #tpu.memory_space<vmem>>) dst(%dma_wait3A_1835 : memref<8x128xf32, #tpu.memory_space<hbm>>)
      %dma_wait3A_1838 = arith.constant 7 : i32
      %dma_wait3A_1839 = arith.constant 1 : i32
      %dma_wait3A_1840 = arith.constant 56 : i32
      %dma_wait3A_1841 = tpu.memref_slice %arg4[%dma_wait3A_1840, %add3A_930] : memref<64x2016xf32, #tpu.memory_space<vmem>> -> memref<8x128xf32, #tpu.memory_space<vmem>>
      %dma_wait3A_1842 = arith.constant 0 : i32
      %dma_wait3A_1843 = arith.constant 0 : i32
      %dma_wait3A_1844 = tpu.memref_slice %arg3[%add3A_12, %dma_wait3A_1838, %dma_wait3A_1839, %dma_wait3A_1842, %dma_wait3A_1843] : memref<1024x8x8x8x128xf32, #tpu.memory_space<hbm>> -> memref<1x1x1x8x128xf32, #tpu.memory_space<hbm>>
      %dma_wait3A_1845 = tpu.memref_squeeze %dma_wait3A_1844 : memref<1x1x1x8x128xf32, #tpu.memory_space<hbm>> -> memref<8x128xf32, #tpu.memory_space<hbm>>
      %dma_wait3A_1846 = arith.constant 0 : i32
      %dma_wait3A_1847 = arith.constant 0 : i32
      %dma_wait3A_1848 = tpu.memref_slice %arg3[%add3A_12, %dma_wait3A_1838, %dma_wait3A_1839, %dma_wait3A_1846, %dma_wait3A_1847] : memref<1024x8x8x8x128xf32, #tpu.memory_space<hbm>> -> memref<1x1x1x8x128xf32, #tpu.memory_space<hbm>>
      %dma_wait3A_1849 = tpu.memref_squeeze %dma_wait3A_1848 : memref<1x1x1x8x128xf32, #tpu.memory_space<hbm>> -> memref<8x128xf32, #tpu.memory_space<hbm>>
      %dma_wait3A_1850 = arith.constant 56 : i32
      %dma_wait3A_1851 = tpu.memref_slice %arg4[%dma_wait3A_1850, %add3A_930] : memref<64x2016xf32, #tpu.memory_space<vmem>> -> memref<8x128xf32, #tpu.memory_space<vmem>>
      tpu.wait_dma2 semaphore(%arg5 : memref<!tpu.dma_semaphore, #tpu.memory_space<semaphore_mem>>) src(%dma_wait3A_1851 : memref<8x128xf32, #tpu.memory_space<vmem>>) dst(%dma_wait3A_1849 : memref<8x128xf32, #tpu.memory_space<hbm>>)
      %dma_wait3A_1852 = arith.constant 7 : i32
      %dma_wait3A_1853 = arith.constant 2 : i32
      %dma_wait3A_1854 = arith.constant 56 : i32
      %dma_wait3A_1855 = tpu.memref_slice %arg4[%dma_wait3A_1854, %add3A_946] : memref<64x2016xf32, #tpu.memory_space<vmem>> -> memref<8x128xf32, #tpu.memory_space<vmem>>
      %dma_wait3A_1856 = arith.constant 0 : i32
      %dma_wait3A_1857 = arith.constant 0 : i32
      %dma_wait3A_1858 = tpu.memref_slice %arg3[%add3A_12, %dma_wait3A_1852, %dma_wait3A_1853, %dma_wait3A_1856, %dma_wait3A_1857] : memref<1024x8x8x8x128xf32, #tpu.memory_space<hbm>> -> memref<1x1x1x8x128xf32, #tpu.memory_space<hbm>>
      %dma_wait3A_1859 = tpu.memref_squeeze %dma_wait3A_1858 : memref<1x1x1x8x128xf32, #tpu.memory_space<hbm>> -> memref<8x128xf32, #tpu.memory_space<hbm>>
      %dma_wait3A_1860 = arith.constant 0 : i32
      %dma_wait3A_1861 = arith.constant 0 : i32
      %dma_wait3A_1862 = tpu.memref_slice %arg3[%add3A_12, %dma_wait3A_1852, %dma_wait3A_1853, %dma_wait3A_1860, %dma_wait3A_1861] : memref<1024x8x8x8x128xf32, #tpu.memory_space<hbm>> -> memref<1x1x1x8x128xf32, #tpu.memory_space<hbm>>
      %dma_wait3A_1863 = tpu.memref_squeeze %dma_wait3A_1862 : memref<1x1x1x8x128xf32, #tpu.memory_space<hbm>> -> memref<8x128xf32, #tpu.memory_space<hbm>>
      %dma_wait3A_1864 = arith.constant 56 : i32
      %dma_wait3A_1865 = tpu.memref_slice %arg4[%dma_wait3A_1864, %add3A_946] : memref<64x2016xf32, #tpu.memory_space<vmem>> -> memref<8x128xf32, #tpu.memory_space<vmem>>
      tpu.wait_dma2 semaphore(%arg5 : memref<!tpu.dma_semaphore, #tpu.memory_space<semaphore_mem>>) src(%dma_wait3A_1865 : memref<8x128xf32, #tpu.memory_space<vmem>>) dst(%dma_wait3A_1863 : memref<8x128xf32, #tpu.memory_space<hbm>>)
      %dma_wait3A_1866 = arith.constant 7 : i32
      %dma_wait3A_1867 = arith.constant 3 : i32
      %dma_wait3A_1868 = arith.constant 56 : i32
      %dma_wait3A_1869 = tpu.memref_slice %arg4[%dma_wait3A_1868, %add3A_962] : memref<64x2016xf32, #tpu.memory_space<vmem>> -> memref<8x128xf32, #tpu.memory_space<vmem>>
      %dma_wait3A_1870 = arith.constant 0 : i32
      %dma_wait3A_1871 = arith.constant 0 : i32
      %dma_wait3A_1872 = tpu.memref_slice %arg3[%add3A_12, %dma_wait3A_1866, %dma_wait3A_1867, %dma_wait3A_1870, %dma_wait3A_1871] : memref<1024x8x8x8x128xf32, #tpu.memory_space<hbm>> -> memref<1x1x1x8x128xf32, #tpu.memory_space<hbm>>
      %dma_wait3A_1873 = tpu.memref_squeeze %dma_wait3A_1872 : memref<1x1x1x8x128xf32, #tpu.memory_space<hbm>> -> memref<8x128xf32, #tpu.memory_space<hbm>>
      %dma_wait3A_1874 = arith.constant 0 : i32
      %dma_wait3A_1875 = arith.constant 0 : i32
      %dma_wait3A_1876 = tpu.memref_slice %arg3[%add3A_12, %dma_wait3A_1866, %dma_wait3A_1867, %dma_wait3A_1874, %dma_wait3A_1875] : memref<1024x8x8x8x128xf32, #tpu.memory_space<hbm>> -> memref<1x1x1x8x128xf32, #tpu.memory_space<hbm>>
      %dma_wait3A_1877 = tpu.memref_squeeze %dma_wait3A_1876 : memref<1x1x1x8x128xf32, #tpu.memory_space<hbm>> -> memref<8x128xf32, #tpu.memory_space<hbm>>
      %dma_wait3A_1878 = arith.constant 56 : i32
      %dma_wait3A_1879 = tpu.memref_slice %arg4[%dma_wait3A_1878, %add3A_962] : memref<64x2016xf32, #tpu.memory_space<vmem>> -> memref<8x128xf32, #tpu.memory_space<vmem>>
      tpu.wait_dma2 semaphore(%arg5 : memref<!tpu.dma_semaphore, #tpu.memory_space<semaphore_mem>>) src(%dma_wait3A_1879 : memref<8x128xf32, #tpu.memory_space<vmem>>) dst(%dma_wait3A_1877 : memref<8x128xf32, #tpu.memory_space<hbm>>)
      %dma_wait3A_1880 = arith.constant 7 : i32
      %dma_wait3A_1881 = arith.constant 4 : i32
      %dma_wait3A_1882 = arith.constant 56 : i32
      %dma_wait3A_1883 = tpu.memref_slice %arg4[%dma_wait3A_1882, %add3A_978] : memref<64x2016xf32, #tpu.memory_space<vmem>> -> memref<8x128xf32, #tpu.memory_space<vmem>>
      %dma_wait3A_1884 = arith.constant 0 : i32
      %dma_wait3A_1885 = arith.constant 0 : i32
      %dma_wait3A_1886 = tpu.memref_slice %arg3[%add3A_12, %dma_wait3A_1880, %dma_wait3A_1881, %dma_wait3A_1884, %dma_wait3A_1885] : memref<1024x8x8x8x128xf32, #tpu.memory_space<hbm>> -> memref<1x1x1x8x128xf32, #tpu.memory_space<hbm>>
      %dma_wait3A_1887 = tpu.memref_squeeze %dma_wait3A_1886 : memref<1x1x1x8x128xf32, #tpu.memory_space<hbm>> -> memref<8x128xf32, #tpu.memory_space<hbm>>
      %dma_wait3A_1888 = arith.constant 0 : i32
      %dma_wait3A_1889 = arith.constant 0 : i32
      %dma_wait3A_1890 = tpu.memref_slice %arg3[%add3A_12, %dma_wait3A_1880, %dma_wait3A_1881, %dma_wait3A_1888, %dma_wait3A_1889] : memref<1024x8x8x8x128xf32, #tpu.memory_space<hbm>> -> memref<1x1x1x8x128xf32, #tpu.memory_space<hbm>>
      %dma_wait3A_1891 = tpu.memref_squeeze %dma_wait3A_1890 : memref<1x1x1x8x128xf32, #tpu.memory_space<hbm>> -> memref<8x128xf32, #tpu.memory_space<hbm>>
      %dma_wait3A_1892 = arith.constant 56 : i32
      %dma_wait3A_1893 = tpu.memref_slice %arg4[%dma_wait3A_1892, %add3A_978] : memref<64x2016xf32, #tpu.memory_space<vmem>> -> memref<8x128xf32, #tpu.memory_space<vmem>>
      tpu.wait_dma2 semaphore(%arg5 : memref<!tpu.dma_semaphore, #tpu.memory_space<semaphore_mem>>) src(%dma_wait3A_1893 : memref<8x128xf32, #tpu.memory_space<vmem>>) dst(%dma_wait3A_1891 : memref<8x128xf32, #tpu.memory_space<hbm>>)
      %dma_wait3A_1894 = arith.constant 7 : i32
      %dma_wait3A_1895 = arith.constant 5 : i32
      %dma_wait3A_1896 = arith.constant 56 : i32
      %dma_wait3A_1897 = tpu.memref_slice %arg4[%dma_wait3A_1896, %add3A_994] : memref<64x2016xf32, #tpu.memory_space<vmem>> -> memref<8x128xf32, #tpu.memory_space<vmem>>
      %dma_wait3A_1898 = arith.constant 0 : i32
      %dma_wait3A_1899 = arith.constant 0 : i32
      %dma_wait3A_1900 = tpu.memref_slice %arg3[%add3A_12, %dma_wait3A_1894, %dma_wait3A_1895, %dma_wait3A_1898, %dma_wait3A_1899] : memref<1024x8x8x8x128xf32, #tpu.memory_space<hbm>> -> memref<1x1x1x8x128xf32, #tpu.memory_space<hbm>>
      %dma_wait3A_1901 = tpu.memref_squeeze %dma_wait3A_1900 : memref<1x1x1x8x128xf32, #tpu.memory_space<hbm>> -> memref<8x128xf32, #tpu.memory_space<hbm>>
      %dma_wait3A_1902 = arith.constant 0 : i32
      %dma_wait3A_1903 = arith.constant 0 : i32
      %dma_wait3A_1904 = tpu.memref_slice %arg3[%add3A_12, %dma_wait3A_1894, %dma_wait3A_1895, %dma_wait3A_1902, %dma_wait3A_1903] : memref<1024x8x8x8x128xf32, #tpu.memory_space<hbm>> -> memref<1x1x1x8x128xf32, #tpu.memory_space<hbm>>
      %dma_wait3A_1905 = tpu.memref_squeeze %dma_wait3A_1904 : memref<1x1x1x8x128xf32, #tpu.memory_space<hbm>> -> memref<8x128xf32, #tpu.memory_space<hbm>>
      %dma_wait3A_1906 = arith.constant 56 : i32
      %dma_wait3A_1907 = tpu.memref_slice %arg4[%dma_wait3A_1906, %add3A_994] : memref<64x2016xf32, #tpu.memory_space<vmem>> -> memref<8x128xf32, #tpu.memory_space<vmem>>
      tpu.wait_dma2 semaphore(%arg5 : memref<!tpu.dma_semaphore, #tpu.memory_space<semaphore_mem>>) src(%dma_wait3A_1907 : memref<8x128xf32, #tpu.memory_space<vmem>>) dst(%dma_wait3A_1905 : memref<8x128xf32, #tpu.memory_space<hbm>>)
      %dma_wait3A_1908 = arith.constant 7 : i32
      %dma_wait3A_1909 = arith.constant 6 : i32
      %dma_wait3A_1910 = arith.constant 56 : i32
      %dma_wait3A_1911 = tpu.memref_slice %arg4[%dma_wait3A_1910, %add3A_1010] : memref<64x2016xf32, #tpu.memory_space<vmem>> -> memref<8x128xf32, #tpu.memory_space<vmem>>
      %dma_wait3A_1912 = arith.constant 0 : i32
      %dma_wait3A_1913 = arith.constant 0 : i32
      %dma_wait3A_1914 = tpu.memref_slice %arg3[%add3A_12, %dma_wait3A_1908, %dma_wait3A_1909, %dma_wait3A_1912, %dma_wait3A_1913] : memref<1024x8x8x8x128xf32, #tpu.memory_space<hbm>> -> memref<1x1x1x8x128xf32, #tpu.memory_space<hbm>>
      %dma_wait3A_1915 = tpu.memref_squeeze %dma_wait3A_1914 : memref<1x1x1x8x128xf32, #tpu.memory_space<hbm>> -> memref<8x128xf32, #tpu.memory_space<hbm>>
      %dma_wait3A_1916 = arith.constant 0 : i32
      %dma_wait3A_1917 = arith.constant 0 : i32
      %dma_wait3A_1918 = tpu.memref_slice %arg3[%add3A_12, %dma_wait3A_1908, %dma_wait3A_1909, %dma_wait3A_1916, %dma_wait3A_1917] : memref<1024x8x8x8x128xf32, #tpu.memory_space<hbm>> -> memref<1x1x1x8x128xf32, #tpu.memory_space<hbm>>
      %dma_wait3A_1919 = tpu.memref_squeeze %dma_wait3A_1918 : memref<1x1x1x8x128xf32, #tpu.memory_space<hbm>> -> memref<8x128xf32, #tpu.memory_space<hbm>>
      %dma_wait3A_1920 = arith.constant 56 : i32
      %dma_wait3A_1921 = tpu.memref_slice %arg4[%dma_wait3A_1920, %add3A_1010] : memref<64x2016xf32, #tpu.memory_space<vmem>> -> memref<8x128xf32, #tpu.memory_space<vmem>>
      tpu.wait_dma2 semaphore(%arg5 : memref<!tpu.dma_semaphore, #tpu.memory_space<semaphore_mem>>) src(%dma_wait3A_1921 : memref<8x128xf32, #tpu.memory_space<vmem>>) dst(%dma_wait3A_1919 : memref<8x128xf32, #tpu.memory_space<hbm>>)
      %dma_wait3A_1922 = arith.constant 7 : i32
      %dma_wait3A_1923 = arith.constant 7 : i32
      %dma_wait3A_1924 = arith.constant 56 : i32
      %dma_wait3A_1925 = tpu.memref_slice %arg4[%dma_wait3A_1924, %add3A_1026] : memref<64x2016xf32, #tpu.memory_space<vmem>> -> memref<8x128xf32, #tpu.memory_space<vmem>>
      %dma_wait3A_1926 = arith.constant 0 : i32
      %dma_wait3A_1927 = arith.constant 0 : i32
      %dma_wait3A_1928 = tpu.memref_slice %arg3[%add3A_12, %dma_wait3A_1922, %dma_wait3A_1923, %dma_wait3A_1926, %dma_wait3A_1927] : memref<1024x8x8x8x128xf32, #tpu.memory_space<hbm>> -> memref<1x1x1x8x128xf32, #tpu.memory_space<hbm>>
      %dma_wait3A_1929 = tpu.memref_squeeze %dma_wait3A_1928 : memref<1x1x1x8x128xf32, #tpu.memory_space<hbm>> -> memref<8x128xf32, #tpu.memory_space<hbm>>
      %dma_wait3A_1930 = arith.constant 0 : i32
      %dma_wait3A_1931 = arith.constant 0 : i32
      %dma_wait3A_1932 = tpu.memref_slice %arg3[%add3A_12, %dma_wait3A_1922, %dma_wait3A_1923, %dma_wait3A_1930, %dma_wait3A_1931] : memref<1024x8x8x8x128xf32, #tpu.memory_space<hbm>> -> memref<1x1x1x8x128xf32, #tpu.memory_space<hbm>>
      %dma_wait3A_1933 = tpu.memref_squeeze %dma_wait3A_1932 : memref<1x1x1x8x128xf32, #tpu.memory_space<hbm>> -> memref<8x128xf32, #tpu.memory_space<hbm>>
      %dma_wait3A_1934 = arith.constant 56 : i32
      %dma_wait3A_1935 = tpu.memref_slice %arg4[%dma_wait3A_1934, %add3A_1026] : memref<64x2016xf32, #tpu.memory_space<vmem>> -> memref<8x128xf32, #tpu.memory_space<vmem>>
      tpu.wait_dma2 semaphore(%arg5 : memref<!tpu.dma_semaphore, #tpu.memory_space<semaphore_mem>>) src(%dma_wait3A_1935 : memref<8x128xf32, #tpu.memory_space<vmem>>) dst(%dma_wait3A_1933 : memref<8x128xf32, #tpu.memory_space<hbm>>)
    }
    %scan3A_8 = arith.constant 32 : i32
    return
  }
}

</mosaic_0001>

<sc_bundles>
// kernel: _rpe_expand.3.cloned.1.call-start
scs
__scs_entry_jumppad:
0x0: {  	(pc) =	sbr.rel $0x88, $3  }
0x1: {  	(tag) =	ssettag $0x0;
	lr =	simm.s32 $0x1  }
0x2: {  	[smem:$0x3FA0] =	sst lr;
	_ =	strace $0xD0000000  }
0x3: {  	_ = 	snop  }
0x4: {  	_ = 	snop  }
0x5: {  	_ = 	snop  }
0x6: {  	_ = 	snop  }
0x7: {  	_ = 	snop  }
__scs_overlays_trampoline_lowered:
0x8: {  	[smem:$0x3FAF] =	sst s0  }
0x9: {  	[smem:$0x3FB0] =	sst s1  }
0xa: {  	[smem:$0x3FB1] =	sst s2  }
0xb: {  	[smem:$0x3FB2] =	sst s3  }
0xc: {  	[smem:$0x3FB3] =	sst s4  }
0xd: {  	[smem:$0x3FB4] =	sst s5  }
0xe: {  	[smem:$0x3FB5] =	sst s6  }
0xf: {  	[smem:$0x3FB6] =	sst s7  }
0x10: {  	[smem:$0x3FB7] =	sst s8  }
0x11: {  	[smem:$0x3FB8] =	sst s9;
	s0 =	simm.s32 @!p0 $0x0  }
0x12: {  	s1 =	sld [smem:$0x3F9E];
	s0 =	simm.s32 @p0 $0x1  }
0x13: {  	[smem:$0x3FB9] =	sst s0;
	s0 =	simm.s32 @!p1 $0x0  }
0x14: {  	s2 =	sld [smem:$0x3F9D];
	s0 =	simm.s32 @p1 $0x1  }
0x15: {  	[smem:$0x3FBA] =	sst s0;
	s0 =	simm.s32 @!p2 $0x0  }
0x16: {  	s3 =	sld [smem:$0x3FDB];
	s0 =	simm.s32 @p2 $0x1  }
0x17: {  	s4 =	simm.s32 $0x1BF5;
	[smem:$0x3FBC] =	sst s0  }
0x18: {  	s0 =	sld [smem:$0x3F9F];
	_ =	swait.ge [sflag:s4], $0x0  }
0x19: {  	s7 =	sld [smem:$0x3FA0]  }
0x1a: {  	s8 =	sadd.s32 $0xFFFFE003, lr  }
0x1b: {  	s9 =	sadd.s32 $0xFFFFFEF7, lr;
	s5 =	simm.s32 $0xFFFFFFFF;
	p2 =	slt.u32 s8, $0xFFFFF086  }
0x1c: {  	p1 =	slt.u32 s9, $0xF7A;
	s5 =	simm.s32 @!p2 $0x0  }
0x1d: {  	s5 =	simm.s32 @p1 $0x1;
	p0 =	seq.s32 s7, s2  }
0x1e: {  	s7 =	smul.u32 @!p0 $0xF7A, s2;
	p2 =	seq.s32 @!p0 s5, $0x0  }
0x1f: {  	s9 =	smul.u32 $0xF7A, s1;
	s8 =	simm.s32 @!p0 $0x1BF5;
	p2 =	por !p2, p0  }
0x20: {  	[sflag:s8] =	ssyncset.s32 @!p0 $0xFFFFF086;
	s6 =	sadd.s32 @!p0 s3, s7;
	s7 =	simm.s32 @!p0 $0x108  }
0x21: {  	s3 =	sadd.s32 s3, s9;
	s6 =	sadd.s32 @!p0 $0x88, s6;
	s7 =	simm.s32 @p2 $0x1082  }
0x22: {  	[simem:s7], [sflag:s8] =	dma.local @!p0 [hbm:s6], $0xF7A  }
0x23: {  	s9 =	sor.u32 $0xD0000000, s2;
	s6 =	simm.s32 $0x108;
	_ =	swait.ge @!p0 [sflag:s8], $0x0  }
0x24: {  	s3 =	sadd.s32 $0x88, s3;
	s6 =	simm.s32 @!p1 $0x1082;
	[sflag:s4] =	ssyncset.s32 $0xFFFFF086  }
0x25: {  	[simem:s6], [sflag:s4] =	dma.local [hbm:s3], $0xF7A  }
0x26: {  	[smem:$0x3FA0] =	sst s1;
	(tag) =	ssettag s2;
	_ =	strace s9  }
0x27: {  	s1 =	sld [smem:$0x3FB0]  }
0x28: {  	s2 =	sld [smem:$0x3FB1]  }
0x29: {  	s4 =	sld [smem:$0x3FB3]  }
0x2a: {  	p0 =	seq.s32 s5, $0x0;
	s5 =	sld [smem:$0x3FB4]  }
0x2b: {  	s6 =	sld [smem:$0x3FB5]  }
0x2c: {  	s7 =	sld [smem:$0x3FB6]  }
0x2d: {  	s3 =	simm.s32 $0x108;
	s8 =	sld [smem:$0x3FB7]  }
0x2e: {  	s3 =	simm.s32 @!p0 $0x1082;
	s9 =	sld [smem:$0x3FB8]  }
0x2f: {  	lr =	sadd.s32 s0, s3;
	s0 =	sld [smem:$0x3FAF]  }
0x30: {  	s3 =	sld [smem:$0x3FB2]  }
0x31: {  	[smem:$0x3FBB] =	sst s10  }
0x32: {  	s10 =	sld [smem:$0x3FB9];
	_ =	sdelay $0x3  }
0x33: {  	p0 =	seq.s32 s10, $0x1;
	s10 =	sld [smem:$0x3FBB];
	_ =	sdelay $0x3  }
0x34: {  	[smem:$0x3FBB] =	sst s10  }
0x35: {  	s10 =	sld [smem:$0x3FBA];
	_ =	sdelay $0x3  }
0x36: {  	p1 =	seq.s32 s10, $0x1;
	s10 =	sld [smem:$0x3FBB];
	_ =	sdelay $0x3  }
0x37: {  	[smem:$0x3FBB] =	sst s10  }
0x38: {  	s10 =	sld [smem:$0x3FBC]  }
0x39: {  	_ = 	snop;
	(pc) =	sbr.ind lr, $3  }
0x3a: {  	_ = 	snop  }
0x3b: {  	_ = 	snop  }
0x3c: {  	p2 =	seq.s32 s10, $0x1;
	s10 =	sld [smem:$0x3FBB]  }
0x3d: {  	_ =	shalt  }
0x3e: {  	_ =	shalt  }
0x3f: {  	_ =	shalt  }
0x40: {  	_ =	shalt  }
0x41: {  	_ =	shalt  }
0x42: {  	_ =	shalt  }
0x43: {  	_ =	shalt  }
0x44: {  	_ =	shalt  }
0x45: {  	_ =	shalt  }
0x46: {  	_ =	shalt  }
0x47: {  	_ =	shalt  }
0x48: {  	_ =	shalt  }
0x49: {  	_ =	shalt  }
0x4a: {  	_ =	shalt  }
0x4b: {  	_ =	shalt  }
0x4c: {  	_ =	shalt  }
0x4d: {  	_ =	shalt  }
0x4e: {  	_ =	shalt  }
0x4f: {  	_ =	shalt  }
0x50: {  	_ =	shalt  }
0x51: {  	_ =	shalt  }
0x52: {  	_ =	shalt  }
0x53: {  	_ =	shalt  }
0x54: {  	_ =	shalt  }
0x55: {  	_ =	shalt  }
0x56: {  	_ =	shalt  }
0x57: {  	_ =	shalt  }
0x58: {  	_ =	shalt  }
0x59: {  	_ =	shalt  }
0x5a: {  	_ =	shalt  }
0x5b: {  	_ =	shalt  }
0x5c: {  	_ =	shalt  }
0x5d: {  	_ =	shalt  }
0x5e: {  	_ =	shalt  }
0x5f: {  	_ =	shalt  }
0x60: {  	_ =	shalt  }
0x61: {  	_ =	shalt  }
0x62: {  	_ =	shalt  }
0x63: {  	_ =	shalt  }
0x64: {  	_ =	shalt  }
0x65: {  	_ =	shalt  }
0x66: {  	_ =	shalt  }
0x67: {  	_ =	shalt  }
0x68: {  	_ =	shalt  }
0x69: {  	_ =	shalt  }
0x6a: {  	_ =	shalt  }
0x6b: {  	_ =	shalt  }
0x6c: {  	_ =	shalt  }
0x6d: {  	_ =	shalt  }
0x6e: {  	_ =	shalt  }
0x6f: {  	_ =	shalt  }
0x70: {  	_ =	shalt  }
0x71: {  	_ =	shalt  }
0x72: {  	_ =	shalt  }
0x73: {  	_ =	shalt  }
0x74: {  	_ =	shalt  }
0x75: {  	_ =	shalt  }
0x76: {  	_ =	shalt  }
0x77: {  	_ =	shalt  }
0x78: {  	_ =	shalt  }
0x79: {  	_ =	shalt  }
0x7a: {  	_ =	shalt  }
0x7b: {  	_ =	shalt  }
0x7c: {  	_ =	shalt  }
0x7d: {  	_ =	shalt  }
0x7e: {  	_ =	shalt  }
0x7f: {  	_ =	shalt  }
0x80: {  	_ =	shalt  }
0x81: {  	_ =	shalt  }
0x82: {  	_ =	shalt  }
0x83: {  	_ =	shalt  }
0x84: {  	_ =	shalt  }
0x85: {  	_ =	shalt  }
0x86: {  	_ =	shalt  }
0x87: {  	_ =	shalt  }
.Lfunc_end0:
.L_simem_size_0:
called_computation_lowered:
.L_overlay_start_0:
0x88: {  	s2 =	sld [smem:$0x3FD9]  }
0x89: {  	s3 =	sld [smem:$0x3FFE];
	_ =	sdelay $0x1  }
0x8a: {  	s1 =	srdreg.scid  }
0x8b: {  	s0 =	sand.u32 $0x1, s1  }
0x8c: {  	s17 =	sshll.u32 s0, $0xA;
	s2 =	sadd.s32 s3, s2  }
0x8d: {  	s2 =	sadd.s32 s2, s17  }
0x8e: {  	[smem:$0x3FC7] =	sst s2  }
0x8f: {  	_ = 	snop  }
0x90: {  	s2 =	sld [smem:$0x3FD0];
	(tm) =	ssettm $0x1  }
0x91: {  	s18 =	sld [smem:$0x3FFB];
	_ =	sdelay $0x3  }
0x92: {  	_ =	strace s18  }
0x93: {  	s3 =	sld [smem:$0x3FFC];
	_ =	sdelay $0x3  }
0x94: {  	_ =	strace s3  }
0x95: {  	s3 =	sld [smem:$0x3FFD];
	_ =	sdelay $0x3  }
0x96: {  	_ =	strace s3  }
0x97: {  	_ =	strace $0x8FFFFFFF  }
0x98: {  	s19 =	sld [smem:$0x3FDB];
	_ =	sdelay $0x1  }
0x99: {  	s4 =	simm.s32 $_scs_section_size  }
0x9a: {  	s5 =	simm.s32 $_size__tile_overlayer_lowered;
	s6 =	simm.s32 $_tile_overlayer_lowered  }
0x9b: {  	s22 =	simm.s32 $0x1BFF;
	s21 =	sshll.u32 s6, $0x1;
	s3 =	sadd.s32 s4, s19  }
0x9c: {  	s7 =	simm.s32 $0x0;
	s20 =	sshll.u32 s5, $0x1;
	s5 =	sadd.s32 s21, s3  }
0x9d: {  	[timem:s7], [sflag:s22] =	dma.local [hbm:s5], s20  }
0x9e: {  	_ =	swait.ge [sflag:s22], s20  }
0x9f: {  	s4 =	ssub.s32 $0x0, s20;
	[sflag:s22] =	ssyncset.done $0x0  }
0xa0: {  	[sflag:s22] =	ssyncadd.s32 s4;
	_ =	sdelay $0x1  }
0xa1: {  	s23 =	simm.s32 $0x1B8B  }
0xa2: {  	_ =	swait.ge [sflag:s23], $0x1  }
0xa3: {  	[sflag:s23] =	ssyncset.done $0x0  }
0xa4: {  	s25 =	simm.s32 $0x1B8E;
	s24 =	sld [smem:$0x3FFE];
	[sflag:s23] =	ssyncadd.s32 $0xFFFFFFFF  }
0xa5: {  	s26 =	simm.s32 $execute0_lowered;
	[smem:$0x3FD2] =	sst s25  }
0xa6: {  	s5 =	sshll.u32 s26, $0x1;
	_ =	strace $0x80000046;
	[dreg:$0x1] =	wrdreg $0xFFFFFFFF  }
0xa7: {  	s28 =	simm.s32 $_size_execute0_lowered;
	s3 =	sadd.s32 s3, s5;
	[dreg:$0x0] =	wrdreg $0x0  }
0xa8: {  	s5 =	sshll.u32 s28, $0x1;
	[dreg:$0x2] =	wrdreg s3  }
0xa9: {  	[dreg:$0x3] =	wrdreg s5  }
0xaa: {  	[dreg:$0x4] =	wrdreg $0xC0  }
0xab: {  	_ =	task [dreg:s7], $0x5FFFF  }
0xac: {  	[dreg:$0x1] =	wrdreg $0xFFFFFFFF  }
0xad: {  	[dreg:$0x0] =	wrdreg $0x60  }
0xae: {  	[dreg:$0x2] =	wrdreg s24  }
0xaf: {  	[dreg:$0x3] =	wrdreg s2  }
0xb0: {  	[dreg:$0x4] =	wrdreg $0x9  }
0xb1: {  	_ =	task.clear_ibuf [dreg:s7], $0x5FFFF;
	_ =	strace $0x90000046  }
0xb2: {  	s29 =	simm.s32 $0x9;
	_ =	strace $0x80000048  }
0xb3: {  	_ =	swait.ge [sflag:s29], $0x1  }
0xb4: {  	[sflag:s29] =	ssyncadd.s32 $0xFFFFFFFF  }
0xb5: {  	_ =	strace $0x90000048  }
0xb6: {  	_ =	sfence  }
0xb7: {  	s30 =	sld [smem:$0x0];
	_ =	sdelay $0x2  }
0xb8: {  	s31 =	sshll.u32 s1, $0xD;
	s1 =	sshrl.u32 s1, $0x2  }
0xb9: {  	s3 =	sand.u32 $0x4000, s31;
	s1 =	sadd.s32 s1, s30  }
0xba: {  	s0 =	sor.u32 s3, s0;
	s1 =	sshll.u32 s1, $0x11  }
0xbb: {  	s0 =	sor.u32 s1, s0  }
0xbc: {  	s0 =	sadd.s32 $0x8F2B, s0  }
0xbd: {  	[sflag:s0] =	ssyncadd.remote.s32 $0x1  }
0xbe: {  	_ =	sfence.sel $0xFFFF  }
0xbf: {  	[dreg:$0x0] =	wrdreg $0xFFFFFFFF;
	(pc) =	sbr.abs _section_cstart, $3  }
0xc0: {  	[dreg:$0x1] =	wrdreg $0xFFFFFFFF  }
0xc1: {  	_ =	task.clear_ibuf [dreg:s7], $0x2FFFF;
	_ =	strace $0x9FFFFFFF  }
0xc2: {  	(tm) =	ssettm $0x7FFFFFFF  }
0xc3: {  	_ =	shalt  }
tec
execute0_lowered:
.L_overlay_start_1:
0x0: {  	(tag) =	ssettag $0x1  }
0x1: {  	s5 =	rddreg [dreg:$0x0]  }
0x2: {  	s1 =	rddreg [dreg:$0x1]  }
0x3: {  	s0 =	rddreg [dreg:$0x2];
	s2 =	simm.s32 $0x0  }
0x4: {  	[smem:$0x7FF] =	sst s2;
	s3 =	sadd.s32 $0x80, s1  }
0x5: {  	s20 =	sadd.s32 $0x100, s1;
	_ =	strace $0x80000047;
	[dreg:$0x3] =	wrdreg s3  }
0x6: {  	s21 =	sadd.s32 $0x180, s1;
	[dreg:$0x4] =	wrdreg s20  }
0x7: {  	s22 =	sadd.s32 $0x200, s1;
	[dreg:$0x5] =	wrdreg s21  }
0x8: {  	s23 =	sadd.s32 $0x280, s1;
	[dreg:$0x6] =	wrdreg s22  }
0x9: {  	s24 =	sadd.s32 $0x300, s1;
	[dreg:$0x7] =	wrdreg s23  }
0xa: {  	s25 =	sadd.s32 $0x380, s1;
	[dreg:$0x8] =	wrdreg s24  }
0xb: {  	s26 =	sadd.s32 $0x400, s1;
	[dreg:$0x9] =	wrdreg s25  }
0xc: {  	s28 =	sadd.s32 $0x480, s1;
	[dreg:$0xa] =	wrdreg s26  }
0xd: {  	s29 =	sadd.s32 $0x500, s1;
	[dreg:$0xb] =	wrdreg s28  }
0xe: {  	s30 =	sadd.s32 $0x580, s1;
	[dreg:$0xc] =	wrdreg s29  }
0xf: {  	s31 =	sadd.s32 $0x600, s1;
	[dreg:$0xd] =	wrdreg s30  }
0x10: {  	s4 =	sadd.s32 $0x680, s1;
	[dreg:$0xe] =	wrdreg s31  }
0x11: {  	s6 =	sadd.s32 $0x700, s1;
	[dreg:$0xf] =	wrdreg s4  }
0x12: {  	s7 =	sadd.s32 $0x780, s1;
	[dreg:$0x10] =	wrdreg s6  }
0x13: {  	s8 =	sadd.s32 $0x800, s1;
	[dreg:$0x11] =	wrdreg s7  }
0x14: {  	s9 =	sadd.s32 $0x880, s1;
	[dreg:$0x12] =	wrdreg s8  }
0x15: {  	s10 =	sadd.s32 $0x900, s1;
	[dreg:$0x13] =	wrdreg s9  }
0x16: {  	s11 =	sadd.s32 $0x980, s1;
	[dreg:$0x14] =	wrdreg s10  }
0x17: {  	s12 =	sadd.s32 $0xA00, s1;
	[dreg:$0x15] =	wrdreg s11  }
0x18: {  	s13 =	sadd.s32 $0xA80, s1;
	[dreg:$0x16] =	wrdreg s12  }
0x19: {  	s14 =	sadd.s32 $0xB00, s1;
	[dreg:$0x17] =	wrdreg s13  }
0x1a: {  	s15 =	sadd.s32 $0xB80, s1;
	[dreg:$0x18] =	wrdreg s14  }
0x1b: {  	s16 =	sadd.s32 $0xC00, s1;
	[dreg:$0x19] =	wrdreg s15  }
0x1c: {  	s17 =	sadd.s32 $0xC80, s1;
	[dreg:$0x1a] =	wrdreg s16  }
0x1d: {  	s18 =	sadd.s32 $0xD00, s1;
	[dreg:$0x1b] =	wrdreg s17  }
0x1e: {  	s19 =	sadd.s32 $0xD80, s1;
	[dreg:$0x1c] =	wrdreg s18  }
0x1f: {  	[dreg:$0x1d] =	wrdreg s19;
	s20 =	sadd.s32 $0xE00, s1  }
0x20: {  	s21 =	sadd.s32 $0xE80, s1;
	[dreg:$0x1e] =	wrdreg s20  }
0x21: {  	s22 =	sadd.s32 $0xF00, s1;
	[dreg:$0x1f] =	wrdreg s21  }
0x22: {  	s23 =	sadd.s32 $0xF80, s1;
	[smem:$0x7DC] =	sst s22  }
0x23: {  	s24 =	sadd.s32 $0x1000, s1;
	[smem:$0x7DD] =	sst s23  }
0x24: {  	s25 =	sadd.s32 $0x1080, s1;
	[smem:$0x7DE] =	sst s24  }
0x25: {  	s26 =	sadd.s32 $0x1100, s1;
	[smem:$0x7DF] =	sst s25  }
0x26: {  	s28 =	sadd.s32 $0x1180, s1;
	[smem:$0x7E0] =	sst s26  }
0x27: {  	s29 =	sadd.s32 $0x1200, s1;
	[smem:$0x7E1] =	sst s28  }
0x28: {  	s30 =	sadd.s32 $0x1280, s1;
	[smem:$0x7E2] =	sst s29  }
0x29: {  	s31 =	sadd.s32 $0x1300, s1;
	[smem:$0x7E3] =	sst s30  }
0x2a: {  	s4 =	sadd.s32 $0x1380, s1;
	[smem:$0x7E4] =	sst s31  }
0x2b: {  	s6 =	sadd.s32 $0x1400, s1;
	[smem:$0x7E5] =	sst s4  }
0x2c: {  	s7 =	sadd.s32 $0x1480, s1;
	[smem:$0x7E6] =	sst s6  }
0x2d: {  	s8 =	sadd.s32 $0x1500, s1;
	[smem:$0x7E7] =	sst s7  }
0x2e: {  	s9 =	sadd.s32 $0x1580, s1;
	[smem:$0x7E8] =	sst s8  }
0x2f: {  	s10 =	sadd.s32 $0x1600, s1;
	[smem:$0x7E9] =	sst s9  }
0x30: {  	s11 =	sadd.s32 $0x1680, s1;
	[smem:$0x7EA] =	sst s10  }
0x31: {  	s12 =	sadd.s32 $0x1700, s1;
	[smem:$0x7EB] =	sst s11  }
0x32: {  	s13 =	sadd.s32 $0x1780, s1;
	[smem:$0x7EC] =	sst s12  }
0x33: {  	s14 =	sadd.s32 $0x1800, s1;
	[smem:$0x7ED] =	sst s13  }
0x34: {  	s3 =	stileid.u32;
	s15 =	sadd.s32 $0x1900, s1;
	[smem:$0x7EE] =	sst s14  }
0x35: {  	s16 =	sadd.s32 $0x1980, s1;
	s18 =	sadd.s32 $0x1A80, s1;
	[smem:$0x7F0] =	sst s15  }
0x36: {  	s4 =	srdreg.scid;
	s6 =	sadd.s32 $0x1880, s1;
	[smem:$0x7F1] =	sst s16  }
0x37: {  	s17 =	sshll.u32 s3, $0x1;
	s8 =	sadd.s32 $0x1A00, s1;
	[smem:$0x7F3] =	sst s18  }
0x38: {  	s20 =	sadd.s32 $0x1B00, s1;
	s21 =	sadd.s32 $0x1B80, s1;
	[smem:$0x7EF] =	sst s6  }
0x39: {  	s22 =	sadd.s32 $0x1C00, s1;
	s23 =	sadd.s32 $0x1C80, s1;
	[smem:$0x7F2] =	sst s8  }
0x3a: {  	s24 =	sadd.s32 $0x1D00, s1;
	s25 =	sadd.s32 $0x1D80, s1;
	[smem:$0x7F4] =	sst s20  }
0x3b: {  	s26 =	sadd.s32 $0x1E00, s1;
	s28 =	sadd.s32 $0x1E80, s1;
	[smem:$0x7F5] =	sst s21  }
0x3c: {  	s29 =	sadd.s32 $0x1F00, s1;
	s7 =	sand.u32 $0x1, s4;
	[smem:$0x7F6] =	sst s22  }
0x3d: {  	s31 =	sadd.s32 $0x1F80, s1;
	[smem:$0x7F7] =	sst s23;
	s4 =	sor.u32 s7, s17  }
0x3e: {  	s10 =	simm.s32 $0x1;
	[smem:$0x7F8] =	sst s24;
	s19 =	sand.u32 $0x7, s4  }
0x3f: {  	[smem:$0x7F9] =	sst s25;
	s9 =	smul.u32 $0x20200, s19;
	s8 =	ssub.s32 s19, s4  }
0x40: {  	s11 =	simm.s32 $0x0;
	[smem:$0x7FA] =	sst s26;
	s8 =	sand.u32 $0xFFFFFFF8, s8  }
0x41: {  	[smem:$0x7FB] =	sst s28;
	s7 =	ssub.s32 $0x2, s7;
	s8 =	sadd.s32 s9, s8  }
0x42: {  	[smem:$0x7FC] =	sst s29;
	s30 =	sshrl.u32 s7, $0x1;
	s8 =	sadd.s32 $0x20, s8  }
0x43: {  	[smem:$0x7FD] =	sst s31;
	s7 =	ssub.s32 s7, s30;
	s8 =	sshrl.u32 s8, $0x3  }
0x44: {  	s6 =	smax.u32 s7, $0x1;
	s7 =	simm.s32 $0x7E0;
	s5 =	sadd.s32 s8, s5  }
0x45: {  	s9 =	simm.s32 $0x2;
	s8 =	simm.s32 $0x808;
	s5 =	sadd.s32 $0x400, s5  }
.LBB2_1:
0x46: {  	[tilespmem:s2], [sflag:$0x2] =	stream.strided.gather [hbm4b:s5+s7], $0x1F800, s8, s7, $0x38;
	[tilespmem:$0x1F800] =	vst v63  }
0x47: {  	_ =	swait.ge [sflag:s9], $0x1F800  }
0x48: {  	[sflag:s9] =	ssyncset.done $0x0  }
0x49: {  	s12 =	simm.s32 $0x0;
	[sflag:s9] =	ssyncadd.s32 $0xFFFE0800  }
.LBB2_2:
0x4a: {  	s13 =	sshll.u32 s12, $0x5  }
0x4b: {  	s14 =	sor.u32 s4, s13  }
0x4c: {  	s14 =	sshll.u32 s14, $0xD  }
0x4d: {  	s15 =	ssub.s32 $0x3E0, s13;
	s16 =	sadd.s32 s1, s14  }
0x4e: {  	[hbm4b:s16+s2] =	stream.linear.scatter [tilespmem:s15], [sflag:$0x1], $0x80, $0x38;
	[tilespmem:$0x1F800] =	vst v63  }
0x4f: {  	s22 =	ssub.s32 $0xBC0, s13;
	s17 =	sadd.s32 $0x10, s16  }
0x50: {  	[hbm4b:s17+s2] =	stream.linear.scatter [tilespmem:s22], [sflag:$0x1], $0x80, $0x38;
	[tilespmem:$0x1F800] =	vst v63  }
0x51: {  	s23 =	ssub.s32 $0x13A0, s13;
	s24 =	sadd.s32 $0x20, s16  }
0x52: {  	[hbm4b:s24+s2] =	stream.linear.scatter [tilespmem:s23], [sflag:$0x1], $0x80, $0x38;
	[tilespmem:$0x1F800] =	vst v63  }
0x53: {  	s25 =	ssub.s32 $0x1B80, s13;
	s26 =	sadd.s32 $0x30, s16  }
0x54: {  	[hbm4b:s26+s2] =	stream.linear.scatter [tilespmem:s25], [sflag:$0x1], $0x80, $0x38;
	[tilespmem:$0x1F800] =	vst v63  }
0x55: {  	s28 =	ssub.s32 $0x2360, s13;
	s29 =	sadd.s32 $0x40, s16  }
0x56: {  	[hbm4b:s29+s2] =	stream.linear.scatter [tilespmem:s28], [sflag:$0x1], $0x80, $0x38;
	[tilespmem:$0x1F800] =	vst v63  }
0x57: {  	s30 =	ssub.s32 $0x2B40, s13;
	s31 =	sadd.s32 $0x50, s16  }
0x58: {  	[hbm4b:s31+s2] =	stream.linear.scatter [tilespmem:s30], [sflag:$0x1], $0x80, $0x38;
	[tilespmem:$0x1F800] =	vst v63  }
0x59: {  	s18 =	ssub.s32 $0x3320, s13;
	s19 =	sadd.s32 $0x60, s16  }
0x5a: {  	[hbm4b:s19+s2] =	stream.linear.scatter [tilespmem:s18], [sflag:$0x1], $0x80, $0x38;
	[tilespmem:$0x1F800] =	vst v63  }
0x5b: {  	s20 =	rddreg [dreg:$0x3];
	s21 =	ssub.s32 $0x3B00, s13;
	s16 =	sadd.s32 $0x70, s16  }
0x5c: {  	[hbm4b:s16+s2] =	stream.linear.scatter [tilespmem:s21], [sflag:$0x1], $0x80, $0x38;
	[tilespmem:$0x1F800] =	vst v63  }
0x5d: {  	s15 =	sadd.s32 s14, s20;
	s22 =	ssub.s32 $0x460, s13  }
0x5e: {  	[hbm4b:s15+s2] =	stream.linear.scatter [tilespmem:s22], [sflag:$0x1], $0x80, $0x38;
	[tilespmem:$0x1F800] =	vst v63  }
0x5f: {  	s23 =	ssub.s32 $0xC40, s13;
	s24 =	sadd.s32 $0x10, s15  }
0x60: {  	[hbm4b:s24+s2] =	stream.linear.scatter [tilespmem:s23], [sflag:$0x1], $0x80, $0x38;
	[tilespmem:$0x1F800] =	vst v63  }
0x61: {  	s25 =	ssub.s32 $0x1420, s13;
	s26 =	sadd.s32 $0x20, s15  }
0x62: {  	[hbm4b:s26+s2] =	stream.linear.scatter [tilespmem:s25], [sflag:$0x1], $0x80, $0x38;
	[tilespmem:$0x1F800] =	vst v63  }
0x63: {  	s28 =	ssub.s32 $0x1C00, s13;
	s29 =	sadd.s32 $0x30, s15  }
0x64: {  	[hbm4b:s29+s2] =	stream.linear.scatter [tilespmem:s28], [sflag:$0x1], $0x80, $0x38;
	[tilespmem:$0x1F800] =	vst v63  }
0x65: {  	s30 =	ssub.s32 $0x23E0, s13;
	s31 =	sadd.s32 $0x40, s15  }
0x66: {  	[hbm4b:s31+s2] =	stream.linear.scatter [tilespmem:s30], [sflag:$0x1], $0x80, $0x38;
	[tilespmem:$0x1F800] =	vst v63  }
0x67: {  	s18 =	ssub.s32 $0x2BC0, s13;
	s19 =	sadd.s32 $0x50, s15  }
0x68: {  	[hbm4b:s19+s2] =	stream.linear.scatter [tilespmem:s18], [sflag:$0x1], $0x80, $0x38;
	[tilespmem:$0x1F800] =	vst v63  }
0x69: {  	s20 =	ssub.s32 $0x33A0, s13;
	s21 =	sadd.s32 $0x60, s15  }
0x6a: {  	[hbm4b:s21+s2] =	stream.linear.scatter [tilespmem:s20], [sflag:$0x1], $0x80, $0x38;
	[tilespmem:$0x1F800] =	vst v63  }
0x6b: {  	s22 =	rddreg [dreg:$0x4];
	s15 =	sadd.s32 $0x70, s15;
	s23 =	ssub.s32 $0x3B80, s13  }
0x6c: {  	[hbm4b:s15+s2] =	stream.linear.scatter [tilespmem:s23], [sflag:$0x1], $0x80, $0x38;
	[tilespmem:$0x1F800] =	vst v63  }
0x6d: {  	s16 =	sadd.s32 s14, s22;
	s24 =	ssub.s32 $0x4E0, s13  }
0x6e: {  	[hbm4b:s16+s2] =	stream.linear.scatter [tilespmem:s24], [sflag:$0x1], $0x80, $0x38;
	[tilespmem:$0x1F800] =	vst v63  }
0x6f: {  	s25 =	ssub.s32 $0xCC0, s13;
	s26 =	sadd.s32 $0x10, s16  }
0x70: {  	[hbm4b:s26+s2] =	stream.linear.scatter [tilespmem:s25], [sflag:$0x1], $0x80, $0x38;
	[tilespmem:$0x1F800] =	vst v63  }
0x71: {  	s28 =	ssub.s32 $0x14A0, s13;
	s29 =	sadd.s32 $0x20, s16  }
0x72: {  	[hbm4b:s29+s2] =	stream.linear.scatter [tilespmem:s28], [sflag:$0x1], $0x80, $0x38;
	[tilespmem:$0x1F800] =	vst v63  }
0x73: {  	s30 =	ssub.s32 $0x1C80, s13;
	s31 =	sadd.s32 $0x30, s16  }
0x74: {  	[hbm4b:s31+s2] =	stream.linear.scatter [tilespmem:s30], [sflag:$0x1], $0x80, $0x38;
	[tilespmem:$0x1F800] =	vst v63  }
0x75: {  	s18 =	ssub.s32 $0x2460, s13;
	s19 =	sadd.s32 $0x40, s16  }
0x76: {  	[hbm4b:s19+s2] =	stream.linear.scatter [tilespmem:s18], [sflag:$0x1], $0x80, $0x38;
	[tilespmem:$0x1F800] =	vst v63  }
0x77: {  	s20 =	ssub.s32 $0x2C40, s13;
	s21 =	sadd.s32 $0x50, s16  }
0x78: {  	[hbm4b:s21+s2] =	stream.linear.scatter [tilespmem:s20], [sflag:$0x1], $0x80, $0x38;
	[tilespmem:$0x1F800] =	vst v63  }
0x79: {  	s22 =	ssub.s32 $0x3420, s13;
	s23 =	sadd.s32 $0x60, s16  }
0x7a: {  	[hbm4b:s23+s2] =	stream.linear.scatter [tilespmem:s22], [sflag:$0x1], $0x80, $0x38;
	[tilespmem:$0x1F800] =	vst v63  }
0x7b: {  	s24 =	rddreg [dreg:$0x5];
	s16 =	sadd.s32 $0x70, s16;
	s25 =	ssub.s32 $0x3C00, s13  }
0x7c: {  	[hbm4b:s16+s2] =	stream.linear.scatter [tilespmem:s25], [sflag:$0x1], $0x80, $0x38;
	[tilespmem:$0x1F800] =	vst v63  }
0x7d: {  	s15 =	sadd.s32 s14, s24;
	s26 =	ssub.s32 $0x560, s13  }
0x7e: {  	[hbm4b:s15+s2] =	stream.linear.scatter [tilespmem:s26], [sflag:$0x1], $0x80, $0x38;
	[tilespmem:$0x1F800] =	vst v63  }
0x7f: {  	s28 =	ssub.s32 $0xD40, s13;
	s29 =	sadd.s32 $0x10, s15  }
0x80: {  	[hbm4b:s29+s2] =	stream.linear.scatter [tilespmem:s28], [sflag:$0x1], $0x80, $0x38;
	[tilespmem:$0x1F800] =	vst v63  }
0x81: {  	s30 =	ssub.s32 $0x1520, s13;
	s31 =	sadd.s32 $0x20, s15  }
0x82: {  	[hbm4b:s31+s2] =	stream.linear.scatter [tilespmem:s30], [sflag:$0x1], $0x80, $0x38;
	[tilespmem:$0x1F800] =	vst v63  }
0x83: {  	s18 =	ssub.s32 $0x1D00, s13;
	s19 =	sadd.s32 $0x30, s15  }
0x84: {  	[hbm4b:s19+s2] =	stream.linear.scatter [tilespmem:s18], [sflag:$0x1], $0x80, $0x38;
	[tilespmem:$0x1F800] =	vst v63  }
0x85: {  	s20 =	ssub.s32 $0x24E0, s13;
	s21 =	sadd.s32 $0x40, s15  }
0x86: {  	[hbm4b:s21+s2] =	stream.linear.scatter [tilespmem:s20], [sflag:$0x1], $0x80, $0x38;
	[tilespmem:$0x1F800] =	vst v63  }
0x87: {  	s22 =	ssub.s32 $0x2CC0, s13;
	s23 =	sadd.s32 $0x50, s15  }
0x88: {  	[hbm4b:s23+s2] =	stream.linear.scatter [tilespmem:s22], [sflag:$0x1], $0x80, $0x38;
	[tilespmem:$0x1F800] =	vst v63  }
0x89: {  	s24 =	ssub.s32 $0x34A0, s13;
	s25 =	sadd.s32 $0x60, s15  }
0x8a: {  	[hbm4b:s25+s2] =	stream.linear.scatter [tilespmem:s24], [sflag:$0x1], $0x80, $0x38;
	[tilespmem:$0x1F800] =	vst v63  }
0x8b: {  	s26 =	rddreg [dreg:$0x6];
	s15 =	sadd.s32 $0x70, s15;
	s28 =	ssub.s32 $0x3C80, s13  }
0x8c: {  	[hbm4b:s15+s2] =	stream.linear.scatter [tilespmem:s28], [sflag:$0x1], $0x80, $0x38;
	[tilespmem:$0x1F800] =	vst v63  }
0x8d: {  	s16 =	sadd.s32 s14, s26;
	s29 =	ssub.s32 $0x5E0, s13  }
0x8e: {  	[hbm4b:s16+s2] =	stream.linear.scatter [tilespmem:s29], [sflag:$0x1], $0x80, $0x38;
	[tilespmem:$0x1F800] =	vst v63  }
0x8f: {  	s30 =	ssub.s32 $0xDC0, s13;
	s31 =	sadd.s32 $0x10, s16  }
0x90: {  	[hbm4b:s31+s2] =	stream.linear.scatter [tilespmem:s30], [sflag:$0x1], $0x80, $0x38;
	[tilespmem:$0x1F800] =	vst v63  }
0x91: {  	s18 =	ssub.s32 $0x15A0, s13;
	s19 =	sadd.s32 $0x20, s16  }
0x92: {  	[hbm4b:s19+s2] =	stream.linear.scatter [tilespmem:s18], [sflag:$0x1], $0x80, $0x38;
	[tilespmem:$0x1F800] =	vst v63  }
0x93: {  	s20 =	ssub.s32 $0x1D80, s13;
	s21 =	sadd.s32 $0x30, s16  }
0x94: {  	[hbm4b:s21+s2] =	stream.linear.scatter [tilespmem:s20], [sflag:$0x1], $0x80, $0x38;
	[tilespmem:$0x1F800] =	vst v63  }
0x95: {  	s22 =	ssub.s32 $0x2560, s13;
	s23 =	sadd.s32 $0x40, s16  }
0x96: {  	[hbm4b:s23+s2] =	stream.linear.scatter [tilespmem:s22], [sflag:$0x1], $0x80, $0x38;
	[tilespmem:$0x1F800] =	vst v63  }
0x97: {  	s24 =	ssub.s32 $0x2D40, s13;
	s25 =	sadd.s32 $0x50, s16  }
0x98: {  	[hbm4b:s25+s2] =	stream.linear.scatter [tilespmem:s24], [sflag:$0x1], $0x80, $0x38;
	[tilespmem:$0x1F800] =	vst v63  }
0x99: {  	s26 =	ssub.s32 $0x3520, s13;
	s28 =	sadd.s32 $0x60, s16  }
0x9a: {  	[hbm4b:s28+s2] =	stream.linear.scatter [tilespmem:s26], [sflag:$0x1], $0x80, $0x38;
	[tilespmem:$0x1F800] =	vst v63  }
0x9b: {  	s29 =	rddreg [dreg:$0x7];
	s16 =	sadd.s32 $0x70, s16;
	s30 =	ssub.s32 $0x3D00, s13  }
0x9c: {  	[hbm4b:s16+s2] =	stream.linear.scatter [tilespmem:s30], [sflag:$0x1], $0x80, $0x38;
	[tilespmem:$0x1F800] =	vst v63  }
0x9d: {  	s15 =	sadd.s32 s14, s29;
	s31 =	ssub.s32 $0x660, s13  }
0x9e: {  	[hbm4b:s15+s2] =	stream.linear.scatter [tilespmem:s31], [sflag:$0x1], $0x80, $0x38;
	[tilespmem:$0x1F800] =	vst v63  }
0x9f: {  	s17 =	ssub.s32 $0xE40, s13;
	s18 =	sadd.s32 $0x10, s15  }
0xa0: {  	[hbm4b:s18+s2] =	stream.linear.scatter [tilespmem:s17], [sflag:$0x1], $0x80, $0x38;
	[tilespmem:$0x1F800] =	vst v63  }
0xa1: {  	s19 =	ssub.s32 $0x1620, s13;
	s20 =	sadd.s32 $0x20, s15  }
0xa2: {  	[hbm4b:s20+s2] =	stream.linear.scatter [tilespmem:s19], [sflag:$0x1], $0x80, $0x38;
	[tilespmem:$0x1F800] =	vst v63  }
0xa3: {  	s21 =	ssub.s32 $0x1E00, s13;
	s22 =	sadd.s32 $0x30, s15  }
0xa4: {  	[hbm4b:s22+s2] =	stream.linear.scatter [tilespmem:s21], [sflag:$0x1], $0x80, $0x38;
	[tilespmem:$0x1F800] =	vst v63  }
0xa5: {  	s23 =	ssub.s32 $0x25E0, s13;
	s24 =	sadd.s32 $0x40, s15  }
0xa6: {  	[hbm4b:s24+s2] =	stream.linear.scatter [tilespmem:s23], [sflag:$0x1], $0x80, $0x38;
	[tilespmem:$0x1F800] =	vst v63  }
0xa7: {  	s25 =	ssub.s32 $0x2DC0, s13;
	s26 =	sadd.s32 $0x50, s15  }
0xa8: {  	[hbm4b:s26+s2] =	stream.linear.scatter [tilespmem:s25], [sflag:$0x1], $0x80, $0x38;
	[tilespmem:$0x1F800] =	vst v63  }
0xa9: {  	s29 =	sadd.s32 $0x60, s15;
	s28 =	ssub.s32 $0x35A0, s13  }
0xaa: {  	[hbm4b:s29+s2] =	stream.linear.scatter [tilespmem:s28], [sflag:$0x1], $0x80, $0x38;
	[tilespmem:$0x1F800] =	vst v63  }
0xab: {  	s30 =	rddreg [dreg:$0x8];
	s31 =	ssub.s32 $0x3D80, s13;
	s15 =	sadd.s32 $0x70, s15  }
0xac: {  	[hbm4b:s15+s2] =	stream.linear.scatter [tilespmem:s31], [sflag:$0x1], $0x80, $0x38;
	[tilespmem:$0x1F800] =	vst v63  }
0xad: {  	s16 =	sadd.s32 s14, s30;
	s18 =	ssub.s32 $0x6E0, s13  }
0xae: {  	[hbm4b:s16+s2] =	stream.linear.scatter [tilespmem:s18], [sflag:$0x1], $0x80, $0x38;
	[tilespmem:$0x1F800] =	vst v63  }
0xaf: {  	s19 =	ssub.s32 $0xEC0, s13;
	s20 =	sadd.s32 $0x10, s16  }
0xb0: {  	[hbm4b:s20+s2] =	stream.linear.scatter [tilespmem:s19], [sflag:$0x1], $0x80, $0x38;
	[tilespmem:$0x1F800] =	vst v63  }
0xb1: {  	s21 =	ssub.s32 $0x16A0, s13;
	s22 =	sadd.s32 $0x20, s16  }
0xb2: {  	[hbm4b:s22+s2] =	stream.linear.scatter [tilespmem:s21], [sflag:$0x1], $0x80, $0x38;
	[tilespmem:$0x1F800] =	vst v63  }
0xb3: {  	s23 =	ssub.s32 $0x1E80, s13;
	s24 =	sadd.s32 $0x30, s16  }
0xb4: {  	[hbm4b:s24+s2] =	stream.linear.scatter [tilespmem:s23], [sflag:$0x1], $0x80, $0x38;
	[tilespmem:$0x1F800] =	vst v63  }
0xb5: {  	s25 =	ssub.s32 $0x2660, s13;
	s26 =	sadd.s32 $0x40, s16  }
0xb6: {  	[hbm4b:s26+s2] =	stream.linear.scatter [tilespmem:s25], [sflag:$0x1], $0x80, $0x38;
	[tilespmem:$0x1F800] =	vst v63  }
0xb7: {  	s28 =	ssub.s32 $0x2E40, s13;
	s29 =	sadd.s32 $0x50, s16  }
0xb8: {  	[hbm4b:s29+s2] =	stream.linear.scatter [tilespmem:s28], [sflag:$0x1], $0x80, $0x38;
	[tilespmem:$0x1F800] =	vst v63  }
0xb9: {  	s30 =	ssub.s32 $0x3620, s13;
	s31 =	sadd.s32 $0x60, s16  }
0xba: {  	[hbm4b:s31+s2] =	stream.linear.scatter [tilespmem:s30], [sflag:$0x1], $0x80, $0x38;
	[tilespmem:$0x1F800] =	vst v63  }
0xbb: {  	s18 =	rddreg [dreg:$0x9];
	s16 =	sadd.s32 $0x70, s16;
	s19 =	ssub.s32 $0x3E00, s13  }
0xbc: {  	[hbm4b:s16+s2] =	stream.linear.scatter [tilespmem:s19], [sflag:$0x1], $0x80, $0x38;
	[tilespmem:$0x1F800] =	vst v63  }
0xbd: {  	s15 =	sadd.s32 s14, s18;
	s20 =	ssub.s32 $0x760, s13  }
0xbe: {  	[hbm4b:s15+s2] =	stream.linear.scatter [tilespmem:s20], [sflag:$0x1], $0x80, $0x38;
	[tilespmem:$0x1F800] =	vst v63  }
0xbf: {  	s21 =	ssub.s32 $0xF40, s13;
	s22 =	sadd.s32 $0x10, s15  }
0xc0: {  	[hbm4b:s22+s2] =	stream.linear.scatter [tilespmem:s21], [sflag:$0x1], $0x80, $0x38;
	[tilespmem:$0x1F800] =	vst v63  }
0xc1: {  	s23 =	ssub.s32 $0x1720, s13;
	s24 =	sadd.s32 $0x20, s15  }
0xc2: {  	[hbm4b:s24+s2] =	stream.linear.scatter [tilespmem:s23], [sflag:$0x1], $0x80, $0x38;
	[tilespmem:$0x1F800] =	vst v63  }
0xc3: {  	s25 =	ssub.s32 $0x1F00, s13;
	s26 =	sadd.s32 $0x30, s15  }
0xc4: {  	[hbm4b:s26+s2] =	stream.linear.scatter [tilespmem:s25], [sflag:$0x1], $0x80, $0x38;
	[tilespmem:$0x1F800] =	vst v63  }
0xc5: {  	s28 =	ssub.s32 $0x26E0, s13;
	s29 =	sadd.s32 $0x40, s15  }
0xc6: {  	[hbm4b:s29+s2] =	stream.linear.scatter [tilespmem:s28], [sflag:$0x1], $0x80, $0x38;
	[tilespmem:$0x1F800] =	vst v63  }
0xc7: {  	s30 =	ssub.s32 $0x2EC0, s13;
	s31 =	sadd.s32 $0x50, s15  }
0xc8: {  	[hbm4b:s31+s2] =	stream.linear.scatter [tilespmem:s30], [sflag:$0x1], $0x80, $0x38;
	[tilespmem:$0x1F800] =	vst v63  }
0xc9: {  	s18 =	ssub.s32 $0x36A0, s13;
	s19 =	sadd.s32 $0x60, s15  }
0xca: {  	[hbm4b:s19+s2] =	stream.linear.scatter [tilespmem:s18], [sflag:$0x1], $0x80, $0x38;
	[tilespmem:$0x1F800] =	vst v63  }
0xcb: {  	s20 =	rddreg [dreg:$0xa];
	s15 =	sadd.s32 $0x70, s15;
	s21 =	ssub.s32 $0x3E80, s13  }
0xcc: {  	[hbm4b:s15+s2] =	stream.linear.scatter [tilespmem:s21], [sflag:$0x1], $0x80, $0x38;
	[tilespmem:$0x1F800] =	vst v63  }
0xcd: {  	s22 =	ssub.s32 $0x42E0, s13;
	s15 =	sadd.s32 s14, s20  }
0xce: {  	[hbm4b:s15+s2] =	stream.linear.scatter [tilespmem:s22], [sflag:$0x1], $0x80, $0x38;
	[tilespmem:$0x1F800] =	vst v63  }
0xcf: {  	s23 =	ssub.s32 $0x4AC0, s13;
	s24 =	sadd.s32 $0x10, s15  }
0xd0: {  	[hbm4b:s24+s2] =	stream.linear.scatter [tilespmem:s23], [sflag:$0x1], $0x80, $0x38;
	[tilespmem:$0x1F800] =	vst v63  }
0xd1: {  	s25 =	ssub.s32 $0x52A0, s13;
	s26 =	sadd.s32 $0x20, s15  }
0xd2: {  	[hbm4b:s26+s2] =	stream.linear.scatter [tilespmem:s25], [sflag:$0x1], $0x80, $0x38;
	[tilespmem:$0x1F800] =	vst v63  }
0xd3: {  	s28 =	ssub.s32 $0x5A80, s13;
	s29 =	sadd.s32 $0x30, s15  }
0xd4: {  	[hbm4b:s29+s2] =	stream.linear.scatter [tilespmem:s28], [sflag:$0x1], $0x80, $0x38;
	[tilespmem:$0x1F800] =	vst v63  }
0xd5: {  	s30 =	ssub.s32 $0x6260, s13;
	s31 =	sadd.s32 $0x40, s15  }
0xd6: {  	[hbm4b:s31+s2] =	stream.linear.scatter [tilespmem:s30], [sflag:$0x1], $0x80, $0x38;
	[tilespmem:$0x1F800] =	vst v63  }
0xd7: {  	s18 =	ssub.s32 $0x6A40, s13;
	s19 =	sadd.s32 $0x50, s15  }
0xd8: {  	[hbm4b:s19+s2] =	stream.linear.scatter [tilespmem:s18], [sflag:$0x1], $0x80, $0x38;
	[tilespmem:$0x1F800] =	vst v63  }
0xd9: {  	s20 =	ssub.s32 $0x7220, s13;
	s21 =	sadd.s32 $0x60, s15  }
0xda: {  	[hbm4b:s21+s2] =	stream.linear.scatter [tilespmem:s20], [sflag:$0x1], $0x80, $0x38;
	[tilespmem:$0x1F800] =	vst v63  }
0xdb: {  	s22 =	rddreg [dreg:$0xb];
	s15 =	sadd.s32 $0x70, s15;
	s23 =	ssub.s32 $0x7A00, s13  }
0xdc: {  	[hbm4b:s15+s2] =	stream.linear.scatter [tilespmem:s23], [sflag:$0x1], $0x80, $0x38;
	[tilespmem:$0x1F800] =	vst v63  }
0xdd: {  	s24 =	ssub.s32 $0x4360, s13;
	s15 =	sadd.s32 s14, s22  }
0xde: {  	[hbm4b:s15+s2] =	stream.linear.scatter [tilespmem:s24], [sflag:$0x1], $0x80, $0x38;
	[tilespmem:$0x1F800] =	vst v63  }
0xdf: {  	s25 =	ssub.s32 $0x4B40, s13;
	s26 =	sadd.s32 $0x10, s15  }
0xe0: {  	[hbm4b:s26+s2] =	stream.linear.scatter [tilespmem:s25], [sflag:$0x1], $0x80, $0x38;
	[tilespmem:$0x1F800] =	vst v63  }
0xe1: {  	s28 =	ssub.s32 $0x5320, s13;
	s29 =	sadd.s32 $0x20, s15  }
0xe2: {  	[hbm4b:s29+s2] =	stream.linear.scatter [tilespmem:s28], [sflag:$0x1], $0x80, $0x38;
	[tilespmem:$0x1F800] =	vst v63  }
0xe3: {  	s30 =	ssub.s32 $0x5B00, s13;
	s31 =	sadd.s32 $0x30, s15  }
0xe4: {  	[hbm4b:s31+s2] =	stream.linear.scatter [tilespmem:s30], [sflag:$0x1], $0x80, $0x38;
	[tilespmem:$0x1F800] =	vst v63  }
0xe5: {  	s18 =	ssub.s32 $0x62E0, s13;
	s19 =	sadd.s32 $0x40, s15  }
0xe6: {  	[hbm4b:s19+s2] =	stream.linear.scatter [tilespmem:s18], [sflag:$0x1], $0x80, $0x38;
	[tilespmem:$0x1F800] =	vst v63  }
0xe7: {  	s20 =	ssub.s32 $0x6AC0, s13;
	s21 =	sadd.s32 $0x50, s15  }
0xe8: {  	[hbm4b:s21+s2] =	stream.linear.scatter [tilespmem:s20], [sflag:$0x1], $0x80, $0x38;
	[tilespmem:$0x1F800] =	vst v63  }
0xe9: {  	s22 =	ssub.s32 $0x72A0, s13;
	s23 =	sadd.s32 $0x60, s15  }
0xea: {  	[hbm4b:s23+s2] =	stream.linear.scatter [tilespmem:s22], [sflag:$0x1], $0x80, $0x38;
	[tilespmem:$0x1F800] =	vst v63  }
0xeb: {  	s24 =	rddreg [dreg:$0xc];
	s15 =	sadd.s32 $0x70, s15;
	s25 =	ssub.s32 $0x7A80, s13  }
0xec: {  	[hbm4b:s15+s2] =	stream.linear.scatter [tilespmem:s25], [sflag:$0x1], $0x80, $0x38;
	[tilespmem:$0x1F800] =	vst v63  }
0xed: {  	s26 =	ssub.s32 $0x43E0, s13;
	s15 =	sadd.s32 s14, s24  }
0xee: {  	[hbm4b:s15+s2] =	stream.linear.scatter [tilespmem:s26], [sflag:$0x1], $0x80, $0x38;
	[tilespmem:$0x1F800] =	vst v63  }
0xef: {  	s28 =	ssub.s32 $0x4BC0, s13;
	s29 =	sadd.s32 $0x10, s15  }
0xf0: {  	[hbm4b:s29+s2] =	stream.linear.scatter [tilespmem:s28], [sflag:$0x1], $0x80, $0x38;
	[tilespmem:$0x1F800] =	vst v63  }
0xf1: {  	s30 =	ssub.s32 $0x53A0, s13;
	s31 =	sadd.s32 $0x20, s15  }
0xf2: {  	[hbm4b:s31+s2] =	stream.linear.scatter [tilespmem:s30], [sflag:$0x1], $0x80, $0x38;
	[tilespmem:$0x1F800] =	vst v63  }
0xf3: {  	s18 =	ssub.s32 $0x5B80, s13;
	s19 =	sadd.s32 $0x30, s15  }
0xf4: {  	[hbm4b:s19+s2] =	stream.linear.scatter [tilespmem:s18], [sflag:$0x1], $0x80, $0x38;
	[tilespmem:$0x1F800] =	vst v63  }
0xf5: {  	s20 =	ssub.s32 $0x6360, s13;
	s21 =	sadd.s32 $0x40, s15  }
0xf6: {  	[hbm4b:s21+s2] =	stream.linear.scatter [tilespmem:s20], [sflag:$0x1], $0x80, $0x38;
	[tilespmem:$0x1F800] =	vst v63  }
0xf7: {  	s22 =	ssub.s32 $0x6B40, s13;
	s23 =	sadd.s32 $0x50, s15  }
0xf8: {  	[hbm4b:s23+s2] =	stream.linear.scatter [tilespmem:s22], [sflag:$0x1], $0x80, $0x38;
	[tilespmem:$0x1F800] =	vst v63  }
0xf9: {  	s24 =	ssub.s32 $0x7320, s13;
	s25 =	sadd.s32 $0x60, s15  }
0xfa: {  	[hbm4b:s25+s2] =	stream.linear.scatter [tilespmem:s24], [sflag:$0x1], $0x80, $0x38;
	[tilespmem:$0x1F800] =	vst v63  }
0xfb: {  	s26 =	rddreg [dreg:$0xd];
	s15 =	sadd.s32 $0x70, s15;
	s28 =	ssub.s32 $0x7B00, s13  }
0xfc: {  	[hbm4b:s15+s2] =	stream.linear.scatter [tilespmem:s28], [sflag:$0x1], $0x80, $0x38;
	[tilespmem:$0x1F800] =	vst v63  }
0xfd: {  	s29 =	ssub.s32 $0x4460, s13;
	s15 =	sadd.s32 s14, s26  }
0xfe: {  	[hbm4b:s15+s2] =	stream.linear.scatter [tilespmem:s29], [sflag:$0x1], $0x80, $0x38;
	[tilespmem:$0x1F800] =	vst v63  }
0xff: {  	s30 =	ssub.s32 $0x4C40, s13;
	s31 =	sadd.s32 $0x10, s15  }
0x100: {  	[hbm4b:s31+s2] =	stream.linear.scatter [tilespmem:s30], [sflag:$0x1], $0x80, $0x38;
	[tilespmem:$0x1F800] =	vst v63  }
0x101: {  	s18 =	ssub.s32 $0x5420, s13;
	s19 =	sadd.s32 $0x20, s15  }
0x102: {  	[hbm4b:s19+s2] =	stream.linear.scatter [tilespmem:s18], [sflag:$0x1], $0x80, $0x38;
	[tilespmem:$0x1F800] =	vst v63  }
0x103: {  	s20 =	ssub.s32 $0x5C00, s13;
	s21 =	sadd.s32 $0x30, s15  }
0x104: {  	[hbm4b:s21+s2] =	stream.linear.scatter [tilespmem:s20], [sflag:$0x1], $0x80, $0x38;
	[tilespmem:$0x1F800] =	vst v63  }
0x105: {  	s22 =	ssub.s32 $0x63E0, s13;
	s23 =	sadd.s32 $0x40, s15  }
0x106: {  	[hbm4b:s23+s2] =	stream.linear.scatter [tilespmem:s22], [sflag:$0x1], $0x80, $0x38;
	[tilespmem:$0x1F800] =	vst v63  }
0x107: {  	s24 =	ssub.s32 $0x6BC0, s13;
	s25 =	sadd.s32 $0x50, s15  }
0x108: {  	[hbm4b:s25+s2] =	stream.linear.scatter [tilespmem:s24], [sflag:$0x1], $0x80, $0x38;
	[tilespmem:$0x1F800] =	vst v63  }
0x109: {  	s26 =	ssub.s32 $0x73A0, s13;
	s28 =	sadd.s32 $0x60, s15  }
0x10a: {  	[hbm4b:s28+s2] =	stream.linear.scatter [tilespmem:s26], [sflag:$0x1], $0x80, $0x38;
	[tilespmem:$0x1F800] =	vst v63  }
0x10b: {  	s29 =	rddreg [dreg:$0xe];
	s15 =	sadd.s32 $0x70, s15;
	s30 =	ssub.s32 $0x7B80, s13  }
0x10c: {  	[hbm4b:s15+s2] =	stream.linear.scatter [tilespmem:s30], [sflag:$0x1], $0x80, $0x38;
	[tilespmem:$0x1F800] =	vst v63  }
0x10d: {  	s31 =	ssub.s32 $0x44E0, s13;
	s15 =	sadd.s32 s14, s29  }
0x10e: {  	[hbm4b:s15+s2] =	stream.linear.scatter [tilespmem:s31], [sflag:$0x1], $0x80, $0x38;
	[tilespmem:$0x1F800] =	vst v63  }
0x10f: {  	s17 =	ssub.s32 $0x4CC0, s13;
	s18 =	sadd.s32 $0x10, s15  }
0x110: {  	[hbm4b:s18+s2] =	stream.linear.scatter [tilespmem:s17], [sflag:$0x1], $0x80, $0x38;
	[tilespmem:$0x1F800] =	vst v63  }
0x111: {  	s19 =	ssub.s32 $0x54A0, s13;
	s20 =	sadd.s32 $0x20, s15  }
0x112: {  	[hbm4b:s20+s2] =	stream.linear.scatter [tilespmem:s19], [sflag:$0x1], $0x80, $0x38;
	[tilespmem:$0x1F800] =	vst v63  }
0x113: {  	s21 =	ssub.s32 $0x5C80, s13;
	s22 =	sadd.s32 $0x30, s15  }
0x114: {  	[hbm4b:s22+s2] =	stream.linear.scatter [tilespmem:s21], [sflag:$0x1], $0x80, $0x38;
	[tilespmem:$0x1F800] =	vst v63  }
0x115: {  	s23 =	ssub.s32 $0x6460, s13;
	s24 =	sadd.s32 $0x40, s15  }
0x116: {  	[hbm4b:s24+s2] =	stream.linear.scatter [tilespmem:s23], [sflag:$0x1], $0x80, $0x38;
	[tilespmem:$0x1F800] =	vst v63  }
0x117: {  	s25 =	ssub.s32 $0x6C40, s13;
	s26 =	sadd.s32 $0x50, s15  }
0x118: {  	[hbm4b:s26+s2] =	stream.linear.scatter [tilespmem:s25], [sflag:$0x1], $0x80, $0x38;
	[tilespmem:$0x1F800] =	vst v63  }
0x119: {  	s28 =	ssub.s32 $0x7420, s13;
	s29 =	sadd.s32 $0x60, s15  }
0x11a: {  	[hbm4b:s29+s2] =	stream.linear.scatter [tilespmem:s28], [sflag:$0x1], $0x80, $0x38;
	[tilespmem:$0x1F800] =	vst v63  }
0x11b: {  	s30 =	rddreg [dreg:$0xf];
	s31 =	ssub.s32 $0x7C00, s13;
	s15 =	sadd.s32 $0x70, s15  }
0x11c: {  	[hbm4b:s15+s2] =	stream.linear.scatter [tilespmem:s31], [sflag:$0x1], $0x80, $0x38;
	[tilespmem:$0x1F800] =	vst v63  }
0x11d: {  	s18 =	ssub.s32 $0x4560, s13;
	s15 =	sadd.s32 s14, s30  }
0x11e: {  	[hbm4b:s15+s2] =	stream.linear.scatter [tilespmem:s18], [sflag:$0x1], $0x80, $0x38;
	[tilespmem:$0x1F800] =	vst v63  }
0x11f: {  	s19 =	ssub.s32 $0x4D40, s13;
	s20 =	sadd.s32 $0x10, s15  }
0x120: {  	[hbm4b:s20+s2] =	stream.linear.scatter [tilespmem:s19], [sflag:$0x1], $0x80, $0x38;
	[tilespmem:$0x1F800] =	vst v63  }
0x121: {  	s21 =	ssub.s32 $0x5520, s13;
	s22 =	sadd.s32 $0x20, s15  }
0x122: {  	[hbm4b:s22+s2] =	stream.linear.scatter [tilespmem:s21], [sflag:$0x1], $0x80, $0x38;
	[tilespmem:$0x1F800] =	vst v63  }
0x123: {  	s23 =	ssub.s32 $0x5D00, s13;
	s24 =	sadd.s32 $0x30, s15  }
0x124: {  	[hbm4b:s24+s2] =	stream.linear.scatter [tilespmem:s23], [sflag:$0x1], $0x80, $0x38;
	[tilespmem:$0x1F800] =	vst v63  }
0x125: {  	s25 =	ssub.s32 $0x64E0, s13;
	s26 =	sadd.s32 $0x40, s15  }
0x126: {  	[hbm4b:s26+s2] =	stream.linear.scatter [tilespmem:s25], [sflag:$0x1], $0x80, $0x38;
	[tilespmem:$0x1F800] =	vst v63  }
0x127: {  	s28 =	ssub.s32 $0x6CC0, s13;
	s29 =	sadd.s32 $0x50, s15  }
0x128: {  	[hbm4b:s29+s2] =	stream.linear.scatter [tilespmem:s28], [sflag:$0x1], $0x80, $0x38;
	[tilespmem:$0x1F800] =	vst v63  }
0x129: {  	s30 =	ssub.s32 $0x74A0, s13;
	s31 =	sadd.s32 $0x60, s15  }
0x12a: {  	[hbm4b:s31+s2] =	stream.linear.scatter [tilespmem:s30], [sflag:$0x1], $0x80, $0x38;
	[tilespmem:$0x1F800] =	vst v63  }
0x12b: {  	s18 =	rddreg [dreg:$0x10];
	s15 =	sadd.s32 $0x70, s15;
	s19 =	ssub.s32 $0x7C80, s13  }
0x12c: {  	[hbm4b:s15+s2] =	stream.linear.scatter [tilespmem:s19], [sflag:$0x1], $0x80, $0x38;
	[tilespmem:$0x1F800] =	vst v63  }
0x12d: {  	s20 =	ssub.s32 $0x45E0, s13;
	s15 =	sadd.s32 s14, s18  }
0x12e: {  	[hbm4b:s15+s2] =	stream.linear.scatter [tilespmem:s20], [sflag:$0x1], $0x80, $0x38;
	[tilespmem:$0x1F800] =	vst v63  }
0x12f: {  	s21 =	ssub.s32 $0x4DC0, s13;
	s22 =	sadd.s32 $0x10, s15  }
0x130: {  	[hbm4b:s22+s2] =	stream.linear.scatter [tilespmem:s21], [sflag:$0x1], $0x80, $0x38;
	[tilespmem:$0x1F800] =	vst v63  }
0x131: {  	s23 =	ssub.s32 $0x55A0, s13;
	s24 =	sadd.s32 $0x20, s15  }
0x132: {  	[hbm4b:s24+s2] =	stream.linear.scatter [tilespmem:s23], [sflag:$0x1], $0x80, $0x38;
	[tilespmem:$0x1F800] =	vst v63  }
0x133: {  	s25 =	ssub.s32 $0x5D80, s13;
	s26 =	sadd.s32 $0x30, s15  }
0x134: {  	[hbm4b:s26+s2] =	stream.linear.scatter [tilespmem:s25], [sflag:$0x1], $0x80, $0x38;
	[tilespmem:$0x1F800] =	vst v63  }
0x135: {  	s28 =	ssub.s32 $0x6560, s13;
	s29 =	sadd.s32 $0x40, s15  }
0x136: {  	[hbm4b:s29+s2] =	stream.linear.scatter [tilespmem:s28], [sflag:$0x1], $0x80, $0x38;
	[tilespmem:$0x1F800] =	vst v63  }
0x137: {  	s30 =	ssub.s32 $0x6D40, s13;
	s31 =	sadd.s32 $0x50, s15  }
0x138: {  	[hbm4b:s31+s2] =	stream.linear.scatter [tilespmem:s30], [sflag:$0x1], $0x80, $0x38;
	[tilespmem:$0x1F800] =	vst v63  }
0x139: {  	s18 =	ssub.s32 $0x7520, s13;
	s19 =	sadd.s32 $0x60, s15  }
0x13a: {  	[hbm4b:s19+s2] =	stream.linear.scatter [tilespmem:s18], [sflag:$0x1], $0x80, $0x38;
	[tilespmem:$0x1F800] =	vst v63  }
0x13b: {  	s20 =	rddreg [dreg:$0x11];
	s15 =	sadd.s32 $0x70, s15;
	s21 =	ssub.s32 $0x7D00, s13  }
0x13c: {  	[hbm4b:s15+s2] =	stream.linear.scatter [tilespmem:s21], [sflag:$0x1], $0x80, $0x38;
	[tilespmem:$0x1F800] =	vst v63  }
0x13d: {  	s22 =	ssub.s32 $0x4660, s13;
	s15 =	sadd.s32 s14, s20  }
0x13e: {  	[hbm4b:s15+s2] =	stream.linear.scatter [tilespmem:s22], [sflag:$0x1], $0x80, $0x38;
	[tilespmem:$0x1F800] =	vst v63  }
0x13f: {  	s23 =	ssub.s32 $0x4E40, s13;
	s24 =	sadd.s32 $0x10, s15  }
0x140: {  	[hbm4b:s24+s2] =	stream.linear.scatter [tilespmem:s23], [sflag:$0x1], $0x80, $0x38;
	[tilespmem:$0x1F800] =	vst v63  }
0x141: {  	s25 =	ssub.s32 $0x5620, s13;
	s26 =	sadd.s32 $0x20, s15  }
0x142: {  	[hbm4b:s26+s2] =	stream.linear.scatter [tilespmem:s25], [sflag:$0x1], $0x80, $0x38;
	[tilespmem:$0x1F800] =	vst v63  }
0x143: {  	s28 =	ssub.s32 $0x5E00, s13;
	s29 =	sadd.s32 $0x30, s15  }
0x144: {  	[hbm4b:s29+s2] =	stream.linear.scatter [tilespmem:s28], [sflag:$0x1], $0x80, $0x38;
	[tilespmem:$0x1F800] =	vst v63  }
0x145: {  	s30 =	ssub.s32 $0x65E0, s13;
	s31 =	sadd.s32 $0x40, s15  }
0x146: {  	[hbm4b:s31+s2] =	stream.linear.scatter [tilespmem:s30], [sflag:$0x1], $0x80, $0x38;
	[tilespmem:$0x1F800] =	vst v63  }
0x147: {  	s18 =	ssub.s32 $0x6DC0, s13;
	s19 =	sadd.s32 $0x50, s15  }
0x148: {  	[hbm4b:s19+s2] =	stream.linear.scatter [tilespmem:s18], [sflag:$0x1], $0x80, $0x38;
	[tilespmem:$0x1F800] =	vst v63  }
0x149: {  	s20 =	ssub.s32 $0x75A0, s13;
	s21 =	sadd.s32 $0x60, s15  }
0x14a: {  	[hbm4b:s21+s2] =	stream.linear.scatter [tilespmem:s20], [sflag:$0x1], $0x80, $0x38;
	[tilespmem:$0x1F800] =	vst v63  }
0x14b: {  	s22 =	rddreg [dreg:$0x12];
	s15 =	sadd.s32 $0x70, s15;
	s23 =	ssub.s32 $0x7D80, s13  }
0x14c: {  	[hbm4b:s15+s2] =	stream.linear.scatter [tilespmem:s23], [sflag:$0x1], $0x80, $0x38;
	[tilespmem:$0x1F800] =	vst v63  }
0x14d: {  	s24 =	ssub.s32 $0x81E0, s13;
	s15 =	sadd.s32 s14, s22  }
0x14e: {  	[hbm4b:s15+s2] =	stream.linear.scatter [tilespmem:s24], [sflag:$0x1], $0x80, $0x38;
	[tilespmem:$0x1F800] =	vst v63  }
0x14f: {  	s25 =	ssub.s32 $0x89C0, s13;
	s26 =	sadd.s32 $0x10, s15  }
0x150: {  	[hbm4b:s26+s2] =	stream.linear.scatter [tilespmem:s25], [sflag:$0x1], $0x80, $0x38;
	[tilespmem:$0x1F800] =	vst v63  }
0x151: {  	s28 =	ssub.s32 $0x91A0, s13;
	s29 =	sadd.s32 $0x20, s15  }
0x152: {  	[hbm4b:s29+s2] =	stream.linear.scatter [tilespmem:s28], [sflag:$0x1], $0x80, $0x38;
	[tilespmem:$0x1F800] =	vst v63  }
0x153: {  	s30 =	ssub.s32 $0x9980, s13;
	s31 =	sadd.s32 $0x30, s15  }
0x154: {  	[hbm4b:s31+s2] =	stream.linear.scatter [tilespmem:s30], [sflag:$0x1], $0x80, $0x38;
	[tilespmem:$0x1F800] =	vst v63  }
0x155: {  	s18 =	ssub.s32 $0xA160, s13;
	s19 =	sadd.s32 $0x40, s15  }
0x156: {  	[hbm4b:s19+s2] =	stream.linear.scatter [tilespmem:s18], [sflag:$0x1], $0x80, $0x38;
	[tilespmem:$0x1F800] =	vst v63  }
0x157: {  	s20 =	ssub.s32 $0xA940, s13;
	s21 =	sadd.s32 $0x50, s15  }
0x158: {  	[hbm4b:s21+s2] =	stream.linear.scatter [tilespmem:s20], [sflag:$0x1], $0x80, $0x38;
	[tilespmem:$0x1F800] =	vst v63  }
0x159: {  	s22 =	ssub.s32 $0xB120, s13;
	s23 =	sadd.s32 $0x60, s15  }
0x15a: {  	[hbm4b:s23+s2] =	stream.linear.scatter [tilespmem:s22], [sflag:$0x1], $0x80, $0x38;
	[tilespmem:$0x1F800] =	vst v63  }
0x15b: {  	s24 =	rddreg [dreg:$0x13];
	s15 =	sadd.s32 $0x70, s15;
	s25 =	ssub.s32 $0xB900, s13  }
0x15c: {  	[hbm4b:s15+s2] =	stream.linear.scatter [tilespmem:s25], [sflag:$0x1], $0x80, $0x38;
	[tilespmem:$0x1F800] =	vst v63  }
0x15d: {  	s26 =	ssub.s32 $0x8260, s13;
	s15 =	sadd.s32 s14, s24  }
0x15e: {  	[hbm4b:s15+s2] =	stream.linear.scatter [tilespmem:s26], [sflag:$0x1], $0x80, $0x38;
	[tilespmem:$0x1F800] =	vst v63  }
0x15f: {  	s28 =	ssub.s32 $0x8A40, s13;
	s29 =	sadd.s32 $0x10, s15  }
0x160: {  	[hbm4b:s29+s2] =	stream.linear.scatter [tilespmem:s28], [sflag:$0x1], $0x80, $0x38;
	[tilespmem:$0x1F800] =	vst v63  }
0x161: {  	s30 =	ssub.s32 $0x9220, s13;
	s31 =	sadd.s32 $0x20, s15  }
0x162: {  	[hbm4b:s31+s2] =	stream.linear.scatter [tilespmem:s30], [sflag:$0x1], $0x80, $0x38;
	[tilespmem:$0x1F800] =	vst v63  }
0x163: {  	s18 =	ssub.s32 $0x9A00, s13;
	s19 =	sadd.s32 $0x30, s15  }
0x164: {  	[hbm4b:s19+s2] =	stream.linear.scatter [tilespmem:s18], [sflag:$0x1], $0x80, $0x38;
	[tilespmem:$0x1F800] =	vst v63  }
0x165: {  	s20 =	ssub.s32 $0xA1E0, s13;
	s21 =	sadd.s32 $0x40, s15  }
0x166: {  	[hbm4b:s21+s2] =	stream.linear.scatter [tilespmem:s20], [sflag:$0x1], $0x80, $0x38;
	[tilespmem:$0x1F800] =	vst v63  }
0x167: {  	s22 =	ssub.s32 $0xA9C0, s13;
	s23 =	sadd.s32 $0x50, s15  }
0x168: {  	[hbm4b:s23+s2] =	stream.linear.scatter [tilespmem:s22], [sflag:$0x1], $0x80, $0x38;
	[tilespmem:$0x1F800] =	vst v63  }
0x169: {  	s24 =	ssub.s32 $0xB1A0, s13;
	s25 =	sadd.s32 $0x60, s15  }
0x16a: {  	[hbm4b:s25+s2] =	stream.linear.scatter [tilespmem:s24], [sflag:$0x1], $0x80, $0x38;
	[tilespmem:$0x1F800] =	vst v63  }
0x16b: {  	s26 =	rddreg [dreg:$0x14];
	s15 =	sadd.s32 $0x70, s15;
	s28 =	ssub.s32 $0xB980, s13  }
0x16c: {  	[hbm4b:s15+s2] =	stream.linear.scatter [tilespmem:s28], [sflag:$0x1], $0x80, $0x38;
	[tilespmem:$0x1F800] =	vst v63  }
0x16d: {  	s29 =	ssub.s32 $0x82E0, s13;
	s15 =	sadd.s32 s14, s26  }
0x16e: {  	[hbm4b:s15+s2] =	stream.linear.scatter [tilespmem:s29], [sflag:$0x1], $0x80, $0x38;
	[tilespmem:$0x1F800] =	vst v63  }
0x16f: {  	s30 =	ssub.s32 $0x8AC0, s13;
	s31 =	sadd.s32 $0x10, s15  }
0x170: {  	[hbm4b:s31+s2] =	stream.linear.scatter [tilespmem:s30], [sflag:$0x1], $0x80, $0x38;
	[tilespmem:$0x1F800] =	vst v63  }
0x171: {  	s18 =	ssub.s32 $0x92A0, s13;
	s19 =	sadd.s32 $0x20, s15  }
0x172: {  	[hbm4b:s19+s2] =	stream.linear.scatter [tilespmem:s18], [sflag:$0x1], $0x80, $0x38;
	[tilespmem:$0x1F800] =	vst v63  }
0x173: {  	s20 =	ssub.s32 $0x9A80, s13;
	s21 =	sadd.s32 $0x30, s15  }
0x174: {  	[hbm4b:s21+s2] =	stream.linear.scatter [tilespmem:s20], [sflag:$0x1], $0x80, $0x38;
	[tilespmem:$0x1F800] =	vst v63  }
0x175: {  	s22 =	ssub.s32 $0xA260, s13;
	s23 =	sadd.s32 $0x40, s15  }
0x176: {  	[hbm4b:s23+s2] =	stream.linear.scatter [tilespmem:s22], [sflag:$0x1], $0x80, $0x38;
	[tilespmem:$0x1F800] =	vst v63  }
0x177: {  	s24 =	ssub.s32 $0xAA40, s13;
	s25 =	sadd.s32 $0x50, s15  }
0x178: {  	[hbm4b:s25+s2] =	stream.linear.scatter [tilespmem:s24], [sflag:$0x1], $0x80, $0x38;
	[tilespmem:$0x1F800] =	vst v63  }
0x179: {  	s26 =	ssub.s32 $0xB220, s13;
	s28 =	sadd.s32 $0x60, s15  }
0x17a: {  	[hbm4b:s28+s2] =	stream.linear.scatter [tilespmem:s26], [sflag:$0x1], $0x80, $0x38;
	[tilespmem:$0x1F800] =	vst v63  }
0x17b: {  	s29 =	rddreg [dreg:$0x15];
	s15 =	sadd.s32 $0x70, s15;
	s30 =	ssub.s32 $0xBA00, s13  }
0x17c: {  	[hbm4b:s15+s2] =	stream.linear.scatter [tilespmem:s30], [sflag:$0x1], $0x80, $0x38;
	[tilespmem:$0x1F800] =	vst v63  }
0x17d: {  	s31 =	ssub.s32 $0x8360, s13;
	s15 =	sadd.s32 s14, s29  }
0x17e: {  	[hbm4b:s15+s2] =	stream.linear.scatter [tilespmem:s31], [sflag:$0x1], $0x80, $0x38;
	[tilespmem:$0x1F800] =	vst v63  }
0x17f: {  	s17 =	ssub.s32 $0x8B40, s13;
	s18 =	sadd.s32 $0x10, s15  }
0x180: {  	[hbm4b:s18+s2] =	stream.linear.scatter [tilespmem:s17], [sflag:$0x1], $0x80, $0x38;
	[tilespmem:$0x1F800] =	vst v63  }
0x181: {  	s19 =	ssub.s32 $0x9320, s13;
	s20 =	sadd.s32 $0x20, s15  }
0x182: {  	[hbm4b:s20+s2] =	stream.linear.scatter [tilespmem:s19], [sflag:$0x1], $0x80, $0x38;
	[tilespmem:$0x1F800] =	vst v63  }
0x183: {  	s21 =	ssub.s32 $0x9B00, s13;
	s22 =	sadd.s32 $0x30, s15  }
0x184: {  	[hbm4b:s22+s2] =	stream.linear.scatter [tilespmem:s21], [sflag:$0x1], $0x80, $0x38;
	[tilespmem:$0x1F800] =	vst v63  }
0x185: {  	s23 =	ssub.s32 $0xA2E0, s13;
	s24 =	sadd.s32 $0x40, s15  }
0x186: {  	[hbm4b:s24+s2] =	stream.linear.scatter [tilespmem:s23], [sflag:$0x1], $0x80, $0x38;
	[tilespmem:$0x1F800] =	vst v63  }
0x187: {  	s25 =	ssub.s32 $0xAAC0, s13;
	s26 =	sadd.s32 $0x50, s15  }
0x188: {  	[hbm4b:s26+s2] =	stream.linear.scatter [tilespmem:s25], [sflag:$0x1], $0x80, $0x38;
	[tilespmem:$0x1F800] =	vst v63  }
0x189: {  	s28 =	ssub.s32 $0xB2A0, s13;
	s29 =	sadd.s32 $0x60, s15  }
0x18a: {  	[hbm4b:s29+s2] =	stream.linear.scatter [tilespmem:s28], [sflag:$0x1], $0x80, $0x38;
	[tilespmem:$0x1F800] =	vst v63  }
0x18b: {  	s30 =	rddreg [dreg:$0x16];
	s31 =	ssub.s32 $0xBA80, s13;
	s15 =	sadd.s32 $0x70, s15  }
0x18c: {  	[hbm4b:s15+s2] =	stream.linear.scatter [tilespmem:s31], [sflag:$0x1], $0x80, $0x38;
	[tilespmem:$0x1F800] =	vst v63  }
0x18d: {  	s18 =	ssub.s32 $0x83E0, s13;
	s15 =	sadd.s32 s14, s30  }
0x18e: {  	[hbm4b:s15+s2] =	stream.linear.scatter [tilespmem:s18], [sflag:$0x1], $0x80, $0x38;
	[tilespmem:$0x1F800] =	vst v63  }
0x18f: {  	s19 =	ssub.s32 $0x8BC0, s13;
	s20 =	sadd.s32 $0x10, s15  }
0x190: {  	[hbm4b:s20+s2] =	stream.linear.scatter [tilespmem:s19], [sflag:$0x1], $0x80, $0x38;
	[tilespmem:$0x1F800] =	vst v63  }
0x191: {  	s21 =	ssub.s32 $0x93A0, s13;
	s22 =	sadd.s32 $0x20, s15  }
0x192: {  	[hbm4b:s22+s2] =	stream.linear.scatter [tilespmem:s21], [sflag:$0x1], $0x80, $0x38;
	[tilespmem:$0x1F800] =	vst v63  }
0x193: {  	s23 =	ssub.s32 $0x9B80, s13;
	s24 =	sadd.s32 $0x30, s15  }
0x194: {  	[hbm4b:s24+s2] =	stream.linear.scatter [tilespmem:s23], [sflag:$0x1], $0x80, $0x38;
	[tilespmem:$0x1F800] =	vst v63  }
0x195: {  	s25 =	ssub.s32 $0xA360, s13;
	s26 =	sadd.s32 $0x40, s15  }
0x196: {  	[hbm4b:s26+s2] =	stream.linear.scatter [tilespmem:s25], [sflag:$0x1], $0x80, $0x38;
	[tilespmem:$0x1F800] =	vst v63  }
0x197: {  	s28 =	ssub.s32 $0xAB40, s13;
	s29 =	sadd.s32 $0x50, s15  }
0x198: {  	[hbm4b:s29+s2] =	stream.linear.scatter [tilespmem:s28], [sflag:$0x1], $0x80, $0x38;
	[tilespmem:$0x1F800] =	vst v63  }
0x199: {  	s30 =	ssub.s32 $0xB320, s13;
	s31 =	sadd.s32 $0x60, s15  }
0x19a: {  	[hbm4b:s31+s2] =	stream.linear.scatter [tilespmem:s30], [sflag:$0x1], $0x80, $0x38;
	[tilespmem:$0x1F800] =	vst v63  }
0x19b: {  	s18 =	rddreg [dreg:$0x17];
	s15 =	sadd.s32 $0x70, s15;
	s19 =	ssub.s32 $0xBB00, s13  }
0x19c: {  	[hbm4b:s15+s2] =	stream.linear.scatter [tilespmem:s19], [sflag:$0x1], $0x80, $0x38;
	[tilespmem:$0x1F800] =	vst v63  }
0x19d: {  	s20 =	ssub.s32 $0x8460, s13;
	s15 =	sadd.s32 s14, s18  }
0x19e: {  	[hbm4b:s15+s2] =	stream.linear.scatter [tilespmem:s20], [sflag:$0x1], $0x80, $0x38;
	[tilespmem:$0x1F800] =	vst v63  }
0x19f: {  	s21 =	ssub.s32 $0x8C40, s13;
	s22 =	sadd.s32 $0x10, s15  }
0x1a0: {  	[hbm4b:s22+s2] =	stream.linear.scatter [tilespmem:s21], [sflag:$0x1], $0x80, $0x38;
	[tilespmem:$0x1F800] =	vst v63  }
0x1a1: {  	s23 =	ssub.s32 $0x9420, s13;
	s24 =	sadd.s32 $0x20, s15  }
0x1a2: {  	[hbm4b:s24+s2] =	stream.linear.scatter [tilespmem:s23], [sflag:$0x1], $0x80, $0x38;
	[tilespmem:$0x1F800] =	vst v63  }
0x1a3: {  	s25 =	ssub.s32 $0x9C00, s13;
	s26 =	sadd.s32 $0x30, s15  }
0x1a4: {  	[hbm4b:s26+s2] =	stream.linear.scatter [tilespmem:s25], [sflag:$0x1], $0x80, $0x38;
	[tilespmem:$0x1F800] =	vst v63  }
0x1a5: {  	s28 =	ssub.s32 $0xA3E0, s13;
	s29 =	sadd.s32 $0x40, s15  }
0x1a6: {  	[hbm4b:s29+s2] =	stream.linear.scatter [tilespmem:s28], [sflag:$0x1], $0x80, $0x38;
	[tilespmem:$0x1F800] =	vst v63  }
0x1a7: {  	s30 =	ssub.s32 $0xABC0, s13;
	s31 =	sadd.s32 $0x50, s15  }
0x1a8: {  	[hbm4b:s31+s2] =	stream.linear.scatter [tilespmem:s30], [sflag:$0x1], $0x80, $0x38;
	[tilespmem:$0x1F800] =	vst v63  }
0x1a9: {  	s18 =	ssub.s32 $0xB3A0, s13;
	s19 =	sadd.s32 $0x60, s15  }
0x1aa: {  	[hbm4b:s19+s2] =	stream.linear.scatter [tilespmem:s18], [sflag:$0x1], $0x80, $0x38;
	[tilespmem:$0x1F800] =	vst v63  }
0x1ab: {  	s20 =	rddreg [dreg:$0x18];
	s15 =	sadd.s32 $0x70, s15;
	s21 =	ssub.s32 $0xBB80, s13  }
0x1ac: {  	[hbm4b:s15+s2] =	stream.linear.scatter [tilespmem:s21], [sflag:$0x1], $0x80, $0x38;
	[tilespmem:$0x1F800] =	vst v63  }
0x1ad: {  	s22 =	ssub.s32 $0x84E0, s13;
	s15 =	sadd.s32 s14, s20  }
0x1ae: {  	[hbm4b:s15+s2] =	stream.linear.scatter [tilespmem:s22], [sflag:$0x1], $0x80, $0x38;
	[tilespmem:$0x1F800] =	vst v63  }
0x1af: {  	s23 =	ssub.s32 $0x8CC0, s13;
	s24 =	sadd.s32 $0x10, s15  }
0x1b0: {  	[hbm4b:s24+s2] =	stream.linear.scatter [tilespmem:s23], [sflag:$0x1], $0x80, $0x38;
	[tilespmem:$0x1F800] =	vst v63  }
0x1b1: {  	s25 =	ssub.s32 $0x94A0, s13;
	s26 =	sadd.s32 $0x20, s15  }
0x1b2: {  	[hbm4b:s26+s2] =	stream.linear.scatter [tilespmem:s25], [sflag:$0x1], $0x80, $0x38;
	[tilespmem:$0x1F800] =	vst v63  }
0x1b3: {  	s28 =	ssub.s32 $0x9C80, s13;
	s29 =	sadd.s32 $0x30, s15  }
0x1b4: {  	[hbm4b:s29+s2] =	stream.linear.scatter [tilespmem:s28], [sflag:$0x1], $0x80, $0x38;
	[tilespmem:$0x1F800] =	vst v63  }
0x1b5: {  	s30 =	ssub.s32 $0xA460, s13;
	s31 =	sadd.s32 $0x40, s15  }
0x1b6: {  	[hbm4b:s31+s2] =	stream.linear.scatter [tilespmem:s30], [sflag:$0x1], $0x80, $0x38;
	[tilespmem:$0x1F800] =	vst v63  }
0x1b7: {  	s18 =	ssub.s32 $0xAC40, s13;
	s19 =	sadd.s32 $0x50, s15  }
0x1b8: {  	[hbm4b:s19+s2] =	stream.linear.scatter [tilespmem:s18], [sflag:$0x1], $0x80, $0x38;
	[tilespmem:$0x1F800] =	vst v63  }
0x1b9: {  	s20 =	ssub.s32 $0xB420, s13;
	s21 =	sadd.s32 $0x60, s15  }
0x1ba: {  	[hbm4b:s21+s2] =	stream.linear.scatter [tilespmem:s20], [sflag:$0x1], $0x80, $0x38;
	[tilespmem:$0x1F800] =	vst v63  }
0x1bb: {  	s15 =	sadd.s32 $0x70, s15;
	s23 =	ssub.s32 $0xBC00, s13;
	s22 =	rddreg [dreg:$0x19]  }
0x1bc: {  	[hbm4b:s15+s2] =	stream.linear.scatter [tilespmem:s23], [sflag:$0x1], $0x80, $0x38;
	[tilespmem:$0x1F800] =	vst v63  }
0x1bd: {  	s24 =	ssub.s32 $0x8560, s13;
	s15 =	sadd.s32 s14, s22  }
0x1be: {  	[hbm4b:s15+s2] =	stream.linear.scatter [tilespmem:s24], [sflag:$0x1], $0x80, $0x38;
	[tilespmem:$0x1F800] =	vst v63  }
0x1bf: {  	s25 =	ssub.s32 $0x8D40, s13;
	s26 =	sadd.s32 $0x10, s15  }
0x1c0: {  	[hbm4b:s26+s2] =	stream.linear.scatter [tilespmem:s25], [sflag:$0x1], $0x80, $0x38;
	[tilespmem:$0x1F800] =	vst v63  }
0x1c1: {  	s28 =	ssub.s32 $0x9520, s13;
	s29 =	sadd.s32 $0x20, s15  }
0x1c2: {  	[hbm4b:s29+s2] =	stream.linear.scatter [tilespmem:s28], [sflag:$0x1], $0x80, $0x38;
	[tilespmem:$0x1F800] =	vst v63  }
0x1c3: {  	s30 =	ssub.s32 $0x9D00, s13;
	s31 =	sadd.s32 $0x30, s15  }
0x1c4: {  	[hbm4b:s31+s2] =	stream.linear.scatter [tilespmem:s30], [sflag:$0x1], $0x80, $0x38;
	[tilespmem:$0x1F800] =	vst v63  }
0x1c5: {  	s18 =	ssub.s32 $0xA4E0, s13;
	s19 =	sadd.s32 $0x40, s15  }
0x1c6: {  	[hbm4b:s19+s2] =	stream.linear.scatter [tilespmem:s18], [sflag:$0x1], $0x80, $0x38;
	[tilespmem:$0x1F800] =	vst v63  }
0x1c7: {  	s20 =	ssub.s32 $0xACC0, s13;
	s21 =	sadd.s32 $0x50, s15  }
0x1c8: {  	[hbm4b:s21+s2] =	stream.linear.scatter [tilespmem:s20], [sflag:$0x1], $0x80, $0x38;
	[tilespmem:$0x1F800] =	vst v63  }
0x1c9: {  	s22 =	ssub.s32 $0xB4A0, s13;
	s23 =	sadd.s32 $0x60, s15  }
0x1ca: {  	[hbm4b:s23+s2] =	stream.linear.scatter [tilespmem:s22], [sflag:$0x1], $0x80, $0x38;
	[tilespmem:$0x1F800] =	vst v63  }
0x1cb: {  	s24 =	rddreg [dreg:$0x1a];
	s15 =	sadd.s32 $0x70, s15;
	s25 =	ssub.s32 $0xBC80, s13  }
0x1cc: {  	[hbm4b:s15+s2] =	stream.linear.scatter [tilespmem:s25], [sflag:$0x1], $0x80, $0x38;
	[tilespmem:$0x1F800] =	vst v63  }
0x1cd: {  	s26 =	ssub.s32 $0xC0E0, s13;
	s15 =	sadd.s32 s14, s24  }
0x1ce: {  	[hbm4b:s15+s2] =	stream.linear.scatter [tilespmem:s26], [sflag:$0x1], $0x80, $0x38;
	[tilespmem:$0x1F800] =	vst v63  }
0x1cf: {  	s28 =	ssub.s32 $0xC8C0, s13;
	s29 =	sadd.s32 $0x10, s15  }
0x1d0: {  	[hbm4b:s29+s2] =	stream.linear.scatter [tilespmem:s28], [sflag:$0x1], $0x80, $0x38;
	[tilespmem:$0x1F800] =	vst v63  }
0x1d1: {  	s30 =	ssub.s32 $0xD0A0, s13;
	s31 =	sadd.s32 $0x20, s15  }
0x1d2: {  	[hbm4b:s31+s2] =	stream.linear.scatter [tilespmem:s30], [sflag:$0x1], $0x80, $0x38;
	[tilespmem:$0x1F800] =	vst v63  }
0x1d3: {  	s18 =	ssub.s32 $0xD880, s13;
	s19 =	sadd.s32 $0x30, s15  }
0x1d4: {  	[hbm4b:s19+s2] =	stream.linear.scatter [tilespmem:s18], [sflag:$0x1], $0x80, $0x38;
	[tilespmem:$0x1F800] =	vst v63  }
0x1d5: {  	s20 =	ssub.s32 $0xE060, s13;
	s21 =	sadd.s32 $0x40, s15  }
0x1d6: {  	[hbm4b:s21+s2] =	stream.linear.scatter [tilespmem:s20], [sflag:$0x1], $0x80, $0x38;
	[tilespmem:$0x1F800] =	vst v63  }
0x1d7: {  	s22 =	ssub.s32 $0xE840, s13;
	s23 =	sadd.s32 $0x50, s15  }
0x1d8: {  	[hbm4b:s23+s2] =	stream.linear.scatter [tilespmem:s22], [sflag:$0x1], $0x80, $0x38;
	[tilespmem:$0x1F800] =	vst v63  }
0x1d9: {  	s24 =	ssub.s32 $0xF020, s13;
	s25 =	sadd.s32 $0x60, s15  }
0x1da: {  	[hbm4b:s25+s2] =	stream.linear.scatter [tilespmem:s24], [sflag:$0x1], $0x80, $0x38;
	[tilespmem:$0x1F800] =	vst v63  }
0x1db: {  	s26 =	rddreg [dreg:$0x1b];
	s15 =	sadd.s32 $0x70, s15;
	s28 =	ssub.s32 $0xF800, s13  }
0x1dc: {  	[hbm4b:s15+s2] =	stream.linear.scatter [tilespmem:s28], [sflag:$0x1], $0x80, $0x38;
	[tilespmem:$0x1F800] =	vst v63  }
0x1dd: {  	s29 =	ssub.s32 $0xC160, s13;
	s15 =	sadd.s32 s14, s26  }
0x1de: {  	[hbm4b:s15+s2] =	stream.linear.scatter [tilespmem:s29], [sflag:$0x1], $0x80, $0x38;
	[tilespmem:$0x1F800] =	vst v63  }
0x1df: {  	s30 =	ssub.s32 $0xC940, s13;
	s31 =	sadd.s32 $0x10, s15  }
0x1e0: {  	[hbm4b:s31+s2] =	stream.linear.scatter [tilespmem:s30], [sflag:$0x1], $0x80, $0x38;
	[tilespmem:$0x1F800] =	vst v63  }
0x1e1: {  	s18 =	ssub.s32 $0xD120, s13;
	s19 =	sadd.s32 $0x20, s15  }
0x1e2: {  	[hbm4b:s19+s2] =	stream.linear.scatter [tilespmem:s18], [sflag:$0x1], $0x80, $0x38;
	[tilespmem:$0x1F800] =	vst v63  }
0x1e3: {  	s20 =	ssub.s32 $0xD900, s13;
	s21 =	sadd.s32 $0x30, s15  }
0x1e4: {  	[hbm4b:s21+s2] =	stream.linear.scatter [tilespmem:s20], [sflag:$0x1], $0x80, $0x38;
	[tilespmem:$0x1F800] =	vst v63  }
0x1e5: {  	s22 =	ssub.s32 $0xE0E0, s13;
	s23 =	sadd.s32 $0x40, s15  }
0x1e6: {  	[hbm4b:s23+s2] =	stream.linear.scatter [tilespmem:s22], [sflag:$0x1], $0x80, $0x38;
	[tilespmem:$0x1F800] =	vst v63  }
0x1e7: {  	s24 =	ssub.s32 $0xE8C0, s13;
	s25 =	sadd.s32 $0x50, s15  }
0x1e8: {  	[hbm4b:s25+s2] =	stream.linear.scatter [tilespmem:s24], [sflag:$0x1], $0x80, $0x38;
	[tilespmem:$0x1F800] =	vst v63  }
0x1e9: {  	s26 =	ssub.s32 $0xF0A0, s13;
	s28 =	sadd.s32 $0x60, s15  }
0x1ea: {  	[hbm4b:s28+s2] =	stream.linear.scatter [tilespmem:s26], [sflag:$0x1], $0x80, $0x38;
	[tilespmem:$0x1F800] =	vst v63  }
0x1eb: {  	s29 =	rddreg [dreg:$0x1c];
	s15 =	sadd.s32 $0x70, s15;
	s30 =	ssub.s32 $0xF880, s13  }
0x1ec: {  	[hbm4b:s15+s2] =	stream.linear.scatter [tilespmem:s30], [sflag:$0x1], $0x80, $0x38;
	[tilespmem:$0x1F800] =	vst v63  }
0x1ed: {  	s31 =	ssub.s32 $0xC1E0, s13;
	s15 =	sadd.s32 s14, s29  }
0x1ee: {  	[hbm4b:s15+s2] =	stream.linear.scatter [tilespmem:s31], [sflag:$0x1], $0x80, $0x38;
	[tilespmem:$0x1F800] =	vst v63  }
0x1ef: {  	s17 =	ssub.s32 $0xC9C0, s13;
	s18 =	sadd.s32 $0x10, s15  }
0x1f0: {  	[hbm4b:s18+s2] =	stream.linear.scatter [tilespmem:s17], [sflag:$0x1], $0x80, $0x38;
	[tilespmem:$0x1F800] =	vst v63  }
0x1f1: {  	s19 =	ssub.s32 $0xD1A0, s13;
	s20 =	sadd.s32 $0x20, s15  }
0x1f2: {  	[hbm4b:s20+s2] =	stream.linear.scatter [tilespmem:s19], [sflag:$0x1], $0x80, $0x38;
	[tilespmem:$0x1F800] =	vst v63  }
0x1f3: {  	s21 =	ssub.s32 $0xD980, s13;
	s22 =	sadd.s32 $0x30, s15  }
0x1f4: {  	[hbm4b:s22+s2] =	stream.linear.scatter [tilespmem:s21], [sflag:$0x1], $0x80, $0x38;
	[tilespmem:$0x1F800] =	vst v63  }
0x1f5: {  	s23 =	ssub.s32 $0xE160, s13;
	s24 =	sadd.s32 $0x40, s15  }
0x1f6: {  	[hbm4b:s24+s2] =	stream.linear.scatter [tilespmem:s23], [sflag:$0x1], $0x80, $0x38;
	[tilespmem:$0x1F800] =	vst v63  }
0x1f7: {  	s25 =	ssub.s32 $0xE940, s13;
	s26 =	sadd.s32 $0x50, s15  }
0x1f8: {  	[hbm4b:s26+s2] =	stream.linear.scatter [tilespmem:s25], [sflag:$0x1], $0x80, $0x38;
	[tilespmem:$0x1F800] =	vst v63  }
0x1f9: {  	s28 =	ssub.s32 $0xF120, s13;
	s29 =	sadd.s32 $0x60, s15  }
0x1fa: {  	[hbm4b:s29+s2] =	stream.linear.scatter [tilespmem:s28], [sflag:$0x1], $0x80, $0x38;
	[tilespmem:$0x1F800] =	vst v63  }
0x1fb: {  	s30 =	rddreg [dreg:$0x1d];
	s31 =	ssub.s32 $0xF900, s13;
	s15 =	sadd.s32 $0x70, s15  }
0x1fc: {  	[hbm4b:s15+s2] =	stream.linear.scatter [tilespmem:s31], [sflag:$0x1], $0x80, $0x38;
	[tilespmem:$0x1F800] =	vst v63  }
0x1fd: {  	s18 =	ssub.s32 $0xC260, s13;
	s15 =	sadd.s32 s14, s30  }
0x1fe: {  	[hbm4b:s15+s2] =	stream.linear.scatter [tilespmem:s18], [sflag:$0x1], $0x80, $0x38;
	[tilespmem:$0x1F800] =	vst v63  }
0x1ff: {  	s19 =	ssub.s32 $0xCA40, s13;
	s20 =	sadd.s32 $0x10, s15  }
0x200: {  	[hbm4b:s20+s2] =	stream.linear.scatter [tilespmem:s19], [sflag:$0x1], $0x80, $0x38;
	[tilespmem:$0x1F800] =	vst v63  }
0x201: {  	s21 =	ssub.s32 $0xD220, s13;
	s22 =	sadd.s32 $0x20, s15  }
0x202: {  	[hbm4b:s22+s2] =	stream.linear.scatter [tilespmem:s21], [sflag:$0x1], $0x80, $0x38;
	[tilespmem:$0x1F800] =	vst v63  }
0x203: {  	s23 =	ssub.s32 $0xDA00, s13;
	s24 =	sadd.s32 $0x30, s15  }
0x204: {  	[hbm4b:s24+s2] =	stream.linear.scatter [tilespmem:s23], [sflag:$0x1], $0x80, $0x38;
	[tilespmem:$0x1F800] =	vst v63  }
0x205: {  	s25 =	ssub.s32 $0xE1E0, s13;
	s26 =	sadd.s32 $0x40, s15  }
0x206: {  	[hbm4b:s26+s2] =	stream.linear.scatter [tilespmem:s25], [sflag:$0x1], $0x80, $0x38;
	[tilespmem:$0x1F800] =	vst v63  }
0x207: {  	s28 =	ssub.s32 $0xE9C0, s13;
	s29 =	sadd.s32 $0x50, s15  }
0x208: {  	[hbm4b:s29+s2] =	stream.linear.scatter [tilespmem:s28], [sflag:$0x1], $0x80, $0x38;
	[tilespmem:$0x1F800] =	vst v63  }
0x209: {  	s30 =	ssub.s32 $0xF1A0, s13;
	s31 =	sadd.s32 $0x60, s15  }
0x20a: {  	[hbm4b:s31+s2] =	stream.linear.scatter [tilespmem:s30], [sflag:$0x1], $0x80, $0x38;
	[tilespmem:$0x1F800] =	vst v63  }
0x20b: {  	s18 =	rddreg [dreg:$0x1e];
	s15 =	sadd.s32 $0x70, s15;
	s19 =	ssub.s32 $0xF980, s13  }
0x20c: {  	[hbm4b:s15+s2] =	stream.linear.scatter [tilespmem:s19], [sflag:$0x1], $0x80, $0x38;
	[tilespmem:$0x1F800] =	vst v63  }
0x20d: {  	s20 =	ssub.s32 $0xC2E0, s13;
	s15 =	sadd.s32 s14, s18  }
0x20e: {  	[hbm4b:s15+s2] =	stream.linear.scatter [tilespmem:s20], [sflag:$0x1], $0x80, $0x38;
	[tilespmem:$0x1F800] =	vst v63  }
0x20f: {  	s21 =	ssub.s32 $0xCAC0, s13;
	s22 =	sadd.s32 $0x10, s15  }
0x210: {  	[hbm4b:s22+s2] =	stream.linear.scatter [tilespmem:s21], [sflag:$0x1], $0x80, $0x38;
	[tilespmem:$0x1F800] =	vst v63  }
0x211: {  	s23 =	ssub.s32 $0xD2A0, s13;
	s24 =	sadd.s32 $0x20, s15  }
0x212: {  	[hbm4b:s24+s2] =	stream.linear.scatter [tilespmem:s23], [sflag:$0x1], $0x80, $0x38;
	[tilespmem:$0x1F800] =	vst v63  }
0x213: {  	s25 =	ssub.s32 $0xDA80, s13;
	s26 =	sadd.s32 $0x30, s15  }
0x214: {  	[hbm4b:s26+s2] =	stream.linear.scatter [tilespmem:s25], [sflag:$0x1], $0x80, $0x38;
	[tilespmem:$0x1F800] =	vst v63  }
0x215: {  	s28 =	ssub.s32 $0xE260, s13;
	s29 =	sadd.s32 $0x40, s15  }
0x216: {  	[hbm4b:s29+s2] =	stream.linear.scatter [tilespmem:s28], [sflag:$0x1], $0x80, $0x38;
	[tilespmem:$0x1F800] =	vst v63  }
0x217: {  	s30 =	ssub.s32 $0xEA40, s13;
	s31 =	sadd.s32 $0x50, s15  }
0x218: {  	[hbm4b:s31+s2] =	stream.linear.scatter [tilespmem:s30], [sflag:$0x1], $0x80, $0x38;
	[tilespmem:$0x1F800] =	vst v63  }
0x219: {  	s18 =	ssub.s32 $0xF220, s13;
	s19 =	sadd.s32 $0x60, s15  }
0x21a: {  	[hbm4b:s19+s2] =	stream.linear.scatter [tilespmem:s18], [sflag:$0x1], $0x80, $0x38;
	[tilespmem:$0x1F800] =	vst v63  }
0x21b: {  	s20 =	rddreg [dreg:$0x1f];
	s15 =	sadd.s32 $0x70, s15;
	s21 =	ssub.s32 $0xFA00, s13  }
0x21c: {  	[hbm4b:s15+s2] =	stream.linear.scatter [tilespmem:s21], [sflag:$0x1], $0x80, $0x38;
	[tilespmem:$0x1F800] =	vst v63  }
0x21d: {  	s22 =	ssub.s32 $0xC360, s13;
	s15 =	sadd.s32 s14, s20  }
0x21e: {  	[hbm4b:s15+s2] =	stream.linear.scatter [tilespmem:s22], [sflag:$0x1], $0x80, $0x38;
	[tilespmem:$0x1F800] =	vst v63  }
0x21f: {  	s23 =	ssub.s32 $0xCB40, s13;
	s24 =	sadd.s32 $0x10, s15  }
0x220: {  	[hbm4b:s24+s2] =	stream.linear.scatter [tilespmem:s23], [sflag:$0x1], $0x80, $0x38;
	[tilespmem:$0x1F800] =	vst v63  }
0x221: {  	s25 =	ssub.s32 $0xD320, s13;
	s26 =	sadd.s32 $0x20, s15  }
0x222: {  	[hbm4b:s26+s2] =	stream.linear.scatter [tilespmem:s25], [sflag:$0x1], $0x80, $0x38;
	[tilespmem:$0x1F800] =	vst v63  }
0x223: {  	s28 =	ssub.s32 $0xDB00, s13;
	s29 =	sadd.s32 $0x30, s15  }
0x224: {  	[hbm4b:s29+s2] =	stream.linear.scatter [tilespmem:s28], [sflag:$0x1], $0x80, $0x38;
	[tilespmem:$0x1F800] =	vst v63  }
0x225: {  	s30 =	ssub.s32 $0xE2E0, s13;
	s31 =	sadd.s32 $0x40, s15  }
0x226: {  	[hbm4b:s31+s2] =	stream.linear.scatter [tilespmem:s30], [sflag:$0x1], $0x80, $0x38;
	[tilespmem:$0x1F800] =	vst v63  }
0x227: {  	s18 =	ssub.s32 $0xEAC0, s13;
	s19 =	sadd.s32 $0x50, s15  }
0x228: {  	[hbm4b:s19+s2] =	stream.linear.scatter [tilespmem:s18], [sflag:$0x1], $0x80, $0x38;
	[tilespmem:$0x1F800] =	vst v63  }
0x229: {  	s20 =	ssub.s32 $0xF2A0, s13;
	s21 =	sadd.s32 $0x60, s15;
	s22 =	sld [smem:$0x7DC]  }
0x22a: {  	[hbm4b:s21+s2] =	stream.linear.scatter [tilespmem:s20], [sflag:$0x1], $0x80, $0x38;
	[tilespmem:$0x1F800] =	vst v63  }
0x22b: {  	s15 =	sadd.s32 $0x70, s15;
	s23 =	ssub.s32 $0xFA80, s13  }
0x22c: {  	[hbm4b:s15+s2] =	stream.linear.scatter [tilespmem:s23], [sflag:$0x1], $0x80, $0x38;
	[tilespmem:$0x1F800] =	vst v63  }
0x22d: {  	s24 =	ssub.s32 $0xC3E0, s13;
	s15 =	sadd.s32 s14, s22  }
0x22e: {  	[hbm4b:s15+s2] =	stream.linear.scatter [tilespmem:s24], [sflag:$0x1], $0x80, $0x38;
	[tilespmem:$0x1F800] =	vst v63  }
0x22f: {  	s25 =	ssub.s32 $0xCBC0, s13;
	s26 =	sadd.s32 $0x10, s15  }
0x230: {  	[hbm4b:s26+s2] =	stream.linear.scatter [tilespmem:s25], [sflag:$0x1], $0x80, $0x38;
	[tilespmem:$0x1F800] =	vst v63  }
0x231: {  	s28 =	ssub.s32 $0xD3A0, s13;
	s29 =	sadd.s32 $0x20, s15  }
0x232: {  	[hbm4b:s29+s2] =	stream.linear.scatter [tilespmem:s28], [sflag:$0x1], $0x80, $0x38;
	[tilespmem:$0x1F800] =	vst v63  }
0x233: {  	s30 =	ssub.s32 $0xDB80, s13;
	s31 =	sadd.s32 $0x30, s15  }
0x234: {  	[hbm4b:s31+s2] =	stream.linear.scatter [tilespmem:s30], [sflag:$0x1], $0x80, $0x38;
	[tilespmem:$0x1F800] =	vst v63  }
0x235: {  	s18 =	ssub.s32 $0xE360, s13;
	s19 =	sadd.s32 $0x40, s15  }
0x236: {  	[hbm4b:s19+s2] =	stream.linear.scatter [tilespmem:s18], [sflag:$0x1], $0x80, $0x38;
	[tilespmem:$0x1F800] =	vst v63  }
0x237: {  	s20 =	ssub.s32 $0xEB40, s13;
	s21 =	sadd.s32 $0x50, s15  }
0x238: {  	[hbm4b:s21+s2] =	stream.linear.scatter [tilespmem:s20], [sflag:$0x1], $0x80, $0x38;
	[tilespmem:$0x1F800] =	vst v63  }
0x239: {  	s22 =	ssub.s32 $0xF320, s13;
	s23 =	sadd.s32 $0x60, s15;
	s24 =	sld [smem:$0x7DD]  }
0x23a: {  	[hbm4b:s23+s2] =	stream.linear.scatter [tilespmem:s22], [sflag:$0x1], $0x80, $0x38;
	[tilespmem:$0x1F800] =	vst v63  }
0x23b: {  	s15 =	sadd.s32 $0x70, s15;
	s25 =	ssub.s32 $0xFB00, s13  }
0x23c: {  	[hbm4b:s15+s2] =	stream.linear.scatter [tilespmem:s25], [sflag:$0x1], $0x80, $0x38;
	[tilespmem:$0x1F800] =	vst v63  }
0x23d: {  	s26 =	ssub.s32 $0xC460, s13;
	s15 =	sadd.s32 s14, s24  }
0x23e: {  	[hbm4b:s15+s2] =	stream.linear.scatter [tilespmem:s26], [sflag:$0x1], $0x80, $0x38;
	[tilespmem:$0x1F800] =	vst v63  }
0x23f: {  	s28 =	ssub.s32 $0xCC40, s13;
	s29 =	sadd.s32 $0x10, s15  }
0x240: {  	[hbm4b:s29+s2] =	stream.linear.scatter [tilespmem:s28], [sflag:$0x1], $0x80, $0x38;
	[tilespmem:$0x1F800] =	vst v63  }
0x241: {  	s30 =	ssub.s32 $0xD420, s13;
	s31 =	sadd.s32 $0x20, s15  }
0x242: {  	[hbm4b:s31+s2] =	stream.linear.scatter [tilespmem:s30], [sflag:$0x1], $0x80, $0x38;
	[tilespmem:$0x1F800] =	vst v63  }
0x243: {  	s18 =	ssub.s32 $0xDC00, s13;
	s19 =	sadd.s32 $0x30, s15  }
0x244: {  	[hbm4b:s19+s2] =	stream.linear.scatter [tilespmem:s18], [sflag:$0x1], $0x80, $0x38;
	[tilespmem:$0x1F800] =	vst v63  }
0x245: {  	s20 =	ssub.s32 $0xE3E0, s13;
	s21 =	sadd.s32 $0x40, s15  }
0x246: {  	[hbm4b:s21+s2] =	stream.linear.scatter [tilespmem:s20], [sflag:$0x1], $0x80, $0x38;
	[tilespmem:$0x1F800] =	vst v63  }
0x247: {  	s22 =	ssub.s32 $0xEBC0, s13;
	s23 =	sadd.s32 $0x50, s15  }
0x248: {  	[hbm4b:s23+s2] =	stream.linear.scatter [tilespmem:s22], [sflag:$0x1], $0x80, $0x38;
	[tilespmem:$0x1F800] =	vst v63  }
0x249: {  	s24 =	ssub.s32 $0xF3A0, s13;
	s25 =	sadd.s32 $0x60, s15;
	s26 =	sld [smem:$0x7DE]  }
0x24a: {  	[hbm4b:s25+s2] =	stream.linear.scatter [tilespmem:s24], [sflag:$0x1], $0x80, $0x38;
	[tilespmem:$0x1F800] =	vst v63  }
0x24b: {  	s15 =	sadd.s32 $0x70, s15;
	s28 =	ssub.s32 $0xFB80, s13  }
0x24c: {  	[hbm4b:s15+s2] =	stream.linear.scatter [tilespmem:s28], [sflag:$0x1], $0x80, $0x38;
	[tilespmem:$0x1F800] =	vst v63  }
0x24d: {  	s29 =	ssub.s32 $0xFFE0, s13;
	s15 =	sadd.s32 s14, s26  }
0x24e: {  	[hbm4b:s15+s2] =	stream.linear.scatter [tilespmem:s29], [sflag:$0x1], $0x80, $0x38;
	[tilespmem:$0x1F800] =	vst v63  }
0x24f: {  	s30 =	ssub.s32 $0x107C0, s13;
	s31 =	sadd.s32 $0x10, s15  }
0x250: {  	[hbm4b:s31+s2] =	stream.linear.scatter [tilespmem:s30], [sflag:$0x1], $0x80, $0x38;
	[tilespmem:$0x1F800] =	vst v63  }
0x251: {  	s18 =	ssub.s32 $0x10FA0, s13;
	s19 =	sadd.s32 $0x20, s15  }
0x252: {  	[hbm4b:s19+s2] =	stream.linear.scatter [tilespmem:s18], [sflag:$0x1], $0x80, $0x38;
	[tilespmem:$0x1F800] =	vst v63  }
0x253: {  	s20 =	ssub.s32 $0x11780, s13;
	s21 =	sadd.s32 $0x30, s15  }
0x254: {  	[hbm4b:s21+s2] =	stream.linear.scatter [tilespmem:s20], [sflag:$0x1], $0x80, $0x38;
	[tilespmem:$0x1F800] =	vst v63  }
0x255: {  	s22 =	ssub.s32 $0x11F60, s13;
	s23 =	sadd.s32 $0x40, s15  }
0x256: {  	[hbm4b:s23+s2] =	stream.linear.scatter [tilespmem:s22], [sflag:$0x1], $0x80, $0x38;
	[tilespmem:$0x1F800] =	vst v63  }
0x257: {  	s24 =	ssub.s32 $0x12740, s13;
	s25 =	sadd.s32 $0x50, s15  }
0x258: {  	[hbm4b:s25+s2] =	stream.linear.scatter [tilespmem:s24], [sflag:$0x1], $0x80, $0x38;
	[tilespmem:$0x1F800] =	vst v63  }
0x259: {  	s26 =	ssub.s32 $0x12F20, s13;
	s28 =	sadd.s32 $0x60, s15;
	s29 =	sld [smem:$0x7DF]  }
0x25a: {  	[hbm4b:s28+s2] =	stream.linear.scatter [tilespmem:s26], [sflag:$0x1], $0x80, $0x38;
	[tilespmem:$0x1F800] =	vst v63  }
0x25b: {  	s15 =	sadd.s32 $0x70, s15;
	s30 =	ssub.s32 $0x13700, s13  }
0x25c: {  	[hbm4b:s15+s2] =	stream.linear.scatter [tilespmem:s30], [sflag:$0x1], $0x80, $0x38;
	[tilespmem:$0x1F800] =	vst v63  }
0x25d: {  	s31 =	ssub.s32 $0x10060, s13;
	s15 =	sadd.s32 s14, s29  }
0x25e: {  	[hbm4b:s15+s2] =	stream.linear.scatter [tilespmem:s31], [sflag:$0x1], $0x80, $0x38;
	[tilespmem:$0x1F800] =	vst v63  }
0x25f: {  	s17 =	ssub.s32 $0x10840, s13;
	s18 =	sadd.s32 $0x10, s15  }
0x260: {  	[hbm4b:s18+s2] =	stream.linear.scatter [tilespmem:s17], [sflag:$0x1], $0x80, $0x38;
	[tilespmem:$0x1F800] =	vst v63  }
0x261: {  	s19 =	ssub.s32 $0x11020, s13;
	s20 =	sadd.s32 $0x20, s15  }
0x262: {  	[hbm4b:s20+s2] =	stream.linear.scatter [tilespmem:s19], [sflag:$0x1], $0x80, $0x38;
	[tilespmem:$0x1F800] =	vst v63  }
0x263: {  	s21 =	ssub.s32 $0x11800, s13;
	s22 =	sadd.s32 $0x30, s15  }
0x264: {  	[hbm4b:s22+s2] =	stream.linear.scatter [tilespmem:s21], [sflag:$0x1], $0x80, $0x38;
	[tilespmem:$0x1F800] =	vst v63  }
0x265: {  	s23 =	ssub.s32 $0x11FE0, s13;
	s24 =	sadd.s32 $0x40, s15  }
0x266: {  	[hbm4b:s24+s2] =	stream.linear.scatter [tilespmem:s23], [sflag:$0x1], $0x80, $0x38;
	[tilespmem:$0x1F800] =	vst v63  }
0x267: {  	s25 =	ssub.s32 $0x127C0, s13;
	s26 =	sadd.s32 $0x50, s15  }
0x268: {  	[hbm4b:s26+s2] =	stream.linear.scatter [tilespmem:s25], [sflag:$0x1], $0x80, $0x38;
	[tilespmem:$0x1F800] =	vst v63  }
0x269: {  	s28 =	ssub.s32 $0x12FA0, s13;
	s30 =	sld [smem:$0x7E0];
	s29 =	sadd.s32 $0x60, s15  }
0x26a: {  	[hbm4b:s29+s2] =	stream.linear.scatter [tilespmem:s28], [sflag:$0x1], $0x80, $0x38;
	[tilespmem:$0x1F800] =	vst v63  }
0x26b: {  	s31 =	ssub.s32 $0x13780, s13;
	s15 =	sadd.s32 $0x70, s15  }
0x26c: {  	[hbm4b:s15+s2] =	stream.linear.scatter [tilespmem:s31], [sflag:$0x1], $0x80, $0x38;
	[tilespmem:$0x1F800] =	vst v63  }
0x26d: {  	s18 =	ssub.s32 $0x100E0, s13;
	s15 =	sadd.s32 s14, s30  }
0x26e: {  	[hbm4b:s15+s2] =	stream.linear.scatter [tilespmem:s18], [sflag:$0x1], $0x80, $0x38;
	[tilespmem:$0x1F800] =	vst v63  }
0x26f: {  	s19 =	ssub.s32 $0x108C0, s13;
	s20 =	sadd.s32 $0x10, s15  }
0x270: {  	[hbm4b:s20+s2] =	stream.linear.scatter [tilespmem:s19], [sflag:$0x1], $0x80, $0x38;
	[tilespmem:$0x1F800] =	vst v63  }
0x271: {  	s21 =	ssub.s32 $0x110A0, s13;
	s22 =	sadd.s32 $0x20, s15  }
0x272: {  	[hbm4b:s22+s2] =	stream.linear.scatter [tilespmem:s21], [sflag:$0x1], $0x80, $0x38;
	[tilespmem:$0x1F800] =	vst v63  }
0x273: {  	s23 =	ssub.s32 $0x11880, s13;
	s24 =	sadd.s32 $0x30, s15  }
0x274: {  	[hbm4b:s24+s2] =	stream.linear.scatter [tilespmem:s23], [sflag:$0x1], $0x80, $0x38;
	[tilespmem:$0x1F800] =	vst v63  }
0x275: {  	s25 =	ssub.s32 $0x12060, s13;
	s26 =	sadd.s32 $0x40, s15  }
0x276: {  	[hbm4b:s26+s2] =	stream.linear.scatter [tilespmem:s25], [sflag:$0x1], $0x80, $0x38;
	[tilespmem:$0x1F800] =	vst v63  }
0x277: {  	s28 =	ssub.s32 $0x12840, s13;
	s29 =	sadd.s32 $0x50, s15  }
0x278: {  	[hbm4b:s29+s2] =	stream.linear.scatter [tilespmem:s28], [sflag:$0x1], $0x80, $0x38;
	[tilespmem:$0x1F800] =	vst v63  }
0x279: {  	s30 =	ssub.s32 $0x13020, s13;
	s31 =	sadd.s32 $0x60, s15;
	s18 =	sld [smem:$0x7E1]  }
0x27a: {  	[hbm4b:s31+s2] =	stream.linear.scatter [tilespmem:s30], [sflag:$0x1], $0x80, $0x38;
	[tilespmem:$0x1F800] =	vst v63  }
0x27b: {  	s15 =	sadd.s32 $0x70, s15;
	s19 =	ssub.s32 $0x13800, s13  }
0x27c: {  	[hbm4b:s15+s2] =	stream.linear.scatter [tilespmem:s19], [sflag:$0x1], $0x80, $0x38;
	[tilespmem:$0x1F800] =	vst v63  }
0x27d: {  	s20 =	ssub.s32 $0x10160, s13;
	s15 =	sadd.s32 s14, s18  }
0x27e: {  	[hbm4b:s15+s2] =	stream.linear.scatter [tilespmem:s20], [sflag:$0x1], $0x80, $0x38;
	[tilespmem:$0x1F800] =	vst v63  }
0x27f: {  	s21 =	ssub.s32 $0x10940, s13;
	s22 =	sadd.s32 $0x10, s15  }
0x280: {  	[hbm4b:s22+s2] =	stream.linear.scatter [tilespmem:s21], [sflag:$0x1], $0x80, $0x38;
	[tilespmem:$0x1F800] =	vst v63  }
0x281: {  	s23 =	ssub.s32 $0x11120, s13;
	s24 =	sadd.s32 $0x20, s15  }
0x282: {  	[hbm4b:s24+s2] =	stream.linear.scatter [tilespmem:s23], [sflag:$0x1], $0x80, $0x38;
	[tilespmem:$0x1F800] =	vst v63  }
0x283: {  	s25 =	ssub.s32 $0x11900, s13;
	s26 =	sadd.s32 $0x30, s15  }
0x284: {  	[hbm4b:s26+s2] =	stream.linear.scatter [tilespmem:s25], [sflag:$0x1], $0x80, $0x38;
	[tilespmem:$0x1F800] =	vst v63  }
0x285: {  	s28 =	ssub.s32 $0x120E0, s13;
	s29 =	sadd.s32 $0x40, s15  }
0x286: {  	[hbm4b:s29+s2] =	stream.linear.scatter [tilespmem:s28], [sflag:$0x1], $0x80, $0x38;
	[tilespmem:$0x1F800] =	vst v63  }
0x287: {  	s30 =	ssub.s32 $0x128C0, s13;
	s31 =	sadd.s32 $0x50, s15  }
0x288: {  	[hbm4b:s31+s2] =	stream.linear.scatter [tilespmem:s30], [sflag:$0x1], $0x80, $0x38;
	[tilespmem:$0x1F800] =	vst v63  }
0x289: {  	s18 =	ssub.s32 $0x130A0, s13;
	s19 =	sadd.s32 $0x60, s15;
	s20 =	sld [smem:$0x7E2]  }
0x28a: {  	[hbm4b:s19+s2] =	stream.linear.scatter [tilespmem:s18], [sflag:$0x1], $0x80, $0x38;
	[tilespmem:$0x1F800] =	vst v63  }
0x28b: {  	s15 =	sadd.s32 $0x70, s15;
	s21 =	ssub.s32 $0x13880, s13  }
0x28c: {  	[hbm4b:s15+s2] =	stream.linear.scatter [tilespmem:s21], [sflag:$0x1], $0x80, $0x38;
	[tilespmem:$0x1F800] =	vst v63  }
0x28d: {  	s22 =	ssub.s32 $0x101E0, s13;
	s15 =	sadd.s32 s14, s20  }
0x28e: {  	[hbm4b:s15+s2] =	stream.linear.scatter [tilespmem:s22], [sflag:$0x1], $0x80, $0x38;
	[tilespmem:$0x1F800] =	vst v63  }
0x28f: {  	s23 =	ssub.s32 $0x109C0, s13;
	s24 =	sadd.s32 $0x10, s15  }
0x290: {  	[hbm4b:s24+s2] =	stream.linear.scatter [tilespmem:s23], [sflag:$0x1], $0x80, $0x38;
	[tilespmem:$0x1F800] =	vst v63  }
0x291: {  	s25 =	ssub.s32 $0x111A0, s13;
	s26 =	sadd.s32 $0x20, s15  }
0x292: {  	[hbm4b:s26+s2] =	stream.linear.scatter [tilespmem:s25], [sflag:$0x1], $0x80, $0x38;
	[tilespmem:$0x1F800] =	vst v63  }
0x293: {  	s28 =	ssub.s32 $0x11980, s13;
	s29 =	sadd.s32 $0x30, s15  }
0x294: {  	[hbm4b:s29+s2] =	stream.linear.scatter [tilespmem:s28], [sflag:$0x1], $0x80, $0x38;
	[tilespmem:$0x1F800] =	vst v63  }
0x295: {  	s30 =	ssub.s32 $0x12160, s13;
	s31 =	sadd.s32 $0x40, s15  }
0x296: {  	[hbm4b:s31+s2] =	stream.linear.scatter [tilespmem:s30], [sflag:$0x1], $0x80, $0x38;
	[tilespmem:$0x1F800] =	vst v63  }
0x297: {  	s18 =	ssub.s32 $0x12940, s13;
	s19 =	sadd.s32 $0x50, s15  }
0x298: {  	[hbm4b:s19+s2] =	stream.linear.scatter [tilespmem:s18], [sflag:$0x1], $0x80, $0x38;
	[tilespmem:$0x1F800] =	vst v63  }
0x299: {  	s20 =	ssub.s32 $0x13120, s13;
	s21 =	sadd.s32 $0x60, s15;
	s22 =	sld [smem:$0x7E3]  }
0x29a: {  	[hbm4b:s21+s2] =	stream.linear.scatter [tilespmem:s20], [sflag:$0x1], $0x80, $0x38;
	[tilespmem:$0x1F800] =	vst v63  }
0x29b: {  	s15 =	sadd.s32 $0x70, s15;
	s23 =	ssub.s32 $0x13900, s13  }
0x29c: {  	[hbm4b:s15+s2] =	stream.linear.scatter [tilespmem:s23], [sflag:$0x1], $0x80, $0x38;
	[tilespmem:$0x1F800] =	vst v63  }
0x29d: {  	s24 =	ssub.s32 $0x10260, s13;
	s15 =	sadd.s32 s14, s22  }
0x29e: {  	[hbm4b:s15+s2] =	stream.linear.scatter [tilespmem:s24], [sflag:$0x1], $0x80, $0x38;
	[tilespmem:$0x1F800] =	vst v63  }
0x29f: {  	s25 =	ssub.s32 $0x10A40, s13;
	s26 =	sadd.s32 $0x10, s15  }
0x2a0: {  	[hbm4b:s26+s2] =	stream.linear.scatter [tilespmem:s25], [sflag:$0x1], $0x80, $0x38;
	[tilespmem:$0x1F800] =	vst v63  }
0x2a1: {  	s28 =	ssub.s32 $0x11220, s13;
	s29 =	sadd.s32 $0x20, s15  }
0x2a2: {  	[hbm4b:s29+s2] =	stream.linear.scatter [tilespmem:s28], [sflag:$0x1], $0x80, $0x38;
	[tilespmem:$0x1F800] =	vst v63  }
0x2a3: {  	s30 =	ssub.s32 $0x11A00, s13;
	s31 =	sadd.s32 $0x30, s15  }
0x2a4: {  	[hbm4b:s31+s2] =	stream.linear.scatter [tilespmem:s30], [sflag:$0x1], $0x80, $0x38;
	[tilespmem:$0x1F800] =	vst v63  }
0x2a5: {  	s18 =	ssub.s32 $0x121E0, s13;
	s19 =	sadd.s32 $0x40, s15  }
0x2a6: {  	[hbm4b:s19+s2] =	stream.linear.scatter [tilespmem:s18], [sflag:$0x1], $0x80, $0x38;
	[tilespmem:$0x1F800] =	vst v63  }
0x2a7: {  	s20 =	ssub.s32 $0x129C0, s13;
	s21 =	sadd.s32 $0x50, s15  }
0x2a8: {  	[hbm4b:s21+s2] =	stream.linear.scatter [tilespmem:s20], [sflag:$0x1], $0x80, $0x38;
	[tilespmem:$0x1F800] =	vst v63  }
0x2a9: {  	s22 =	ssub.s32 $0x131A0, s13;
	s23 =	sadd.s32 $0x60, s15;
	s24 =	sld [smem:$0x7E4]  }
0x2aa: {  	[hbm4b:s23+s2] =	stream.linear.scatter [tilespmem:s22], [sflag:$0x1], $0x80, $0x38;
	[tilespmem:$0x1F800] =	vst v63  }
0x2ab: {  	s15 =	sadd.s32 $0x70, s15;
	s25 =	ssub.s32 $0x13980, s13  }
0x2ac: {  	[hbm4b:s15+s2] =	stream.linear.scatter [tilespmem:s25], [sflag:$0x1], $0x80, $0x38;
	[tilespmem:$0x1F800] =	vst v63  }
0x2ad: {  	s26 =	ssub.s32 $0x102E0, s13;
	s15 =	sadd.s32 s14, s24  }
0x2ae: {  	[hbm4b:s15+s2] =	stream.linear.scatter [tilespmem:s26], [sflag:$0x1], $0x80, $0x38;
	[tilespmem:$0x1F800] =	vst v63  }
0x2af: {  	s28 =	ssub.s32 $0x10AC0, s13;
	s29 =	sadd.s32 $0x10, s15  }
0x2b0: {  	[hbm4b:s29+s2] =	stream.linear.scatter [tilespmem:s28], [sflag:$0x1], $0x80, $0x38;
	[tilespmem:$0x1F800] =	vst v63  }
0x2b1: {  	s30 =	ssub.s32 $0x112A0, s13;
	s31 =	sadd.s32 $0x20, s15  }
0x2b2: {  	[hbm4b:s31+s2] =	stream.linear.scatter [tilespmem:s30], [sflag:$0x1], $0x80, $0x38;
	[tilespmem:$0x1F800] =	vst v63  }
0x2b3: {  	s18 =	ssub.s32 $0x11A80, s13;
	s19 =	sadd.s32 $0x30, s15  }
0x2b4: {  	[hbm4b:s19+s2] =	stream.linear.scatter [tilespmem:s18], [sflag:$0x1], $0x80, $0x38;
	[tilespmem:$0x1F800] =	vst v63  }
0x2b5: {  	s20 =	ssub.s32 $0x12260, s13;
	s21 =	sadd.s32 $0x40, s15  }
0x2b6: {  	[hbm4b:s21+s2] =	stream.linear.scatter [tilespmem:s20], [sflag:$0x1], $0x80, $0x38;
	[tilespmem:$0x1F800] =	vst v63  }
0x2b7: {  	s22 =	ssub.s32 $0x12A40, s13;
	s23 =	sadd.s32 $0x50, s15  }
0x2b8: {  	[hbm4b:s23+s2] =	stream.linear.scatter [tilespmem:s22], [sflag:$0x1], $0x80, $0x38;
	[tilespmem:$0x1F800] =	vst v63  }
0x2b9: {  	s24 =	ssub.s32 $0x13220, s13;
	s25 =	sadd.s32 $0x60, s15;
	s26 =	sld [smem:$0x7E5]  }
0x2ba: {  	[hbm4b:s25+s2] =	stream.linear.scatter [tilespmem:s24], [sflag:$0x1], $0x80, $0x38;
	[tilespmem:$0x1F800] =	vst v63  }
0x2bb: {  	s15 =	sadd.s32 $0x70, s15;
	s28 =	ssub.s32 $0x13A00, s13  }
0x2bc: {  	[hbm4b:s15+s2] =	stream.linear.scatter [tilespmem:s28], [sflag:$0x1], $0x80, $0x38;
	[tilespmem:$0x1F800] =	vst v63  }
0x2bd: {  	s29 =	ssub.s32 $0x10360, s13;
	s15 =	sadd.s32 s14, s26  }
0x2be: {  	[hbm4b:s15+s2] =	stream.linear.scatter [tilespmem:s29], [sflag:$0x1], $0x80, $0x38;
	[tilespmem:$0x1F800] =	vst v63  }
0x2bf: {  	s30 =	ssub.s32 $0x10B40, s13;
	s31 =	sadd.s32 $0x10, s15  }
0x2c0: {  	[hbm4b:s31+s2] =	stream.linear.scatter [tilespmem:s30], [sflag:$0x1], $0x80, $0x38;
	[tilespmem:$0x1F800] =	vst v63  }
0x2c1: {  	s18 =	ssub.s32 $0x11320, s13;
	s19 =	sadd.s32 $0x20, s15  }
0x2c2: {  	[hbm4b:s19+s2] =	stream.linear.scatter [tilespmem:s18], [sflag:$0x1], $0x80, $0x38;
	[tilespmem:$0x1F800] =	vst v63  }
0x2c3: {  	s20 =	ssub.s32 $0x11B00, s13;
	s21 =	sadd.s32 $0x30, s15  }
0x2c4: {  	[hbm4b:s21+s2] =	stream.linear.scatter [tilespmem:s20], [sflag:$0x1], $0x80, $0x38;
	[tilespmem:$0x1F800] =	vst v63  }
0x2c5: {  	s22 =	ssub.s32 $0x122E0, s13;
	s23 =	sadd.s32 $0x40, s15  }
0x2c6: {  	[hbm4b:s23+s2] =	stream.linear.scatter [tilespmem:s22], [sflag:$0x1], $0x80, $0x38;
	[tilespmem:$0x1F800] =	vst v63  }
0x2c7: {  	s24 =	ssub.s32 $0x12AC0, s13;
	s25 =	sadd.s32 $0x50, s15  }
0x2c8: {  	[hbm4b:s25+s2] =	stream.linear.scatter [tilespmem:s24], [sflag:$0x1], $0x80, $0x38;
	[tilespmem:$0x1F800] =	vst v63  }
0x2c9: {  	s26 =	ssub.s32 $0x132A0, s13;
	s28 =	sadd.s32 $0x60, s15;
	s29 =	sld [smem:$0x7E6]  }
0x2ca: {  	[hbm4b:s28+s2] =	stream.linear.scatter [tilespmem:s26], [sflag:$0x1], $0x80, $0x38;
	[tilespmem:$0x1F800] =	vst v63  }
0x2cb: {  	s15 =	sadd.s32 $0x70, s15;
	s30 =	ssub.s32 $0x13A80, s13  }
0x2cc: {  	[hbm4b:s15+s2] =	stream.linear.scatter [tilespmem:s30], [sflag:$0x1], $0x80, $0x38;
	[tilespmem:$0x1F800] =	vst v63  }
0x2cd: {  	s31 =	ssub.s32 $0x13EE0, s13;
	s15 =	sadd.s32 s14, s29  }
0x2ce: {  	[hbm4b:s15+s2] =	stream.linear.scatter [tilespmem:s31], [sflag:$0x1], $0x80, $0x38;
	[tilespmem:$0x1F800] =	vst v63  }
0x2cf: {  	s17 =	ssub.s32 $0x146C0, s13;
	s18 =	sadd.s32 $0x10, s15  }
0x2d0: {  	[hbm4b:s18+s2] =	stream.linear.scatter [tilespmem:s17], [sflag:$0x1], $0x80, $0x38;
	[tilespmem:$0x1F800] =	vst v63  }
0x2d1: {  	s19 =	ssub.s32 $0x14EA0, s13;
	s20 =	sadd.s32 $0x20, s15  }
0x2d2: {  	[hbm4b:s20+s2] =	stream.linear.scatter [tilespmem:s19], [sflag:$0x1], $0x80, $0x38;
	[tilespmem:$0x1F800] =	vst v63  }
0x2d3: {  	s21 =	ssub.s32 $0x15680, s13;
	s22 =	sadd.s32 $0x30, s15  }
0x2d4: {  	[hbm4b:s22+s2] =	stream.linear.scatter [tilespmem:s21], [sflag:$0x1], $0x80, $0x38;
	[tilespmem:$0x1F800] =	vst v63  }
0x2d5: {  	s23 =	ssub.s32 $0x15E60, s13;
	s24 =	sadd.s32 $0x40, s15  }
0x2d6: {  	[hbm4b:s24+s2] =	stream.linear.scatter [tilespmem:s23], [sflag:$0x1], $0x80, $0x38;
	[tilespmem:$0x1F800] =	vst v63  }
0x2d7: {  	s25 =	ssub.s32 $0x16640, s13;
	s26 =	sadd.s32 $0x50, s15  }
0x2d8: {  	[hbm4b:s26+s2] =	stream.linear.scatter [tilespmem:s25], [sflag:$0x1], $0x80, $0x38;
	[tilespmem:$0x1F800] =	vst v63  }
0x2d9: {  	s28 =	ssub.s32 $0x16E20, s13;
	s30 =	sld [smem:$0x7E7];
	s29 =	sadd.s32 $0x60, s15  }
0x2da: {  	[hbm4b:s29+s2] =	stream.linear.scatter [tilespmem:s28], [sflag:$0x1], $0x80, $0x38;
	[tilespmem:$0x1F800] =	vst v63  }
0x2db: {  	s31 =	ssub.s32 $0x17600, s13;
	s15 =	sadd.s32 $0x70, s15  }
0x2dc: {  	[hbm4b:s15+s2] =	stream.linear.scatter [tilespmem:s31], [sflag:$0x1], $0x80, $0x38;
	[tilespmem:$0x1F800] =	vst v63  }
0x2dd: {  	s18 =	ssub.s32 $0x13F60, s13;
	s15 =	sadd.s32 s14, s30  }
0x2de: {  	[hbm4b:s15+s2] =	stream.linear.scatter [tilespmem:s18], [sflag:$0x1], $0x80, $0x38;
	[tilespmem:$0x1F800] =	vst v63  }
0x2df: {  	s19 =	ssub.s32 $0x14740, s13;
	s20 =	sadd.s32 $0x10, s15  }
0x2e0: {  	[hbm4b:s20+s2] =	stream.linear.scatter [tilespmem:s19], [sflag:$0x1], $0x80, $0x38;
	[tilespmem:$0x1F800] =	vst v63  }
0x2e1: {  	s21 =	ssub.s32 $0x14F20, s13;
	s22 =	sadd.s32 $0x20, s15  }
0x2e2: {  	[hbm4b:s22+s2] =	stream.linear.scatter [tilespmem:s21], [sflag:$0x1], $0x80, $0x38;
	[tilespmem:$0x1F800] =	vst v63  }
0x2e3: {  	s23 =	ssub.s32 $0x15700, s13;
	s24 =	sadd.s32 $0x30, s15  }
0x2e4: {  	[hbm4b:s24+s2] =	stream.linear.scatter [tilespmem:s23], [sflag:$0x1], $0x80, $0x38;
	[tilespmem:$0x1F800] =	vst v63  }
0x2e5: {  	s25 =	ssub.s32 $0x15EE0, s13;
	s26 =	sadd.s32 $0x40, s15  }
0x2e6: {  	[hbm4b:s26+s2] =	stream.linear.scatter [tilespmem:s25], [sflag:$0x1], $0x80, $0x38;
	[tilespmem:$0x1F800] =	vst v63  }
0x2e7: {  	s28 =	ssub.s32 $0x166C0, s13;
	s29 =	sadd.s32 $0x50, s15  }
0x2e8: {  	[hbm4b:s29+s2] =	stream.linear.scatter [tilespmem:s28], [sflag:$0x1], $0x80, $0x38;
	[tilespmem:$0x1F800] =	vst v63  }
0x2e9: {  	s30 =	ssub.s32 $0x16EA0, s13;
	s31 =	sadd.s32 $0x60, s15;
	s18 =	sld [smem:$0x7E8]  }
0x2ea: {  	[hbm4b:s31+s2] =	stream.linear.scatter [tilespmem:s30], [sflag:$0x1], $0x80, $0x38;
	[tilespmem:$0x1F800] =	vst v63  }
0x2eb: {  	s15 =	sadd.s32 $0x70, s15;
	s19 =	ssub.s32 $0x17680, s13  }
0x2ec: {  	[hbm4b:s15+s2] =	stream.linear.scatter [tilespmem:s19], [sflag:$0x1], $0x80, $0x38;
	[tilespmem:$0x1F800] =	vst v63  }
0x2ed: {  	s20 =	ssub.s32 $0x13FE0, s13;
	s15 =	sadd.s32 s14, s18  }
0x2ee: {  	[hbm4b:s15+s2] =	stream.linear.scatter [tilespmem:s20], [sflag:$0x1], $0x80, $0x38;
	[tilespmem:$0x1F800] =	vst v63  }
0x2ef: {  	s21 =	ssub.s32 $0x147C0, s13;
	s22 =	sadd.s32 $0x10, s15  }
0x2f0: {  	[hbm4b:s22+s2] =	stream.linear.scatter [tilespmem:s21], [sflag:$0x1], $0x80, $0x38;
	[tilespmem:$0x1F800] =	vst v63  }
0x2f1: {  	s23 =	ssub.s32 $0x14FA0, s13;
	s24 =	sadd.s32 $0x20, s15  }
0x2f2: {  	[hbm4b:s24+s2] =	stream.linear.scatter [tilespmem:s23], [sflag:$0x1], $0x80, $0x38;
	[tilespmem:$0x1F800] =	vst v63  }
0x2f3: {  	s25 =	ssub.s32 $0x15780, s13;
	s26 =	sadd.s32 $0x30, s15  }
0x2f4: {  	[hbm4b:s26+s2] =	stream.linear.scatter [tilespmem:s25], [sflag:$0x1], $0x80, $0x38;
	[tilespmem:$0x1F800] =	vst v63  }
0x2f5: {  	s28 =	ssub.s32 $0x15F60, s13;
	s29 =	sadd.s32 $0x40, s15  }
0x2f6: {  	[hbm4b:s29+s2] =	stream.linear.scatter [tilespmem:s28], [sflag:$0x1], $0x80, $0x38;
	[tilespmem:$0x1F800] =	vst v63  }
0x2f7: {  	s30 =	ssub.s32 $0x16740, s13;
	s31 =	sadd.s32 $0x50, s15  }
0x2f8: {  	[hbm4b:s31+s2] =	stream.linear.scatter [tilespmem:s30], [sflag:$0x1], $0x80, $0x38;
	[tilespmem:$0x1F800] =	vst v63  }
0x2f9: {  	s18 =	ssub.s32 $0x16F20, s13;
	s19 =	sadd.s32 $0x60, s15;
	s20 =	sld [smem:$0x7E9]  }
0x2fa: {  	[hbm4b:s19+s2] =	stream.linear.scatter [tilespmem:s18], [sflag:$0x1], $0x80, $0x38;
	[tilespmem:$0x1F800] =	vst v63  }
0x2fb: {  	s15 =	sadd.s32 $0x70, s15;
	s21 =	ssub.s32 $0x17700, s13  }
0x2fc: {  	[hbm4b:s15+s2] =	stream.linear.scatter [tilespmem:s21], [sflag:$0x1], $0x80, $0x38;
	[tilespmem:$0x1F800] =	vst v63  }
0x2fd: {  	s22 =	ssub.s32 $0x14060, s13;
	s15 =	sadd.s32 s14, s20  }
0x2fe: {  	[hbm4b:s15+s2] =	stream.linear.scatter [tilespmem:s22], [sflag:$0x1], $0x80, $0x38;
	[tilespmem:$0x1F800] =	vst v63  }
0x2ff: {  	s23 =	ssub.s32 $0x14840, s13;
	s24 =	sadd.s32 $0x10, s15  }
0x300: {  	[hbm4b:s24+s2] =	stream.linear.scatter [tilespmem:s23], [sflag:$0x1], $0x80, $0x38;
	[tilespmem:$0x1F800] =	vst v63  }
0x301: {  	s25 =	ssub.s32 $0x15020, s13;
	s26 =	sadd.s32 $0x20, s15  }
0x302: {  	[hbm4b:s26+s2] =	stream.linear.scatter [tilespmem:s25], [sflag:$0x1], $0x80, $0x38;
	[tilespmem:$0x1F800] =	vst v63  }
0x303: {  	s28 =	ssub.s32 $0x15800, s13;
	s29 =	sadd.s32 $0x30, s15  }
0x304: {  	[hbm4b:s29+s2] =	stream.linear.scatter [tilespmem:s28], [sflag:$0x1], $0x80, $0x38;
	[tilespmem:$0x1F800] =	vst v63  }
0x305: {  	s30 =	ssub.s32 $0x15FE0, s13;
	s31 =	sadd.s32 $0x40, s15  }
0x306: {  	[hbm4b:s31+s2] =	stream.linear.scatter [tilespmem:s30], [sflag:$0x1], $0x80, $0x38;
	[tilespmem:$0x1F800] =	vst v63  }
0x307: {  	s18 =	ssub.s32 $0x167C0, s13;
	s19 =	sadd.s32 $0x50, s15  }
0x308: {  	[hbm4b:s19+s2] =	stream.linear.scatter [tilespmem:s18], [sflag:$0x1], $0x80, $0x38;
	[tilespmem:$0x1F800] =	vst v63  }
0x309: {  	s20 =	ssub.s32 $0x16FA0, s13;
	s21 =	sadd.s32 $0x60, s15;
	s22 =	sld [smem:$0x7EA]  }
0x30a: {  	[hbm4b:s21+s2] =	stream.linear.scatter [tilespmem:s20], [sflag:$0x1], $0x80, $0x38;
	[tilespmem:$0x1F800] =	vst v63  }
0x30b: {  	s15 =	sadd.s32 $0x70, s15;
	s23 =	ssub.s32 $0x17780, s13  }
0x30c: {  	[hbm4b:s15+s2] =	stream.linear.scatter [tilespmem:s23], [sflag:$0x1], $0x80, $0x38;
	[tilespmem:$0x1F800] =	vst v63  }
0x30d: {  	s24 =	ssub.s32 $0x140E0, s13;
	s15 =	sadd.s32 s14, s22  }
0x30e: {  	[hbm4b:s15+s2] =	stream.linear.scatter [tilespmem:s24], [sflag:$0x1], $0x80, $0x38;
	[tilespmem:$0x1F800] =	vst v63  }
0x30f: {  	s25 =	ssub.s32 $0x148C0, s13;
	s26 =	sadd.s32 $0x10, s15  }
0x310: {  	[hbm4b:s26+s2] =	stream.linear.scatter [tilespmem:s25], [sflag:$0x1], $0x80, $0x38;
	[tilespmem:$0x1F800] =	vst v63  }
0x311: {  	s28 =	ssub.s32 $0x150A0, s13;
	s29 =	sadd.s32 $0x20, s15  }
0x312: {  	[hbm4b:s29+s2] =	stream.linear.scatter [tilespmem:s28], [sflag:$0x1], $0x80, $0x38;
	[tilespmem:$0x1F800] =	vst v63  }
0x313: {  	s30 =	ssub.s32 $0x15880, s13;
	s31 =	sadd.s32 $0x30, s15  }
0x314: {  	[hbm4b:s31+s2] =	stream.linear.scatter [tilespmem:s30], [sflag:$0x1], $0x80, $0x38;
	[tilespmem:$0x1F800] =	vst v63  }
0x315: {  	s18 =	ssub.s32 $0x16060, s13;
	s19 =	sadd.s32 $0x40, s15  }
0x316: {  	[hbm4b:s19+s2] =	stream.linear.scatter [tilespmem:s18], [sflag:$0x1], $0x80, $0x38;
	[tilespmem:$0x1F800] =	vst v63  }
0x317: {  	s20 =	ssub.s32 $0x16840, s13;
	s21 =	sadd.s32 $0x50, s15  }
0x318: {  	[hbm4b:s21+s2] =	stream.linear.scatter [tilespmem:s20], [sflag:$0x1], $0x80, $0x38;
	[tilespmem:$0x1F800] =	vst v63  }
0x319: {  	s22 =	ssub.s32 $0x17020, s13;
	s23 =	sadd.s32 $0x60, s15;
	s24 =	sld [smem:$0x7EB]  }
0x31a: {  	[hbm4b:s23+s2] =	stream.linear.scatter [tilespmem:s22], [sflag:$0x1], $0x80, $0x38;
	[tilespmem:$0x1F800] =	vst v63  }
0x31b: {  	s15 =	sadd.s32 $0x70, s15;
	s25 =	ssub.s32 $0x17800, s13  }
0x31c: {  	[hbm4b:s15+s2] =	stream.linear.scatter [tilespmem:s25], [sflag:$0x1], $0x80, $0x38;
	[tilespmem:$0x1F800] =	vst v63  }
0x31d: {  	s26 =	ssub.s32 $0x14160, s13;
	s15 =	sadd.s32 s14, s24  }
0x31e: {  	[hbm4b:s15+s2] =	stream.linear.scatter [tilespmem:s26], [sflag:$0x1], $0x80, $0x38;
	[tilespmem:$0x1F800] =	vst v63  }
0x31f: {  	s28 =	ssub.s32 $0x14940, s13;
	s29 =	sadd.s32 $0x10, s15  }
0x320: {  	[hbm4b:s29+s2] =	stream.linear.scatter [tilespmem:s28], [sflag:$0x1], $0x80, $0x38;
	[tilespmem:$0x1F800] =	vst v63  }
0x321: {  	s30 =	ssub.s32 $0x15120, s13;
	s31 =	sadd.s32 $0x20, s15  }
0x322: {  	[hbm4b:s31+s2] =	stream.linear.scatter [tilespmem:s30], [sflag:$0x1], $0x80, $0x38;
	[tilespmem:$0x1F800] =	vst v63  }
0x323: {  	s18 =	ssub.s32 $0x15900, s13;
	s19 =	sadd.s32 $0x30, s15  }
0x324: {  	[hbm4b:s19+s2] =	stream.linear.scatter [tilespmem:s18], [sflag:$0x1], $0x80, $0x38;
	[tilespmem:$0x1F800] =	vst v63  }
0x325: {  	s20 =	ssub.s32 $0x160E0, s13;
	s21 =	sadd.s32 $0x40, s15  }
0x326: {  	[hbm4b:s21+s2] =	stream.linear.scatter [tilespmem:s20], [sflag:$0x1], $0x80, $0x38;
	[tilespmem:$0x1F800] =	vst v63  }
0x327: {  	s22 =	ssub.s32 $0x168C0, s13;
	s23 =	sadd.s32 $0x50, s15  }
0x328: {  	[hbm4b:s23+s2] =	stream.linear.scatter [tilespmem:s22], [sflag:$0x1], $0x80, $0x38;
	[tilespmem:$0x1F800] =	vst v63  }
0x329: {  	s24 =	ssub.s32 $0x170A0, s13;
	s25 =	sadd.s32 $0x60, s15;
	s26 =	sld [smem:$0x7EC]  }
0x32a: {  	[hbm4b:s25+s2] =	stream.linear.scatter [tilespmem:s24], [sflag:$0x1], $0x80, $0x38;
	[tilespmem:$0x1F800] =	vst v63  }
0x32b: {  	s15 =	sadd.s32 $0x70, s15;
	s28 =	ssub.s32 $0x17880, s13  }
0x32c: {  	[hbm4b:s15+s2] =	stream.linear.scatter [tilespmem:s28], [sflag:$0x1], $0x80, $0x38;
	[tilespmem:$0x1F800] =	vst v63  }
0x32d: {  	s29 =	ssub.s32 $0x141E0, s13;
	s15 =	sadd.s32 s14, s26  }
0x32e: {  	[hbm4b:s15+s2] =	stream.linear.scatter [tilespmem:s29], [sflag:$0x1], $0x80, $0x38;
	[tilespmem:$0x1F800] =	vst v63  }
0x32f: {  	s30 =	ssub.s32 $0x149C0, s13;
	s31 =	sadd.s32 $0x10, s15  }
0x330: {  	[hbm4b:s31+s2] =	stream.linear.scatter [tilespmem:s30], [sflag:$0x1], $0x80, $0x38;
	[tilespmem:$0x1F800] =	vst v63  }
0x331: {  	s18 =	ssub.s32 $0x151A0, s13;
	s19 =	sadd.s32 $0x20, s15  }
0x332: {  	[hbm4b:s19+s2] =	stream.linear.scatter [tilespmem:s18], [sflag:$0x1], $0x80, $0x38;
	[tilespmem:$0x1F800] =	vst v63  }
0x333: {  	s20 =	ssub.s32 $0x15980, s13;
	s21 =	sadd.s32 $0x30, s15  }
0x334: {  	[hbm4b:s21+s2] =	stream.linear.scatter [tilespmem:s20], [sflag:$0x1], $0x80, $0x38;
	[tilespmem:$0x1F800] =	vst v63  }
0x335: {  	s22 =	ssub.s32 $0x16160, s13;
	s23 =	sadd.s32 $0x40, s15  }
0x336: {  	[hbm4b:s23+s2] =	stream.linear.scatter [tilespmem:s22], [sflag:$0x1], $0x80, $0x38;
	[tilespmem:$0x1F800] =	vst v63  }
0x337: {  	s24 =	ssub.s32 $0x16940, s13;
	s25 =	sadd.s32 $0x50, s15  }
0x338: {  	[hbm4b:s25+s2] =	stream.linear.scatter [tilespmem:s24], [sflag:$0x1], $0x80, $0x38;
	[tilespmem:$0x1F800] =	vst v63  }
0x339: {  	s26 =	ssub.s32 $0x17120, s13;
	s28 =	sadd.s32 $0x60, s15;
	s29 =	sld [smem:$0x7ED]  }
0x33a: {  	[hbm4b:s28+s2] =	stream.linear.scatter [tilespmem:s26], [sflag:$0x1], $0x80, $0x38;
	[tilespmem:$0x1F800] =	vst v63  }
0x33b: {  	s15 =	sadd.s32 $0x70, s15;
	s30 =	ssub.s32 $0x17900, s13  }
0x33c: {  	[hbm4b:s15+s2] =	stream.linear.scatter [tilespmem:s30], [sflag:$0x1], $0x80, $0x38;
	[tilespmem:$0x1F800] =	vst v63  }
0x33d: {  	s31 =	ssub.s32 $0x14260, s13;
	s15 =	sadd.s32 s14, s29  }
0x33e: {  	[hbm4b:s15+s2] =	stream.linear.scatter [tilespmem:s31], [sflag:$0x1], $0x80, $0x38;
	[tilespmem:$0x1F800] =	vst v63  }
0x33f: {  	s17 =	ssub.s32 $0x14A40, s13;
	s18 =	sadd.s32 $0x10, s15  }
0x340: {  	[hbm4b:s18+s2] =	stream.linear.scatter [tilespmem:s17], [sflag:$0x1], $0x80, $0x38;
	[tilespmem:$0x1F800] =	vst v63  }
0x341: {  	s19 =	ssub.s32 $0x15220, s13;
	s20 =	sadd.s32 $0x20, s15  }
0x342: {  	[hbm4b:s20+s2] =	stream.linear.scatter [tilespmem:s19], [sflag:$0x1], $0x80, $0x38;
	[tilespmem:$0x1F800] =	vst v63  }
0x343: {  	s21 =	ssub.s32 $0x15A00, s13;
	s22 =	sadd.s32 $0x30, s15  }
0x344: {  	[hbm4b:s22+s2] =	stream.linear.scatter [tilespmem:s21], [sflag:$0x1], $0x80, $0x38;
	[tilespmem:$0x1F800] =	vst v63  }
0x345: {  	s23 =	ssub.s32 $0x161E0, s13;
	s24 =	sadd.s32 $0x40, s15  }
0x346: {  	[hbm4b:s24+s2] =	stream.linear.scatter [tilespmem:s23], [sflag:$0x1], $0x80, $0x38;
	[tilespmem:$0x1F800] =	vst v63  }
0x347: {  	s25 =	ssub.s32 $0x169C0, s13;
	s26 =	sadd.s32 $0x50, s15  }
0x348: {  	[hbm4b:s26+s2] =	stream.linear.scatter [tilespmem:s25], [sflag:$0x1], $0x80, $0x38;
	[tilespmem:$0x1F800] =	vst v63  }
0x349: {  	s28 =	ssub.s32 $0x171A0, s13;
	s30 =	sld [smem:$0x7EE];
	s29 =	sadd.s32 $0x60, s15  }
0x34a: {  	[hbm4b:s29+s2] =	stream.linear.scatter [tilespmem:s28], [sflag:$0x1], $0x80, $0x38;
	[tilespmem:$0x1F800] =	vst v63  }
0x34b: {  	s31 =	ssub.s32 $0x17980, s13;
	s15 =	sadd.s32 $0x70, s15  }
0x34c: {  	[hbm4b:s15+s2] =	stream.linear.scatter [tilespmem:s31], [sflag:$0x1], $0x80, $0x38;
	[tilespmem:$0x1F800] =	vst v63  }
0x34d: {  	s18 =	ssub.s32 $0x17DE0, s13;
	s15 =	sadd.s32 s14, s30  }
0x34e: {  	[hbm4b:s15+s2] =	stream.linear.scatter [tilespmem:s18], [sflag:$0x1], $0x80, $0x38;
	[tilespmem:$0x1F800] =	vst v63  }
0x34f: {  	s19 =	ssub.s32 $0x185C0, s13;
	s20 =	sadd.s32 $0x10, s15  }
0x350: {  	[hbm4b:s20+s2] =	stream.linear.scatter [tilespmem:s19], [sflag:$0x1], $0x80, $0x38;
	[tilespmem:$0x1F800] =	vst v63  }
0x351: {  	s21 =	ssub.s32 $0x18DA0, s13;
	s22 =	sadd.s32 $0x20, s15  }
0x352: {  	[hbm4b:s22+s2] =	stream.linear.scatter [tilespmem:s21], [sflag:$0x1], $0x80, $0x38;
	[tilespmem:$0x1F800] =	vst v63  }
0x353: {  	s23 =	ssub.s32 $0x19580, s13;
	s24 =	sadd.s32 $0x30, s15  }
0x354: {  	[hbm4b:s24+s2] =	stream.linear.scatter [tilespmem:s23], [sflag:$0x1], $0x80, $0x38;
	[tilespmem:$0x1F800] =	vst v63  }
0x355: {  	s25 =	ssub.s32 $0x19D60, s13;
	s26 =	sadd.s32 $0x40, s15  }
0x356: {  	[hbm4b:s26+s2] =	stream.linear.scatter [tilespmem:s25], [sflag:$0x1], $0x80, $0x38;
	[tilespmem:$0x1F800] =	vst v63  }
0x357: {  	s28 =	ssub.s32 $0x1A540, s13;
	s29 =	sadd.s32 $0x50, s15  }
0x358: {  	[hbm4b:s29+s2] =	stream.linear.scatter [tilespmem:s28], [sflag:$0x1], $0x80, $0x38;
	[tilespmem:$0x1F800] =	vst v63  }
0x359: {  	s30 =	ssub.s32 $0x1AD20, s13;
	s31 =	sadd.s32 $0x60, s15;
	s18 =	sld [smem:$0x7EF]  }
0x35a: {  	[hbm4b:s31+s2] =	stream.linear.scatter [tilespmem:s30], [sflag:$0x1], $0x80, $0x38;
	[tilespmem:$0x1F800] =	vst v63  }
0x35b: {  	s15 =	sadd.s32 $0x70, s15;
	s19 =	ssub.s32 $0x1B500, s13  }
0x35c: {  	[hbm4b:s15+s2] =	stream.linear.scatter [tilespmem:s19], [sflag:$0x1], $0x80, $0x38;
	[tilespmem:$0x1F800] =	vst v63  }
0x35d: {  	s20 =	ssub.s32 $0x17E60, s13;
	s15 =	sadd.s32 s14, s18  }
0x35e: {  	[hbm4b:s15+s2] =	stream.linear.scatter [tilespmem:s20], [sflag:$0x1], $0x80, $0x38;
	[tilespmem:$0x1F800] =	vst v63  }
0x35f: {  	s21 =	ssub.s32 $0x18640, s13;
	s22 =	sadd.s32 $0x10, s15  }
0x360: {  	[hbm4b:s22+s2] =	stream.linear.scatter [tilespmem:s21], [sflag:$0x1], $0x80, $0x38;
	[tilespmem:$0x1F800] =	vst v63  }
0x361: {  	s23 =	ssub.s32 $0x18E20, s13;
	s24 =	sadd.s32 $0x20, s15  }
0x362: {  	[hbm4b:s24+s2] =	stream.linear.scatter [tilespmem:s23], [sflag:$0x1], $0x80, $0x38;
	[tilespmem:$0x1F800] =	vst v63  }
0x363: {  	s25 =	ssub.s32 $0x19600, s13;
	s26 =	sadd.s32 $0x30, s15  }
0x364: {  	[hbm4b:s26+s2] =	stream.linear.scatter [tilespmem:s25], [sflag:$0x1], $0x80, $0x38;
	[tilespmem:$0x1F800] =	vst v63  }
0x365: {  	s28 =	ssub.s32 $0x19DE0, s13;
	s29 =	sadd.s32 $0x40, s15  }
0x366: {  	[hbm4b:s29+s2] =	stream.linear.scatter [tilespmem:s28], [sflag:$0x1], $0x80, $0x38;
	[tilespmem:$0x1F800] =	vst v63  }
0x367: {  	s30 =	ssub.s32 $0x1A5C0, s13;
	s31 =	sadd.s32 $0x50, s15  }
0x368: {  	[hbm4b:s31+s2] =	stream.linear.scatter [tilespmem:s30], [sflag:$0x1], $0x80, $0x38;
	[tilespmem:$0x1F800] =	vst v63  }
0x369: {  	s18 =	ssub.s32 $0x1ADA0, s13;
	s19 =	sadd.s32 $0x60, s15;
	s20 =	sld [smem:$0x7F0]  }
0x36a: {  	[hbm4b:s19+s2] =	stream.linear.scatter [tilespmem:s18], [sflag:$0x1], $0x80, $0x38;
	[tilespmem:$0x1F800] =	vst v63  }
0x36b: {  	s15 =	sadd.s32 $0x70, s15;
	s21 =	ssub.s32 $0x1B580, s13  }
0x36c: {  	[hbm4b:s15+s2] =	stream.linear.scatter [tilespmem:s21], [sflag:$0x1], $0x80, $0x38;
	[tilespmem:$0x1F800] =	vst v63  }
0x36d: {  	s22 =	ssub.s32 $0x17EE0, s13;
	s15 =	sadd.s32 s14, s20  }
0x36e: {  	[hbm4b:s15+s2] =	stream.linear.scatter [tilespmem:s22], [sflag:$0x1], $0x80, $0x38;
	[tilespmem:$0x1F800] =	vst v63  }
0x36f: {  	s23 =	ssub.s32 $0x186C0, s13;
	s24 =	sadd.s32 $0x10, s15  }
0x370: {  	[hbm4b:s24+s2] =	stream.linear.scatter [tilespmem:s23], [sflag:$0x1], $0x80, $0x38;
	[tilespmem:$0x1F800] =	vst v63  }
0x371: {  	s25 =	ssub.s32 $0x18EA0, s13;
	s26 =	sadd.s32 $0x20, s15  }
0x372: {  	[hbm4b:s26+s2] =	stream.linear.scatter [tilespmem:s25], [sflag:$0x1], $0x80, $0x38;
	[tilespmem:$0x1F800] =	vst v63  }
0x373: {  	s28 =	ssub.s32 $0x19680, s13;
	s29 =	sadd.s32 $0x30, s15  }
0x374: {  	[hbm4b:s29+s2] =	stream.linear.scatter [tilespmem:s28], [sflag:$0x1], $0x80, $0x38;
	[tilespmem:$0x1F800] =	vst v63  }
0x375: {  	s30 =	ssub.s32 $0x19E60, s13;
	s31 =	sadd.s32 $0x40, s15  }
0x376: {  	[hbm4b:s31+s2] =	stream.linear.scatter [tilespmem:s30], [sflag:$0x1], $0x80, $0x38;
	[tilespmem:$0x1F800] =	vst v63  }
0x377: {  	s18 =	ssub.s32 $0x1A640, s13;
	s19 =	sadd.s32 $0x50, s15  }
0x378: {  	[hbm4b:s19+s2] =	stream.linear.scatter [tilespmem:s18], [sflag:$0x1], $0x80, $0x38;
	[tilespmem:$0x1F800] =	vst v63  }
0x379: {  	s20 =	ssub.s32 $0x1AE20, s13;
	s21 =	sadd.s32 $0x60, s15;
	s22 =	sld [smem:$0x7F1]  }
0x37a: {  	[hbm4b:s21+s2] =	stream.linear.scatter [tilespmem:s20], [sflag:$0x1], $0x80, $0x38;
	[tilespmem:$0x1F800] =	vst v63  }
0x37b: {  	s15 =	sadd.s32 $0x70, s15;
	s23 =	ssub.s32 $0x1B600, s13  }
0x37c: {  	[hbm4b:s15+s2] =	stream.linear.scatter [tilespmem:s23], [sflag:$0x1], $0x80, $0x38;
	[tilespmem:$0x1F800] =	vst v63  }
0x37d: {  	s24 =	ssub.s32 $0x17F60, s13;
	s15 =	sadd.s32 s14, s22  }
0x37e: {  	[hbm4b:s15+s2] =	stream.linear.scatter [tilespmem:s24], [sflag:$0x1], $0x80, $0x38;
	[tilespmem:$0x1F800] =	vst v63  }
0x37f: {  	s25 =	ssub.s32 $0x18740, s13;
	s26 =	sadd.s32 $0x10, s15  }
0x380: {  	[hbm4b:s26+s2] =	stream.linear.scatter [tilespmem:s25], [sflag:$0x1], $0x80, $0x38;
	[tilespmem:$0x1F800] =	vst v63  }
0x381: {  	s28 =	ssub.s32 $0x18F20, s13;
	s29 =	sadd.s32 $0x20, s15  }
0x382: {  	[hbm4b:s29+s2] =	stream.linear.scatter [tilespmem:s28], [sflag:$0x1], $0x80, $0x38;
	[tilespmem:$0x1F800] =	vst v63  }
0x383: {  	s30 =	ssub.s32 $0x19700, s13;
	s31 =	sadd.s32 $0x30, s15  }
0x384: {  	[hbm4b:s31+s2] =	stream.linear.scatter [tilespmem:s30], [sflag:$0x1], $0x80, $0x38;
	[tilespmem:$0x1F800] =	vst v63  }
0x385: {  	s18 =	ssub.s32 $0x19EE0, s13;
	s19 =	sadd.s32 $0x40, s15  }
0x386: {  	[hbm4b:s19+s2] =	stream.linear.scatter [tilespmem:s18], [sflag:$0x1], $0x80, $0x38;
	[tilespmem:$0x1F800] =	vst v63  }
0x387: {  	s20 =	ssub.s32 $0x1A6C0, s13;
	s21 =	sadd.s32 $0x50, s15  }
0x388: {  	[hbm4b:s21+s2] =	stream.linear.scatter [tilespmem:s20], [sflag:$0x1], $0x80, $0x38;
	[tilespmem:$0x1F800] =	vst v63  }
0x389: {  	s22 =	ssub.s32 $0x1AEA0, s13;
	s23 =	sadd.s32 $0x60, s15;
	s24 =	sld [smem:$0x7F2]  }
0x38a: {  	[hbm4b:s23+s2] =	stream.linear.scatter [tilespmem:s22], [sflag:$0x1], $0x80, $0x38;
	[tilespmem:$0x1F800] =	vst v63  }
0x38b: {  	s15 =	sadd.s32 $0x70, s15;
	s25 =	ssub.s32 $0x1B680, s13  }
0x38c: {  	[hbm4b:s15+s2] =	stream.linear.scatter [tilespmem:s25], [sflag:$0x1], $0x80, $0x38;
	[tilespmem:$0x1F800] =	vst v63  }
0x38d: {  	s26 =	ssub.s32 $0x17FE0, s13;
	s15 =	sadd.s32 s14, s24  }
0x38e: {  	[hbm4b:s15+s2] =	stream.linear.scatter [tilespmem:s26], [sflag:$0x1], $0x80, $0x38;
	[tilespmem:$0x1F800] =	vst v63  }
0x38f: {  	s28 =	ssub.s32 $0x187C0, s13;
	s29 =	sadd.s32 $0x10, s15  }
0x390: {  	[hbm4b:s29+s2] =	stream.linear.scatter [tilespmem:s28], [sflag:$0x1], $0x80, $0x38;
	[tilespmem:$0x1F800] =	vst v63  }
0x391: {  	s30 =	ssub.s32 $0x18FA0, s13;
	s31 =	sadd.s32 $0x20, s15  }
0x392: {  	[hbm4b:s31+s2] =	stream.linear.scatter [tilespmem:s30], [sflag:$0x1], $0x80, $0x38;
	[tilespmem:$0x1F800] =	vst v63  }
0x393: {  	s18 =	ssub.s32 $0x19780, s13;
	s19 =	sadd.s32 $0x30, s15  }
0x394: {  	[hbm4b:s19+s2] =	stream.linear.scatter [tilespmem:s18], [sflag:$0x1], $0x80, $0x38;
	[tilespmem:$0x1F800] =	vst v63  }
0x395: {  	s20 =	ssub.s32 $0x19F60, s13;
	s21 =	sadd.s32 $0x40, s15  }
0x396: {  	[hbm4b:s21+s2] =	stream.linear.scatter [tilespmem:s20], [sflag:$0x1], $0x80, $0x38;
	[tilespmem:$0x1F800] =	vst v63  }
0x397: {  	s22 =	ssub.s32 $0x1A740, s13;
	s23 =	sadd.s32 $0x50, s15  }
0x398: {  	[hbm4b:s23+s2] =	stream.linear.scatter [tilespmem:s22], [sflag:$0x1], $0x80, $0x38;
	[tilespmem:$0x1F800] =	vst v63  }
0x399: {  	s24 =	ssub.s32 $0x1AF20, s13;
	s25 =	sadd.s32 $0x60, s15;
	s26 =	sld [smem:$0x7F3]  }
0x39a: {  	[hbm4b:s25+s2] =	stream.linear.scatter [tilespmem:s24], [sflag:$0x1], $0x80, $0x38;
	[tilespmem:$0x1F800] =	vst v63  }
0x39b: {  	s15 =	sadd.s32 $0x70, s15;
	s28 =	ssub.s32 $0x1B700, s13  }
0x39c: {  	[hbm4b:s15+s2] =	stream.linear.scatter [tilespmem:s28], [sflag:$0x1], $0x80, $0x38;
	[tilespmem:$0x1F800] =	vst v63  }
0x39d: {  	s29 =	ssub.s32 $0x18060, s13;
	s15 =	sadd.s32 s14, s26  }
0x39e: {  	[hbm4b:s15+s2] =	stream.linear.scatter [tilespmem:s29], [sflag:$0x1], $0x80, $0x38;
	[tilespmem:$0x1F800] =	vst v63  }
0x39f: {  	s30 =	ssub.s32 $0x18840, s13;
	s31 =	sadd.s32 $0x10, s15  }
0x3a0: {  	[hbm4b:s31+s2] =	stream.linear.scatter [tilespmem:s30], [sflag:$0x1], $0x80, $0x38;
	[tilespmem:$0x1F800] =	vst v63  }
0x3a1: {  	s18 =	ssub.s32 $0x19020, s13;
	s19 =	sadd.s32 $0x20, s15  }
0x3a2: {  	[hbm4b:s19+s2] =	stream.linear.scatter [tilespmem:s18], [sflag:$0x1], $0x80, $0x38;
	[tilespmem:$0x1F800] =	vst v63  }
0x3a3: {  	s20 =	ssub.s32 $0x19800, s13;
	s21 =	sadd.s32 $0x30, s15  }
0x3a4: {  	[hbm4b:s21+s2] =	stream.linear.scatter [tilespmem:s20], [sflag:$0x1], $0x80, $0x38;
	[tilespmem:$0x1F800] =	vst v63  }
0x3a5: {  	s22 =	ssub.s32 $0x19FE0, s13;
	s23 =	sadd.s32 $0x40, s15  }
0x3a6: {  	[hbm4b:s23+s2] =	stream.linear.scatter [tilespmem:s22], [sflag:$0x1], $0x80, $0x38;
	[tilespmem:$0x1F800] =	vst v63  }
0x3a7: {  	s24 =	ssub.s32 $0x1A7C0, s13;
	s25 =	sadd.s32 $0x50, s15  }
0x3a8: {  	[hbm4b:s25+s2] =	stream.linear.scatter [tilespmem:s24], [sflag:$0x1], $0x80, $0x38;
	[tilespmem:$0x1F800] =	vst v63  }
0x3a9: {  	s26 =	ssub.s32 $0x1AFA0, s13;
	s28 =	sadd.s32 $0x60, s15;
	s29 =	sld [smem:$0x7F4]  }
0x3aa: {  	[hbm4b:s28+s2] =	stream.linear.scatter [tilespmem:s26], [sflag:$0x1], $0x80, $0x38;
	[tilespmem:$0x1F800] =	vst v63  }
0x3ab: {  	s15 =	sadd.s32 $0x70, s15;
	s30 =	ssub.s32 $0x1B780, s13  }
0x3ac: {  	[hbm4b:s15+s2] =	stream.linear.scatter [tilespmem:s30], [sflag:$0x1], $0x80, $0x38;
	[tilespmem:$0x1F800] =	vst v63  }
0x3ad: {  	s31 =	ssub.s32 $0x180E0, s13;
	s15 =	sadd.s32 s14, s29  }
0x3ae: {  	[hbm4b:s15+s2] =	stream.linear.scatter [tilespmem:s31], [sflag:$0x1], $0x80, $0x38;
	[tilespmem:$0x1F800] =	vst v63  }
0x3af: {  	s17 =	ssub.s32 $0x188C0, s13;
	s18 =	sadd.s32 $0x10, s15  }
0x3b0: {  	[hbm4b:s18+s2] =	stream.linear.scatter [tilespmem:s17], [sflag:$0x1], $0x80, $0x38;
	[tilespmem:$0x1F800] =	vst v63  }
0x3b1: {  	s19 =	ssub.s32 $0x190A0, s13;
	s20 =	sadd.s32 $0x20, s15  }
0x3b2: {  	[hbm4b:s20+s2] =	stream.linear.scatter [tilespmem:s19], [sflag:$0x1], $0x80, $0x38;
	[tilespmem:$0x1F800] =	vst v63  }
0x3b3: {  	s21 =	ssub.s32 $0x19880, s13;
	s22 =	sadd.s32 $0x30, s15  }
0x3b4: {  	[hbm4b:s22+s2] =	stream.linear.scatter [tilespmem:s21], [sflag:$0x1], $0x80, $0x38;
	[tilespmem:$0x1F800] =	vst v63  }
0x3b5: {  	s23 =	ssub.s32 $0x1A060, s13;
	s24 =	sadd.s32 $0x40, s15  }
0x3b6: {  	[hbm4b:s24+s2] =	stream.linear.scatter [tilespmem:s23], [sflag:$0x1], $0x80, $0x38;
	[tilespmem:$0x1F800] =	vst v63  }
0x3b7: {  	s25 =	ssub.s32 $0x1A840, s13;
	s26 =	sadd.s32 $0x50, s15  }
0x3b8: {  	[hbm4b:s26+s2] =	stream.linear.scatter [tilespmem:s25], [sflag:$0x1], $0x80, $0x38;
	[tilespmem:$0x1F800] =	vst v63  }
0x3b9: {  	s28 =	ssub.s32 $0x1B020, s13;
	s30 =	sld [smem:$0x7F5];
	s29 =	sadd.s32 $0x60, s15  }
0x3ba: {  	[hbm4b:s29+s2] =	stream.linear.scatter [tilespmem:s28], [sflag:$0x1], $0x80, $0x38;
	[tilespmem:$0x1F800] =	vst v63  }
0x3bb: {  	s31 =	ssub.s32 $0x1B800, s13;
	s15 =	sadd.s32 $0x70, s15  }
0x3bc: {  	[hbm4b:s15+s2] =	stream.linear.scatter [tilespmem:s31], [sflag:$0x1], $0x80, $0x38;
	[tilespmem:$0x1F800] =	vst v63  }
0x3bd: {  	s18 =	ssub.s32 $0x18160, s13;
	s15 =	sadd.s32 s14, s30  }
0x3be: {  	[hbm4b:s15+s2] =	stream.linear.scatter [tilespmem:s18], [sflag:$0x1], $0x80, $0x38;
	[tilespmem:$0x1F800] =	vst v63  }
0x3bf: {  	s19 =	ssub.s32 $0x18940, s13;
	s20 =	sadd.s32 $0x10, s15  }
0x3c0: {  	[hbm4b:s20+s2] =	stream.linear.scatter [tilespmem:s19], [sflag:$0x1], $0x80, $0x38;
	[tilespmem:$0x1F800] =	vst v63  }
0x3c1: {  	s21 =	ssub.s32 $0x19120, s13;
	s22 =	sadd.s32 $0x20, s15  }
0x3c2: {  	[hbm4b:s22+s2] =	stream.linear.scatter [tilespmem:s21], [sflag:$0x1], $0x80, $0x38;
	[tilespmem:$0x1F800] =	vst v63  }
0x3c3: {  	s23 =	ssub.s32 $0x19900, s13;
	s24 =	sadd.s32 $0x30, s15  }
0x3c4: {  	[hbm4b:s24+s2] =	stream.linear.scatter [tilespmem:s23], [sflag:$0x1], $0x80, $0x38;
	[tilespmem:$0x1F800] =	vst v63  }
0x3c5: {  	s25 =	ssub.s32 $0x1A0E0, s13;
	s26 =	sadd.s32 $0x40, s15  }
0x3c6: {  	[hbm4b:s26+s2] =	stream.linear.scatter [tilespmem:s25], [sflag:$0x1], $0x80, $0x38;
	[tilespmem:$0x1F800] =	vst v63  }
0x3c7: {  	s28 =	ssub.s32 $0x1A8C0, s13;
	s29 =	sadd.s32 $0x50, s15  }
0x3c8: {  	[hbm4b:s29+s2] =	stream.linear.scatter [tilespmem:s28], [sflag:$0x1], $0x80, $0x38;
	[tilespmem:$0x1F800] =	vst v63  }
0x3c9: {  	s30 =	ssub.s32 $0x1B0A0, s13;
	s31 =	sadd.s32 $0x60, s15;
	s18 =	sld [smem:$0x7F6]  }
0x3ca: {  	[hbm4b:s31+s2] =	stream.linear.scatter [tilespmem:s30], [sflag:$0x1], $0x80, $0x38;
	[tilespmem:$0x1F800] =	vst v63  }
0x3cb: {  	s15 =	sadd.s32 $0x70, s15;
	s19 =	ssub.s32 $0x1B880, s13  }
0x3cc: {  	[hbm4b:s15+s2] =	stream.linear.scatter [tilespmem:s19], [sflag:$0x1], $0x80, $0x38;
	[tilespmem:$0x1F800] =	vst v63  }
0x3cd: {  	s20 =	ssub.s32 $0x1BCE0, s13;
	s15 =	sadd.s32 s14, s18  }
0x3ce: {  	[hbm4b:s15+s2] =	stream.linear.scatter [tilespmem:s20], [sflag:$0x1], $0x80, $0x38;
	[tilespmem:$0x1F800] =	vst v63  }
0x3cf: {  	s21 =	ssub.s32 $0x1C4C0, s13;
	s22 =	sadd.s32 $0x10, s15  }
0x3d0: {  	[hbm4b:s22+s2] =	stream.linear.scatter [tilespmem:s21], [sflag:$0x1], $0x80, $0x38;
	[tilespmem:$0x1F800] =	vst v63  }
0x3d1: {  	s23 =	ssub.s32 $0x1CCA0, s13;
	s24 =	sadd.s32 $0x20, s15  }
0x3d2: {  	[hbm4b:s24+s2] =	stream.linear.scatter [tilespmem:s23], [sflag:$0x1], $0x80, $0x38;
	[tilespmem:$0x1F800] =	vst v63  }
0x3d3: {  	s25 =	ssub.s32 $0x1D480, s13;
	s26 =	sadd.s32 $0x30, s15  }
0x3d4: {  	[hbm4b:s26+s2] =	stream.linear.scatter [tilespmem:s25], [sflag:$0x1], $0x80, $0x38;
	[tilespmem:$0x1F800] =	vst v63  }
0x3d5: {  	s28 =	ssub.s32 $0x1DC60, s13;
	s29 =	sadd.s32 $0x40, s15  }
0x3d6: {  	[hbm4b:s29+s2] =	stream.linear.scatter [tilespmem:s28], [sflag:$0x1], $0x80, $0x38;
	[tilespmem:$0x1F800] =	vst v63  }
0x3d7: {  	s30 =	ssub.s32 $0x1E440, s13;
	s31 =	sadd.s32 $0x50, s15  }
0x3d8: {  	[hbm4b:s31+s2] =	stream.linear.scatter [tilespmem:s30], [sflag:$0x1], $0x80, $0x38;
	[tilespmem:$0x1F800] =	vst v63  }
0x3d9: {  	s18 =	ssub.s32 $0x1EC20, s13;
	s19 =	sadd.s32 $0x60, s15;
	s20 =	sld [smem:$0x7F7]  }
0x3da: {  	[hbm4b:s19+s2] =	stream.linear.scatter [tilespmem:s18], [sflag:$0x1], $0x80, $0x38;
	[tilespmem:$0x1F800] =	vst v63  }
0x3db: {  	s15 =	sadd.s32 $0x70, s15;
	s21 =	ssub.s32 $0x1F400, s13  }
0x3dc: {  	[hbm4b:s15+s2] =	stream.linear.scatter [tilespmem:s21], [sflag:$0x1], $0x80, $0x38;
	[tilespmem:$0x1F800] =	vst v63  }
0x3dd: {  	s22 =	ssub.s32 $0x1BD60, s13;
	s15 =	sadd.s32 s14, s20  }
0x3de: {  	[hbm4b:s15+s2] =	stream.linear.scatter [tilespmem:s22], [sflag:$0x1], $0x80, $0x38;
	[tilespmem:$0x1F800] =	vst v63  }
0x3df: {  	s23 =	ssub.s32 $0x1C540, s13;
	s24 =	sadd.s32 $0x10, s15  }
0x3e0: {  	[hbm4b:s24+s2] =	stream.linear.scatter [tilespmem:s23], [sflag:$0x1], $0x80, $0x38;
	[tilespmem:$0x1F800] =	vst v63  }
0x3e1: {  	s25 =	ssub.s32 $0x1CD20, s13;
	s26 =	sadd.s32 $0x20, s15  }
0x3e2: {  	[hbm4b:s26+s2] =	stream.linear.scatter [tilespmem:s25], [sflag:$0x1], $0x80, $0x38;
	[tilespmem:$0x1F800] =	vst v63  }
0x3e3: {  	s28 =	ssub.s32 $0x1D500, s13;
	s29 =	sadd.s32 $0x30, s15  }
0x3e4: {  	[hbm4b:s29+s2] =	stream.linear.scatter [tilespmem:s28], [sflag:$0x1], $0x80, $0x38;
	[tilespmem:$0x1F800] =	vst v63  }
0x3e5: {  	s30 =	ssub.s32 $0x1DCE0, s13;
	s31 =	sadd.s32 $0x40, s15  }
0x3e6: {  	[hbm4b:s31+s2] =	stream.linear.scatter [tilespmem:s30], [sflag:$0x1], $0x80, $0x38;
	[tilespmem:$0x1F800] =	vst v63  }
0x3e7: {  	s18 =	ssub.s32 $0x1E4C0, s13;
	s19 =	sadd.s32 $0x50, s15  }
0x3e8: {  	[hbm4b:s19+s2] =	stream.linear.scatter [tilespmem:s18], [sflag:$0x1], $0x80, $0x38;
	[tilespmem:$0x1F800] =	vst v63  }
0x3e9: {  	s20 =	ssub.s32 $0x1ECA0, s13;
	s21 =	sadd.s32 $0x60, s15;
	s22 =	sld [smem:$0x7F8]  }
0x3ea: {  	[hbm4b:s21+s2] =	stream.linear.scatter [tilespmem:s20], [sflag:$0x1], $0x80, $0x38;
	[tilespmem:$0x1F800] =	vst v63  }
0x3eb: {  	s15 =	sadd.s32 $0x70, s15;
	s23 =	ssub.s32 $0x1F480, s13  }
0x3ec: {  	[hbm4b:s15+s2] =	stream.linear.scatter [tilespmem:s23], [sflag:$0x1], $0x80, $0x38;
	[tilespmem:$0x1F800] =	vst v63  }
0x3ed: {  	s24 =	ssub.s32 $0x1BDE0, s13;
	s15 =	sadd.s32 s14, s22  }
0x3ee: {  	[hbm4b:s15+s2] =	stream.linear.scatter [tilespmem:s24], [sflag:$0x1], $0x80, $0x38;
	[tilespmem:$0x1F800] =	vst v63  }
0x3ef: {  	s25 =	ssub.s32 $0x1C5C0, s13;
	s26 =	sadd.s32 $0x10, s15  }
0x3f0: {  	[hbm4b:s26+s2] =	stream.linear.scatter [tilespmem:s25], [sflag:$0x1], $0x80, $0x38;
	[tilespmem:$0x1F800] =	vst v63  }
0x3f1: {  	s28 =	ssub.s32 $0x1CDA0, s13;
	s29 =	sadd.s32 $0x20, s15  }
0x3f2: {  	[hbm4b:s29+s2] =	stream.linear.scatter [tilespmem:s28], [sflag:$0x1], $0x80, $0x38;
	[tilespmem:$0x1F800] =	vst v63  }
0x3f3: {  	s30 =	ssub.s32 $0x1D580, s13;
	s31 =	sadd.s32 $0x30, s15  }
0x3f4: {  	[hbm4b:s31+s2] =	stream.linear.scatter [tilespmem:s30], [sflag:$0x1], $0x80, $0x38;
	[tilespmem:$0x1F800] =	vst v63  }
0x3f5: {  	s18 =	ssub.s32 $0x1DD60, s13;
	s19 =	sadd.s32 $0x40, s15  }
0x3f6: {  	[hbm4b:s19+s2] =	stream.linear.scatter [tilespmem:s18], [sflag:$0x1], $0x80, $0x38;
	[tilespmem:$0x1F800] =	vst v63  }
0x3f7: {  	s20 =	ssub.s32 $0x1E540, s13;
	s21 =	sadd.s32 $0x50, s15  }
0x3f8: {  	[hbm4b:s21+s2] =	stream.linear.scatter [tilespmem:s20], [sflag:$0x1], $0x80, $0x38;
	[tilespmem:$0x1F800] =	vst v63  }
0x3f9: {  	s22 =	ssub.s32 $0x1ED20, s13;
	s23 =	sadd.s32 $0x60, s15;
	s24 =	sld [smem:$0x7F9]  }
0x3fa: {  	[hbm4b:s23+s2] =	stream.linear.scatter [tilespmem:s22], [sflag:$0x1], $0x80, $0x38;
	[tilespmem:$0x1F800] =	vst v63  }
0x3fb: {  	s15 =	sadd.s32 $0x70, s15;
	s25 =	ssub.s32 $0x1F500, s13  }
0x3fc: {  	[hbm4b:s15+s2] =	stream.linear.scatter [tilespmem:s25], [sflag:$0x1], $0x80, $0x38;
	[tilespmem:$0x1F800] =	vst v63  }
0x3fd: {  	s26 =	ssub.s32 $0x1BE60, s13;
	s15 =	sadd.s32 s14, s24  }
0x3fe: {  	[hbm4b:s15+s2] =	stream.linear.scatter [tilespmem:s26], [sflag:$0x1], $0x80, $0x38;
	[tilespmem:$0x1F800] =	vst v63  }
0x3ff: {  	s28 =	ssub.s32 $0x1C640, s13;
	s29 =	sadd.s32 $0x10, s15  }
0x400: {  	[hbm4b:s29+s2] =	stream.linear.scatter [tilespmem:s28], [sflag:$0x1], $0x80, $0x38;
	[tilespmem:$0x1F800] =	vst v63  }
0x401: {  	s30 =	ssub.s32 $0x1CE20, s13;
	s31 =	sadd.s32 $0x20, s15  }
0x402: {  	[hbm4b:s31+s2] =	stream.linear.scatter [tilespmem:s30], [sflag:$0x1], $0x80, $0x38;
	[tilespmem:$0x1F800] =	vst v63  }
0x403: {  	s18 =	ssub.s32 $0x1D600, s13;
	s19 =	sadd.s32 $0x30, s15  }
0x404: {  	[hbm4b:s19+s2] =	stream.linear.scatter [tilespmem:s18], [sflag:$0x1], $0x80, $0x38;
	[tilespmem:$0x1F800] =	vst v63  }
0x405: {  	s20 =	ssub.s32 $0x1DDE0, s13;
	s21 =	sadd.s32 $0x40, s15  }
0x406: {  	[hbm4b:s21+s2] =	stream.linear.scatter [tilespmem:s20], [sflag:$0x1], $0x80, $0x38;
	[tilespmem:$0x1F800] =	vst v63  }
0x407: {  	s22 =	ssub.s32 $0x1E5C0, s13;
	s23 =	sadd.s32 $0x50, s15  }
0x408: {  	[hbm4b:s23+s2] =	stream.linear.scatter [tilespmem:s22], [sflag:$0x1], $0x80, $0x38;
	[tilespmem:$0x1F800] =	vst v63  }
0x409: {  	s24 =	ssub.s32 $0x1EDA0, s13;
	s25 =	sadd.s32 $0x60, s15;
	s26 =	sld [smem:$0x7FA]  }
0x40a: {  	[hbm4b:s25+s2] =	stream.linear.scatter [tilespmem:s24], [sflag:$0x1], $0x80, $0x38;
	[tilespmem:$0x1F800] =	vst v63  }
0x40b: {  	s15 =	sadd.s32 $0x70, s15;
	s28 =	ssub.s32 $0x1F580, s13  }
0x40c: {  	[hbm4b:s15+s2] =	stream.linear.scatter [tilespmem:s28], [sflag:$0x1], $0x80, $0x38;
	[tilespmem:$0x1F800] =	vst v63  }
0x40d: {  	s29 =	ssub.s32 $0x1BEE0, s13;
	s15 =	sadd.s32 s14, s26  }
0x40e: {  	[hbm4b:s15+s2] =	stream.linear.scatter [tilespmem:s29], [sflag:$0x1], $0x80, $0x38;
	[tilespmem:$0x1F800] =	vst v63  }
0x40f: {  	s30 =	ssub.s32 $0x1C6C0, s13;
	s31 =	sadd.s32 $0x10, s15  }
0x410: {  	[hbm4b:s31+s2] =	stream.linear.scatter [tilespmem:s30], [sflag:$0x1], $0x80, $0x38;
	[tilespmem:$0x1F800] =	vst v63  }
0x411: {  	s18 =	ssub.s32 $0x1CEA0, s13;
	s19 =	sadd.s32 $0x20, s15  }
0x412: {  	[hbm4b:s19+s2] =	stream.linear.scatter [tilespmem:s18], [sflag:$0x1], $0x80, $0x38;
	[tilespmem:$0x1F800] =	vst v63  }
0x413: {  	s20 =	ssub.s32 $0x1D680, s13;
	s21 =	sadd.s32 $0x30, s15  }
0x414: {  	[hbm4b:s21+s2] =	stream.linear.scatter [tilespmem:s20], [sflag:$0x1], $0x80, $0x38;
	[tilespmem:$0x1F800] =	vst v63  }
0x415: {  	s22 =	ssub.s32 $0x1DE60, s13;
	s23 =	sadd.s32 $0x40, s15  }
0x416: {  	[hbm4b:s23+s2] =	stream.linear.scatter [tilespmem:s22], [sflag:$0x1], $0x80, $0x38;
	[tilespmem:$0x1F800] =	vst v63  }
0x417: {  	s24 =	ssub.s32 $0x1E640, s13;
	s25 =	sadd.s32 $0x50, s15  }
0x418: {  	[hbm4b:s25+s2] =	stream.linear.scatter [tilespmem:s24], [sflag:$0x1], $0x80, $0x38;
	[tilespmem:$0x1F800] =	vst v63  }
0x419: {  	s26 =	ssub.s32 $0x1EE20, s13;
	s28 =	sadd.s32 $0x60, s15;
	s29 =	sld [smem:$0x7FB]  }
0x41a: {  	[hbm4b:s28+s2] =	stream.linear.scatter [tilespmem:s26], [sflag:$0x1], $0x80, $0x38;
	[tilespmem:$0x1F800] =	vst v63  }
0x41b: {  	s15 =	sadd.s32 $0x70, s15;
	s30 =	ssub.s32 $0x1F600, s13  }
0x41c: {  	[hbm4b:s15+s2] =	stream.linear.scatter [tilespmem:s30], [sflag:$0x1], $0x80, $0x38;
	[tilespmem:$0x1F800] =	vst v63  }
0x41d: {  	s31 =	ssub.s32 $0x1BF60, s13;
	s15 =	sadd.s32 s14, s29  }
0x41e: {  	[hbm4b:s15+s2] =	stream.linear.scatter [tilespmem:s31], [sflag:$0x1], $0x80, $0x38;
	[tilespmem:$0x1F800] =	vst v63  }
0x41f: {  	s17 =	ssub.s32 $0x1C740, s13;
	s18 =	sadd.s32 $0x10, s15  }
0x420: {  	[hbm4b:s18+s2] =	stream.linear.scatter [tilespmem:s17], [sflag:$0x1], $0x80, $0x38;
	[tilespmem:$0x1F800] =	vst v63  }
0x421: {  	s19 =	ssub.s32 $0x1CF20, s13;
	s20 =	sadd.s32 $0x20, s15  }
0x422: {  	[hbm4b:s20+s2] =	stream.linear.scatter [tilespmem:s19], [sflag:$0x1], $0x80, $0x38;
	[tilespmem:$0x1F800] =	vst v63  }
0x423: {  	s21 =	ssub.s32 $0x1D700, s13;
	s22 =	sadd.s32 $0x30, s15  }
0x424: {  	[hbm4b:s22+s2] =	stream.linear.scatter [tilespmem:s21], [sflag:$0x1], $0x80, $0x38;
	[tilespmem:$0x1F800] =	vst v63  }
0x425: {  	s23 =	ssub.s32 $0x1DEE0, s13;
	s24 =	sadd.s32 $0x40, s15  }
0x426: {  	[hbm4b:s24+s2] =	stream.linear.scatter [tilespmem:s23], [sflag:$0x1], $0x80, $0x38;
	[tilespmem:$0x1F800] =	vst v63  }
0x427: {  	s25 =	ssub.s32 $0x1E6C0, s13;
	s26 =	sadd.s32 $0x50, s15  }
0x428: {  	[hbm4b:s26+s2] =	stream.linear.scatter [tilespmem:s25], [sflag:$0x1], $0x80, $0x38;
	[tilespmem:$0x1F800] =	vst v63  }
0x429: {  	s28 =	ssub.s32 $0x1EEA0, s13;
	s30 =	sld [smem:$0x7FC];
	s29 =	sadd.s32 $0x60, s15  }
0x42a: {  	[hbm4b:s29+s2] =	stream.linear.scatter [tilespmem:s28], [sflag:$0x1], $0x80, $0x38;
	[tilespmem:$0x1F800] =	vst v63  }
0x42b: {  	s31 =	ssub.s32 $0x1F680, s13;
	s15 =	sadd.s32 $0x70, s15  }
0x42c: {  	[hbm4b:s15+s2] =	stream.linear.scatter [tilespmem:s31], [sflag:$0x1], $0x80, $0x38;
	[tilespmem:$0x1F800] =	vst v63  }
0x42d: {  	s17 =	ssub.s32 $0x1BFE0, s13;
	s15 =	sadd.s32 s14, s30  }
0x42e: {  	[hbm4b:s15+s2] =	stream.linear.scatter [tilespmem:s17], [sflag:$0x1], $0x80, $0x38;
	[tilespmem:$0x1F800] =	vst v63  }
0x42f: {  	s18 =	ssub.s32 $0x1C7C0, s13;
	s19 =	sadd.s32 $0x10, s15  }
0x430: {  	[hbm4b:s19+s2] =	stream.linear.scatter [tilespmem:s18], [sflag:$0x1], $0x80, $0x38;
	[tilespmem:$0x1F800] =	vst v63  }
0x431: {  	s20 =	ssub.s32 $0x1CFA0, s13;
	s21 =	sadd.s32 $0x20, s15  }
0x432: {  	[hbm4b:s21+s2] =	stream.linear.scatter [tilespmem:s20], [sflag:$0x1], $0x80, $0x38;
	[tilespmem:$0x1F800] =	vst v63  }
0x433: {  	s22 =	ssub.s32 $0x1D780, s13;
	s23 =	sadd.s32 $0x30, s15  }
0x434: {  	[hbm4b:s23+s2] =	stream.linear.scatter [tilespmem:s22], [sflag:$0x1], $0x80, $0x38;
	[tilespmem:$0x1F800] =	vst v63  }
0x435: {  	s24 =	ssub.s32 $0x1DF60, s13;
	s25 =	sadd.s32 $0x40, s15  }
0x436: {  	[hbm4b:s25+s2] =	stream.linear.scatter [tilespmem:s24], [sflag:$0x1], $0x80, $0x38;
	[tilespmem:$0x1F800] =	vst v63  }
0x437: {  	s26 =	ssub.s32 $0x1E740, s13;
	s28 =	sadd.s32 $0x50, s15  }
0x438: {  	[hbm4b:s28+s2] =	stream.linear.scatter [tilespmem:s26], [sflag:$0x1], $0x80, $0x38;
	[tilespmem:$0x1F800] =	vst v63  }
0x439: {  	s29 =	ssub.s32 $0x1EF20, s13;
	s31 =	sld [smem:$0x7FD];
	s30 =	sadd.s32 $0x60, s15  }
0x43a: {  	[hbm4b:s30+s2] =	stream.linear.scatter [tilespmem:s29], [sflag:$0x1], $0x80, $0x38;
	[tilespmem:$0x1F800] =	vst v63  }
0x43b: {  	s15 =	sadd.s32 $0x70, s15;
	s18 =	ssub.s32 $0x1F700, s13  }
0x43c: {  	[hbm4b:s15+s2] =	stream.linear.scatter [tilespmem:s18], [sflag:$0x1], $0x80, $0x38;
	[tilespmem:$0x1F800] =	vst v63  }
0x43d: {  	s14 =	sadd.s32 s14, s31;
	s19 =	ssub.s32 $0x1C060, s13  }
0x43e: {  	[hbm4b:s14+s2] =	stream.linear.scatter [tilespmem:s19], [sflag:$0x1], $0x80, $0x38;
	[tilespmem:$0x1F800] =	vst v63  }
0x43f: {  	s16 =	sadd.s32 $0x10, s14;
	s20 =	ssub.s32 $0x1C840, s13  }
0x440: {  	[hbm4b:s16+s2] =	stream.linear.scatter [tilespmem:s20], [sflag:$0x1], $0x80, $0x38;
	[tilespmem:$0x1F800] =	vst v63  }
0x441: {  	s21 =	ssub.s32 $0x1D020, s13;
	s22 =	sadd.s32 $0x20, s14  }
0x442: {  	[hbm4b:s22+s2] =	stream.linear.scatter [tilespmem:s21], [sflag:$0x1], $0x80, $0x38;
	[tilespmem:$0x1F800] =	vst v63  }
0x443: {  	s23 =	ssub.s32 $0x1D800, s13;
	s24 =	sadd.s32 $0x30, s14  }
0x444: {  	[hbm4b:s24+s2] =	stream.linear.scatter [tilespmem:s23], [sflag:$0x1], $0x80, $0x38;
	[tilespmem:$0x1F800] =	vst v63  }
0x445: {  	s25 =	ssub.s32 $0x1DFE0, s13;
	s26 =	sadd.s32 $0x40, s14  }
0x446: {  	[hbm4b:s26+s2] =	stream.linear.scatter [tilespmem:s25], [sflag:$0x1], $0x80, $0x38;
	[tilespmem:$0x1F800] =	vst v63  }
0x447: {  	s28 =	ssub.s32 $0x1E7C0, s13;
	s29 =	sadd.s32 $0x50, s14  }
0x448: {  	[hbm4b:s29+s2] =	stream.linear.scatter [tilespmem:s28], [sflag:$0x1], $0x80, $0x38;
	[tilespmem:$0x1F800] =	vst v63  }
0x449: {  	s31 =	sadd.s32 $0x60, s14;
	s30 =	ssub.s32 $0x1EFA0, s13  }
0x44a: {  	[hbm4b:s31+s2] =	stream.linear.scatter [tilespmem:s30], [sflag:$0x1], $0x80, $0x38;
	[tilespmem:$0x1F800] =	vst v63  }
0x44b: {  	s13 =	ssub.s32 $0x1F780, s13;
	s14 =	sadd.s32 $0x70, s14  }
0x44c: {  	[hbm4b:s14+s2] =	stream.linear.scatter [tilespmem:s13], [sflag:$0x1], $0x80, $0x38;
	[tilespmem:$0x1F800] =	vst v63  }
0x44d: {  	_ =	swait.ge [sflag:s10], $0x400  }
0x44e: {  	[sflag:s10] =	ssyncset.done $0x0  }
0x44f: {  	[sflag:s10] =	ssyncadd.s32 $0xFFFFFC00  }
0x450: {  	_ =	swait.ge [sflag:s10], $0x400  }
0x451: {  	[sflag:s10] =	ssyncset.done $0x0  }
0x452: {  	[sflag:s10] =	ssyncadd.s32 $0xFFFFFC00  }
0x453: {  	_ =	swait.ge [sflag:s10], $0x400  }
0x454: {  	[sflag:s10] =	ssyncset.done $0x0  }
0x455: {  	[sflag:s10] =	ssyncadd.s32 $0xFFFFFC00  }
0x456: {  	_ =	swait.ge [sflag:s10], $0x400  }
0x457: {  	[sflag:s10] =	ssyncset.done $0x0  }
0x458: {  	[sflag:s10] =	ssyncadd.s32 $0xFFFFFC00  }
0x459: {  	_ =	swait.ge [sflag:s10], $0x400  }
0x45a: {  	[sflag:s10] =	ssyncset.done $0x0  }
0x45b: {  	[sflag:s10] =	ssyncadd.s32 $0xFFFFFC00  }
0x45c: {  	_ =	swait.ge [sflag:s10], $0x400  }
0x45d: {  	[sflag:s10] =	ssyncset.done $0x0  }
0x45e: {  	[sflag:s10] =	ssyncadd.s32 $0xFFFFFC00  }
0x45f: {  	_ =	swait.ge [sflag:s10], $0x400  }
0x460: {  	[sflag:s10] =	ssyncset.done $0x0  }
0x461: {  	[sflag:s10] =	ssyncadd.s32 $0xFFFFFC00  }
0x462: {  	_ =	swait.ge [sflag:s10], $0x400  }
0x463: {  	[sflag:s10] =	ssyncset.done $0x0  }
0x464: {  	[sflag:s10] =	ssyncadd.s32 $0xFFFFFC00  }
0x465: {  	_ =	swait.ge [sflag:s10], $0x400  }
0x466: {  	[sflag:s10] =	ssyncset.done $0x0  }
0x467: {  	[sflag:s10] =	ssyncadd.s32 $0xFFFFFC00  }
0x468: {  	_ =	swait.ge [sflag:s10], $0x400  }
0x469: {  	[sflag:s10] =	ssyncset.done $0x0  }
0x46a: {  	[sflag:s10] =	ssyncadd.s32 $0xFFFFFC00  }
0x46b: {  	_ =	swait.ge [sflag:s10], $0x400  }
0x46c: {  	[sflag:s10] =	ssyncset.done $0x0  }
0x46d: {  	[sflag:s10] =	ssyncadd.s32 $0xFFFFFC00  }
0x46e: {  	_ =	swait.ge [sflag:s10], $0x400  }
0x46f: {  	[sflag:s10] =	ssyncset.done $0x0  }
0x470: {  	[sflag:s10] =	ssyncadd.s32 $0xFFFFFC00  }
0x471: {  	_ =	swait.ge [sflag:s10], $0x400  }
0x472: {  	[sflag:s10] =	ssyncset.done $0x0  }
0x473: {  	[sflag:s10] =	ssyncadd.s32 $0xFFFFFC00  }
0x474: {  	_ =	swait.ge [sflag:s10], $0x400  }
0x475: {  	[sflag:s10] =	ssyncset.done $0x0  }
0x476: {  	[sflag:s10] =	ssyncadd.s32 $0xFFFFFC00  }
0x477: {  	_ =	swait.ge [sflag:s10], $0x400  }
0x478: {  	[sflag:s10] =	ssyncset.done $0x0  }
0x479: {  	[sflag:s10] =	ssyncadd.s32 $0xFFFFFC00  }
0x47a: {  	_ =	swait.ge [sflag:s10], $0x400  }
0x47b: {  	[sflag:s10] =	ssyncset.done $0x0  }
0x47c: {  	[sflag:s10] =	ssyncadd.s32 $0xFFFFFC00  }
0x47d: {  	_ =	swait.ge [sflag:s10], $0x400  }
0x47e: {  	[sflag:s10] =	ssyncset.done $0x0  }
0x47f: {  	[sflag:s10] =	ssyncadd.s32 $0xFFFFFC00  }
0x480: {  	_ =	swait.ge [sflag:s10], $0x400  }
0x481: {  	[sflag:s10] =	ssyncset.done $0x0  }
0x482: {  	[sflag:s10] =	ssyncadd.s32 $0xFFFFFC00  }
0x483: {  	_ =	swait.ge [sflag:s10], $0x400  }
0x484: {  	[sflag:s10] =	ssyncset.done $0x0  }
0x485: {  	[sflag:s10] =	ssyncadd.s32 $0xFFFFFC00  }
0x486: {  	_ =	swait.ge [sflag:s10], $0x400  }
0x487: {  	[sflag:s10] =	ssyncset.done $0x0  }
0x488: {  	[sflag:s10] =	ssyncadd.s32 $0xFFFFFC00  }
0x489: {  	_ =	swait.ge [sflag:s10], $0x400  }
0x48a: {  	[sflag:s10] =	ssyncset.done $0x0  }
0x48b: {  	[sflag:s10] =	ssyncadd.s32 $0xFFFFFC00  }
0x48c: {  	_ =	swait.ge [sflag:s10], $0x400  }
0x48d: {  	[sflag:s10] =	ssyncset.done $0x0  }
0x48e: {  	[sflag:s10] =	ssyncadd.s32 $0xFFFFFC00  }
0x48f: {  	_ =	swait.ge [sflag:s10], $0x400  }
0x490: {  	[sflag:s10] =	ssyncset.done $0x0  }
0x491: {  	[sflag:s10] =	ssyncadd.s32 $0xFFFFFC00  }
0x492: {  	_ =	swait.ge [sflag:s10], $0x400  }
0x493: {  	[sflag:s10] =	ssyncset.done $0x0  }
0x494: {  	[sflag:s10] =	ssyncadd.s32 $0xFFFFFC00  }
0x495: {  	_ =	swait.ge [sflag:s10], $0x400  }
0x496: {  	[sflag:s10] =	ssyncset.done $0x0  }
0x497: {  	[sflag:s10] =	ssyncadd.s32 $0xFFFFFC00  }
0x498: {  	_ =	swait.ge [sflag:s10], $0x400  }
0x499: {  	[sflag:s10] =	ssyncset.done $0x0  }
0x49a: {  	[sflag:s10] =	ssyncadd.s32 $0xFFFFFC00  }
0x49b: {  	_ =	swait.ge [sflag:s10], $0x400  }
0x49c: {  	[sflag:s10] =	ssyncset.done $0x0  }
0x49d: {  	[sflag:s10] =	ssyncadd.s32 $0xFFFFFC00  }
0x49e: {  	_ =	swait.ge [sflag:s10], $0x400  }
0x49f: {  	[sflag:s10] =	ssyncset.done $0x0  }
0x4a0: {  	[sflag:s10] =	ssyncadd.s32 $0xFFFFFC00  }
0x4a1: {  	_ =	swait.ge [sflag:s10], $0x400  }
0x4a2: {  	[sflag:s10] =	ssyncset.done $0x0  }
0x4a3: {  	[sflag:s10] =	ssyncadd.s32 $0xFFFFFC00  }
0x4a4: {  	_ =	swait.ge [sflag:s10], $0x400  }
0x4a5: {  	[sflag:s10] =	ssyncset.done $0x0  }
0x4a6: {  	[sflag:s10] =	ssyncadd.s32 $0xFFFFFC00  }
0x4a7: {  	_ =	swait.ge [sflag:s10], $0x400  }
0x4a8: {  	[sflag:s10] =	ssyncset.done $0x0  }
0x4a9: {  	[sflag:s10] =	ssyncadd.s32 $0xFFFFFC00  }
0x4aa: {  	_ =	swait.ge [sflag:s10], $0x400  }
0x4ab: {  	[sflag:s10] =	ssyncset.done $0x0  }
0x4ac: {  	[sflag:s10] =	ssyncadd.s32 $0xFFFFFC00  }
0x4ad: {  	_ =	swait.ge [sflag:s10], $0x400  }
0x4ae: {  	[sflag:s10] =	ssyncset.done $0x0  }
0x4af: {  	[sflag:s10] =	ssyncadd.s32 $0xFFFFFC00  }
0x4b0: {  	_ =	swait.ge [sflag:s10], $0x400  }
0x4b1: {  	[sflag:s10] =	ssyncset.done $0x0  }
0x4b2: {  	[sflag:s10] =	ssyncadd.s32 $0xFFFFFC00  }
0x4b3: {  	_ =	swait.ge [sflag:s10], $0x400  }
0x4b4: {  	[sflag:s10] =	ssyncset.done $0x0  }
0x4b5: {  	[sflag:s10] =	ssyncadd.s32 $0xFFFFFC00  }
0x4b6: {  	_ =	swait.ge [sflag:s10], $0x400  }
0x4b7: {  	[sflag:s10] =	ssyncset.done $0x0  }
0x4b8: {  	[sflag:s10] =	ssyncadd.s32 $0xFFFFFC00  }
0x4b9: {  	_ =	swait.ge [sflag:s10], $0x400  }
0x4ba: {  	[sflag:s10] =	ssyncset.done $0x0  }
0x4bb: {  	[sflag:s10] =	ssyncadd.s32 $0xFFFFFC00  }
0x4bc: {  	_ =	swait.ge [sflag:s10], $0x400  }
0x4bd: {  	[sflag:s10] =	ssyncset.done $0x0  }
0x4be: {  	[sflag:s10] =	ssyncadd.s32 $0xFFFFFC00  }
0x4bf: {  	_ =	swait.ge [sflag:s10], $0x400  }
0x4c0: {  	[sflag:s10] =	ssyncset.done $0x0  }
0x4c1: {  	[sflag:s10] =	ssyncadd.s32 $0xFFFFFC00  }
0x4c2: {  	_ =	swait.ge [sflag:s10], $0x400  }
0x4c3: {  	[sflag:s10] =	ssyncset.done $0x0  }
0x4c4: {  	[sflag:s10] =	ssyncadd.s32 $0xFFFFFC00  }
0x4c5: {  	_ =	swait.ge [sflag:s10], $0x400  }
0x4c6: {  	[sflag:s10] =	ssyncset.done $0x0  }
0x4c7: {  	[sflag:s10] =	ssyncadd.s32 $0xFFFFFC00  }
0x4c8: {  	_ =	swait.ge [sflag:s10], $0x400  }
0x4c9: {  	[sflag:s10] =	ssyncset.done $0x0  }
0x4ca: {  	[sflag:s10] =	ssyncadd.s32 $0xFFFFFC00  }
0x4cb: {  	_ =	swait.ge [sflag:s10], $0x400  }
0x4cc: {  	[sflag:s10] =	ssyncset.done $0x0  }
0x4cd: {  	[sflag:s10] =	ssyncadd.s32 $0xFFFFFC00  }
0x4ce: {  	_ =	swait.ge [sflag:s10], $0x400  }
0x4cf: {  	[sflag:s10] =	ssyncset.done $0x0  }
0x4d0: {  	[sflag:s10] =	ssyncadd.s32 $0xFFFFFC00  }
0x4d1: {  	_ =	swait.ge [sflag:s10], $0x400  }
0x4d2: {  	[sflag:s10] =	ssyncset.done $0x0  }
0x4d3: {  	[sflag:s10] =	ssyncadd.s32 $0xFFFFFC00  }
0x4d4: {  	_ =	swait.ge [sflag:s10], $0x400  }
0x4d5: {  	[sflag:s10] =	ssyncset.done $0x0  }
0x4d6: {  	[sflag:s10] =	ssyncadd.s32 $0xFFFFFC00  }
0x4d7: {  	_ =	swait.ge [sflag:s10], $0x400  }
0x4d8: {  	[sflag:s10] =	ssyncset.done $0x0  }
0x4d9: {  	[sflag:s10] =	ssyncadd.s32 $0xFFFFFC00  }
0x4da: {  	_ =	swait.ge [sflag:s10], $0x400  }
0x4db: {  	[sflag:s10] =	ssyncset.done $0x0  }
0x4dc: {  	[sflag:s10] =	ssyncadd.s32 $0xFFFFFC00  }
0x4dd: {  	_ =	swait.ge [sflag:s10], $0x400  }
0x4de: {  	[sflag:s10] =	ssyncset.done $0x0  }
0x4df: {  	[sflag:s10] =	ssyncadd.s32 $0xFFFFFC00  }
0x4e0: {  	_ =	swait.ge [sflag:s10], $0x400  }
0x4e1: {  	[sflag:s10] =	ssyncset.done $0x0  }
0x4e2: {  	[sflag:s10] =	ssyncadd.s32 $0xFFFFFC00  }
0x4e3: {  	_ =	swait.ge [sflag:s10], $0x400  }
0x4e4: {  	[sflag:s10] =	ssyncset.done $0x0  }
0x4e5: {  	[sflag:s10] =	ssyncadd.s32 $0xFFFFFC00  }
0x4e6: {  	_ =	swait.ge [sflag:s10], $0x400  }
0x4e7: {  	[sflag:s10] =	ssyncset.done $0x0  }
0x4e8: {  	[sflag:s10] =	ssyncadd.s32 $0xFFFFFC00  }
0x4e9: {  	_ =	swait.ge [sflag:s10], $0x400  }
0x4ea: {  	[sflag:s10] =	ssyncset.done $0x0  }
0x4eb: {  	[sflag:s10] =	ssyncadd.s32 $0xFFFFFC00  }
0x4ec: {  	_ =	swait.ge [sflag:s10], $0x400  }
0x4ed: {  	[sflag:s10] =	ssyncset.done $0x0  }
0x4ee: {  	[sflag:s10] =	ssyncadd.s32 $0xFFFFFC00  }
0x4ef: {  	_ =	swait.ge [sflag:s10], $0x400  }
0x4f0: {  	[sflag:s10] =	ssyncset.done $0x0  }
0x4f1: {  	[sflag:s10] =	ssyncadd.s32 $0xFFFFFC00  }
0x4f2: {  	_ =	swait.ge [sflag:s10], $0x400  }
0x4f3: {  	[sflag:s10] =	ssyncset.done $0x0  }
0x4f4: {  	[sflag:s10] =	ssyncadd.s32 $0xFFFFFC00  }
0x4f5: {  	_ =	swait.ge [sflag:s10], $0x400  }
0x4f6: {  	[sflag:s10] =	ssyncset.done $0x0  }
0x4f7: {  	[sflag:s10] =	ssyncadd.s32 $0xFFFFFC00  }
0x4f8: {  	_ =	swait.ge [sflag:s10], $0x400  }
0x4f9: {  	[sflag:s10] =	ssyncset.done $0x0  }
0x4fa: {  	[sflag:s10] =	ssyncadd.s32 $0xFFFFFC00  }
0x4fb: {  	_ =	swait.ge [sflag:s10], $0x400  }
0x4fc: {  	[sflag:s10] =	ssyncset.done $0x0  }
0x4fd: {  	[sflag:s10] =	ssyncadd.s32 $0xFFFFFC00  }
0x4fe: {  	_ =	swait.ge [sflag:s10], $0x400  }
0x4ff: {  	[sflag:s10] =	ssyncset.done $0x0  }
0x500: {  	[sflag:s10] =	ssyncadd.s32 $0xFFFFFC00  }
0x501: {  	_ =	swait.ge [sflag:s10], $0x400  }
0x502: {  	[sflag:s10] =	ssyncset.done $0x0  }
0x503: {  	[sflag:s10] =	ssyncadd.s32 $0xFFFFFC00  }
0x504: {  	_ =	swait.ge [sflag:s10], $0x400  }
0x505: {  	[sflag:s10] =	ssyncset.done $0x0  }
0x506: {  	[sflag:s10] =	ssyncadd.s32 $0xFFFFFC00  }
0x507: {  	p0 =	sne.s32 s12, $0x1F;
	_ =	swait.ge [sflag:s10], $0x400  }
.Ltmp0:
0x508: {  	[sflag:s10] =	ssyncset.done $0x0;
	(pc) =	sbr.rel @p0 .LBB2_2-.Ltmp0, $4  }
0x509: {  	[sflag:s10] =	ssyncadd.s32 $0xFFFFFC00  }
0x50a: {  	_ =	swait.ge [sflag:s10], $0x400  }
0x50b: {  	[sflag:s10] =	ssyncset.done $0x0  }
0x50c: {  	s12 =	sadd.s32 $0x1, s12;
	[sflag:s10] =	ssyncadd.s32 $0xFFFFFC00  }
0x50d: {  	s11 =	sadd.s32 $0x1, s11  }
0x50e: {  	p0 =	sne.s32 s11, s6  }
.Ltmp1:
0x50f: {  	_ = 	snop;
	(pc) =	sbr.rel @p0 .LBB2_1-.Ltmp1, $1  }
0x510: {  	_ =	sdelay $0x3  }
0x511: {  	_ =	sfence.sel $0x180000  }
0x512: {  	[bflag:$0x0] =	sbarrier.arrive $0xFFFF  }
0x513: {  	p0 =	sne.s32 s3, $0x0;
	_ =	strace $0x90000047  }
0x514: {  	s0 =	sadd.s32 @!p0 $0x100000, s0;
	[bflag:$0x2] =	sbarrier.arrive $0xFFFF  }
0x515: {  	[sflag:s0] =	ssyncadd.tile.s32 @!p0 $0x1;
	_ =	shalt  }
.Lfunc_end2:
_tile_overlayer_lowered:
.L_overlay_start_2:
0x516: {  	(tag) =	ssettag $0x2  }
0x517: {  	s0 =	rddreg [dreg:$0x0];
	s2 =	stileid.u32  }
0x518: {  	s1 =	rddreg [dreg:$0x1];
	p0 =	sne.s32 s2, $0x0  }
0x519: {  	s3 =	rddreg [dreg:$0x2];
	[bflag:$0x3] =	sbarrier.arrive $0xFFFF;
	s2 =	simm.s32 @!p0 $0x1C02  }
0x51a: {  	[timem:s3], [sflag:s2] =	dma.local @!p0 [hbm:s0], s1  }
0x51b: {  	s0 =	simm.s32 @!p0 $0x2  }
0x51c: {  	_ =	swait.ge @!p0 [sflag:s0], s1  }
0x51d: {  	s1 =	ssub.s32 @!p0 $0x0, s1;
	[sflag:s0] =	ssyncset.done @!p0 $0x0  }
0x51e: {  	[sflag:s0] =	ssyncadd.s32 @!p0 s1  }
0x51f: {  	[bflag:$0x3] =	sbarrier.arrive $0xFFFF  }
0x520: {  	_ =	shalt  }

</sc_bundles>
